<compile_context>
chip_gen: v7x
topology: tpu7x:2x2x1
jax: 0.10.2.dev20260603
libtpu: 0.0.44.dev20260713+nightly
codegen_flags: <defaults>
</compile_context>

<pallas_src>
import functools

import jax
import jax.numpy as jnp
from jax import lax
from jax.experimental import pallas as pl
from jax.experimental.pallas import tpu as pltpu
from jax.experimental.pallas import tpu_sc as plsc

N = 50000
E = 800000
DM = 64
L = 6

NS = 16
CHUNK = 128

SIB = 28
NSIB = 14
CPT = SIB * NSIB
EPT = CPT * CHUNK
EPAD = NS * EPT

T = 25024
AROWS = 25088
AZ = AROWS // NS
CRPT = T // NS
NOUT = 2 * T

IB = 24
CAPC = 416
FB = 1024
DROW = T

ROWBLK = 2000
GRID = N // ROWBLK

_f32 = jnp.float32
_i32 = jnp.int32

_SC_PARAMS = pltpu.CompilerParams(use_tc_tiling_on_sc=False)


def _part_body(srcp, dstp, psrc, pdst, cnts,
               src_st, dst_st, sb_src, sb_dst, d_src, d_dst, cnt_v):
    cid = lax.axis_index("c")
    sid = lax.axis_index("s")
    base_lo = cid * T

    lane = jax.lax.iota(_i32, 16)
    for t in range(CHUNK // 16):
        d_src[pl.ds(t * 16, 16)] = jnp.zeros((16,), _i32)
        d_dst[pl.ds(t * 16, 16)] = DROW + (t * 16 + lane) % 64

    def scan_stage(s, carry):
        w, nch = carry
        pltpu.sync_copy(srcp.at[sid, pl.ds(s * SIB, SIB)], src_st)
        pltpu.sync_copy(dstp.at[sid, pl.ds(s * SIB, SIB)], dst_st)

        def vreg(i, carry):
            w, nch = carry
            j = i // 8
            o = (i % 8) * 16
            s16 = src_st[j, pl.ds(o, 16)]
            d16 = dst_st[j, pl.ds(o, 16)] - base_lo
            mask = (d16 >= 0) & (d16 < T)
            c = plsc.all_reduce_population_count(mask)[0]
            plsc.store_compressed(sb_src.at[pl.ds(w, 16)], s16, mask=mask)
            plsc.store_compressed(sb_dst.at[pl.ds(w, 16)], d16, mask=mask)
            w = w + c
            do_flush = w >= FB

            @pl.when(do_flush)
            def _():
                def one(f, carry):
                    pltpu.sync_copy(sb_src.at[pl.ds(f * CHUNK, CHUNK)],
                                    psrc.at[cid, sid, nch + f])
                    pltpu.sync_copy(sb_dst.at[pl.ds(f * CHUNK, CHUNK)],
                                    pdst.at[cid, sid, nch + f])
                    return carry
                lax.fori_loop(0, FB // CHUNK, one, 0)
                sb_src[pl.ds(0, 16)] = sb_src[pl.ds(FB, 16)]
                sb_dst[pl.ds(0, 16)] = sb_dst[pl.ds(FB, 16)]

            fl = do_flush.astype(_i32)
            return w - FB * fl, nch + (FB // CHUNK) * fl
        return lax.fori_loop(0, SIB * 8, vreg, (w, nch))

    w, nch = lax.fori_loop(0, NSIB, scan_stage,
                           (jnp.int32(0), jnp.int32(0)))

    def padv(t, _):
        sb_src[pl.ds(w + t * 16, 16)] = jnp.zeros((16,), _i32)
        sb_dst[pl.ds(w + t * 16, 16)] = DROW + (t * 16 + lane) % 64
        return 0
    lax.fori_loop(0, 8, padv, 0)
    wr = ((w + CHUNK - 1) // CHUNK) * CHUNK

    def tailflush(f, nch):
        pltpu.sync_copy(sb_src.at[pl.ds(f * CHUNK, CHUNK)],
                        psrc.at[cid, sid, nch])
        pltpu.sync_copy(sb_dst.at[pl.ds(f * CHUNK, CHUNK)],
                        pdst.at[cid, sid, nch])
        return nch + 1
    nch = lax.fori_loop(0, wr // CHUNK, tailflush, nch)

    nst = jnp.maximum((nch + IB - 1) // IB, 9)

    def dpad(p, nch):
        pltpu.sync_copy(d_src, psrc.at[cid, sid, nch])
        pltpu.sync_copy(d_dst, pdst.at[cid, sid, nch])
        return nch + 1
    lax.fori_loop(0, nst * IB - nch, dpad, nch)

    cnt_v[...] = jnp.zeros((16,), _i32) + nst
    pltpu.sync_copy(cnt_v, cnts.at[cid, sid])


@functools.lru_cache(maxsize=None)
def _get_partition():
    return pl.kernel(
        _part_body,
        out_type=(
            jax.ShapeDtypeStruct((2, NS, CAPC, CHUNK), _i32),
            jax.ShapeDtypeStruct((2, NS, CAPC, CHUNK), _i32),
            jax.ShapeDtypeStruct((2, NS, 16), _i32),
        ),
        mesh=plsc.VectorSubcoreMesh(core_axis_name="c", subcore_axis_name="s"),
        scratch_types=[
            pltpu.VMEM((SIB, CHUNK), _i32),
            pltpu.VMEM((SIB, CHUNK), _i32),
            pltpu.VMEM((FB + 160,), _i32),
            pltpu.VMEM((FB + 160,), _i32),
            pltpu.VMEM((CHUNK,), _i32),
            pltpu.VMEM((CHUNK,), _i32),
            pltpu.VMEM((16,), _i32),
        ],
        compiler_params=pltpu.CompilerParams(use_tc_tiling_on_sc=False,
                                             needs_layout_passes=False),
    )


def _sc_body(v, psrc, pdst, cnts, zeros, xn,
             acc, src_blk, dst_blk, rows, cnt_v, sem):
    cid = lax.axis_index("c")
    sid = lax.axis_index("s")

    pltpu.sync_copy(zeros, acc.at[pl.ds(sid * AZ, AZ)])
    pltpu.sync_copy(cnts.at[cid, sid], cnt_v)
    plsc.subcore_barrier()
    ns = 9

    def stage_body(s, carry):
        pltpu.sync_copy(psrc.at[cid, sid, pl.ds(s * IB, IB)], src_blk)
        pltpu.sync_copy(pdst.at[cid, sid, pl.ds(s * IB, IB)], dst_blk)
        pltpu.make_async_copy(v.at[src_blk.at[0]], rows.at[0], sem).start()

        def chunk_body(c, carry):
            cur = lax.rem(c, 2)
            pltpu.make_async_copy(
                v.at[src_blk.at[c]], rows.at[cur], sem).wait()

            @pl.when(c + 1 < IB)
            def _():
                pltpu.make_async_copy(
                    v.at[src_blk.at[c + 1]], rows.at[1 - cur], sem).start()

            return carry
        lax.fori_loop(0, IB, chunk_body, 0)
        return carry
    lax.fori_loop(0, ns, stage_body, 0)

    plsc.subcore_barrier()
    pltpu.sync_copy(acc.at[pl.ds(sid * CRPT, CRPT)],
                    xn.at[pl.ds(cid * T + sid * CRPT, CRPT)])


@functools.lru_cache(maxsize=None)
def _get_sc_segsum():
    return pl.kernel(
        _sc_body,
        out_type=jax.ShapeDtypeStruct((NOUT, DM), _f32),
        mesh=plsc.VectorSubcoreMesh(core_axis_name="c", subcore_axis_name="s"),
        scratch_types=[
            pltpu.VMEM_SHARED((AROWS, DM), _f32),
            pltpu.VMEM((IB, CHUNK), _i32),
            pltpu.VMEM((IB, CHUNK), _i32),
            pltpu.VMEM((2, CHUNK, DM), _f32),
            pltpu.VMEM((16,), _i32),
            pltpu.SemaphoreType.DMA,
        ],
        compiler_params=pltpu.CompilerParams(use_tc_tiling_on_sc=False),
    )


def _ln_tc(t, g, b):
    avg = jnp.full((DM, DM), 1.0 / DM, dtype=_f32)
    m = jnp.dot(t, avg, preferred_element_type=_f32)
    c = t - m
    v = jnp.dot(c * c, avg, preferred_element_type=_f32)
    return c * lax.rsqrt(v + 1e-5) * g + b


def _embed_body(nf, wembT, bemb, wvT, xo, vo):
    x = jnp.dot(nf[...], wembT[...], preferred_element_type=_f32) + bemb[...]
    xo[...] = x
    vo[...] = jnp.dot(x, wvT[...], preferred_element_type=_f32)


def _full(shape):
    return pl.BlockSpec(shape, lambda i: (0, 0))


def _rows(width):
    return pl.BlockSpec((ROWBLK, width), lambda i: (i, 0))


_embed_call = pl.pallas_call(
    _embed_body,
    grid=(GRID,),
    in_specs=[_rows(20), _full((20, DM)), _full((1, DM)), _full((DM, DM))],
    out_specs=[_rows(DM), _rows(DM)],
    out_shape=[
        jax.ShapeDtypeStruct((N, DM), _f32),
        jax.ShapeDtypeStruct((N, DM), _f32),
    ],
)


def _layer_body_v(x, xn, g, b, w1T, b1, w2T, b2, wvT, xo, vo):
    t = x[...] + xn[...]
    x1 = _ln_tc(t, g[...], b[...])
    h = jnp.maximum(jnp.dot(x1, w1T[...], preferred_element_type=_f32) + b1[...], 0.0)
    t2 = x1 + jnp.dot(h, w2T[...], preferred_element_type=_f32) + b2[...]
    x2 = _ln_tc(t2, g[...], b[...])
    xo[...] = x2
    vo[...] = jnp.dot(x2, wvT[...], preferred_element_type=_f32)


def _layer_body_last(x, xn, g, b, w1T, b1, w2T, b2, xo):
    t = x[...] + xn[...]
    x1 = _ln_tc(t, g[...], b[...])
    h = jnp.maximum(jnp.dot(x1, w1T[...], preferred_element_type=_f32) + b1[...], 0.0)
    t2 = x1 + jnp.dot(h, w2T[...], preferred_element_type=_f32) + b2[...]
    xo[...] = _ln_tc(t2, g[...], b[...])


_layer_in_specs = [
    _rows(DM), _rows(DM),
    _full((1, DM)), _full((1, DM)),
    _full((DM, 4 * DM)), _full((1, 4 * DM)),
    _full((4 * DM, DM)), _full((1, DM)),
]

_layer_call_v = pl.pallas_call(
    _layer_body_v,
    grid=(GRID,),
    in_specs=_layer_in_specs + [_full((DM, DM))],
    out_specs=[_rows(DM), _rows(DM)],
    out_shape=[
        jax.ShapeDtypeStruct((N, DM), _f32),
        jax.ShapeDtypeStruct((N, DM), _f32),
    ],
)

_layer_call_last = pl.pallas_call(
    _layer_body_last,
    grid=(GRID,),
    in_specs=_layer_in_specs,
    out_specs=[_rows(DM)],
    out_shape=[jax.ShapeDtypeStruct((N, DM), _f32)],
)


@jax.jit
def _run(node_features, edge_index, W_emb, b_emb, Wv, ln_g, ln_b,
         fW1, fb1, fW2, fb2):
    src = edge_index[0]
    dst = edge_index[1]
    pad = EPAD - E
    srcp = jnp.concatenate(
        [src, jnp.zeros((pad,), _i32)]).reshape(NS, CPT, CHUNK)
    dstp = jnp.concatenate(
        [dst, jnp.full((pad,), 2 * NOUT, _i32)]).reshape(NS, CPT, CHUNK)
    zeros = jnp.zeros((AZ, DM), _f32)

    psrc, pdst, cnts = _get_partition()(srcp, dstp)
    x, v = _embed_call(node_features, W_emb.T, b_emb[None, :], Wv[0].T)
    for l in range(L):
        xn = _get_sc_segsum()(v, psrc, pdst, cnts, zeros)
        args = (x, xn, ln_g[l][None, :], ln_b[l][None, :],
                fW1[l].T, fb1[l][None, :], fW2[l].T, fb2[l][None, :])
        if l < L - 1:
            x, v = _layer_call_v(*args, Wv[l + 1].T)
        else:
            (x,) = _layer_call_last(*args)
    return x


def kernel(node_features, edge_index, edge_attr, W_emb, b_emb, Wq, Wk, Wv,
           eW1, eb1, eW2, eb2, ln_g, ln_b, fW1, fb1, fW2, fb2):
    return _run(node_features, edge_index, W_emb, b_emb, Wv, ln_g, ln_b,
                fW1, fb1, fW2, fb2)

# --- scband reference (transcript-rebuilt; emitter-appended) ---
"""Pipeline reference for scband-structured-transformer-encoder-2542620639820 (READ-ONLY COPY).

The authoritative reference and input builder live on the scoring server;
editing this copy changes nothing except your own understanding.
"""

import jax, jax.numpy as jnp
import numpy as np

N = 50000
E = 800000
DM = 64   # node_dim
L = 6     # num_layers
H = 1     # num_heads
DH = DM // H  # out_dim per head (=64)


def _ln(x, g, b):
    m = x.mean(-1, keepdims=True)
    v = ((x - m) ** 2).mean(-1, keepdims=True)
    return (x - m) / jnp.sqrt(v + 1e-5) * g + b


def setup_inputs(seed: int = 0) -> dict:
    key = jax.random.key(seed)
    ks = jax.random.split(key, 20)
    inp = {}
    inp["node_features"] = jax.random.normal(ks[0], (N, 20), dtype=jnp.float32)
    inp["edge_index"] = jax.random.randint(ks[1], (2, E), 0, N, dtype=jnp.int32)
    inp["edge_attr"] = jax.random.normal(ks[2], (E, 3), dtype=jnp.float32)
    s = 0.08
    inp["W_emb"] = jax.random.normal(ks[3], (DM, 20), dtype=jnp.float32) * s
    inp["b_emb"] = jnp.zeros((DM,), dtype=jnp.float32)
    inp["Wq"] = jax.random.normal(ks[4], (L, H * DH, DM), dtype=jnp.float32) * s
    inp["Wk"] = jax.random.normal(ks[5], (L, H * DH, DM), dtype=jnp.float32) * s
    inp["Wv"] = jax.random.normal(ks[6], (L, H * DH, DM), dtype=jnp.float32) * s
    inp["eW1"] = jax.random.normal(ks[7], (L, DH, 3), dtype=jnp.float32) * s
    inp["eb1"] = jnp.zeros((L, DH), dtype=jnp.float32)
    inp["eW2"] = jax.random.normal(ks[8], (L, H * DH, DH), dtype=jnp.float32) * s
    inp["eb2"] = jnp.zeros((L, H * DH), dtype=jnp.float32)
    inp["ln_g"] = jnp.ones((L, DM), dtype=jnp.float32)
    inp["ln_b"] = jnp.zeros((L, DM), dtype=jnp.float32)
    inp["fW1"] = jax.random.normal(ks[9], (L, DM * 4, DM), dtype=jnp.float32) * s
    inp["fb1"] = jnp.zeros((L, DM * 4), dtype=jnp.float32)
    inp["fW2"] = jax.random.normal(ks[10], (L, DM, DM * 4), dtype=jnp.float32) * s
    inp["fb2"] = jnp.zeros((L, DM), dtype=jnp.float32)
    return inp


def reference(node_features, edge_index, edge_attr, W_emb, b_emb, Wq, Wk, Wv,
              eW1, eb1, eW2, eb2, ln_g, ln_b, fW1, fb1, fW2, fb2):
    src = edge_index[0]  # j (message source)
    dst = edge_index[1]  # i (aggregation target)
    x = node_features @ W_emb.T + b_emb
    Nn = x.shape[0]
    for l in range(L):
        q = (x @ Wq[l].T).reshape(Nn, H, DH)
        k = (x @ Wk[l].T).reshape(Nn, H, DH)
        v = (x @ Wv[l].T).reshape(Nn, H, DH)
        e = jax.nn.relu(edge_attr @ eW1[l].T + eb1[l]) @ eW2[l].T + eb2[l]
        e = e.reshape(-1, H, DH)
        q_i = q[dst]
        k_j = k[src]
        v_j = v[src]
        attn = (q_i * (k_j + e)).sum(-1) / jnp.sqrt(jnp.float32(DH))  # [E, H]
        attn = jax.nn.softmax(attn, axis=1)  # softmax over heads dim, as in torch code
        msg = (attn[..., None] * v_j).sum(axis=1)  # [E, DH]
        x_new = jax.ops.segment_sum(msg, dst, num_segments=Nn)
        x = _ln(x + x_new, ln_g[l], ln_b[l])
        ff = jax.nn.relu(x @ fW1[l].T + fb1[l]) @ fW2[l].T + fb2[l]
        x = _ln(x + ff, ln_g[l], ln_b[l])
    return x

if __name__ == "__main__":
    import jax
    _d = setup_inputs()
    print(jax.jit(kernel)(*tuple(_d.values())))

</pallas_src>

<mosaic_0001>
#map = affine_map<(d0, d1) -> (0, 0, 0)>
#map1 = affine_map<(d0, d1) -> (0, 0, 0, 0)>
module attributes {stable_mosaic.version = 14 : i64} {
  func.func @_part_body(%arg0: i32, %arg1: i32, %arg2: memref<16x392x128xi32, #tpu.memory_space<hbm>>, %arg3: memref<16x392x128xi32, #tpu.memory_space<hbm>>, %arg4: memref<2x16x416x128xi32, #tpu.memory_space<hbm>>, %arg5: memref<2x16x416x128xi32, #tpu.memory_space<hbm>>, %arg6: memref<2x16x16xi32, #tpu.memory_space<hbm>>, %arg7: memref<28x128xi32, #tpu.memory_space<vmem>>, %arg8: memref<28x128xi32, #tpu.memory_space<vmem>>, %arg9: memref<1184xi32, #tpu.memory_space<vmem>>, %arg10: memref<1184xi32, #tpu.memory_space<vmem>>, %arg11: memref<128xi32, #tpu.memory_space<vmem>>, %arg12: memref<128xi32, #tpu.memory_space<vmem>>, %arg13: memref<16xi32, #tpu.memory_space<vmem>>) attributes {dimension_semantics = [#tpu.dimension_semantics<core_parallel>, #tpu.dimension_semantics<subcore_parallel>], iteration_bounds = array<i64: 2, 16>, scalar_prefetch = 0 : i64, scratch_operands = 7 : i64, tpu.core_type = #tpu.core_type<sc_vector_subcore>, window_params = [{transform_indices = #map}, {transform_indices = #map}, {transform_indices = #map1}, {transform_indices = #map1}, {transform_indices = #map}]} {
    %mul3A = arith.constant 25024 : i32
    %mul3A_0 = arith.muli %arg0, %mul3A : i32
    %iota3A = tpu.iota {dimensions = array<i32: 0>} : vector<16xi32>
    %broadcast_in_dim3A = arith.constant 0 : i32
    %broadcast_in_dim3A_1 = vector.broadcast %broadcast_in_dim3A : i32 to vector<16xi32>
    %swap3A = arith.constant 0 : index
    %swap3A_2 = tpu.vector_load %arg11[%swap3A] {strides = array<i32>} : memref<128xi32, #tpu.memory_space<vmem>>, vector<16xi32>,
    tpu.vector_store %arg11[%swap3A], %broadcast_in_dim3A_1 {strides = array<i32>} : memref<128xi32, #tpu.memory_space<vmem>>, vector<16xi32>,
    %add3A = arith.constant 0 : i32
    %add3A_3 = vector.broadcast %add3A : i32 to vector<16xi32>
    %add3A_4 = arith.addi %add3A_3, %iota3A : vector<16xi32>
    %jit3A = arith.constant 64 : i32
    %eq3A = arith.constant 0 : i32
    %eq3A_5 = arith.cmpi eq, %jit3A, %eq3A : i32
    %jit3A_6 = arith.constant 1 : i32
    %select_n3A = arith.select %eq3A_5, %jit3A_6, %jit3A : i32
    %rem3A = vector.broadcast %select_n3A : i32 to vector<16xi32>
    %rem3A_7 = arith.remsi %add3A_4, %rem3A : vector<16xi32>
    %ne3A = arith.constant 0 : i32
    %ne3A_8 = vector.broadcast %ne3A : i32 to vector<16xi32>
    %ne3A_9 = arith.cmpi ne, %rem3A_7, %ne3A_8 : vector<16xi32>
    %lt3A = arith.constant 0 : i32
    %lt3A_10 = vector.broadcast %lt3A : i32 to vector<16xi32>
    %lt3A_11 = arith.cmpi slt, %rem3A_7, %lt3A_10 : vector<16xi32>
    %lt3A_12 = arith.constant 0 : i32
    %lt3A_13 = arith.cmpi slt, %select_n3A, %lt3A_12 : i32
    %ne3A_14 = vector.broadcast %lt3A_13 : i1 to vector<16xi1>
    %ne3A_15 = vector.broadcast %ne3A_14 : vector<16xi1> to vector<16xi1>
    %ne3A_16 = arith.xori %lt3A_11, %ne3A_15 : vector<16xi1>
    %and3A = arith.andi %ne3A_16, %ne3A_9 : vector<16xi1>
    %add3A_17 = vector.broadcast %select_n3A : i32 to vector<16xi32>
    %add3A_18 = arith.addi %rem3A_7, %add3A_17 : vector<16xi32>
    %select_n3A_19 = arith.select %and3A, %add3A_18, %rem3A_7 : vector<16xi1>, vector<16xi32>
    %add3A_20 = arith.constant 25024 : i32
    %add3A_21 = vector.broadcast %add3A_20 : i32 to vector<16xi32>
    %add3A_22 = arith.addi %add3A_21, %select_n3A_19 : vector<16xi32>
    %swap3A_23 = arith.constant 0 : index
    %swap3A_24 = tpu.vector_load %arg12[%swap3A_23] {strides = array<i32>} : memref<128xi32, #tpu.memory_space<vmem>>, vector<16xi32>,
    tpu.vector_store %arg12[%swap3A_23], %add3A_22 {strides = array<i32>} : memref<128xi32, #tpu.memory_space<vmem>>, vector<16xi32>,
    %broadcast_in_dim3A_25 = arith.constant 0 : i32
    %broadcast_in_dim3A_26 = vector.broadcast %broadcast_in_dim3A_25 : i32 to vector<16xi32>
    %swap3A_27 = arith.constant 16 : index
    %swap3A_28 = tpu.vector_load %arg11[%swap3A_27] {strides = array<i32>} : memref<128xi32, #tpu.memory_space<vmem>>, vector<16xi32>,
    tpu.vector_store %arg11[%swap3A_27], %broadcast_in_dim3A_26 {strides = array<i32>} : memref<128xi32, #tpu.memory_space<vmem>>, vector<16xi32>,
    %add3A_29 = arith.constant 16 : i32
    %add3A_30 = vector.broadcast %add3A_29 : i32 to vector<16xi32>
    %add3A_31 = arith.addi %add3A_30, %iota3A : vector<16xi32>
    %jit3A_32 = arith.constant 64 : i32
    %eq3A_33 = arith.constant 0 : i32
    %eq3A_34 = arith.cmpi eq, %jit3A_32, %eq3A_33 : i32
    %jit3A_35 = arith.constant 1 : i32
    %select_n3A_36 = arith.select %eq3A_34, %jit3A_35, %jit3A_32 : i32
    %rem3A_37 = vector.broadcast %select_n3A_36 : i32 to vector<16xi32>
    %rem3A_38 = arith.remsi %add3A_31, %rem3A_37 : vector<16xi32>
    %ne3A_39 = arith.constant 0 : i32
    %ne3A_40 = vector.broadcast %ne3A_39 : i32 to vector<16xi32>
    %ne3A_41 = arith.cmpi ne, %rem3A_38, %ne3A_40 : vector<16xi32>
    %lt3A_42 = arith.constant 0 : i32
    %lt3A_43 = vector.broadcast %lt3A_42 : i32 to vector<16xi32>
    %lt3A_44 = arith.cmpi slt, %rem3A_38, %lt3A_43 : vector<16xi32>
    %lt3A_45 = arith.constant 0 : i32
    %lt3A_46 = arith.cmpi slt, %select_n3A_36, %lt3A_45 : i32
    %ne3A_47 = vector.broadcast %lt3A_46 : i1 to vector<16xi1>
    %ne3A_48 = vector.broadcast %ne3A_47 : vector<16xi1> to vector<16xi1>
    %ne3A_49 = arith.xori %lt3A_44, %ne3A_48 : vector<16xi1>
    %and3A_50 = arith.andi %ne3A_49, %ne3A_41 : vector<16xi1>
    %add3A_51 = vector.broadcast %select_n3A_36 : i32 to vector<16xi32>
    %add3A_52 = arith.addi %rem3A_38, %add3A_51 : vector<16xi32>
    %select_n3A_53 = arith.select %and3A_50, %add3A_52, %rem3A_38 : vector<16xi1>, vector<16xi32>
    %add3A_54 = arith.constant 25024 : i32
    %add3A_55 = vector.broadcast %add3A_54 : i32 to vector<16xi32>
    %add3A_56 = arith.addi %add3A_55, %select_n3A_53 : vector<16xi32>
    %swap3A_57 = arith.constant 16 : index
    %swap3A_58 = tpu.vector_load %arg12[%swap3A_57] {strides = array<i32>} : memref<128xi32, #tpu.memory_space<vmem>>, vector<16xi32>,
    tpu.vector_store %arg12[%swap3A_57], %add3A_56 {strides = array<i32>} : memref<128xi32, #tpu.memory_space<vmem>>, vector<16xi32>,
    %broadcast_in_dim3A_59 = arith.constant 0 : i32
    %broadcast_in_dim3A_60 = vector.broadcast %broadcast_in_dim3A_59 : i32 to vector<16xi32>
    %swap3A_61 = arith.constant 32 : index
    %swap3A_62 = tpu.vector_load %arg11[%swap3A_61] {strides = array<i32>} : memref<128xi32, #tpu.memory_space<vmem>>, vector<16xi32>,
    tpu.vector_store %arg11[%swap3A_61], %broadcast_in_dim3A_60 {strides = array<i32>} : memref<128xi32, #tpu.memory_space<vmem>>, vector<16xi32>,
    %add3A_63 = arith.constant 32 : i32
    %add3A_64 = vector.broadcast %add3A_63 : i32 to vector<16xi32>
    %add3A_65 = arith.addi %add3A_64, %iota3A : vector<16xi32>
    %jit3A_66 = arith.constant 64 : i32
    %eq3A_67 = arith.constant 0 : i32
    %eq3A_68 = arith.cmpi eq, %jit3A_66, %eq3A_67 : i32
    %jit3A_69 = arith.constant 1 : i32
    %select_n3A_70 = arith.select %eq3A_68, %jit3A_69, %jit3A_66 : i32
    %rem3A_71 = vector.broadcast %select_n3A_70 : i32 to vector<16xi32>
    %rem3A_72 = arith.remsi %add3A_65, %rem3A_71 : vector<16xi32>
    %ne3A_73 = arith.constant 0 : i32
    %ne3A_74 = vector.broadcast %ne3A_73 : i32 to vector<16xi32>
    %ne3A_75 = arith.cmpi ne, %rem3A_72, %ne3A_74 : vector<16xi32>
    %lt3A_76 = arith.constant 0 : i32
    %lt3A_77 = vector.broadcast %lt3A_76 : i32 to vector<16xi32>
    %lt3A_78 = arith.cmpi slt, %rem3A_72, %lt3A_77 : vector<16xi32>
    %lt3A_79 = arith.constant 0 : i32
    %lt3A_80 = arith.cmpi slt, %select_n3A_70, %lt3A_79 : i32
    %ne3A_81 = vector.broadcast %lt3A_80 : i1 to vector<16xi1>
    %ne3A_82 = vector.broadcast %ne3A_81 : vector<16xi1> to vector<16xi1>
    %ne3A_83 = arith.xori %lt3A_78, %ne3A_82 : vector<16xi1>
    %and3A_84 = arith.andi %ne3A_83, %ne3A_75 : vector<16xi1>
    %add3A_85 = vector.broadcast %select_n3A_70 : i32 to vector<16xi32>
    %add3A_86 = arith.addi %rem3A_72, %add3A_85 : vector<16xi32>
    %select_n3A_87 = arith.select %and3A_84, %add3A_86, %rem3A_72 : vector<16xi1>, vector<16xi32>
    %add3A_88 = arith.constant 25024 : i32
    %add3A_89 = vector.broadcast %add3A_88 : i32 to vector<16xi32>
    %add3A_90 = arith.addi %add3A_89, %select_n3A_87 : vector<16xi32>
    %swap3A_91 = arith.constant 32 : index
    %swap3A_92 = tpu.vector_load %arg12[%swap3A_91] {strides = array<i32>} : memref<128xi32, #tpu.memory_space<vmem>>, vector<16xi32>,
    tpu.vector_store %arg12[%swap3A_91], %add3A_90 {strides = array<i32>} : memref<128xi32, #tpu.memory_space<vmem>>, vector<16xi32>,
    %broadcast_in_dim3A_93 = arith.constant 0 : i32
    %broadcast_in_dim3A_94 = vector.broadcast %broadcast_in_dim3A_93 : i32 to vector<16xi32>
    %swap3A_95 = arith.constant 48 : index
    %swap3A_96 = tpu.vector_load %arg11[%swap3A_95] {strides = array<i32>} : memref<128xi32, #tpu.memory_space<vmem>>, vector<16xi32>,
    tpu.vector_store %arg11[%swap3A_95], %broadcast_in_dim3A_94 {strides = array<i32>} : memref<128xi32, #tpu.memory_space<vmem>>, vector<16xi32>,
    %add3A_97 = arith.constant 48 : i32
    %add3A_98 = vector.broadcast %add3A_97 : i32 to vector<16xi32>
    %add3A_99 = arith.addi %add3A_98, %iota3A : vector<16xi32>
    %jit3A_100 = arith.constant 64 : i32
    %eq3A_101 = arith.constant 0 : i32
    %eq3A_102 = arith.cmpi eq, %jit3A_100, %eq3A_101 : i32
    %jit3A_103 = arith.constant 1 : i32
    %select_n3A_104 = arith.select %eq3A_102, %jit3A_103, %jit3A_100 : i32
    %rem3A_105 = vector.broadcast %select_n3A_104 : i32 to vector<16xi32>
    %rem3A_106 = arith.remsi %add3A_99, %rem3A_105 : vector<16xi32>
    %ne3A_107 = arith.constant 0 : i32
    %ne3A_108 = vector.broadcast %ne3A_107 : i32 to vector<16xi32>
    %ne3A_109 = arith.cmpi ne, %rem3A_106, %ne3A_108 : vector<16xi32>
    %lt3A_110 = arith.constant 0 : i32
    %lt3A_111 = vector.broadcast %lt3A_110 : i32 to vector<16xi32>
    %lt3A_112 = arith.cmpi slt, %rem3A_106, %lt3A_111 : vector<16xi32>
    %lt3A_113 = arith.constant 0 : i32
    %lt3A_114 = arith.cmpi slt, %select_n3A_104, %lt3A_113 : i32
    %ne3A_115 = vector.broadcast %lt3A_114 : i1 to vector<16xi1>
    %ne3A_116 = vector.broadcast %ne3A_115 : vector<16xi1> to vector<16xi1>
    %ne3A_117 = arith.xori %lt3A_112, %ne3A_116 : vector<16xi1>
    %and3A_118 = arith.andi %ne3A_117, %ne3A_109 : vector<16xi1>
    %add3A_119 = vector.broadcast %select_n3A_104 : i32 to vector<16xi32>
    %add3A_120 = arith.addi %rem3A_106, %add3A_119 : vector<16xi32>
    %select_n3A_121 = arith.select %and3A_118, %add3A_120, %rem3A_106 : vector<16xi1>, vector<16xi32>
    %add3A_122 = arith.constant 25024 : i32
    %add3A_123 = vector.broadcast %add3A_122 : i32 to vector<16xi32>
    %add3A_124 = arith.addi %add3A_123, %select_n3A_121 : vector<16xi32>
    %swap3A_125 = arith.constant 48 : index
    %swap3A_126 = tpu.vector_load %arg12[%swap3A_125] {strides = array<i32>} : memref<128xi32, #tpu.memory_space<vmem>>, vector<16xi32>,
    tpu.vector_store %arg12[%swap3A_125], %add3A_124 {strides = array<i32>} : memref<128xi32, #tpu.memory_space<vmem>>, vector<16xi32>,
    %broadcast_in_dim3A_127 = arith.constant 0 : i32
    %broadcast_in_dim3A_128 = vector.broadcast %broadcast_in_dim3A_127 : i32 to vector<16xi32>
    %swap3A_129 = arith.constant 64 : index
    %swap3A_130 = tpu.vector_load %arg11[%swap3A_129] {strides = array<i32>} : memref<128xi32, #tpu.memory_space<vmem>>, vector<16xi32>,
    tpu.vector_store %arg11[%swap3A_129], %broadcast_in_dim3A_128 {strides = array<i32>} : memref<128xi32, #tpu.memory_space<vmem>>, vector<16xi32>,
    %add3A_131 = arith.constant 64 : i32
    %add3A_132 = vector.broadcast %add3A_131 : i32 to vector<16xi32>
    %add3A_133 = arith.addi %add3A_132, %iota3A : vector<16xi32>
    %jit3A_134 = arith.constant 64 : i32
    %eq3A_135 = arith.constant 0 : i32
    %eq3A_136 = arith.cmpi eq, %jit3A_134, %eq3A_135 : i32
    %jit3A_137 = arith.constant 1 : i32
    %select_n3A_138 = arith.select %eq3A_136, %jit3A_137, %jit3A_134 : i32
    %rem3A_139 = vector.broadcast %select_n3A_138 : i32 to vector<16xi32>
    %rem3A_140 = arith.remsi %add3A_133, %rem3A_139 : vector<16xi32>
    %ne3A_141 = arith.constant 0 : i32
    %ne3A_142 = vector.broadcast %ne3A_141 : i32 to vector<16xi32>
    %ne3A_143 = arith.cmpi ne, %rem3A_140, %ne3A_142 : vector<16xi32>
    %lt3A_144 = arith.constant 0 : i32
    %lt3A_145 = vector.broadcast %lt3A_144 : i32 to vector<16xi32>
    %lt3A_146 = arith.cmpi slt, %rem3A_140, %lt3A_145 : vector<16xi32>
    %lt3A_147 = arith.constant 0 : i32
    %lt3A_148 = arith.cmpi slt, %select_n3A_138, %lt3A_147 : i32
    %ne3A_149 = vector.broadcast %lt3A_148 : i1 to vector<16xi1>
    %ne3A_150 = vector.broadcast %ne3A_149 : vector<16xi1> to vector<16xi1>
    %ne3A_151 = arith.xori %lt3A_146, %ne3A_150 : vector<16xi1>
    %and3A_152 = arith.andi %ne3A_151, %ne3A_143 : vector<16xi1>
    %add3A_153 = vector.broadcast %select_n3A_138 : i32 to vector<16xi32>
    %add3A_154 = arith.addi %rem3A_140, %add3A_153 : vector<16xi32>
    %select_n3A_155 = arith.select %and3A_152, %add3A_154, %rem3A_140 : vector<16xi1>, vector<16xi32>
    %add3A_156 = arith.constant 25024 : i32
    %add3A_157 = vector.broadcast %add3A_156 : i32 to vector<16xi32>
    %add3A_158 = arith.addi %add3A_157, %select_n3A_155 : vector<16xi32>
    %swap3A_159 = arith.constant 64 : index
    %swap3A_160 = tpu.vector_load %arg12[%swap3A_159] {strides = array<i32>} : memref<128xi32, #tpu.memory_space<vmem>>, vector<16xi32>,
    tpu.vector_store %arg12[%swap3A_159], %add3A_158 {strides = array<i32>} : memref<128xi32, #tpu.memory_space<vmem>>, vector<16xi32>,
    %broadcast_in_dim3A_161 = arith.constant 0 : i32
    %broadcast_in_dim3A_162 = vector.broadcast %broadcast_in_dim3A_161 : i32 to vector<16xi32>
    %swap3A_163 = arith.constant 80 : index
    %swap3A_164 = tpu.vector_load %arg11[%swap3A_163] {strides = array<i32>} : memref<128xi32, #tpu.memory_space<vmem>>, vector<16xi32>,
    tpu.vector_store %arg11[%swap3A_163], %broadcast_in_dim3A_162 {strides = array<i32>} : memref<128xi32, #tpu.memory_space<vmem>>, vector<16xi32>,
    %add3A_165 = arith.constant 80 : i32
    %add3A_166 = vector.broadcast %add3A_165 : i32 to vector<16xi32>
    %add3A_167 = arith.addi %add3A_166, %iota3A : vector<16xi32>
    %jit3A_168 = arith.constant 64 : i32
    %eq3A_169 = arith.constant 0 : i32
    %eq3A_170 = arith.cmpi eq, %jit3A_168, %eq3A_169 : i32
    %jit3A_171 = arith.constant 1 : i32
    %select_n3A_172 = arith.select %eq3A_170, %jit3A_171, %jit3A_168 : i32
    %rem3A_173 = vector.broadcast %select_n3A_172 : i32 to vector<16xi32>
    %rem3A_174 = arith.remsi %add3A_167, %rem3A_173 : vector<16xi32>
    %ne3A_175 = arith.constant 0 : i32
    %ne3A_176 = vector.broadcast %ne3A_175 : i32 to vector<16xi32>
    %ne3A_177 = arith.cmpi ne, %rem3A_174, %ne3A_176 : vector<16xi32>
    %lt3A_178 = arith.constant 0 : i32
    %lt3A_179 = vector.broadcast %lt3A_178 : i32 to vector<16xi32>
    %lt3A_180 = arith.cmpi slt, %rem3A_174, %lt3A_179 : vector<16xi32>
    %lt3A_181 = arith.constant 0 : i32
    %lt3A_182 = arith.cmpi slt, %select_n3A_172, %lt3A_181 : i32
    %ne3A_183 = vector.broadcast %lt3A_182 : i1 to vector<16xi1>
    %ne3A_184 = vector.broadcast %ne3A_183 : vector<16xi1> to vector<16xi1>
    %ne3A_185 = arith.xori %lt3A_180, %ne3A_184 : vector<16xi1>
    %and3A_186 = arith.andi %ne3A_185, %ne3A_177 : vector<16xi1>
    %add3A_187 = vector.broadcast %select_n3A_172 : i32 to vector<16xi32>
    %add3A_188 = arith.addi %rem3A_174, %add3A_187 : vector<16xi32>
    %select_n3A_189 = arith.select %and3A_186, %add3A_188, %rem3A_174 : vector<16xi1>, vector<16xi32>
    %add3A_190 = arith.constant 25024 : i32
    %add3A_191 = vector.broadcast %add3A_190 : i32 to vector<16xi32>
    %add3A_192 = arith.addi %add3A_191, %select_n3A_189 : vector<16xi32>
    %swap3A_193 = arith.constant 80 : index
    %swap3A_194 = tpu.vector_load %arg12[%swap3A_193] {strides = array<i32>} : memref<128xi32, #tpu.memory_space<vmem>>, vector<16xi32>,
    tpu.vector_store %arg12[%swap3A_193], %add3A_192 {strides = array<i32>} : memref<128xi32, #tpu.memory_space<vmem>>, vector<16xi32>,
    %broadcast_in_dim3A_195 = arith.constant 0 : i32
    %broadcast_in_dim3A_196 = vector.broadcast %broadcast_in_dim3A_195 : i32 to vector<16xi32>
    %swap3A_197 = arith.constant 96 : index
    %swap3A_198 = tpu.vector_load %arg11[%swap3A_197] {strides = array<i32>} : memref<128xi32, #tpu.memory_space<vmem>>, vector<16xi32>,
    tpu.vector_store %arg11[%swap3A_197], %broadcast_in_dim3A_196 {strides = array<i32>} : memref<128xi32, #tpu.memory_space<vmem>>, vector<16xi32>,
    %add3A_199 = arith.constant 96 : i32
    %add3A_200 = vector.broadcast %add3A_199 : i32 to vector<16xi32>
    %add3A_201 = arith.addi %add3A_200, %iota3A : vector<16xi32>
    %jit3A_202 = arith.constant 64 : i32
    %eq3A_203 = arith.constant 0 : i32
    %eq3A_204 = arith.cmpi eq, %jit3A_202, %eq3A_203 : i32
    %jit3A_205 = arith.constant 1 : i32
    %select_n3A_206 = arith.select %eq3A_204, %jit3A_205, %jit3A_202 : i32
    %rem3A_207 = vector.broadcast %select_n3A_206 : i32 to vector<16xi32>
    %rem3A_208 = arith.remsi %add3A_201, %rem3A_207 : vector<16xi32>
    %ne3A_209 = arith.constant 0 : i32
    %ne3A_210 = vector.broadcast %ne3A_209 : i32 to vector<16xi32>
    %ne3A_211 = arith.cmpi ne, %rem3A_208, %ne3A_210 : vector<16xi32>
    %lt3A_212 = arith.constant 0 : i32
    %lt3A_213 = vector.broadcast %lt3A_212 : i32 to vector<16xi32>
    %lt3A_214 = arith.cmpi slt, %rem3A_208, %lt3A_213 : vector<16xi32>
    %lt3A_215 = arith.constant 0 : i32
    %lt3A_216 = arith.cmpi slt, %select_n3A_206, %lt3A_215 : i32
    %ne3A_217 = vector.broadcast %lt3A_216 : i1 to vector<16xi1>
    %ne3A_218 = vector.broadcast %ne3A_217 : vector<16xi1> to vector<16xi1>
    %ne3A_219 = arith.xori %lt3A_214, %ne3A_218 : vector<16xi1>
    %and3A_220 = arith.andi %ne3A_219, %ne3A_211 : vector<16xi1>
    %add3A_221 = vector.broadcast %select_n3A_206 : i32 to vector<16xi32>
    %add3A_222 = arith.addi %rem3A_208, %add3A_221 : vector<16xi32>
    %select_n3A_223 = arith.select %and3A_220, %add3A_222, %rem3A_208 : vector<16xi1>, vector<16xi32>
    %add3A_224 = arith.constant 25024 : i32
    %add3A_225 = vector.broadcast %add3A_224 : i32 to vector<16xi32>
    %add3A_226 = arith.addi %add3A_225, %select_n3A_223 : vector<16xi32>
    %swap3A_227 = arith.constant 96 : index
    %swap3A_228 = tpu.vector_load %arg12[%swap3A_227] {strides = array<i32>} : memref<128xi32, #tpu.memory_space<vmem>>, vector<16xi32>,
    tpu.vector_store %arg12[%swap3A_227], %add3A_226 {strides = array<i32>} : memref<128xi32, #tpu.memory_space<vmem>>, vector<16xi32>,
    %broadcast_in_dim3A_229 = arith.constant 0 : i32
    %broadcast_in_dim3A_230 = vector.broadcast %broadcast_in_dim3A_229 : i32 to vector<16xi32>
    %swap3A_231 = arith.constant 112 : index
    %swap3A_232 = tpu.vector_load %arg11[%swap3A_231] {strides = array<i32>} : memref<128xi32, #tpu.memory_space<vmem>>, vector<16xi32>,
    tpu.vector_store %arg11[%swap3A_231], %broadcast_in_dim3A_230 {strides = array<i32>} : memref<128xi32, #tpu.memory_space<vmem>>, vector<16xi32>,
    %add3A_233 = arith.constant 112 : i32
    %add3A_234 = vector.broadcast %add3A_233 : i32 to vector<16xi32>
    %add3A_235 = arith.addi %add3A_234, %iota3A : vector<16xi32>
    %jit3A_236 = arith.constant 64 : i32
    %eq3A_237 = arith.constant 0 : i32
    %eq3A_238 = arith.cmpi eq, %jit3A_236, %eq3A_237 : i32
    %jit3A_239 = arith.constant 1 : i32
    %select_n3A_240 = arith.select %eq3A_238, %jit3A_239, %jit3A_236 : i32
    %rem3A_241 = vector.broadcast %select_n3A_240 : i32 to vector<16xi32>
    %rem3A_242 = arith.remsi %add3A_235, %rem3A_241 : vector<16xi32>
    %ne3A_243 = arith.constant 0 : i32
    %ne3A_244 = vector.broadcast %ne3A_243 : i32 to vector<16xi32>
    %ne3A_245 = arith.cmpi ne, %rem3A_242, %ne3A_244 : vector<16xi32>
    %lt3A_246 = arith.constant 0 : i32
    %lt3A_247 = vector.broadcast %lt3A_246 : i32 to vector<16xi32>
    %lt3A_248 = arith.cmpi slt, %rem3A_242, %lt3A_247 : vector<16xi32>
    %lt3A_249 = arith.constant 0 : i32
    %lt3A_250 = arith.cmpi slt, %select_n3A_240, %lt3A_249 : i32
    %ne3A_251 = vector.broadcast %lt3A_250 : i1 to vector<16xi1>
    %ne3A_252 = vector.broadcast %ne3A_251 : vector<16xi1> to vector<16xi1>
    %ne3A_253 = arith.xori %lt3A_248, %ne3A_252 : vector<16xi1>
    %and3A_254 = arith.andi %ne3A_253, %ne3A_245 : vector<16xi1>
    %add3A_255 = vector.broadcast %select_n3A_240 : i32 to vector<16xi32>
    %add3A_256 = arith.addi %rem3A_242, %add3A_255 : vector<16xi32>
    %select_n3A_257 = arith.select %and3A_254, %add3A_256, %rem3A_242 : vector<16xi1>, vector<16xi32>
    %add3A_258 = arith.constant 25024 : i32
    %add3A_259 = vector.broadcast %add3A_258 : i32 to vector<16xi32>
    %add3A_260 = arith.addi %add3A_259, %select_n3A_257 : vector<16xi32>
    %swap3A_261 = arith.constant 112 : index
    %swap3A_262 = tpu.vector_load %arg12[%swap3A_261] {strides = array<i32>} : memref<128xi32, #tpu.memory_space<vmem>>, vector<16xi32>,
    tpu.vector_store %arg12[%swap3A_261], %add3A_260 {strides = array<i32>} : memref<128xi32, #tpu.memory_space<vmem>>, vector<16xi32>,
    %scan3A = arith.constant 0 : i32
    %scan3A_263 = arith.constant 0 : i32
    %scan3A_264 = arith.constant 0 : i32
    %scan3A_265 = arith.constant 14 : i32
    %scan3A_266 = arith.addi %scan3A_264, %scan3A_265 : i32
    %scan3A_267 = arith.constant 1 : i32
    %scan3A_268:2 = scf.for %scan3A_387 = %scan3A_264 to %scan3A_266 step %scan3A_267 iter_args(%scan3A_388 = %scan3A, %scan3A_389 = %scan3A_263) -> (i32, i32)  : i32 {
      %mul3A_390 = arith.constant 28 : i32
      %mul3A_391 = arith.muli %scan3A_387, %mul3A_390 : i32
      "tpu.region"() ({
        %run_scoped3A = tpu.sem_alloc : memref<!tpu.dma_semaphore, #tpu.memory_space<semaphore_mem>>
        %dma_start3A = arith.constant 0 : i32
        %dma_start3A_400 = tpu.memref_slice %arg2[%arg1, %mul3A_391, %dma_start3A] : memref<16x392x128xi32, #tpu.memory_space<hbm>> -> memref<1x28x128xi32, #tpu.memory_space<hbm>>
        %dma_start3A_401 = tpu.memref_squeeze %dma_start3A_400 : memref<1x28x128xi32, #tpu.memory_space<hbm>> -> memref<28x128xi32, #tpu.memory_space<hbm>>
        %dma_start3A_402 = arith.constant 0 : i32
        %dma_start3A_403 = tpu.memref_slice %arg2[%arg1, %mul3A_391, %dma_start3A_402] : memref<16x392x128xi32, #tpu.memory_space<hbm>> -> memref<1x28x128xi32, #tpu.memory_space<hbm>>
        %dma_start3A_404 = tpu.memref_squeeze %dma_start3A_403 : memref<1x28x128xi32, #tpu.memory_space<hbm>> -> memref<28x128xi32, #tpu.memory_space<hbm>>
        tpu.enqueue_dma source(%dma_start3A_404 : memref<28x128xi32, #tpu.memory_space<hbm>>) target(%arg7 : memref<28x128xi32, #tpu.memory_space<vmem>>) target_semaphore(%run_scoped3A : memref<!tpu.dma_semaphore, #tpu.memory_space<semaphore_mem>>)
        %dma_wait3A = arith.constant 0 : i32
        %dma_wait3A_405 = tpu.memref_slice %arg2[%arg1, %mul3A_391, %dma_wait3A] : memref<16x392x128xi32, #tpu.memory_space<hbm>> -> memref<1x28x128xi32, #tpu.memory_space<hbm>>
        %dma_wait3A_406 = tpu.memref_squeeze %dma_wait3A_405 : memref<1x28x128xi32, #tpu.memory_space<hbm>> -> memref<28x128xi32, #tpu.memory_space<hbm>>
        %dma_wait3A_407 = arith.constant 0 : i32
        %dma_wait3A_408 = tpu.memref_slice %arg2[%arg1, %mul3A_391, %dma_wait3A_407] : memref<16x392x128xi32, #tpu.memory_space<hbm>> -> memref<1x28x128xi32, #tpu.memory_space<hbm>>
        %dma_wait3A_409 = tpu.memref_squeeze %dma_wait3A_408 : memref<1x28x128xi32, #tpu.memory_space<hbm>> -> memref<28x128xi32, #tpu.memory_space<hbm>>
        tpu.wait_dma2 semaphore(%run_scoped3A : memref<!tpu.dma_semaphore, #tpu.memory_space<semaphore_mem>>) src(%dma_wait3A_409 : memref<28x128xi32, #tpu.memory_space<hbm>>) dst(%arg7 : memref<28x128xi32, #tpu.memory_space<vmem>>)
        tpu.yield
      }) : () -> ()
      %mul3A_392 = arith.constant 28 : i32
      %mul3A_393 = arith.muli %scan3A_387, %mul3A_392 : i32
      "tpu.region"() ({
        %run_scoped3A = tpu.sem_alloc : memref<!tpu.dma_semaphore, #tpu.memory_space<semaphore_mem>>
        %dma_start3A = arith.constant 0 : i32
        %dma_start3A_400 = tpu.memref_slice %arg3[%arg1, %mul3A_393, %dma_start3A] : memref<16x392x128xi32, #tpu.memory_space<hbm>> -> memref<1x28x128xi32, #tpu.memory_space<hbm>>
        %dma_start3A_401 = tpu.memref_squeeze %dma_start3A_400 : memref<1x28x128xi32, #tpu.memory_space<hbm>> -> memref<28x128xi32, #tpu.memory_space<hbm>>
        %dma_start3A_402 = arith.constant 0 : i32
        %dma_start3A_403 = tpu.memref_slice %arg3[%arg1, %mul3A_393, %dma_start3A_402] : memref<16x392x128xi32, #tpu.memory_space<hbm>> -> memref<1x28x128xi32, #tpu.memory_space<hbm>>
        %dma_start3A_404 = tpu.memref_squeeze %dma_start3A_403 : memref<1x28x128xi32, #tpu.memory_space<hbm>> -> memref<28x128xi32, #tpu.memory_space<hbm>>
        tpu.enqueue_dma source(%dma_start3A_404 : memref<28x128xi32, #tpu.memory_space<hbm>>) target(%arg8 : memref<28x128xi32, #tpu.memory_space<vmem>>) target_semaphore(%run_scoped3A : memref<!tpu.dma_semaphore, #tpu.memory_space<semaphore_mem>>)
        %dma_wait3A = arith.constant 0 : i32
        %dma_wait3A_405 = tpu.memref_slice %arg3[%arg1, %mul3A_393, %dma_wait3A] : memref<16x392x128xi32, #tpu.memory_space<hbm>> -> memref<1x28x128xi32, #tpu.memory_space<hbm>>
        %dma_wait3A_406 = tpu.memref_squeeze %dma_wait3A_405 : memref<1x28x128xi32, #tpu.memory_space<hbm>> -> memref<28x128xi32, #tpu.memory_space<hbm>>
        %dma_wait3A_407 = arith.constant 0 : i32
        %dma_wait3A_408 = tpu.memref_slice %arg3[%arg1, %mul3A_393, %dma_wait3A_407] : memref<16x392x128xi32, #tpu.memory_space<hbm>> -> memref<1x28x128xi32, #tpu.memory_space<hbm>>
        %dma_wait3A_409 = tpu.memref_squeeze %dma_wait3A_408 : memref<1x28x128xi32, #tpu.memory_space<hbm>> -> memref<28x128xi32, #tpu.memory_space<hbm>>
        tpu.wait_dma2 semaphore(%run_scoped3A : memref<!tpu.dma_semaphore, #tpu.memory_space<semaphore_mem>>) src(%dma_wait3A_409 : memref<28x128xi32, #tpu.memory_space<hbm>>) dst(%arg8 : memref<28x128xi32, #tpu.memory_space<vmem>>)
        tpu.yield
      }) : () -> ()
      %scan3A_394 = arith.constant 0 : i32
      %scan3A_395 = arith.constant 224 : i32
      %scan3A_396 = arith.addi %scan3A_394, %scan3A_395 : i32
      %scan3A_397 = arith.constant 1 : i32
      %scan3A_398:2 = scf.for %scan3A_400 = %scan3A_394 to %scan3A_396 step %scan3A_397 iter_args(%scan3A_401 = %scan3A_388, %scan3A_402 = %scan3A_389) -> (i32, i32)  : i32 {
        %jit3A_403 = arith.constant 8 : i32
        %div3A_404 = arith.divsi %scan3A_400, %jit3A_403 : i32
        %sign3A_405 = arith.constant 0 : i32
        %sign3A_406 = arith.cmpi sgt, %scan3A_400, %sign3A_405 : i32
        %sign3A_407 = arith.extui %sign3A_406 : i1 to i32
        %sign3A_408 = arith.constant 0 : i32
        %sign3A_409 = arith.cmpi slt, %scan3A_400, %sign3A_408 : i32
        %sign3A_410 = arith.extui %sign3A_409 : i1 to i32
        %sign3A_411 = arith.subi %sign3A_407, %sign3A_410 : i32
        %sign3A_412 = arith.constant 0 : i32
        %sign3A_413 = arith.cmpi sgt, %jit3A_403, %sign3A_412 : i32
        %sign3A_414 = arith.extui %sign3A_413 : i1 to i32
        %sign3A_415 = arith.constant 0 : i32
        %sign3A_416 = arith.cmpi slt, %jit3A_403, %sign3A_415 : i32
        %sign3A_417 = arith.extui %sign3A_416 : i1 to i32
        %sign3A_418 = arith.subi %sign3A_414, %sign3A_417 : i32
        %ne3A_419 = arith.cmpi ne, %sign3A_411, %sign3A_418 : i32
        %rem3A_420 = arith.remsi %scan3A_400, %jit3A_403 : i32
        %ne3A_421 = arith.constant 0 : i32
        %ne3A_422 = arith.cmpi ne, %rem3A_420, %ne3A_421 : i32
        %and3A_423 = arith.andi %ne3A_419, %ne3A_422 : i1
        %sub3A_424 = arith.constant 1 : i32
        %sub3A_425 = arith.subi %div3A_404, %sub3A_424 : i32
        %select_n3A_426 = arith.select %and3A_423, %sub3A_425, %div3A_404 : i32
        %jit3A_427 = arith.constant 8 : i32
        %eq3A_428 = arith.constant 0 : i32
        %eq3A_429 = arith.cmpi eq, %jit3A_427, %eq3A_428 : i32
        %jit3A_430 = arith.constant 1 : i32
        %select_n3A_431 = arith.select %eq3A_429, %jit3A_430, %jit3A_427 : i32
        %rem3A_432 = arith.remsi %scan3A_400, %select_n3A_431 : i32
        %ne3A_433 = arith.constant 0 : i32
        %ne3A_434 = arith.cmpi ne, %rem3A_432, %ne3A_433 : i32
        %lt3A_435 = arith.constant 0 : i32
        %lt3A_436 = arith.cmpi slt, %rem3A_432, %lt3A_435 : i32
        %lt3A_437 = arith.constant 0 : i32
        %lt3A_438 = arith.cmpi slt, %select_n3A_431, %lt3A_437 : i32
        %ne3A_439 = arith.xori %lt3A_436, %lt3A_438 : i1
        %and3A_440 = arith.andi %ne3A_439, %ne3A_434 : i1
        %add3A_441 = arith.addi %rem3A_432, %select_n3A_431 : i32
        %select_n3A_442 = arith.select %and3A_440, %add3A_441, %rem3A_432 : i32
        %mul3A_443 = arith.constant 16 : i32
        %mul3A_444 = arith.muli %select_n3A_442, %mul3A_443 : i32
        %get3A = arith.index_cast %select_n3A_426 : i32 to index
        %get3A_445 = arith.index_cast %mul3A_444 : i32 to index
        %get3A_446 = tpu.vector_load %arg7[%get3A, %get3A_445] {strides = array<i32>} : memref<28x128xi32, #tpu.memory_space<vmem>>, vector<16xi32>,
        %get3A_447 = arith.index_cast %select_n3A_426 : i32 to index
        %get3A_448 = arith.index_cast %mul3A_444 : i32 to index
        %get3A_449 = tpu.vector_load %arg8[%get3A_447, %get3A_448] {strides = array<i32>} : memref<28x128xi32, #tpu.memory_space<vmem>>, vector<16xi32>,
        %sub3A_450 = vector.broadcast %mul3A_0 : i32 to vector<16xi32>
        %sub3A_451 = arith.subi %get3A_449, %sub3A_450 : vector<16xi32>
        %ge3A = arith.constant 0 : i32
        %ge3A_452 = vector.broadcast %ge3A : i32 to vector<16xi32>
        %ge3A_453 = arith.cmpi sge, %sub3A_451, %ge3A_452 : vector<16xi32>
        %lt3A_454 = arith.constant 25024 : i32
        %lt3A_455 = vector.broadcast %lt3A_454 : i32 to vector<16xi32>
        %lt3A_456 = arith.cmpi slt, %sub3A_451, %lt3A_455 : vector<16xi32>
        %and3A_457 = arith.andi %ge3A_453, %lt3A_456 : vector<16xi1>
        %all_reduce_population_count3A = tpu.all_reduce %and3A_457 {dim = 0 : i64, kind = #tpu.reduction_kind<sum>} : vector<16xi1> -> vector<16xi32>
        %slice3A = vector.extract_strided_slice %all_reduce_population_count3A {offsets = [0], sizes = [1], strides = [1]} : vector<16xi32> to vector<1xi32>
        %squeeze3A = vector.extract %slice3A[0] : i32 from vector<1xi32>
        %swap3A_458 = arith.index_cast %scan3A_401 : i32 to index
        %swap3A_459 = tpu.vector_load %arg9[%swap3A_458] masked %and3A_457 {strides = array<i32>} : memref<1184xi32, #tpu.memory_space<vmem>>, vector<16xi32>, vector<16xi1>
        tpu.vector_store %arg9[%swap3A_458], %get3A_446 masked %and3A_457 {strides = array<i32>} : memref<1184xi32, #tpu.memory_space<vmem>>, vector<16xi32>, vector<16xi1>
        %swap3A_460 = arith.index_cast %scan3A_401 : i32 to index
        %swap3A_461 = tpu.vector_load %arg10[%swap3A_460] masked %and3A_457 {strides = array<i32>} : memref<1184xi32, #tpu.memory_space<vmem>>, vector<16xi32>, vector<16xi1>
        tpu.vector_store %arg10[%swap3A_460], %sub3A_451 masked %and3A_457 {strides = array<i32>} : memref<1184xi32, #tpu.memory_space<vmem>>, vector<16xi32>, vector<16xi1>
        %add3A_462 = arith.addi %scan3A_401, %squeeze3A : i32
        %ge3A_463 = arith.constant 1024 : i32
        %ge3A_464 = arith.cmpi sge, %add3A_462, %ge3A_463 : i32
        %convert_element_type3A = arith.extui %ge3A_464 : i1 to i32
        %cond3A = arith.constant 0 : i32
        %cond3A_465 = arith.cmpi ne, %convert_element_type3A, %cond3A : i32
        scf.if %cond3A_465 {
          %scan3A_473 = arith.constant 0 : i32
          %scan3A_474 = arith.constant 0 : i32
          %scan3A_475 = arith.constant 8 : i32
          %scan3A_476 = arith.addi %scan3A_474, %scan3A_475 : i32
          %scan3A_477 = arith.constant 1 : i32
          scf.for %scan3A_487 = %scan3A_474 to %scan3A_476 step %scan3A_477  : i32 {
            %mul3A_488 = arith.constant 128 : i32
            %mul3A_489 = arith.muli %scan3A_487, %mul3A_488 : i32
            %add3A_490 = arith.addi %scan3A_402, %scan3A_487 : i32
            "tpu.region"() ({
              %run_scoped3A = tpu.sem_alloc : memref<!tpu.dma_semaphore, #tpu.memory_space<semaphore_mem>>
              %dma_start3A = tpu.memref_slice %arg9[%mul3A_489] : memref<1184xi32, #tpu.memory_space<vmem>> -> memref<128xi32, #tpu.memory_space<vmem>>
              %dma_start3A_494 = arith.constant 0 : i32
              %dma_start3A_495 = tpu.memref_slice %arg4[%arg0, %arg1, %add3A_490, %dma_start3A_494] : memref<2x16x416x128xi32, #tpu.memory_space<hbm>> -> memref<1x1x1x128xi32, #tpu.memory_space<hbm>>
              %dma_start3A_496 = tpu.memref_squeeze %dma_start3A_495 : memref<1x1x1x128xi32, #tpu.memory_space<hbm>> -> memref<128xi32, #tpu.memory_space<hbm>>
              %dma_start3A_497 = arith.constant 0 : i32
              %dma_start3A_498 = tpu.memref_slice %arg4[%arg0, %arg1, %add3A_490, %dma_start3A_497] : memref<2x16x416x128xi32, #tpu.memory_space<hbm>> -> memref<1x1x1x128xi32, #tpu.memory_space<hbm>>
              %dma_start3A_499 = tpu.memref_squeeze %dma_start3A_498 : memref<1x1x1x128xi32, #tpu.memory_space<hbm>> -> memref<128xi32, #tpu.memory_space<hbm>>
              %dma_start3A_500 = tpu.memref_slice %arg9[%mul3A_489] : memref<1184xi32, #tpu.memory_space<vmem>> -> memref<128xi32, #tpu.memory_space<vmem>>
              tpu.enqueue_dma source(%dma_start3A_500 : memref<128xi32, #tpu.memory_space<vmem>>) target(%dma_start3A_499 : memref<128xi32, #tpu.memory_space<hbm>>) target_semaphore(%run_scoped3A : memref<!tpu.dma_semaphore, #tpu.memory_space<semaphore_mem>>)
              %dma_wait3A = tpu.memref_slice %arg9[%mul3A_489] : memref<1184xi32, #tpu.memory_space<vmem>> -> memref<128xi32, #tpu.memory_space<vmem>>
              %dma_wait3A_501 = arith.constant 0 : i32
              %dma_wait3A_502 = tpu.memref_slice %arg4[%arg0, %arg1, %add3A_490, %dma_wait3A_501] : memref<2x16x416x128xi32, #tpu.memory_space<hbm>> -> memref<1x1x1x128xi32, #tpu.memory_space<hbm>>
              %dma_wait3A_503 = tpu.memref_squeeze %dma_wait3A_502 : memref<1x1x1x128xi32, #tpu.memory_space<hbm>> -> memref<128xi32, #tpu.memory_space<hbm>>
              %dma_wait3A_504 = arith.constant 0 : i32
              %dma_wait3A_505 = tpu.memref_slice %arg4[%arg0, %arg1, %add3A_490, %dma_wait3A_504] : memref<2x16x416x128xi32, #tpu.memory_space<hbm>> -> memref<1x1x1x128xi32, #tpu.memory_space<hbm>>
              %dma_wait3A_506 = tpu.memref_squeeze %dma_wait3A_505 : memref<1x1x1x128xi32, #tpu.memory_space<hbm>> -> memref<128xi32, #tpu.memory_space<hbm>>
              %dma_wait3A_507 = tpu.memref_slice %arg9[%mul3A_489] : memref<1184xi32, #tpu.memory_space<vmem>> -> memref<128xi32, #tpu.memory_space<vmem>>
              tpu.wait_dma2 semaphore(%run_scoped3A : memref<!tpu.dma_semaphore, #tpu.memory_space<semaphore_mem>>) src(%dma_wait3A_507 : memref<128xi32, #tpu.memory_space<vmem>>) dst(%dma_wait3A_506 : memref<128xi32, #tpu.memory_space<hbm>>)
              tpu.yield
            }) : () -> ()
            %mul3A_491 = arith.constant 128 : i32
            %mul3A_492 = arith.muli %scan3A_487, %mul3A_491 : i32
            %add3A_493 = arith.addi %scan3A_402, %scan3A_487 : i32
            "tpu.region"() ({
              %run_scoped3A = tpu.sem_alloc : memref<!tpu.dma_semaphore, #tpu.memory_space<semaphore_mem>>
              %dma_start3A = tpu.memref_slice %arg10[%mul3A_492] : memref<1184xi32, #tpu.memory_space<vmem>> -> memref<128xi32, #tpu.memory_space<vmem>>
              %dma_start3A_494 = arith.constant 0 : i32
              %dma_start3A_495 = tpu.memref_slice %arg5[%arg0, %arg1, %add3A_493, %dma_start3A_494] : memref<2x16x416x128xi32, #tpu.memory_space<hbm>> -> memref<1x1x1x128xi32, #tpu.memory_space<hbm>>
              %dma_start3A_496 = tpu.memref_squeeze %dma_start3A_495 : memref<1x1x1x128xi32, #tpu.memory_space<hbm>> -> memref<128xi32, #tpu.memory_space<hbm>>
              %dma_start3A_497 = arith.constant 0 : i32
              %dma_start3A_498 = tpu.memref_slice %arg5[%arg0, %arg1, %add3A_493, %dma_start3A_497] : memref<2x16x416x128xi32, #tpu.memory_space<hbm>> -> memref<1x1x1x128xi32, #tpu.memory_space<hbm>>
              %dma_start3A_499 = tpu.memref_squeeze %dma_start3A_498 : memref<1x1x1x128xi32, #tpu.memory_space<hbm>> -> memref<128xi32, #tpu.memory_space<hbm>>
              %dma_start3A_500 = tpu.memref_slice %arg10[%mul3A_492] : memref<1184xi32, #tpu.memory_space<vmem>> -> memref<128xi32, #tpu.memory_space<vmem>>
              tpu.enqueue_dma source(%dma_start3A_500 : memref<128xi32, #tpu.memory_space<vmem>>) target(%dma_start3A_499 : memref<128xi32, #tpu.memory_space<hbm>>) target_semaphore(%run_scoped3A : memref<!tpu.dma_semaphore, #tpu.memory_space<semaphore_mem>>)
              %dma_wait3A = tpu.memref_slice %arg10[%mul3A_492] : memref<1184xi32, #tpu.memory_space<vmem>> -> memref<128xi32, #tpu.memory_space<vmem>>
              %dma_wait3A_501 = arith.constant 0 : i32
              %dma_wait3A_502 = tpu.memref_slice %arg5[%arg0, %arg1, %add3A_493, %dma_wait3A_501] : memref<2x16x416x128xi32, #tpu.memory_space<hbm>> -> memref<1x1x1x128xi32, #tpu.memory_space<hbm>>
              %dma_wait3A_503 = tpu.memref_squeeze %dma_wait3A_502 : memref<1x1x1x128xi32, #tpu.memory_space<hbm>> -> memref<128xi32, #tpu.memory_space<hbm>>
              %dma_wait3A_504 = arith.constant 0 : i32
              %dma_wait3A_505 = tpu.memref_slice %arg5[%arg0, %arg1, %add3A_493, %dma_wait3A_504] : memref<2x16x416x128xi32, #tpu.memory_space<hbm>> -> memref<1x1x1x128xi32, #tpu.memory_space<hbm>>
              %dma_wait3A_506 = tpu.memref_squeeze %dma_wait3A_505 : memref<1x1x1x128xi32, #tpu.memory_space<hbm>> -> memref<128xi32, #tpu.memory_space<hbm>>
              %dma_wait3A_507 = tpu.memref_slice %arg10[%mul3A_492] : memref<1184xi32, #tpu.memory_space<vmem>> -> memref<128xi32, #tpu.memory_space<vmem>>
              tpu.wait_dma2 semaphore(%run_scoped3A : memref<!tpu.dma_semaphore, #tpu.memory_space<semaphore_mem>>) src(%dma_wait3A_507 : memref<128xi32, #tpu.memory_space<vmem>>) dst(%dma_wait3A_506 : memref<128xi32, #tpu.memory_space<hbm>>)
              tpu.yield
            }) : () -> ()
          }
          %scan3A_478 = arith.constant 8 : i32
          %get3A_479 = arith.constant 1024 : index
          %get3A_480 = tpu.vector_load %arg9[%get3A_479] {strides = array<i32>} : memref<1184xi32, #tpu.memory_space<vmem>>, vector<16xi32>,
          %swap3A_481 = arith.constant 0 : index
          %swap3A_482 = tpu.vector_load %arg9[%swap3A_481] {strides = array<i32>} : memref<1184xi32, #tpu.memory_space<vmem>>, vector<16xi32>,
          tpu.vector_store %arg9[%swap3A_481], %get3A_480 {strides = array<i32>} : memref<1184xi32, #tpu.memory_space<vmem>>, vector<16xi32>,
          %get3A_483 = arith.constant 1024 : index
          %get3A_484 = tpu.vector_load %arg10[%get3A_483] {strides = array<i32>} : memref<1184xi32, #tpu.memory_space<vmem>>, vector<16xi32>,
          %swap3A_485 = arith.constant 0 : index
          %swap3A_486 = tpu.vector_load %arg10[%swap3A_485] {strides = array<i32>} : memref<1184xi32, #tpu.memory_space<vmem>>, vector<16xi32>,
          tpu.vector_store %arg10[%swap3A_485], %get3A_484 {strides = array<i32>} : memref<1184xi32, #tpu.memory_space<vmem>>, vector<16xi32>,
        } else {
        }
        %convert_element_type3A_466 = arith.extui %ge3A_464 : i1 to i32
        %mul3A_467 = arith.constant 1024 : i32
        %mul3A_468 = arith.muli %mul3A_467, %convert_element_type3A_466 : i32
        %sub3A_469 = arith.subi %add3A_462, %mul3A_468 : i32
        %mul3A_470 = arith.constant 8 : i32
        %mul3A_471 = arith.muli %mul3A_470, %convert_element_type3A_466 : i32
        %add3A_472 = arith.addi %scan3A_402, %mul3A_471 : i32
        scf.yield %sub3A_469, %add3A_472 : i32, i32
      }
      %scan3A_399 = arith.constant 224 : i32
      scf.yield %scan3A_398#0, %scan3A_398#1 : i32, i32
    }
    %scan3A_269 = arith.constant 14 : i32
    %scan3A_270 = arith.constant 0 : i32
    %scan3A_271 = arith.constant 0 : i32
    %scan3A_272 = arith.constant 8 : i32
    %scan3A_273 = arith.addi %scan3A_271, %scan3A_272 : i32
    %scan3A_274 = arith.constant 1 : i32
    %scan3A_275 = scf.for %scan3A_387 = %scan3A_271 to %scan3A_273 step %scan3A_274 iter_args(%scan3A_388 = %scan3A_270) -> (i32)  : i32 {
      %broadcast_in_dim3A_389 = arith.constant 0 : i32
      %broadcast_in_dim3A_390 = vector.broadcast %broadcast_in_dim3A_389 : i32 to vector<16xi32>
      %mul3A_391 = arith.constant 16 : i32
      %mul3A_392 = arith.muli %scan3A_387, %mul3A_391 : i32
      %add3A_393 = arith.addi %scan3A_268#0, %mul3A_392 : i32
      %swap3A_394 = arith.index_cast %add3A_393 : i32 to index
      %swap3A_395 = tpu.vector_load %arg9[%swap3A_394] {strides = array<i32>} : memref<1184xi32, #tpu.memory_space<vmem>>, vector<16xi32>,
      tpu.vector_store %arg9[%swap3A_394], %broadcast_in_dim3A_390 {strides = array<i32>} : memref<1184xi32, #tpu.memory_space<vmem>>, vector<16xi32>,
      %mul3A_396 = arith.constant 16 : i32
      %mul3A_397 = arith.muli %scan3A_387, %mul3A_396 : i32
      %add3A_398 = vector.broadcast %mul3A_397 : i32 to vector<16xi32>
      %add3A_399 = arith.addi %add3A_398, %iota3A : vector<16xi32>
      %jit3A_400 = arith.constant 64 : i32
      %eq3A_401 = arith.constant 0 : i32
      %eq3A_402 = arith.cmpi eq, %jit3A_400, %eq3A_401 : i32
      %jit3A_403 = arith.constant 1 : i32
      %select_n3A_404 = arith.select %eq3A_402, %jit3A_403, %jit3A_400 : i32
      %rem3A_405 = vector.broadcast %select_n3A_404 : i32 to vector<16xi32>
      %rem3A_406 = arith.remsi %add3A_399, %rem3A_405 : vector<16xi32>
      %ne3A_407 = arith.constant 0 : i32
      %ne3A_408 = vector.broadcast %ne3A_407 : i32 to vector<16xi32>
      %ne3A_409 = arith.cmpi ne, %rem3A_406, %ne3A_408 : vector<16xi32>
      %lt3A_410 = arith.constant 0 : i32
      %lt3A_411 = vector.broadcast %lt3A_410 : i32 to vector<16xi32>
      %lt3A_412 = arith.cmpi slt, %rem3A_406, %lt3A_411 : vector<16xi32>
      %lt3A_413 = arith.constant 0 : i32
      %lt3A_414 = arith.cmpi slt, %select_n3A_404, %lt3A_413 : i32
      %ne3A_415 = vector.broadcast %lt3A_414 : i1 to vector<16xi1>
      %ne3A_416 = vector.broadcast %ne3A_415 : vector<16xi1> to vector<16xi1>
      %ne3A_417 = arith.xori %lt3A_412, %ne3A_416 : vector<16xi1>
      %and3A_418 = arith.andi %ne3A_417, %ne3A_409 : vector<16xi1>
      %add3A_419 = vector.broadcast %select_n3A_404 : i32 to vector<16xi32>
      %add3A_420 = arith.addi %rem3A_406, %add3A_419 : vector<16xi32>
      %select_n3A_421 = arith.select %and3A_418, %add3A_420, %rem3A_406 : vector<16xi1>, vector<16xi32>
      %add3A_422 = arith.constant 25024 : i32
      %add3A_423 = vector.broadcast %add3A_422 : i32 to vector<16xi32>
      %add3A_424 = arith.addi %add3A_423, %select_n3A_421 : vector<16xi32>
      %mul3A_425 = arith.constant 16 : i32
      %mul3A_426 = arith.muli %scan3A_387, %mul3A_425 : i32
      %add3A_427 = arith.addi %scan3A_268#0, %mul3A_426 : i32
      %swap3A_428 = arith.index_cast %add3A_427 : i32 to index
      %swap3A_429 = tpu.vector_load %arg10[%swap3A_428] {strides = array<i32>} : memref<1184xi32, #tpu.memory_space<vmem>>, vector<16xi32>,
      tpu.vector_store %arg10[%swap3A_428], %add3A_424 {strides = array<i32>} : memref<1184xi32, #tpu.memory_space<vmem>>, vector<16xi32>,
      %scan3A_430 = arith.constant 0 : i32
      scf.yield %scan3A_430 : i32
    }
    %scan3A_276 = arith.constant 8 : i32
    %add3A_277 = arith.constant 128 : i32
    %add3A_278 = arith.addi %scan3A_268#0, %add3A_277 : i32
    %sub3A = arith.constant 1 : i32
    %sub3A_279 = arith.subi %add3A_278, %sub3A : i32
    %jit3A_280 = arith.constant 128 : i32
    %div3A = arith.divsi %sub3A_279, %jit3A_280 : i32
    %sign3A = arith.constant 0 : i32
    %sign3A_281 = arith.cmpi sgt, %sub3A_279, %sign3A : i32
    %sign3A_282 = arith.extui %sign3A_281 : i1 to i32
    %sign3A_283 = arith.constant 0 : i32
    %sign3A_284 = arith.cmpi slt, %sub3A_279, %sign3A_283 : i32
    %sign3A_285 = arith.extui %sign3A_284 : i1 to i32
    %sign3A_286 = arith.subi %sign3A_282, %sign3A_285 : i32
    %sign3A_287 = arith.constant 0 : i32
    %sign3A_288 = arith.cmpi sgt, %jit3A_280, %sign3A_287 : i32
    %sign3A_289 = arith.extui %sign3A_288 : i1 to i32
    %sign3A_290 = arith.constant 0 : i32
    %sign3A_291 = arith.cmpi slt, %jit3A_280, %sign3A_290 : i32
    %sign3A_292 = arith.extui %sign3A_291 : i1 to i32
    %sign3A_293 = arith.subi %sign3A_289, %sign3A_292 : i32
    %ne3A_294 = arith.cmpi ne, %sign3A_286, %sign3A_293 : i32
    %rem3A_295 = arith.remsi %sub3A_279, %jit3A_280 : i32
    %ne3A_296 = arith.constant 0 : i32
    %ne3A_297 = arith.cmpi ne, %rem3A_295, %ne3A_296 : i32
    %and3A_298 = arith.andi %ne3A_294, %ne3A_297 : i1
    %sub3A_299 = arith.constant 1 : i32
    %sub3A_300 = arith.subi %div3A, %sub3A_299 : i32
    %select_n3A_301 = arith.select %and3A_298, %sub3A_300, %div3A : i32
    %mul3A_302 = arith.constant 128 : i32
    %mul3A_303 = arith.muli %select_n3A_301, %mul3A_302 : i32
    %jit3A_304 = arith.constant 128 : i32
    %div3A_305 = arith.divsi %mul3A_303, %jit3A_304 : i32
    %sign3A_306 = arith.constant 0 : i32
    %sign3A_307 = arith.cmpi sgt, %mul3A_303, %sign3A_306 : i32
    %sign3A_308 = arith.extui %sign3A_307 : i1 to i32
    %sign3A_309 = arith.constant 0 : i32
    %sign3A_310 = arith.cmpi slt, %mul3A_303, %sign3A_309 : i32
    %sign3A_311 = arith.extui %sign3A_310 : i1 to i32
    %sign3A_312 = arith.subi %sign3A_308, %sign3A_311 : i32
    %sign3A_313 = arith.constant 0 : i32
    %sign3A_314 = arith.cmpi sgt, %jit3A_304, %sign3A_313 : i32
    %sign3A_315 = arith.extui %sign3A_314 : i1 to i32
    %sign3A_316 = arith.constant 0 : i32
    %sign3A_317 = arith.cmpi slt, %jit3A_304, %sign3A_316 : i32
    %sign3A_318 = arith.extui %sign3A_317 : i1 to i32
    %sign3A_319 = arith.subi %sign3A_315, %sign3A_318 : i32
    %ne3A_320 = arith.cmpi ne, %sign3A_312, %sign3A_319 : i32
    %rem3A_321 = arith.remsi %mul3A_303, %jit3A_304 : i32
    %ne3A_322 = arith.constant 0 : i32
    %ne3A_323 = arith.cmpi ne, %rem3A_321, %ne3A_322 : i32
    %and3A_324 = arith.andi %ne3A_320, %ne3A_323 : i1
    %sub3A_325 = arith.constant 1 : i32
    %sub3A_326 = arith.subi %div3A_305, %sub3A_325 : i32
    %select_n3A_327 = arith.select %and3A_324, %sub3A_326, %div3A_305 : i32
    %while3A = arith.constant 0 : i32
    %while3A_328 = arith.subi %select_n3A_327, %while3A : i32
    %while3A_329 = arith.addi %while3A, %while3A_328 : i32
    %while3A_330 = arith.constant 1 : i32
    %while3A_331 = arith.divsi %while3A_328, %while3A_330 : i32
    %while3A_332 = arith.muli %while3A_331, %while3A_330 : i32
    %while3A_333 = arith.addi %while3A, %while3A_332 : i32
    %while3A_334 = arith.constant 1 : i32
    %while3A_335 = scf.for %while3A_387 = %while3A to %while3A_333 step %while3A_334 iter_args(%while3A_388 = %scan3A_268#1) -> (i32)  : i32 {
      %mul3A_389 = arith.constant 128 : i32
      %mul3A_390 = arith.muli %while3A_387, %mul3A_389 : i32
      "tpu.region"() ({
        %run_scoped3A = tpu.sem_alloc : memref<!tpu.dma_semaphore, #tpu.memory_space<semaphore_mem>>
        %dma_start3A = tpu.memref_slice %arg9[%mul3A_390] : memref<1184xi32, #tpu.memory_space<vmem>> -> memref<128xi32, #tpu.memory_space<vmem>>
        %dma_start3A_395 = arith.constant 0 : i32
        %dma_start3A_396 = tpu.memref_slice %arg4[%arg0, %arg1, %while3A_388, %dma_start3A_395] : memref<2x16x416x128xi32, #tpu.memory_space<hbm>> -> memref<1x1x1x128xi32, #tpu.memory_space<hbm>>
        %dma_start3A_397 = tpu.memref_squeeze %dma_start3A_396 : memref<1x1x1x128xi32, #tpu.memory_space<hbm>> -> memref<128xi32, #tpu.memory_space<hbm>>
        %dma_start3A_398 = arith.constant 0 : i32
        %dma_start3A_399 = tpu.memref_slice %arg4[%arg0, %arg1, %while3A_388, %dma_start3A_398] : memref<2x16x416x128xi32, #tpu.memory_space<hbm>> -> memref<1x1x1x128xi32, #tpu.memory_space<hbm>>
        %dma_start3A_400 = tpu.memref_squeeze %dma_start3A_399 : memref<1x1x1x128xi32, #tpu.memory_space<hbm>> -> memref<128xi32, #tpu.memory_space<hbm>>
        %dma_start3A_401 = tpu.memref_slice %arg9[%mul3A_390] : memref<1184xi32, #tpu.memory_space<vmem>> -> memref<128xi32, #tpu.memory_space<vmem>>
        tpu.enqueue_dma source(%dma_start3A_401 : memref<128xi32, #tpu.memory_space<vmem>>) target(%dma_start3A_400 : memref<128xi32, #tpu.memory_space<hbm>>) target_semaphore(%run_scoped3A : memref<!tpu.dma_semaphore, #tpu.memory_space<semaphore_mem>>)
        %dma_wait3A = tpu.memref_slice %arg9[%mul3A_390] : memref<1184xi32, #tpu.memory_space<vmem>> -> memref<128xi32, #tpu.memory_space<vmem>>
        %dma_wait3A_402 = arith.constant 0 : i32
        %dma_wait3A_403 = tpu.memref_slice %arg4[%arg0, %arg1, %while3A_388, %dma_wait3A_402] : memref<2x16x416x128xi32, #tpu.memory_space<hbm>> -> memref<1x1x1x128xi32, #tpu.memory_space<hbm>>
        %dma_wait3A_404 = tpu.memref_squeeze %dma_wait3A_403 : memref<1x1x1x128xi32, #tpu.memory_space<hbm>> -> memref<128xi32, #tpu.memory_space<hbm>>
        %dma_wait3A_405 = arith.constant 0 : i32
        %dma_wait3A_406 = tpu.memref_slice %arg4[%arg0, %arg1, %while3A_388, %dma_wait3A_405] : memref<2x16x416x128xi32, #tpu.memory_space<hbm>> -> memref<1x1x1x128xi32, #tpu.memory_space<hbm>>
        %dma_wait3A_407 = tpu.memref_squeeze %dma_wait3A_406 : memref<1x1x1x128xi32, #tpu.memory_space<hbm>> -> memref<128xi32, #tpu.memory_space<hbm>>
        %dma_wait3A_408 = tpu.memref_slice %arg9[%mul3A_390] : memref<1184xi32, #tpu.memory_space<vmem>> -> memref<128xi32, #tpu.memory_space<vmem>>
        tpu.wait_dma2 semaphore(%run_scoped3A : memref<!tpu.dma_semaphore, #tpu.memory_space<semaphore_mem>>) src(%dma_wait3A_408 : memref<128xi32, #tpu.memory_space<vmem>>) dst(%dma_wait3A_407 : memref<128xi32, #tpu.memory_space<hbm>>)
        tpu.yield
      }) : () -> ()
      %mul3A_391 = arith.constant 128 : i32
      %mul3A_392 = arith.muli %while3A_387, %mul3A_391 : i32
      "tpu.region"() ({
        %run_scoped3A = tpu.sem_alloc : memref<!tpu.dma_semaphore, #tpu.memory_space<semaphore_mem>>
        %dma_start3A = tpu.memref_slice %arg10[%mul3A_392] : memref<1184xi32, #tpu.memory_space<vmem>> -> memref<128xi32, #tpu.memory_space<vmem>>
        %dma_start3A_395 = arith.constant 0 : i32
        %dma_start3A_396 = tpu.memref_slice %arg5[%arg0, %arg1, %while3A_388, %dma_start3A_395] : memref<2x16x416x128xi32, #tpu.memory_space<hbm>> -> memref<1x1x1x128xi32, #tpu.memory_space<hbm>>
        %dma_start3A_397 = tpu.memref_squeeze %dma_start3A_396 : memref<1x1x1x128xi32, #tpu.memory_space<hbm>> -> memref<128xi32, #tpu.memory_space<hbm>>
        %dma_start3A_398 = arith.constant 0 : i32
        %dma_start3A_399 = tpu.memref_slice %arg5[%arg0, %arg1, %while3A_388, %dma_start3A_398] : memref<2x16x416x128xi32, #tpu.memory_space<hbm>> -> memref<1x1x1x128xi32, #tpu.memory_space<hbm>>
        %dma_start3A_400 = tpu.memref_squeeze %dma_start3A_399 : memref<1x1x1x128xi32, #tpu.memory_space<hbm>> -> memref<128xi32, #tpu.memory_space<hbm>>
        %dma_start3A_401 = tpu.memref_slice %arg10[%mul3A_392] : memref<1184xi32, #tpu.memory_space<vmem>> -> memref<128xi32, #tpu.memory_space<vmem>>
        tpu.enqueue_dma source(%dma_start3A_401 : memref<128xi32, #tpu.memory_space<vmem>>) target(%dma_start3A_400 : memref<128xi32, #tpu.memory_space<hbm>>) target_semaphore(%run_scoped3A : memref<!tpu.dma_semaphore, #tpu.memory_space<semaphore_mem>>)
        %dma_wait3A = tpu.memref_slice %arg10[%mul3A_392] : memref<1184xi32, #tpu.memory_space<vmem>> -> memref<128xi32, #tpu.memory_space<vmem>>
        %dma_wait3A_402 = arith.constant 0 : i32
        %dma_wait3A_403 = tpu.memref_slice %arg5[%arg0, %arg1, %while3A_388, %dma_wait3A_402] : memref<2x16x416x128xi32, #tpu.memory_space<hbm>> -> memref<1x1x1x128xi32, #tpu.memory_space<hbm>>
        %dma_wait3A_404 = tpu.memref_squeeze %dma_wait3A_403 : memref<1x1x1x128xi32, #tpu.memory_space<hbm>> -> memref<128xi32, #tpu.memory_space<hbm>>
        %dma_wait3A_405 = arith.constant 0 : i32
        %dma_wait3A_406 = tpu.memref_slice %arg5[%arg0, %arg1, %while3A_388, %dma_wait3A_405] : memref<2x16x416x128xi32, #tpu.memory_space<hbm>> -> memref<1x1x1x128xi32, #tpu.memory_space<hbm>>
        %dma_wait3A_407 = tpu.memref_squeeze %dma_wait3A_406 : memref<1x1x1x128xi32, #tpu.memory_space<hbm>> -> memref<128xi32, #tpu.memory_space<hbm>>
        %dma_wait3A_408 = tpu.memref_slice %arg10[%mul3A_392] : memref<1184xi32, #tpu.memory_space<vmem>> -> memref<128xi32, #tpu.memory_space<vmem>>
        tpu.wait_dma2 semaphore(%run_scoped3A : memref<!tpu.dma_semaphore, #tpu.memory_space<semaphore_mem>>) src(%dma_wait3A_408 : memref<128xi32, #tpu.memory_space<vmem>>) dst(%dma_wait3A_407 : memref<128xi32, #tpu.memory_space<hbm>>)
        tpu.yield
      }) : () -> ()
      %add3A_393 = arith.constant 1 : i32
      %add3A_394 = arith.addi %while3A_388, %add3A_393 : i32
      scf.yield %add3A_394 : i32
    }
    %while3A_336 = arith.constant 1 : i32
    %while3A_337 = scf.for %while3A_387 = %while3A_333 to %while3A_329 step %while3A_336 iter_args(%while3A_388 = %while3A_335) -> (i32)  : i32 {
      %mul3A_389 = arith.constant 128 : i32
      %mul3A_390 = arith.muli %while3A_387, %mul3A_389 : i32
      "tpu.region"() ({
        %run_scoped3A = tpu.sem_alloc : memref<!tpu.dma_semaphore, #tpu.memory_space<semaphore_mem>>
        %dma_start3A = tpu.memref_slice %arg9[%mul3A_390] : memref<1184xi32, #tpu.memory_space<vmem>> -> memref<128xi32, #tpu.memory_space<vmem>>
        %dma_start3A_395 = arith.constant 0 : i32
        %dma_start3A_396 = tpu.memref_slice %arg4[%arg0, %arg1, %while3A_388, %dma_start3A_395] : memref<2x16x416x128xi32, #tpu.memory_space<hbm>> -> memref<1x1x1x128xi32, #tpu.memory_space<hbm>>
        %dma_start3A_397 = tpu.memref_squeeze %dma_start3A_396 : memref<1x1x1x128xi32, #tpu.memory_space<hbm>> -> memref<128xi32, #tpu.memory_space<hbm>>
        %dma_start3A_398 = arith.constant 0 : i32
        %dma_start3A_399 = tpu.memref_slice %arg4[%arg0, %arg1, %while3A_388, %dma_start3A_398] : memref<2x16x416x128xi32, #tpu.memory_space<hbm>> -> memref<1x1x1x128xi32, #tpu.memory_space<hbm>>
        %dma_start3A_400 = tpu.memref_squeeze %dma_start3A_399 : memref<1x1x1x128xi32, #tpu.memory_space<hbm>> -> memref<128xi32, #tpu.memory_space<hbm>>
        %dma_start3A_401 = tpu.memref_slice %arg9[%mul3A_390] : memref<1184xi32, #tpu.memory_space<vmem>> -> memref<128xi32, #tpu.memory_space<vmem>>
        tpu.enqueue_dma source(%dma_start3A_401 : memref<128xi32, #tpu.memory_space<vmem>>) target(%dma_start3A_400 : memref<128xi32, #tpu.memory_space<hbm>>) target_semaphore(%run_scoped3A : memref<!tpu.dma_semaphore, #tpu.memory_space<semaphore_mem>>)
        %dma_wait3A = tpu.memref_slice %arg9[%mul3A_390] : memref<1184xi32, #tpu.memory_space<vmem>> -> memref<128xi32, #tpu.memory_space<vmem>>
        %dma_wait3A_402 = arith.constant 0 : i32
        %dma_wait3A_403 = tpu.memref_slice %arg4[%arg0, %arg1, %while3A_388, %dma_wait3A_402] : memref<2x16x416x128xi32, #tpu.memory_space<hbm>> -> memref<1x1x1x128xi32, #tpu.memory_space<hbm>>
        %dma_wait3A_404 = tpu.memref_squeeze %dma_wait3A_403 : memref<1x1x1x128xi32, #tpu.memory_space<hbm>> -> memref<128xi32, #tpu.memory_space<hbm>>
        %dma_wait3A_405 = arith.constant 0 : i32
        %dma_wait3A_406 = tpu.memref_slice %arg4[%arg0, %arg1, %while3A_388, %dma_wait3A_405] : memref<2x16x416x128xi32, #tpu.memory_space<hbm>> -> memref<1x1x1x128xi32, #tpu.memory_space<hbm>>
        %dma_wait3A_407 = tpu.memref_squeeze %dma_wait3A_406 : memref<1x1x1x128xi32, #tpu.memory_space<hbm>> -> memref<128xi32, #tpu.memory_space<hbm>>
        %dma_wait3A_408 = tpu.memref_slice %arg9[%mul3A_390] : memref<1184xi32, #tpu.memory_space<vmem>> -> memref<128xi32, #tpu.memory_space<vmem>>
        tpu.wait_dma2 semaphore(%run_scoped3A : memref<!tpu.dma_semaphore, #tpu.memory_space<semaphore_mem>>) src(%dma_wait3A_408 : memref<128xi32, #tpu.memory_space<vmem>>) dst(%dma_wait3A_407 : memref<128xi32, #tpu.memory_space<hbm>>)
        tpu.yield
      }) : () -> ()
      %mul3A_391 = arith.constant 128 : i32
      %mul3A_392 = arith.muli %while3A_387, %mul3A_391 : i32
      "tpu.region"() ({
        %run_scoped3A = tpu.sem_alloc : memref<!tpu.dma_semaphore, #tpu.memory_space<semaphore_mem>>
        %dma_start3A = tpu.memref_slice %arg10[%mul3A_392] : memref<1184xi32, #tpu.memory_space<vmem>> -> memref<128xi32, #tpu.memory_space<vmem>>
        %dma_start3A_395 = arith.constant 0 : i32
        %dma_start3A_396 = tpu.memref_slice %arg5[%arg0, %arg1, %while3A_388, %dma_start3A_395] : memref<2x16x416x128xi32, #tpu.memory_space<hbm>> -> memref<1x1x1x128xi32, #tpu.memory_space<hbm>>
        %dma_start3A_397 = tpu.memref_squeeze %dma_start3A_396 : memref<1x1x1x128xi32, #tpu.memory_space<hbm>> -> memref<128xi32, #tpu.memory_space<hbm>>
        %dma_start3A_398 = arith.constant 0 : i32
        %dma_start3A_399 = tpu.memref_slice %arg5[%arg0, %arg1, %while3A_388, %dma_start3A_398] : memref<2x16x416x128xi32, #tpu.memory_space<hbm>> -> memref<1x1x1x128xi32, #tpu.memory_space<hbm>>
        %dma_start3A_400 = tpu.memref_squeeze %dma_start3A_399 : memref<1x1x1x128xi32, #tpu.memory_space<hbm>> -> memref<128xi32, #tpu.memory_space<hbm>>
        %dma_start3A_401 = tpu.memref_slice %arg10[%mul3A_392] : memref<1184xi32, #tpu.memory_space<vmem>> -> memref<128xi32, #tpu.memory_space<vmem>>
        tpu.enqueue_dma source(%dma_start3A_401 : memref<128xi32, #tpu.memory_space<vmem>>) target(%dma_start3A_400 : memref<128xi32, #tpu.memory_space<hbm>>) target_semaphore(%run_scoped3A : memref<!tpu.dma_semaphore, #tpu.memory_space<semaphore_mem>>)
        %dma_wait3A = tpu.memref_slice %arg10[%mul3A_392] : memref<1184xi32, #tpu.memory_space<vmem>> -> memref<128xi32, #tpu.memory_space<vmem>>
        %dma_wait3A_402 = arith.constant 0 : i32
        %dma_wait3A_403 = tpu.memref_slice %arg5[%arg0, %arg1, %while3A_388, %dma_wait3A_402] : memref<2x16x416x128xi32, #tpu.memory_space<hbm>> -> memref<1x1x1x128xi32, #tpu.memory_space<hbm>>
        %dma_wait3A_404 = tpu.memref_squeeze %dma_wait3A_403 : memref<1x1x1x128xi32, #tpu.memory_space<hbm>> -> memref<128xi32, #tpu.memory_space<hbm>>
        %dma_wait3A_405 = arith.constant 0 : i32
        %dma_wait3A_406 = tpu.memref_slice %arg5[%arg0, %arg1, %while3A_388, %dma_wait3A_405] : memref<2x16x416x128xi32, #tpu.memory_space<hbm>> -> memref<1x1x1x128xi32, #tpu.memory_space<hbm>>
        %dma_wait3A_407 = tpu.memref_squeeze %dma_wait3A_406 : memref<1x1x1x128xi32, #tpu.memory_space<hbm>> -> memref<128xi32, #tpu.memory_space<hbm>>
        %dma_wait3A_408 = tpu.memref_slice %arg10[%mul3A_392] : memref<1184xi32, #tpu.memory_space<vmem>> -> memref<128xi32, #tpu.memory_space<vmem>>
        tpu.wait_dma2 semaphore(%run_scoped3A : memref<!tpu.dma_semaphore, #tpu.memory_space<semaphore_mem>>) src(%dma_wait3A_408 : memref<128xi32, #tpu.memory_space<vmem>>) dst(%dma_wait3A_407 : memref<128xi32, #tpu.memory_space<hbm>>)
        tpu.yield
      }) : () -> ()
      %add3A_393 = arith.constant 1 : i32
      %add3A_394 = arith.addi %while3A_388, %add3A_393 : i32
      scf.yield %add3A_394 : i32
    }
    %add3A_338 = arith.constant 24 : i32
    %add3A_339 = arith.addi %while3A_337, %add3A_338 : i32
    %sub3A_340 = arith.constant 1 : i32
    %sub3A_341 = arith.subi %add3A_339, %sub3A_340 : i32
    %jit3A_342 = arith.constant 24 : i32
    %div3A_343 = arith.divsi %sub3A_341, %jit3A_342 : i32
    %sign3A_344 = arith.constant 0 : i32
    %sign3A_345 = arith.cmpi sgt, %sub3A_341, %sign3A_344 : i32
    %sign3A_346 = arith.extui %sign3A_345 : i1 to i32
    %sign3A_347 = arith.constant 0 : i32
    %sign3A_348 = arith.cmpi slt, %sub3A_341, %sign3A_347 : i32
    %sign3A_349 = arith.extui %sign3A_348 : i1 to i32
    %sign3A_350 = arith.subi %sign3A_346, %sign3A_349 : i32
    %sign3A_351 = arith.constant 0 : i32
    %sign3A_352 = arith.cmpi sgt, %jit3A_342, %sign3A_351 : i32
    %sign3A_353 = arith.extui %sign3A_352 : i1 to i32
    %sign3A_354 = arith.constant 0 : i32
    %sign3A_355 = arith.cmpi slt, %jit3A_342, %sign3A_354 : i32
    %sign3A_356 = arith.extui %sign3A_355 : i1 to i32
    %sign3A_357 = arith.subi %sign3A_353, %sign3A_356 : i32
    %ne3A_358 = arith.cmpi ne, %sign3A_350, %sign3A_357 : i32
    %rem3A_359 = arith.remsi %sub3A_341, %jit3A_342 : i32
    %ne3A_360 = arith.constant 0 : i32
    %ne3A_361 = arith.cmpi ne, %rem3A_359, %ne3A_360 : i32
    %and3A_362 = arith.andi %ne3A_358, %ne3A_361 : i1
    %sub3A_363 = arith.constant 1 : i32
    %sub3A_364 = arith.subi %div3A_343, %sub3A_363 : i32
    %select_n3A_365 = arith.select %and3A_362, %sub3A_364, %div3A_343 : i32
    %max3A = arith.constant 9 : i32
    %max3A_366 = arith.maxsi %select_n3A_365, %max3A : i32
    %mul3A_367 = arith.constant 24 : i32
    %mul3A_368 = arith.muli %max3A_366, %mul3A_367 : i32
    %sub3A_369 = arith.subi %mul3A_368, %while3A_337 : i32
    %while3A_370 = arith.constant 0 : i32
    %while3A_371 = arith.subi %sub3A_369, %while3A_370 : i32
    %while3A_372 = arith.addi %while3A_370, %while3A_371 : i32
    %while3A_373 = arith.constant 1 : i32
    %while3A_374 = arith.divsi %while3A_371, %while3A_373 : i32
    %while3A_375 = arith.muli %while3A_374, %while3A_373 : i32
    %while3A_376 = arith.addi %while3A_370, %while3A_375 : i32
    %while3A_377 = arith.constant 1 : i32
    %while3A_378 = scf.for %while3A_387 = %while3A_370 to %while3A_376 step %while3A_377 iter_args(%while3A_388 = %while3A_337) -> (i32)  : i32 {
      "tpu.region"() ({
        %run_scoped3A = tpu.sem_alloc : memref<!tpu.dma_semaphore, #tpu.memory_space<semaphore_mem>>
        %dma_start3A = arith.constant 0 : i32
        %dma_start3A_391 = tpu.memref_slice %arg4[%arg0, %arg1, %while3A_388, %dma_start3A] : memref<2x16x416x128xi32, #tpu.memory_space<hbm>> -> memref<1x1x1x128xi32, #tpu.memory_space<hbm>>
        %dma_start3A_392 = tpu.memref_squeeze %dma_start3A_391 : memref<1x1x1x128xi32, #tpu.memory_space<hbm>> -> memref<128xi32, #tpu.memory_space<hbm>>
        %dma_start3A_393 = arith.constant 0 : i32
        %dma_start3A_394 = tpu.memref_slice %arg4[%arg0, %arg1, %while3A_388, %dma_start3A_393] : memref<2x16x416x128xi32, #tpu.memory_space<hbm>> -> memref<1x1x1x128xi32, #tpu.memory_space<hbm>>
        %dma_start3A_395 = tpu.memref_squeeze %dma_start3A_394 : memref<1x1x1x128xi32, #tpu.memory_space<hbm>> -> memref<128xi32, #tpu.memory_space<hbm>>
        tpu.enqueue_dma source(%arg11 : memref<128xi32, #tpu.memory_space<vmem>>) target(%dma_start3A_395 : memref<128xi32, #tpu.memory_space<hbm>>) target_semaphore(%run_scoped3A : memref<!tpu.dma_semaphore, #tpu.memory_space<semaphore_mem>>)
        %dma_wait3A = arith.constant 0 : i32
        %dma_wait3A_396 = tpu.memref_slice %arg4[%arg0, %arg1, %while3A_388, %dma_wait3A] : memref<2x16x416x128xi32, #tpu.memory_space<hbm>> -> memref<1x1x1x128xi32, #tpu.memory_space<hbm>>
        %dma_wait3A_397 = tpu.memref_squeeze %dma_wait3A_396 : memref<1x1x1x128xi32, #tpu.memory_space<hbm>> -> memref<128xi32, #tpu.memory_space<hbm>>
        %dma_wait3A_398 = arith.constant 0 : i32
        %dma_wait3A_399 = tpu.memref_slice %arg4[%arg0, %arg1, %while3A_388, %dma_wait3A_398] : memref<2x16x416x128xi32, #tpu.memory_space<hbm>> -> memref<1x1x1x128xi32, #tpu.memory_space<hbm>>
        %dma_wait3A_400 = tpu.memref_squeeze %dma_wait3A_399 : memref<1x1x1x128xi32, #tpu.memory_space<hbm>> -> memref<128xi32, #tpu.memory_space<hbm>>
        tpu.wait_dma2 semaphore(%run_scoped3A : memref<!tpu.dma_semaphore, #tpu.memory_space<semaphore_mem>>) src(%arg11 : memref<128xi32, #tpu.memory_space<vmem>>) dst(%dma_wait3A_400 : memref<128xi32, #tpu.memory_space<hbm>>)
        tpu.yield
      }) : () -> ()
      "tpu.region"() ({
        %run_scoped3A = tpu.sem_alloc : memref<!tpu.dma_semaphore, #tpu.memory_space<semaphore_mem>>
        %dma_start3A = arith.constant 0 : i32
        %dma_start3A_391 = tpu.memref_slice %arg5[%arg0, %arg1, %while3A_388, %dma_start3A] : memref<2x16x416x128xi32, #tpu.memory_space<hbm>> -> memref<1x1x1x128xi32, #tpu.memory_space<hbm>>
        %dma_start3A_392 = tpu.memref_squeeze %dma_start3A_391 : memref<1x1x1x128xi32, #tpu.memory_space<hbm>> -> memref<128xi32, #tpu.memory_space<hbm>>
        %dma_start3A_393 = arith.constant 0 : i32
        %dma_start3A_394 = tpu.memref_slice %arg5[%arg0, %arg1, %while3A_388, %dma_start3A_393] : memref<2x16x416x128xi32, #tpu.memory_space<hbm>> -> memref<1x1x1x128xi32, #tpu.memory_space<hbm>>
        %dma_start3A_395 = tpu.memref_squeeze %dma_start3A_394 : memref<1x1x1x128xi32, #tpu.memory_space<hbm>> -> memref<128xi32, #tpu.memory_space<hbm>>
        tpu.enqueue_dma source(%arg12 : memref<128xi32, #tpu.memory_space<vmem>>) target(%dma_start3A_395 : memref<128xi32, #tpu.memory_space<hbm>>) target_semaphore(%run_scoped3A : memref<!tpu.dma_semaphore, #tpu.memory_space<semaphore_mem>>)
        %dma_wait3A = arith.constant 0 : i32
        %dma_wait3A_396 = tpu.memref_slice %arg5[%arg0, %arg1, %while3A_388, %dma_wait3A] : memref<2x16x416x128xi32, #tpu.memory_space<hbm>> -> memref<1x1x1x128xi32, #tpu.memory_space<hbm>>
        %dma_wait3A_397 = tpu.memref_squeeze %dma_wait3A_396 : memref<1x1x1x128xi32, #tpu.memory_space<hbm>> -> memref<128xi32, #tpu.memory_space<hbm>>
        %dma_wait3A_398 = arith.constant 0 : i32
        %dma_wait3A_399 = tpu.memref_slice %arg5[%arg0, %arg1, %while3A_388, %dma_wait3A_398] : memref<2x16x416x128xi32, #tpu.memory_space<hbm>> -> memref<1x1x1x128xi32, #tpu.memory_space<hbm>>
        %dma_wait3A_400 = tpu.memref_squeeze %dma_wait3A_399 : memref<1x1x1x128xi32, #tpu.memory_space<hbm>> -> memref<128xi32, #tpu.memory_space<hbm>>
        tpu.wait_dma2 semaphore(%run_scoped3A : memref<!tpu.dma_semaphore, #tpu.memory_space<semaphore_mem>>) src(%arg12 : memref<128xi32, #tpu.memory_space<vmem>>) dst(%dma_wait3A_400 : memref<128xi32, #tpu.memory_space<hbm>>)
        tpu.yield
      }) : () -> ()
      %add3A_389 = arith.constant 1 : i32
      %add3A_390 = arith.addi %while3A_388, %add3A_389 : i32
      scf.yield %add3A_390 : i32
    }
    %while3A_379 = arith.constant 1 : i32
    %while3A_380 = scf.for %while3A_387 = %while3A_376 to %while3A_372 step %while3A_379 iter_args(%while3A_388 = %while3A_378) -> (i32)  : i32 {
      "tpu.region"() ({
        %run_scoped3A = tpu.sem_alloc : memref<!tpu.dma_semaphore, #tpu.memory_space<semaphore_mem>>
        %dma_start3A = arith.constant 0 : i32
        %dma_start3A_391 = tpu.memref_slice %arg4[%arg0, %arg1, %while3A_388, %dma_start3A] : memref<2x16x416x128xi32, #tpu.memory_space<hbm>> -> memref<1x1x1x128xi32, #tpu.memory_space<hbm>>
        %dma_start3A_392 = tpu.memref_squeeze %dma_start3A_391 : memref<1x1x1x128xi32, #tpu.memory_space<hbm>> -> memref<128xi32, #tpu.memory_space<hbm>>
        %dma_start3A_393 = arith.constant 0 : i32
        %dma_start3A_394 = tpu.memref_slice %arg4[%arg0, %arg1, %while3A_388, %dma_start3A_393] : memref<2x16x416x128xi32, #tpu.memory_space<hbm>> -> memref<1x1x1x128xi32, #tpu.memory_space<hbm>>
        %dma_start3A_395 = tpu.memref_squeeze %dma_start3A_394 : memref<1x1x1x128xi32, #tpu.memory_space<hbm>> -> memref<128xi32, #tpu.memory_space<hbm>>
        tpu.enqueue_dma source(%arg11 : memref<128xi32, #tpu.memory_space<vmem>>) target(%dma_start3A_395 : memref<128xi32, #tpu.memory_space<hbm>>) target_semaphore(%run_scoped3A : memref<!tpu.dma_semaphore, #tpu.memory_space<semaphore_mem>>)
        %dma_wait3A = arith.constant 0 : i32
        %dma_wait3A_396 = tpu.memref_slice %arg4[%arg0, %arg1, %while3A_388, %dma_wait3A] : memref<2x16x416x128xi32, #tpu.memory_space<hbm>> -> memref<1x1x1x128xi32, #tpu.memory_space<hbm>>
        %dma_wait3A_397 = tpu.memref_squeeze %dma_wait3A_396 : memref<1x1x1x128xi32, #tpu.memory_space<hbm>> -> memref<128xi32, #tpu.memory_space<hbm>>
        %dma_wait3A_398 = arith.constant 0 : i32
        %dma_wait3A_399 = tpu.memref_slice %arg4[%arg0, %arg1, %while3A_388, %dma_wait3A_398] : memref<2x16x416x128xi32, #tpu.memory_space<hbm>> -> memref<1x1x1x128xi32, #tpu.memory_space<hbm>>
        %dma_wait3A_400 = tpu.memref_squeeze %dma_wait3A_399 : memref<1x1x1x128xi32, #tpu.memory_space<hbm>> -> memref<128xi32, #tpu.memory_space<hbm>>
        tpu.wait_dma2 semaphore(%run_scoped3A : memref<!tpu.dma_semaphore, #tpu.memory_space<semaphore_mem>>) src(%arg11 : memref<128xi32, #tpu.memory_space<vmem>>) dst(%dma_wait3A_400 : memref<128xi32, #tpu.memory_space<hbm>>)
        tpu.yield
      }) : () -> ()
      "tpu.region"() ({
        %run_scoped3A = tpu.sem_alloc : memref<!tpu.dma_semaphore, #tpu.memory_space<semaphore_mem>>
        %dma_start3A = arith.constant 0 : i32
        %dma_start3A_391 = tpu.memref_slice %arg5[%arg0, %arg1, %while3A_388, %dma_start3A] : memref<2x16x416x128xi32, #tpu.memory_space<hbm>> -> memref<1x1x1x128xi32, #tpu.memory_space<hbm>>
        %dma_start3A_392 = tpu.memref_squeeze %dma_start3A_391 : memref<1x1x1x128xi32, #tpu.memory_space<hbm>> -> memref<128xi32, #tpu.memory_space<hbm>>
        %dma_start3A_393 = arith.constant 0 : i32
        %dma_start3A_394 = tpu.memref_slice %arg5[%arg0, %arg1, %while3A_388, %dma_start3A_393] : memref<2x16x416x128xi32, #tpu.memory_space<hbm>> -> memref<1x1x1x128xi32, #tpu.memory_space<hbm>>
        %dma_start3A_395 = tpu.memref_squeeze %dma_start3A_394 : memref<1x1x1x128xi32, #tpu.memory_space<hbm>> -> memref<128xi32, #tpu.memory_space<hbm>>
        tpu.enqueue_dma source(%arg12 : memref<128xi32, #tpu.memory_space<vmem>>) target(%dma_start3A_395 : memref<128xi32, #tpu.memory_space<hbm>>) target_semaphore(%run_scoped3A : memref<!tpu.dma_semaphore, #tpu.memory_space<semaphore_mem>>)
        %dma_wait3A = arith.constant 0 : i32
        %dma_wait3A_396 = tpu.memref_slice %arg5[%arg0, %arg1, %while3A_388, %dma_wait3A] : memref<2x16x416x128xi32, #tpu.memory_space<hbm>> -> memref<1x1x1x128xi32, #tpu.memory_space<hbm>>
        %dma_wait3A_397 = tpu.memref_squeeze %dma_wait3A_396 : memref<1x1x1x128xi32, #tpu.memory_space<hbm>> -> memref<128xi32, #tpu.memory_space<hbm>>
        %dma_wait3A_398 = arith.constant 0 : i32
        %dma_wait3A_399 = tpu.memref_slice %arg5[%arg0, %arg1, %while3A_388, %dma_wait3A_398] : memref<2x16x416x128xi32, #tpu.memory_space<hbm>> -> memref<1x1x1x128xi32, #tpu.memory_space<hbm>>
        %dma_wait3A_400 = tpu.memref_squeeze %dma_wait3A_399 : memref<1x1x1x128xi32, #tpu.memory_space<hbm>> -> memref<128xi32, #tpu.memory_space<hbm>>
        tpu.wait_dma2 semaphore(%run_scoped3A : memref<!tpu.dma_semaphore, #tpu.memory_space<semaphore_mem>>) src(%arg12 : memref<128xi32, #tpu.memory_space<vmem>>) dst(%dma_wait3A_400 : memref<128xi32, #tpu.memory_space<hbm>>)
        tpu.yield
      }) : () -> ()
      %add3A_389 = arith.constant 1 : i32
      %add3A_390 = arith.addi %while3A_388, %add3A_389 : i32
      scf.yield %add3A_390 : i32
    }
    %broadcast_in_dim3A_381 = arith.constant 0 : i32
    %broadcast_in_dim3A_382 = vector.broadcast %broadcast_in_dim3A_381 : i32 to vector<16xi32>
    %add3A_383 = vector.broadcast %max3A_366 : i32 to vector<16xi32>
    %add3A_384 = arith.addi %broadcast_in_dim3A_382, %add3A_383 : vector<16xi32>
    %swap3A_385 = arith.constant 0 : index
    %swap3A_386 = tpu.vector_load %arg13[%swap3A_385] {strides = array<i32>} : memref<16xi32, #tpu.memory_space<vmem>>, vector<16xi32>,
    tpu.vector_store %arg13[%swap3A_385], %add3A_384 {strides = array<i32>} : memref<16xi32, #tpu.memory_space<vmem>>, vector<16xi32>,
    "tpu.region"() ({
      %run_scoped3A = tpu.sem_alloc : memref<!tpu.dma_semaphore, #tpu.memory_space<semaphore_mem>>
      %dma_start3A = arith.constant 0 : i32
      %dma_start3A_387 = tpu.memref_slice %arg6[%arg0, %arg1, %dma_start3A] : memref<2x16x16xi32, #tpu.memory_space<hbm>> -> memref<1x1x16xi32, #tpu.memory_space<hbm>>
      %dma_start3A_388 = tpu.memref_squeeze %dma_start3A_387 : memref<1x1x16xi32, #tpu.memory_space<hbm>> -> memref<16xi32, #tpu.memory_space<hbm>>
      %dma_start3A_389 = arith.constant 0 : i32
      %dma_start3A_390 = tpu.memref_slice %arg6[%arg0, %arg1, %dma_start3A_389] : memref<2x16x16xi32, #tpu.memory_space<hbm>> -> memref<1x1x16xi32, #tpu.memory_space<hbm>>
      %dma_start3A_391 = tpu.memref_squeeze %dma_start3A_390 : memref<1x1x16xi32, #tpu.memory_space<hbm>> -> memref<16xi32, #tpu.memory_space<hbm>>
      tpu.enqueue_dma source(%arg13 : memref<16xi32, #tpu.memory_space<vmem>>) target(%dma_start3A_391 : memref<16xi32, #tpu.memory_space<hbm>>) target_semaphore(%run_scoped3A : memref<!tpu.dma_semaphore, #tpu.memory_space<semaphore_mem>>)
      %dma_wait3A = arith.constant 0 : i32
      %dma_wait3A_392 = tpu.memref_slice %arg6[%arg0, %arg1, %dma_wait3A] : memref<2x16x16xi32, #tpu.memory_space<hbm>> -> memref<1x1x16xi32, #tpu.memory_space<hbm>>
      %dma_wait3A_393 = tpu.memref_squeeze %dma_wait3A_392 : memref<1x1x16xi32, #tpu.memory_space<hbm>> -> memref<16xi32, #tpu.memory_space<hbm>>
      %dma_wait3A_394 = arith.constant 0 : i32
      %dma_wait3A_395 = tpu.memref_slice %arg6[%arg0, %arg1, %dma_wait3A_394] : memref<2x16x16xi32, #tpu.memory_space<hbm>> -> memref<1x1x16xi32, #tpu.memory_space<hbm>>
      %dma_wait3A_396 = tpu.memref_squeeze %dma_wait3A_395 : memref<1x1x16xi32, #tpu.memory_space<hbm>> -> memref<16xi32, #tpu.memory_space<hbm>>
      tpu.wait_dma2 semaphore(%run_scoped3A : memref<!tpu.dma_semaphore, #tpu.memory_space<semaphore_mem>>) src(%arg13 : memref<16xi32, #tpu.memory_space<vmem>>) dst(%dma_wait3A_396 : memref<16xi32, #tpu.memory_space<hbm>>)
      tpu.yield
    }) : () -> ()
    return
  }
}

#map = affine_map<(d0, d1) -> (0, 0)>
#map1 = affine_map<(d0, d1) -> (0, 0, 0, 0)>
#map2 = affine_map<(d0, d1) -> (0, 0, 0)>
module attributes {stable_mosaic.version = 14 : i64} {
  func.func @_sc_body(%arg0: i32, %arg1: i32, %arg2: memref<50000x64xf32, #tpu.memory_space<hbm>>, %arg3: memref<2x16x416x128xi32, #tpu.memory_space<hbm>>, %arg4: memref<2x16x416x128xi32, #tpu.memory_space<hbm>>, %arg5: memref<2x16x16xi32, #tpu.memory_space<hbm>>, %arg6: memref<1568x64xf32, #tpu.memory_space<hbm>>, %arg7: memref<50048x64xf32, #tpu.memory_space<hbm>>, %arg8: memref<25088x64xf32, #tpu.memory_space<vmem_shared>>, %arg9: memref<24x128xi32, #tpu.memory_space<vmem>>, %arg10: memref<24x128xi32, #tpu.memory_space<vmem>>, %arg11: memref<2x128x64xf32, #tpu.memory_space<vmem>>, %arg12: memref<16xi32, #tpu.memory_space<vmem>>, %arg13: memref<!tpu.dma_semaphore, #tpu.memory_space<semaphore_mem>>) attributes {dimension_semantics = [#tpu.dimension_semantics<core_parallel>, #tpu.dimension_semantics<subcore_parallel>], iteration_bounds = array<i64: 2, 16>, scalar_prefetch = 0 : i64, scratch_operands = 6 : i64, tpu.core_type = #tpu.core_type<sc_vector_subcore>, window_params = [{transform_indices = #map}, {transform_indices = #map1}, {transform_indices = #map1}, {transform_indices = #map2}, {transform_indices = #map}, {transform_indices = #map}]} {
    %mul3A = arith.constant 1568 : i32
    %mul3A_0 = arith.muli %arg1, %mul3A : i32
    "tpu.region"() ({
      %run_scoped3A = tpu.sem_alloc : memref<!tpu.dma_semaphore, #tpu.memory_space<semaphore_mem>>
      %dma_start3A = arith.constant 0 : i32
      %dma_start3A_13 = tpu.memref_slice %arg8[%mul3A_0, %dma_start3A] : memref<25088x64xf32, #tpu.memory_space<vmem_shared>> -> memref<1568x64xf32, #tpu.memory_space<vmem_shared>>
      tpu.enqueue_dma source(%arg6 : memref<1568x64xf32, #tpu.memory_space<hbm>>) target(%dma_start3A_13 : memref<1568x64xf32, #tpu.memory_space<vmem_shared>>) target_semaphore(%run_scoped3A : memref<!tpu.dma_semaphore, #tpu.memory_space<semaphore_mem>>)
      %dma_wait3A = arith.constant 0 : i32
      %dma_wait3A_14 = tpu.memref_slice %arg8[%mul3A_0, %dma_wait3A] : memref<25088x64xf32, #tpu.memory_space<vmem_shared>> -> memref<1568x64xf32, #tpu.memory_space<vmem_shared>>
      tpu.wait_dma2 semaphore(%run_scoped3A : memref<!tpu.dma_semaphore, #tpu.memory_space<semaphore_mem>>) src(%arg6 : memref<1568x64xf32, #tpu.memory_space<hbm>>) dst(%dma_wait3A_14 : memref<1568x64xf32, #tpu.memory_space<vmem_shared>>)
      tpu.yield
    }) : () -> ()
    "tpu.region"() ({
      %run_scoped3A = tpu.sem_alloc : memref<!tpu.dma_semaphore, #tpu.memory_space<semaphore_mem>>
      %dma_start3A = arith.constant 0 : i32
      %dma_start3A_13 = tpu.memref_slice %arg5[%arg0, %arg1, %dma_start3A] : memref<2x16x16xi32, #tpu.memory_space<hbm>> -> memref<1x1x16xi32, #tpu.memory_space<hbm>>
      %dma_start3A_14 = tpu.memref_squeeze %dma_start3A_13 : memref<1x1x16xi32, #tpu.memory_space<hbm>> -> memref<16xi32, #tpu.memory_space<hbm>>
      %dma_start3A_15 = arith.constant 0 : i32
      %dma_start3A_16 = tpu.memref_slice %arg5[%arg0, %arg1, %dma_start3A_15] : memref<2x16x16xi32, #tpu.memory_space<hbm>> -> memref<1x1x16xi32, #tpu.memory_space<hbm>>
      %dma_start3A_17 = tpu.memref_squeeze %dma_start3A_16 : memref<1x1x16xi32, #tpu.memory_space<hbm>> -> memref<16xi32, #tpu.memory_space<hbm>>
      tpu.enqueue_dma source(%dma_start3A_17 : memref<16xi32, #tpu.memory_space<hbm>>) target(%arg12 : memref<16xi32, #tpu.memory_space<vmem>>) target_semaphore(%run_scoped3A : memref<!tpu.dma_semaphore, #tpu.memory_space<semaphore_mem>>)
      %dma_wait3A = arith.constant 0 : i32
      %dma_wait3A_18 = tpu.memref_slice %arg5[%arg0, %arg1, %dma_wait3A] : memref<2x16x16xi32, #tpu.memory_space<hbm>> -> memref<1x1x16xi32, #tpu.memory_space<hbm>>
      %dma_wait3A_19 = tpu.memref_squeeze %dma_wait3A_18 : memref<1x1x16xi32, #tpu.memory_space<hbm>> -> memref<16xi32, #tpu.memory_space<hbm>>
      %dma_wait3A_20 = arith.constant 0 : i32
      %dma_wait3A_21 = tpu.memref_slice %arg5[%arg0, %arg1, %dma_wait3A_20] : memref<2x16x16xi32, #tpu.memory_space<hbm>> -> memref<1x1x16xi32, #tpu.memory_space<hbm>>
      %dma_wait3A_22 = tpu.memref_squeeze %dma_wait3A_21 : memref<1x1x16xi32, #tpu.memory_space<hbm>> -> memref<16xi32, #tpu.memory_space<hbm>>
      tpu.wait_dma2 semaphore(%run_scoped3A : memref<!tpu.dma_semaphore, #tpu.memory_space<semaphore_mem>>) src(%dma_wait3A_22 : memref<16xi32, #tpu.memory_space<hbm>>) dst(%arg12 : memref<16xi32, #tpu.memory_space<vmem>>)
      tpu.yield
    }) : () -> ()
    %barrier3A = arith.constant 0 : index
    tpu.barrier barrier_id(%barrier3A)
    %scan3A = arith.constant 0 : i32
    %scan3A_1 = arith.constant 0 : i32
    %scan3A_2 = arith.constant 9 : i32
    %scan3A_3 = arith.addi %scan3A_1, %scan3A_2 : i32
    %scan3A_4 = arith.constant 1 : i32
    scf.for %scan3A_13 = %scan3A_1 to %scan3A_3 step %scan3A_4  : i32 {
      %mul3A_14 = arith.constant 24 : i32
      %mul3A_15 = arith.muli %scan3A_13, %mul3A_14 : i32
      "tpu.region"() ({
        %run_scoped3A = tpu.sem_alloc : memref<!tpu.dma_semaphore, #tpu.memory_space<semaphore_mem>>
        %dma_start3A_35 = arith.constant 0 : i32
        %dma_start3A_36 = tpu.memref_slice %arg3[%arg0, %arg1, %mul3A_15, %dma_start3A_35] : memref<2x16x416x128xi32, #tpu.memory_space<hbm>> -> memref<1x1x24x128xi32, #tpu.memory_space<hbm>>
        %dma_start3A_37 = tpu.memref_squeeze %dma_start3A_36 : memref<1x1x24x128xi32, #tpu.memory_space<hbm>> -> memref<24x128xi32, #tpu.memory_space<hbm>>
        %dma_start3A_38 = arith.constant 0 : i32
        %dma_start3A_39 = tpu.memref_slice %arg3[%arg0, %arg1, %mul3A_15, %dma_start3A_38] : memref<2x16x416x128xi32, #tpu.memory_space<hbm>> -> memref<1x1x24x128xi32, #tpu.memory_space<hbm>>
        %dma_start3A_40 = tpu.memref_squeeze %dma_start3A_39 : memref<1x1x24x128xi32, #tpu.memory_space<hbm>> -> memref<24x128xi32, #tpu.memory_space<hbm>>
        tpu.enqueue_dma source(%dma_start3A_40 : memref<24x128xi32, #tpu.memory_space<hbm>>) target(%arg9 : memref<24x128xi32, #tpu.memory_space<vmem>>) target_semaphore(%run_scoped3A : memref<!tpu.dma_semaphore, #tpu.memory_space<semaphore_mem>>)
        %dma_wait3A = arith.constant 0 : i32
        %dma_wait3A_41 = tpu.memref_slice %arg3[%arg0, %arg1, %mul3A_15, %dma_wait3A] : memref<2x16x416x128xi32, #tpu.memory_space<hbm>> -> memref<1x1x24x128xi32, #tpu.memory_space<hbm>>
        %dma_wait3A_42 = tpu.memref_squeeze %dma_wait3A_41 : memref<1x1x24x128xi32, #tpu.memory_space<hbm>> -> memref<24x128xi32, #tpu.memory_space<hbm>>
        %dma_wait3A_43 = arith.constant 0 : i32
        %dma_wait3A_44 = tpu.memref_slice %arg3[%arg0, %arg1, %mul3A_15, %dma_wait3A_43] : memref<2x16x416x128xi32, #tpu.memory_space<hbm>> -> memref<1x1x24x128xi32, #tpu.memory_space<hbm>>
        %dma_wait3A_45 = tpu.memref_squeeze %dma_wait3A_44 : memref<1x1x24x128xi32, #tpu.memory_space<hbm>> -> memref<24x128xi32, #tpu.memory_space<hbm>>
        tpu.wait_dma2 semaphore(%run_scoped3A : memref<!tpu.dma_semaphore, #tpu.memory_space<semaphore_mem>>) src(%dma_wait3A_45 : memref<24x128xi32, #tpu.memory_space<hbm>>) dst(%arg9 : memref<24x128xi32, #tpu.memory_space<vmem>>)
        tpu.yield
      }) : () -> ()
      %mul3A_16 = arith.constant 24 : i32
      %mul3A_17 = arith.muli %scan3A_13, %mul3A_16 : i32
      "tpu.region"() ({
        %run_scoped3A = tpu.sem_alloc : memref<!tpu.dma_semaphore, #tpu.memory_space<semaphore_mem>>
        %dma_start3A_35 = arith.constant 0 : i32
        %dma_start3A_36 = tpu.memref_slice %arg4[%arg0, %arg1, %mul3A_17, %dma_start3A_35] : memref<2x16x416x128xi32, #tpu.memory_space<hbm>> -> memref<1x1x24x128xi32, #tpu.memory_space<hbm>>
        %dma_start3A_37 = tpu.memref_squeeze %dma_start3A_36 : memref<1x1x24x128xi32, #tpu.memory_space<hbm>> -> memref<24x128xi32, #tpu.memory_space<hbm>>
        %dma_start3A_38 = arith.constant 0 : i32
        %dma_start3A_39 = tpu.memref_slice %arg4[%arg0, %arg1, %mul3A_17, %dma_start3A_38] : memref<2x16x416x128xi32, #tpu.memory_space<hbm>> -> memref<1x1x24x128xi32, #tpu.memory_space<hbm>>
        %dma_start3A_40 = tpu.memref_squeeze %dma_start3A_39 : memref<1x1x24x128xi32, #tpu.memory_space<hbm>> -> memref<24x128xi32, #tpu.memory_space<hbm>>
        tpu.enqueue_dma source(%dma_start3A_40 : memref<24x128xi32, #tpu.memory_space<hbm>>) target(%arg10 : memref<24x128xi32, #tpu.memory_space<vmem>>) target_semaphore(%run_scoped3A : memref<!tpu.dma_semaphore, #tpu.memory_space<semaphore_mem>>)
        %dma_wait3A = arith.constant 0 : i32
        %dma_wait3A_41 = tpu.memref_slice %arg4[%arg0, %arg1, %mul3A_17, %dma_wait3A] : memref<2x16x416x128xi32, #tpu.memory_space<hbm>> -> memref<1x1x24x128xi32, #tpu.memory_space<hbm>>
        %dma_wait3A_42 = tpu.memref_squeeze %dma_wait3A_41 : memref<1x1x24x128xi32, #tpu.memory_space<hbm>> -> memref<24x128xi32, #tpu.memory_space<hbm>>
        %dma_wait3A_43 = arith.constant 0 : i32
        %dma_wait3A_44 = tpu.memref_slice %arg4[%arg0, %arg1, %mul3A_17, %dma_wait3A_43] : memref<2x16x416x128xi32, #tpu.memory_space<hbm>> -> memref<1x1x24x128xi32, #tpu.memory_space<hbm>>
        %dma_wait3A_45 = tpu.memref_squeeze %dma_wait3A_44 : memref<1x1x24x128xi32, #tpu.memory_space<hbm>> -> memref<24x128xi32, #tpu.memory_space<hbm>>
        tpu.wait_dma2 semaphore(%run_scoped3A : memref<!tpu.dma_semaphore, #tpu.memory_space<semaphore_mem>>) src(%dma_wait3A_45 : memref<24x128xi32, #tpu.memory_space<hbm>>) dst(%arg10 : memref<24x128xi32, #tpu.memory_space<vmem>>)
        tpu.yield
      }) : () -> ()
      %dma_start3A = arith.constant 0 : i32
      %dma_start3A_18 = arith.constant 0 : i32
      %dma_start3A_19 = arith.constant 0 : i32
      %dma_start3A_20 = arith.constant 0 : i32
      %dma_start3A_21 = tpu.memref_slice %arg11[%dma_start3A_18, %dma_start3A_19, %dma_start3A_20] : memref<2x128x64xf32, #tpu.memory_space<vmem>> -> memref<1x128x64xf32, #tpu.memory_space<vmem>>
      %dma_start3A_22 = tpu.memref_squeeze %dma_start3A_21 : memref<1x128x64xf32, #tpu.memory_space<vmem>> -> memref<128x64xf32, #tpu.memory_space<vmem>>
      %dma_start3A_23 = arith.constant 0 : i32
      %dma_start3A_24 = tpu.memref_slice %arg9[%dma_start3A, %dma_start3A_23] : memref<24x128xi32, #tpu.memory_space<vmem>> -> memref<1x128xi32, #tpu.memory_space<vmem>>
      %dma_start3A_25 = tpu.memref_squeeze %dma_start3A_24 : memref<1x128xi32, #tpu.memory_space<vmem>> -> memref<128xi32, #tpu.memory_space<vmem>>
      %dma_start3A_26 = arith.constant 0 : i32
      %dma_start3A_27 = arith.constant 0 : i32
      %dma_start3A_28 = tpu.memref_slice %arg2[%dma_start3A_26, %dma_start3A_27] : memref<50000x64xf32, #tpu.memory_space<hbm>> -> memref<50000x64xf32, #tpu.memory_space<hbm>>
      tpu.enqueue_indirect_dma source(%dma_start3A_28 : memref<50000x64xf32, #tpu.memory_space<hbm>>) target(%dma_start3A_22 : memref<128x64xf32, #tpu.memory_space<vmem>>) offsets(%dma_start3A_25 : memref<128xi32, #tpu.memory_space<vmem>>) semaphore(%arg13 : memref<!tpu.dma_semaphore, #tpu.memory_space<semaphore_mem>>)
      %scan3A_29 = arith.constant 0 : i32
      %scan3A_30 = arith.constant 0 : i32
      %scan3A_31 = arith.constant 24 : i32
      %scan3A_32 = arith.addi %scan3A_30, %scan3A_31 : i32
      %scan3A_33 = arith.constant 1 : i32
      scf.for %scan3A_35 = %scan3A_30 to %scan3A_32 step %scan3A_33  : i32 {
        %rem3A = arith.constant 2 : i32
        %rem3A_36 = arith.remsi %scan3A_35, %rem3A : i32
        %dma_wait3A = arith.constant 0 : i32
        %dma_wait3A_37 = arith.constant 0 : i32
        %dma_wait3A_38 = tpu.memref_slice %arg11[%rem3A_36, %dma_wait3A, %dma_wait3A_37] : memref<2x128x64xf32, #tpu.memory_space<vmem>> -> memref<1x128x64xf32, #tpu.memory_space<vmem>>
        %dma_wait3A_39 = tpu.memref_squeeze %dma_wait3A_38 : memref<1x128x64xf32, #tpu.memory_space<vmem>> -> memref<128x64xf32, #tpu.memory_space<vmem>>
        %dma_wait3A_40 = arith.constant 0 : i32
        %dma_wait3A_41 = tpu.memref_slice %arg9[%scan3A_35, %dma_wait3A_40] : memref<24x128xi32, #tpu.memory_space<vmem>> -> memref<1x128xi32, #tpu.memory_space<vmem>>
        %dma_wait3A_42 = tpu.memref_squeeze %dma_wait3A_41 : memref<1x128xi32, #tpu.memory_space<vmem>> -> memref<128xi32, #tpu.memory_space<vmem>>
        %dma_wait3A_43 = arith.constant 0 : i32
        %dma_wait3A_44 = arith.constant 0 : i32
        %dma_wait3A_45 = tpu.memref_slice %arg2[%dma_wait3A_43, %dma_wait3A_44] : memref<50000x64xf32, #tpu.memory_space<hbm>> -> memref<50000x64xf32, #tpu.memory_space<hbm>>
        tpu.wait_indirect_dma semaphore(%arg13 : memref<!tpu.dma_semaphore, #tpu.memory_space<semaphore_mem>>) src(%dma_wait3A_45 : memref<50000x64xf32, #tpu.memory_space<hbm>>) dst(%dma_wait3A_39 : memref<128x64xf32, #tpu.memory_space<vmem>>)
        %add3A_46 = arith.constant 1 : i32
        %add3A_47 = arith.addi %scan3A_35, %add3A_46 : i32
        %lt3A = arith.constant 24 : i32
        %lt3A_48 = arith.cmpi slt, %add3A_47, %lt3A : i32
        %convert_element_type3A = arith.extui %lt3A_48 : i1 to i32
        %cond3A = arith.constant 0 : i32
        %cond3A_49 = arith.cmpi ne, %convert_element_type3A, %cond3A : i32
        scf.if %cond3A_49 {
          %add3A_50 = arith.constant 1 : i32
          %add3A_51 = arith.addi %scan3A_35, %add3A_50 : i32
          %sub3A = arith.constant 1 : i32
          %sub3A_52 = arith.subi %sub3A, %rem3A_36 : i32
          %dma_start3A_53 = arith.constant 0 : i32
          %dma_start3A_54 = arith.constant 0 : i32
          %dma_start3A_55 = tpu.memref_slice %arg11[%sub3A_52, %dma_start3A_53, %dma_start3A_54] : memref<2x128x64xf32, #tpu.memory_space<vmem>> -> memref<1x128x64xf32, #tpu.memory_space<vmem>>
          %dma_start3A_56 = tpu.memref_squeeze %dma_start3A_55 : memref<1x128x64xf32, #tpu.memory_space<vmem>> -> memref<128x64xf32, #tpu.memory_space<vmem>>
          %dma_start3A_57 = arith.constant 0 : i32
          %dma_start3A_58 = tpu.memref_slice %arg9[%add3A_51, %dma_start3A_57] : memref<24x128xi32, #tpu.memory_space<vmem>> -> memref<1x128xi32, #tpu.memory_space<vmem>>
          %dma_start3A_59 = tpu.memref_squeeze %dma_start3A_58 : memref<1x128xi32, #tpu.memory_space<vmem>> -> memref<128xi32, #tpu.memory_space<vmem>>
          %dma_start3A_60 = arith.constant 0 : i32
          %dma_start3A_61 = arith.constant 0 : i32
          %dma_start3A_62 = tpu.memref_slice %arg2[%dma_start3A_60, %dma_start3A_61] : memref<50000x64xf32, #tpu.memory_space<hbm>> -> memref<50000x64xf32, #tpu.memory_space<hbm>>
          tpu.enqueue_indirect_dma source(%dma_start3A_62 : memref<50000x64xf32, #tpu.memory_space<hbm>>) target(%dma_start3A_56 : memref<128x64xf32, #tpu.memory_space<vmem>>) offsets(%dma_start3A_59 : memref<128xi32, #tpu.memory_space<vmem>>) semaphore(%arg13 : memref<!tpu.dma_semaphore, #tpu.memory_space<semaphore_mem>>)
        } else {
        }
      }
      %scan3A_34 = arith.constant 24 : i32
    }
    %scan3A_5 = arith.constant 9 : i32
    %barrier3A_6 = arith.constant 0 : index
    tpu.barrier barrier_id(%barrier3A_6)
    %mul3A_7 = arith.constant 1564 : i32
    %mul3A_8 = arith.muli %arg1, %mul3A_7 : i32
    %mul3A_9 = arith.constant 25024 : i32
    %mul3A_10 = arith.muli %arg0, %mul3A_9 : i32
    %mul3A_11 = arith.constant 1564 : i32
    %mul3A_12 = arith.muli %arg1, %mul3A_11 : i32
    %add3A = arith.addi %mul3A_10, %mul3A_12 : i32
    "tpu.region"() ({
      %run_scoped3A = tpu.sem_alloc : memref<!tpu.dma_semaphore, #tpu.memory_space<semaphore_mem>>
      %dma_start3A = arith.constant 0 : i32
      %dma_start3A_13 = tpu.memref_slice %arg7[%add3A, %dma_start3A] : memref<50048x64xf32, #tpu.memory_space<hbm>> -> memref<1564x64xf32, #tpu.memory_space<hbm>>
      %dma_start3A_14 = arith.constant 0 : i32
      %dma_start3A_15 = tpu.memref_slice %arg8[%mul3A_8, %dma_start3A_14] : memref<25088x64xf32, #tpu.memory_space<vmem_shared>> -> memref<1564x64xf32, #tpu.memory_space<vmem_shared>>
      tpu.enqueue_dma source(%dma_start3A_15 : memref<1564x64xf32, #tpu.memory_space<vmem_shared>>) target(%dma_start3A_13 : memref<1564x64xf32, #tpu.memory_space<hbm>>) target_semaphore(%run_scoped3A : memref<!tpu.dma_semaphore, #tpu.memory_space<semaphore_mem>>)
      %dma_wait3A = arith.constant 0 : i32
      %dma_wait3A_16 = tpu.memref_slice %arg7[%add3A, %dma_wait3A] : memref<50048x64xf32, #tpu.memory_space<hbm>> -> memref<1564x64xf32, #tpu.memory_space<hbm>>
      %dma_wait3A_17 = arith.constant 0 : i32
      %dma_wait3A_18 = tpu.memref_slice %arg8[%mul3A_8, %dma_wait3A_17] : memref<25088x64xf32, #tpu.memory_space<vmem_shared>> -> memref<1564x64xf32, #tpu.memory_space<vmem_shared>>
      tpu.wait_dma2 semaphore(%run_scoped3A : memref<!tpu.dma_semaphore, #tpu.memory_space<semaphore_mem>>) src(%dma_wait3A_18 : memref<1564x64xf32, #tpu.memory_space<vmem_shared>>) dst(%dma_wait3A_16 : memref<1564x64xf32, #tpu.memory_space<hbm>>)
      tpu.yield
    }) : () -> ()
    return
  }
}

#map = affine_map<(d0, d1) -> (0, 0)>
#map1 = affine_map<(d0, d1) -> (0, 0, 0, 0)>
#map2 = affine_map<(d0, d1) -> (0, 0, 0)>
module attributes {stable_mosaic.version = 14 : i64} {
  func.func @_sc_body(%arg0: i32, %arg1: i32, %arg2: memref<50000x64xf32, #tpu.memory_space<hbm>>, %arg3: memref<2x16x416x128xi32, #tpu.memory_space<hbm>>, %arg4: memref<2x16x416x128xi32, #tpu.memory_space<hbm>>, %arg5: memref<2x16x16xi32, #tpu.memory_space<hbm>>, %arg6: memref<1568x64xf32, #tpu.memory_space<hbm>>, %arg7: memref<50048x64xf32, #tpu.memory_space<hbm>>, %arg8: memref<25088x64xf32, #tpu.memory_space<vmem_shared>>, %arg9: memref<24x128xi32, #tpu.memory_space<vmem>>, %arg10: memref<24x128xi32, #tpu.memory_space<vmem>>, %arg11: memref<2x128x64xf32, #tpu.memory_space<vmem>>, %arg12: memref<16xi32, #tpu.memory_space<vmem>>, %arg13: memref<!tpu.dma_semaphore, #tpu.memory_space<semaphore_mem>>) attributes {dimension_semantics = [#tpu.dimension_semantics<core_parallel>, #tpu.dimension_semantics<subcore_parallel>], iteration_bounds = array<i64: 2, 16>, scalar_prefetch = 0 : i64, scratch_operands = 6 : i64, tpu.core_type = #tpu.core_type<sc_vector_subcore>, window_params = [{transform_indices = #map}, {transform_indices = #map1}, {transform_indices = #map1}, {transform_indices = #map2}, {transform_indices = #map}, {transform_indices = #map}]} {
    %mul3A = arith.constant 1568 : i32
    %mul3A_0 = arith.muli %arg1, %mul3A : i32
    "tpu.region"() ({
      %run_scoped3A = tpu.sem_alloc : memref<!tpu.dma_semaphore, #tpu.memory_space<semaphore_mem>>
      %dma_start3A = arith.constant 0 : i32
      %dma_start3A_13 = tpu.memref_slice %arg8[%mul3A_0, %dma_start3A] : memref<25088x64xf32, #tpu.memory_space<vmem_shared>> -> memref<1568x64xf32, #tpu.memory_space<vmem_shared>>
      tpu.enqueue_dma source(%arg6 : memref<1568x64xf32, #tpu.memory_space<hbm>>) target(%dma_start3A_13 : memref<1568x64xf32, #tpu.memory_space<vmem_shared>>) target_semaphore(%run_scoped3A : memref<!tpu.dma_semaphore, #tpu.memory_space<semaphore_mem>>)
      %dma_wait3A = arith.constant 0 : i32
      %dma_wait3A_14 = tpu.memref_slice %arg8[%mul3A_0, %dma_wait3A] : memref<25088x64xf32, #tpu.memory_space<vmem_shared>> -> memref<1568x64xf32, #tpu.memory_space<vmem_shared>>
      tpu.wait_dma2 semaphore(%run_scoped3A : memref<!tpu.dma_semaphore, #tpu.memory_space<semaphore_mem>>) src(%arg6 : memref<1568x64xf32, #tpu.memory_space<hbm>>) dst(%dma_wait3A_14 : memref<1568x64xf32, #tpu.memory_space<vmem_shared>>)
      tpu.yield
    }) : () -> ()
    "tpu.region"() ({
      %run_scoped3A = tpu.sem_alloc : memref<!tpu.dma_semaphore, #tpu.memory_space<semaphore_mem>>
      %dma_start3A = arith.constant 0 : i32
      %dma_start3A_13 = tpu.memref_slice %arg5[%arg0, %arg1, %dma_start3A] : memref<2x16x16xi32, #tpu.memory_space<hbm>> -> memref<1x1x16xi32, #tpu.memory_space<hbm>>
      %dma_start3A_14 = tpu.memref_squeeze %dma_start3A_13 : memref<1x1x16xi32, #tpu.memory_space<hbm>> -> memref<16xi32, #tpu.memory_space<hbm>>
      %dma_start3A_15 = arith.constant 0 : i32
      %dma_start3A_16 = tpu.memref_slice %arg5[%arg0, %arg1, %dma_start3A_15] : memref<2x16x16xi32, #tpu.memory_space<hbm>> -> memref<1x1x16xi32, #tpu.memory_space<hbm>>
      %dma_start3A_17 = tpu.memref_squeeze %dma_start3A_16 : memref<1x1x16xi32, #tpu.memory_space<hbm>> -> memref<16xi32, #tpu.memory_space<hbm>>
      tpu.enqueue_dma source(%dma_start3A_17 : memref<16xi32, #tpu.memory_space<hbm>>) target(%arg12 : memref<16xi32, #tpu.memory_space<vmem>>) target_semaphore(%run_scoped3A : memref<!tpu.dma_semaphore, #tpu.memory_space<semaphore_mem>>)
      %dma_wait3A = arith.constant 0 : i32
      %dma_wait3A_18 = tpu.memref_slice %arg5[%arg0, %arg1, %dma_wait3A] : memref<2x16x16xi32, #tpu.memory_space<hbm>> -> memref<1x1x16xi32, #tpu.memory_space<hbm>>
      %dma_wait3A_19 = tpu.memref_squeeze %dma_wait3A_18 : memref<1x1x16xi32, #tpu.memory_space<hbm>> -> memref<16xi32, #tpu.memory_space<hbm>>
      %dma_wait3A_20 = arith.constant 0 : i32
      %dma_wait3A_21 = tpu.memref_slice %arg5[%arg0, %arg1, %dma_wait3A_20] : memref<2x16x16xi32, #tpu.memory_space<hbm>> -> memref<1x1x16xi32, #tpu.memory_space<hbm>>
      %dma_wait3A_22 = tpu.memref_squeeze %dma_wait3A_21 : memref<1x1x16xi32, #tpu.memory_space<hbm>> -> memref<16xi32, #tpu.memory_space<hbm>>
      tpu.wait_dma2 semaphore(%run_scoped3A : memref<!tpu.dma_semaphore, #tpu.memory_space<semaphore_mem>>) src(%dma_wait3A_22 : memref<16xi32, #tpu.memory_space<hbm>>) dst(%arg12 : memref<16xi32, #tpu.memory_space<vmem>>)
      tpu.yield
    }) : () -> ()
    %barrier3A = arith.constant 0 : index
    tpu.barrier barrier_id(%barrier3A)
    %scan3A = arith.constant 0 : i32
    %scan3A_1 = arith.constant 0 : i32
    %scan3A_2 = arith.constant 9 : i32
    %scan3A_3 = arith.addi %scan3A_1, %scan3A_2 : i32
    %scan3A_4 = arith.constant 1 : i32
    scf.for %scan3A_13 = %scan3A_1 to %scan3A_3 step %scan3A_4  : i32 {
      %mul3A_14 = arith.constant 24 : i32
      %mul3A_15 = arith.muli %scan3A_13, %mul3A_14 : i32
      "tpu.region"() ({
        %run_scoped3A = tpu.sem_alloc : memref<!tpu.dma_semaphore, #tpu.memory_space<semaphore_mem>>
        %dma_start3A_35 = arith.constant 0 : i32
        %dma_start3A_36 = tpu.memref_slice %arg3[%arg0, %arg1, %mul3A_15, %dma_start3A_35] : memref<2x16x416x128xi32, #tpu.memory_space<hbm>> -> memref<1x1x24x128xi32, #tpu.memory_space<hbm>>
        %dma_start3A_37 = tpu.memref_squeeze %dma_start3A_36 : memref<1x1x24x128xi32, #tpu.memory_space<hbm>> -> memref<24x128xi32, #tpu.memory_space<hbm>>
        %dma_start3A_38 = arith.constant 0 : i32
        %dma_start3A_39 = tpu.memref_slice %arg3[%arg0, %arg1, %mul3A_15, %dma_start3A_38] : memref<2x16x416x128xi32, #tpu.memory_space<hbm>> -> memref<1x1x24x128xi32, #tpu.memory_space<hbm>>
        %dma_start3A_40 = tpu.memref_squeeze %dma_start3A_39 : memref<1x1x24x128xi32, #tpu.memory_space<hbm>> -> memref<24x128xi32, #tpu.memory_space<hbm>>
        tpu.enqueue_dma source(%dma_start3A_40 : memref<24x128xi32, #tpu.memory_space<hbm>>) target(%arg9 : memref<24x128xi32, #tpu.memory_space<vmem>>) target_semaphore(%run_scoped3A : memref<!tpu.dma_semaphore, #tpu.memory_space<semaphore_mem>>)
        %dma_wait3A = arith.constant 0 : i32
        %dma_wait3A_41 = tpu.memref_slice %arg3[%arg0, %arg1, %mul3A_15, %dma_wait3A] : memref<2x16x416x128xi32, #tpu.memory_space<hbm>> -> memref<1x1x24x128xi32, #tpu.memory_space<hbm>>
        %dma_wait3A_42 = tpu.memref_squeeze %dma_wait3A_41 : memref<1x1x24x128xi32, #tpu.memory_space<hbm>> -> memref<24x128xi32, #tpu.memory_space<hbm>>
        %dma_wait3A_43 = arith.constant 0 : i32
        %dma_wait3A_44 = tpu.memref_slice %arg3[%arg0, %arg1, %mul3A_15, %dma_wait3A_43] : memref<2x16x416x128xi32, #tpu.memory_space<hbm>> -> memref<1x1x24x128xi32, #tpu.memory_space<hbm>>
        %dma_wait3A_45 = tpu.memref_squeeze %dma_wait3A_44 : memref<1x1x24x128xi32, #tpu.memory_space<hbm>> -> memref<24x128xi32, #tpu.memory_space<hbm>>
        tpu.wait_dma2 semaphore(%run_scoped3A : memref<!tpu.dma_semaphore, #tpu.memory_space<semaphore_mem>>) src(%dma_wait3A_45 : memref<24x128xi32, #tpu.memory_space<hbm>>) dst(%arg9 : memref<24x128xi32, #tpu.memory_space<vmem>>)
        tpu.yield
      }) : () -> ()
      %mul3A_16 = arith.constant 24 : i32
      %mul3A_17 = arith.muli %scan3A_13, %mul3A_16 : i32
      "tpu.region"() ({
        %run_scoped3A = tpu.sem_alloc : memref<!tpu.dma_semaphore, #tpu.memory_space<semaphore_mem>>
        %dma_start3A_35 = arith.constant 0 : i32
        %dma_start3A_36 = tpu.memref_slice %arg4[%arg0, %arg1, %mul3A_17, %dma_start3A_35] : memref<2x16x416x128xi32, #tpu.memory_space<hbm>> -> memref<1x1x24x128xi32, #tpu.memory_space<hbm>>
        %dma_start3A_37 = tpu.memref_squeeze %dma_start3A_36 : memref<1x1x24x128xi32, #tpu.memory_space<hbm>> -> memref<24x128xi32, #tpu.memory_space<hbm>>
        %dma_start3A_38 = arith.constant 0 : i32
        %dma_start3A_39 = tpu.memref_slice %arg4[%arg0, %arg1, %mul3A_17, %dma_start3A_38] : memref<2x16x416x128xi32, #tpu.memory_space<hbm>> -> memref<1x1x24x128xi32, #tpu.memory_space<hbm>>
        %dma_start3A_40 = tpu.memref_squeeze %dma_start3A_39 : memref<1x1x24x128xi32, #tpu.memory_space<hbm>> -> memref<24x128xi32, #tpu.memory_space<hbm>>
        tpu.enqueue_dma source(%dma_start3A_40 : memref<24x128xi32, #tpu.memory_space<hbm>>) target(%arg10 : memref<24x128xi32, #tpu.memory_space<vmem>>) target_semaphore(%run_scoped3A : memref<!tpu.dma_semaphore, #tpu.memory_space<semaphore_mem>>)
        %dma_wait3A = arith.constant 0 : i32
        %dma_wait3A_41 = tpu.memref_slice %arg4[%arg0, %arg1, %mul3A_17, %dma_wait3A] : memref<2x16x416x128xi32, #tpu.memory_space<hbm>> -> memref<1x1x24x128xi32, #tpu.memory_space<hbm>>
        %dma_wait3A_42 = tpu.memref_squeeze %dma_wait3A_41 : memref<1x1x24x128xi32, #tpu.memory_space<hbm>> -> memref<24x128xi32, #tpu.memory_space<hbm>>
        %dma_wait3A_43 = arith.constant 0 : i32
        %dma_wait3A_44 = tpu.memref_slice %arg4[%arg0, %arg1, %mul3A_17, %dma_wait3A_43] : memref<2x16x416x128xi32, #tpu.memory_space<hbm>> -> memref<1x1x24x128xi32, #tpu.memory_space<hbm>>
        %dma_wait3A_45 = tpu.memref_squeeze %dma_wait3A_44 : memref<1x1x24x128xi32, #tpu.memory_space<hbm>> -> memref<24x128xi32, #tpu.memory_space<hbm>>
        tpu.wait_dma2 semaphore(%run_scoped3A : memref<!tpu.dma_semaphore, #tpu.memory_space<semaphore_mem>>) src(%dma_wait3A_45 : memref<24x128xi32, #tpu.memory_space<hbm>>) dst(%arg10 : memref<24x128xi32, #tpu.memory_space<vmem>>)
        tpu.yield
      }) : () -> ()
      %dma_start3A = arith.constant 0 : i32
      %dma_start3A_18 = arith.constant 0 : i32
      %dma_start3A_19 = arith.constant 0 : i32
      %dma_start3A_20 = arith.constant 0 : i32
      %dma_start3A_21 = tpu.memref_slice %arg11[%dma_start3A_18, %dma_start3A_19, %dma_start3A_20] : memref<2x128x64xf32, #tpu.memory_space<vmem>> -> memref<1x128x64xf32, #tpu.memory_space<vmem>>
      %dma_start3A_22 = tpu.memref_squeeze %dma_start3A_21 : memref<1x128x64xf32, #tpu.memory_space<vmem>> -> memref<128x64xf32, #tpu.memory_space<vmem>>
      %dma_start3A_23 = arith.constant 0 : i32
      %dma_start3A_24 = tpu.memref_slice %arg9[%dma_start3A, %dma_start3A_23] : memref<24x128xi32, #tpu.memory_space<vmem>> -> memref<1x128xi32, #tpu.memory_space<vmem>>
      %dma_start3A_25 = tpu.memref_squeeze %dma_start3A_24 : memref<1x128xi32, #tpu.memory_space<vmem>> -> memref<128xi32, #tpu.memory_space<vmem>>
      %dma_start3A_26 = arith.constant 0 : i32
      %dma_start3A_27 = arith.constant 0 : i32
      %dma_start3A_28 = tpu.memref_slice %arg2[%dma_start3A_26, %dma_start3A_27] : memref<50000x64xf32, #tpu.memory_space<hbm>> -> memref<50000x64xf32, #tpu.memory_space<hbm>>
      tpu.enqueue_indirect_dma source(%dma_start3A_28 : memref<50000x64xf32, #tpu.memory_space<hbm>>) target(%dma_start3A_22 : memref<128x64xf32, #tpu.memory_space<vmem>>) offsets(%dma_start3A_25 : memref<128xi32, #tpu.memory_space<vmem>>) semaphore(%arg13 : memref<!tpu.dma_semaphore, #tpu.memory_space<semaphore_mem>>)
      %scan3A_29 = arith.constant 0 : i32
      %scan3A_30 = arith.constant 0 : i32
      %scan3A_31 = arith.constant 24 : i32
      %scan3A_32 = arith.addi %scan3A_30, %scan3A_31 : i32
      %scan3A_33 = arith.constant 1 : i32
      scf.for %scan3A_35 = %scan3A_30 to %scan3A_32 step %scan3A_33  : i32 {
        %rem3A = arith.constant 2 : i32
        %rem3A_36 = arith.remsi %scan3A_35, %rem3A : i32
        %dma_wait3A = arith.constant 0 : i32
        %dma_wait3A_37 = arith.constant 0 : i32
        %dma_wait3A_38 = tpu.memref_slice %arg11[%rem3A_36, %dma_wait3A, %dma_wait3A_37] : memref<2x128x64xf32, #tpu.memory_space<vmem>> -> memref<1x128x64xf32, #tpu.memory_space<vmem>>
        %dma_wait3A_39 = tpu.memref_squeeze %dma_wait3A_38 : memref<1x128x64xf32, #tpu.memory_space<vmem>> -> memref<128x64xf32, #tpu.memory_space<vmem>>
        %dma_wait3A_40 = arith.constant 0 : i32
        %dma_wait3A_41 = tpu.memref_slice %arg9[%scan3A_35, %dma_wait3A_40] : memref<24x128xi32, #tpu.memory_space<vmem>> -> memref<1x128xi32, #tpu.memory_space<vmem>>
        %dma_wait3A_42 = tpu.memref_squeeze %dma_wait3A_41 : memref<1x128xi32, #tpu.memory_space<vmem>> -> memref<128xi32, #tpu.memory_space<vmem>>
        %dma_wait3A_43 = arith.constant 0 : i32
        %dma_wait3A_44 = arith.constant 0 : i32
        %dma_wait3A_45 = tpu.memref_slice %arg2[%dma_wait3A_43, %dma_wait3A_44] : memref<50000x64xf32, #tpu.memory_space<hbm>> -> memref<50000x64xf32, #tpu.memory_space<hbm>>
        tpu.wait_indirect_dma semaphore(%arg13 : memref<!tpu.dma_semaphore, #tpu.memory_space<semaphore_mem>>) src(%dma_wait3A_45 : memref<50000x64xf32, #tpu.memory_space<hbm>>) dst(%dma_wait3A_39 : memref<128x64xf32, #tpu.memory_space<vmem>>)
        %add3A_46 = arith.constant 1 : i32
        %add3A_47 = arith.addi %scan3A_35, %add3A_46 : i32
        %lt3A = arith.constant 24 : i32
        %lt3A_48 = arith.cmpi slt, %add3A_47, %lt3A : i32
        %convert_element_type3A = arith.extui %lt3A_48 : i1 to i32
        %cond3A = arith.constant 0 : i32
        %cond3A_49 = arith.cmpi ne, %convert_element_type3A, %cond3A : i32
        scf.if %cond3A_49 {
          %add3A_50 = arith.constant 1 : i32
          %add3A_51 = arith.addi %scan3A_35, %add3A_50 : i32
          %sub3A = arith.constant 1 : i32
          %sub3A_52 = arith.subi %sub3A, %rem3A_36 : i32
          %dma_start3A_53 = arith.constant 0 : i32
          %dma_start3A_54 = arith.constant 0 : i32
          %dma_start3A_55 = tpu.memref_slice %arg11[%sub3A_52, %dma_start3A_53, %dma_start3A_54] : memref<2x128x64xf32, #tpu.memory_space<vmem>> -> memref<1x128x64xf32, #tpu.memory_space<vmem>>
          %dma_start3A_56 = tpu.memref_squeeze %dma_start3A_55 : memref<1x128x64xf32, #tpu.memory_space<vmem>> -> memref<128x64xf32, #tpu.memory_space<vmem>>
          %dma_start3A_57 = arith.constant 0 : i32
          %dma_start3A_58 = tpu.memref_slice %arg9[%add3A_51, %dma_start3A_57] : memref<24x128xi32, #tpu.memory_space<vmem>> -> memref<1x128xi32, #tpu.memory_space<vmem>>
          %dma_start3A_59 = tpu.memref_squeeze %dma_start3A_58 : memref<1x128xi32, #tpu.memory_space<vmem>> -> memref<128xi32, #tpu.memory_space<vmem>>
          %dma_start3A_60 = arith.constant 0 : i32
          %dma_start3A_61 = arith.constant 0 : i32
          %dma_start3A_62 = tpu.memref_slice %arg2[%dma_start3A_60, %dma_start3A_61] : memref<50000x64xf32, #tpu.memory_space<hbm>> -> memref<50000x64xf32, #tpu.memory_space<hbm>>
          tpu.enqueue_indirect_dma source(%dma_start3A_62 : memref<50000x64xf32, #tpu.memory_space<hbm>>) target(%dma_start3A_56 : memref<128x64xf32, #tpu.memory_space<vmem>>) offsets(%dma_start3A_59 : memref<128xi32, #tpu.memory_space<vmem>>) semaphore(%arg13 : memref<!tpu.dma_semaphore, #tpu.memory_space<semaphore_mem>>)
        } else {
        }
      }
      %scan3A_34 = arith.constant 24 : i32
    }
    %scan3A_5 = arith.constant 9 : i32
    %barrier3A_6 = arith.constant 0 : index
    tpu.barrier barrier_id(%barrier3A_6)
    %mul3A_7 = arith.constant 1564 : i32
    %mul3A_8 = arith.muli %arg1, %mul3A_7 : i32
    %mul3A_9 = arith.constant 25024 : i32
    %mul3A_10 = arith.muli %arg0, %mul3A_9 : i32
    %mul3A_11 = arith.constant 1564 : i32
    %mul3A_12 = arith.muli %arg1, %mul3A_11 : i32
    %add3A = arith.addi %mul3A_10, %mul3A_12 : i32
    "tpu.region"() ({
      %run_scoped3A = tpu.sem_alloc : memref<!tpu.dma_semaphore, #tpu.memory_space<semaphore_mem>>
      %dma_start3A = arith.constant 0 : i32
      %dma_start3A_13 = tpu.memref_slice %arg7[%add3A, %dma_start3A] : memref<50048x64xf32, #tpu.memory_space<hbm>> -> memref<1564x64xf32, #tpu.memory_space<hbm>>
      %dma_start3A_14 = arith.constant 0 : i32
      %dma_start3A_15 = tpu.memref_slice %arg8[%mul3A_8, %dma_start3A_14] : memref<25088x64xf32, #tpu.memory_space<vmem_shared>> -> memref<1564x64xf32, #tpu.memory_space<vmem_shared>>
      tpu.enqueue_dma source(%dma_start3A_15 : memref<1564x64xf32, #tpu.memory_space<vmem_shared>>) target(%dma_start3A_13 : memref<1564x64xf32, #tpu.memory_space<hbm>>) target_semaphore(%run_scoped3A : memref<!tpu.dma_semaphore, #tpu.memory_space<semaphore_mem>>)
      %dma_wait3A = arith.constant 0 : i32
      %dma_wait3A_16 = tpu.memref_slice %arg7[%add3A, %dma_wait3A] : memref<50048x64xf32, #tpu.memory_space<hbm>> -> memref<1564x64xf32, #tpu.memory_space<hbm>>
      %dma_wait3A_17 = arith.constant 0 : i32
      %dma_wait3A_18 = tpu.memref_slice %arg8[%mul3A_8, %dma_wait3A_17] : memref<25088x64xf32, #tpu.memory_space<vmem_shared>> -> memref<1564x64xf32, #tpu.memory_space<vmem_shared>>
      tpu.wait_dma2 semaphore(%run_scoped3A : memref<!tpu.dma_semaphore, #tpu.memory_space<semaphore_mem>>) src(%dma_wait3A_18 : memref<1564x64xf32, #tpu.memory_space<vmem_shared>>) dst(%dma_wait3A_16 : memref<1564x64xf32, #tpu.memory_space<hbm>>)
      tpu.yield
    }) : () -> ()
    return
  }
}

#map = affine_map<(d0, d1) -> (0, 0)>
#map1 = affine_map<(d0, d1) -> (0, 0, 0, 0)>
#map2 = affine_map<(d0, d1) -> (0, 0, 0)>
module attributes {stable_mosaic.version = 14 : i64} {
  func.func @_sc_body(%arg0: i32, %arg1: i32, %arg2: memref<50000x64xf32, #tpu.memory_space<hbm>>, %arg3: memref<2x16x416x128xi32, #tpu.memory_space<hbm>>, %arg4: memref<2x16x416x128xi32, #tpu.memory_space<hbm>>, %arg5: memref<2x16x16xi32, #tpu.memory_space<hbm>>, %arg6: memref<1568x64xf32, #tpu.memory_space<hbm>>, %arg7: memref<50048x64xf32, #tpu.memory_space<hbm>>, %arg8: memref<25088x64xf32, #tpu.memory_space<vmem_shared>>, %arg9: memref<24x128xi32, #tpu.memory_space<vmem>>, %arg10: memref<24x128xi32, #tpu.memory_space<vmem>>, %arg11: memref<2x128x64xf32, #tpu.memory_space<vmem>>, %arg12: memref<16xi32, #tpu.memory_space<vmem>>, %arg13: memref<!tpu.dma_semaphore, #tpu.memory_space<semaphore_mem>>) attributes {dimension_semantics = [#tpu.dimension_semantics<core_parallel>, #tpu.dimension_semantics<subcore_parallel>], iteration_bounds = array<i64: 2, 16>, scalar_prefetch = 0 : i64, scratch_operands = 6 : i64, tpu.core_type = #tpu.core_type<sc_vector_subcore>, window_params = [{transform_indices = #map}, {transform_indices = #map1}, {transform_indices = #map1}, {transform_indices = #map2}, {transform_indices = #map}, {transform_indices = #map}]} {
    %mul3A = arith.constant 1568 : i32
    %mul3A_0 = arith.muli %arg1, %mul3A : i32
    "tpu.region"() ({
      %run_scoped3A = tpu.sem_alloc : memref<!tpu.dma_semaphore, #tpu.memory_space<semaphore_mem>>
      %dma_start3A = arith.constant 0 : i32
      %dma_start3A_13 = tpu.memref_slice %arg8[%mul3A_0, %dma_start3A] : memref<25088x64xf32, #tpu.memory_space<vmem_shared>> -> memref<1568x64xf32, #tpu.memory_space<vmem_shared>>
      tpu.enqueue_dma source(%arg6 : memref<1568x64xf32, #tpu.memory_space<hbm>>) target(%dma_start3A_13 : memref<1568x64xf32, #tpu.memory_space<vmem_shared>>) target_semaphore(%run_scoped3A : memref<!tpu.dma_semaphore, #tpu.memory_space<semaphore_mem>>)
      %dma_wait3A = arith.constant 0 : i32
      %dma_wait3A_14 = tpu.memref_slice %arg8[%mul3A_0, %dma_wait3A] : memref<25088x64xf32, #tpu.memory_space<vmem_shared>> -> memref<1568x64xf32, #tpu.memory_space<vmem_shared>>
      tpu.wait_dma2 semaphore(%run_scoped3A : memref<!tpu.dma_semaphore, #tpu.memory_space<semaphore_mem>>) src(%arg6 : memref<1568x64xf32, #tpu.memory_space<hbm>>) dst(%dma_wait3A_14 : memref<1568x64xf32, #tpu.memory_space<vmem_shared>>)
      tpu.yield
    }) : () -> ()
    "tpu.region"() ({
      %run_scoped3A = tpu.sem_alloc : memref<!tpu.dma_semaphore, #tpu.memory_space<semaphore_mem>>
      %dma_start3A = arith.constant 0 : i32
      %dma_start3A_13 = tpu.memref_slice %arg5[%arg0, %arg1, %dma_start3A] : memref<2x16x16xi32, #tpu.memory_space<hbm>> -> memref<1x1x16xi32, #tpu.memory_space<hbm>>
      %dma_start3A_14 = tpu.memref_squeeze %dma_start3A_13 : memref<1x1x16xi32, #tpu.memory_space<hbm>> -> memref<16xi32, #tpu.memory_space<hbm>>
      %dma_start3A_15 = arith.constant 0 : i32
      %dma_start3A_16 = tpu.memref_slice %arg5[%arg0, %arg1, %dma_start3A_15] : memref<2x16x16xi32, #tpu.memory_space<hbm>> -> memref<1x1x16xi32, #tpu.memory_space<hbm>>
      %dma_start3A_17 = tpu.memref_squeeze %dma_start3A_16 : memref<1x1x16xi32, #tpu.memory_space<hbm>> -> memref<16xi32, #tpu.memory_space<hbm>>
      tpu.enqueue_dma source(%dma_start3A_17 : memref<16xi32, #tpu.memory_space<hbm>>) target(%arg12 : memref<16xi32, #tpu.memory_space<vmem>>) target_semaphore(%run_scoped3A : memref<!tpu.dma_semaphore, #tpu.memory_space<semaphore_mem>>)
      %dma_wait3A = arith.constant 0 : i32
      %dma_wait3A_18 = tpu.memref_slice %arg5[%arg0, %arg1, %dma_wait3A] : memref<2x16x16xi32, #tpu.memory_space<hbm>> -> memref<1x1x16xi32, #tpu.memory_space<hbm>>
      %dma_wait3A_19 = tpu.memref_squeeze %dma_wait3A_18 : memref<1x1x16xi32, #tpu.memory_space<hbm>> -> memref<16xi32, #tpu.memory_space<hbm>>
      %dma_wait3A_20 = arith.constant 0 : i32
      %dma_wait3A_21 = tpu.memref_slice %arg5[%arg0, %arg1, %dma_wait3A_20] : memref<2x16x16xi32, #tpu.memory_space<hbm>> -> memref<1x1x16xi32, #tpu.memory_space<hbm>>
      %dma_wait3A_22 = tpu.memref_squeeze %dma_wait3A_21 : memref<1x1x16xi32, #tpu.memory_space<hbm>> -> memref<16xi32, #tpu.memory_space<hbm>>
      tpu.wait_dma2 semaphore(%run_scoped3A : memref<!tpu.dma_semaphore, #tpu.memory_space<semaphore_mem>>) src(%dma_wait3A_22 : memref<16xi32, #tpu.memory_space<hbm>>) dst(%arg12 : memref<16xi32, #tpu.memory_space<vmem>>)
      tpu.yield
    }) : () -> ()
    %barrier3A = arith.constant 0 : index
    tpu.barrier barrier_id(%barrier3A)
    %scan3A = arith.constant 0 : i32
    %scan3A_1 = arith.constant 0 : i32
    %scan3A_2 = arith.constant 9 : i32
    %scan3A_3 = arith.addi %scan3A_1, %scan3A_2 : i32
    %scan3A_4 = arith.constant 1 : i32
    scf.for %scan3A_13 = %scan3A_1 to %scan3A_3 step %scan3A_4  : i32 {
      %mul3A_14 = arith.constant 24 : i32
      %mul3A_15 = arith.muli %scan3A_13, %mul3A_14 : i32
      "tpu.region"() ({
        %run_scoped3A = tpu.sem_alloc : memref<!tpu.dma_semaphore, #tpu.memory_space<semaphore_mem>>
        %dma_start3A_35 = arith.constant 0 : i32
        %dma_start3A_36 = tpu.memref_slice %arg3[%arg0, %arg1, %mul3A_15, %dma_start3A_35] : memref<2x16x416x128xi32, #tpu.memory_space<hbm>> -> memref<1x1x24x128xi32, #tpu.memory_space<hbm>>
        %dma_start3A_37 = tpu.memref_squeeze %dma_start3A_36 : memref<1x1x24x128xi32, #tpu.memory_space<hbm>> -> memref<24x128xi32, #tpu.memory_space<hbm>>
        %dma_start3A_38 = arith.constant 0 : i32
        %dma_start3A_39 = tpu.memref_slice %arg3[%arg0, %arg1, %mul3A_15, %dma_start3A_38] : memref<2x16x416x128xi32, #tpu.memory_space<hbm>> -> memref<1x1x24x128xi32, #tpu.memory_space<hbm>>
        %dma_start3A_40 = tpu.memref_squeeze %dma_start3A_39 : memref<1x1x24x128xi32, #tpu.memory_space<hbm>> -> memref<24x128xi32, #tpu.memory_space<hbm>>
        tpu.enqueue_dma source(%dma_start3A_40 : memref<24x128xi32, #tpu.memory_space<hbm>>) target(%arg9 : memref<24x128xi32, #tpu.memory_space<vmem>>) target_semaphore(%run_scoped3A : memref<!tpu.dma_semaphore, #tpu.memory_space<semaphore_mem>>)
        %dma_wait3A = arith.constant 0 : i32
        %dma_wait3A_41 = tpu.memref_slice %arg3[%arg0, %arg1, %mul3A_15, %dma_wait3A] : memref<2x16x416x128xi32, #tpu.memory_space<hbm>> -> memref<1x1x24x128xi32, #tpu.memory_space<hbm>>
        %dma_wait3A_42 = tpu.memref_squeeze %dma_wait3A_41 : memref<1x1x24x128xi32, #tpu.memory_space<hbm>> -> memref<24x128xi32, #tpu.memory_space<hbm>>
        %dma_wait3A_43 = arith.constant 0 : i32
        %dma_wait3A_44 = tpu.memref_slice %arg3[%arg0, %arg1, %mul3A_15, %dma_wait3A_43] : memref<2x16x416x128xi32, #tpu.memory_space<hbm>> -> memref<1x1x24x128xi32, #tpu.memory_space<hbm>>
        %dma_wait3A_45 = tpu.memref_squeeze %dma_wait3A_44 : memref<1x1x24x128xi32, #tpu.memory_space<hbm>> -> memref<24x128xi32, #tpu.memory_space<hbm>>
        tpu.wait_dma2 semaphore(%run_scoped3A : memref<!tpu.dma_semaphore, #tpu.memory_space<semaphore_mem>>) src(%dma_wait3A_45 : memref<24x128xi32, #tpu.memory_space<hbm>>) dst(%arg9 : memref<24x128xi32, #tpu.memory_space<vmem>>)
        tpu.yield
      }) : () -> ()
      %mul3A_16 = arith.constant 24 : i32
      %mul3A_17 = arith.muli %scan3A_13, %mul3A_16 : i32
      "tpu.region"() ({
        %run_scoped3A = tpu.sem_alloc : memref<!tpu.dma_semaphore, #tpu.memory_space<semaphore_mem>>
        %dma_start3A_35 = arith.constant 0 : i32
        %dma_start3A_36 = tpu.memref_slice %arg4[%arg0, %arg1, %mul3A_17, %dma_start3A_35] : memref<2x16x416x128xi32, #tpu.memory_space<hbm>> -> memref<1x1x24x128xi32, #tpu.memory_space<hbm>>
        %dma_start3A_37 = tpu.memref_squeeze %dma_start3A_36 : memref<1x1x24x128xi32, #tpu.memory_space<hbm>> -> memref<24x128xi32, #tpu.memory_space<hbm>>
        %dma_start3A_38 = arith.constant 0 : i32
        %dma_start3A_39 = tpu.memref_slice %arg4[%arg0, %arg1, %mul3A_17, %dma_start3A_38] : memref<2x16x416x128xi32, #tpu.memory_space<hbm>> -> memref<1x1x24x128xi32, #tpu.memory_space<hbm>>
        %dma_start3A_40 = tpu.memref_squeeze %dma_start3A_39 : memref<1x1x24x128xi32, #tpu.memory_space<hbm>> -> memref<24x128xi32, #tpu.memory_space<hbm>>
        tpu.enqueue_dma source(%dma_start3A_40 : memref<24x128xi32, #tpu.memory_space<hbm>>) target(%arg10 : memref<24x128xi32, #tpu.memory_space<vmem>>) target_semaphore(%run_scoped3A : memref<!tpu.dma_semaphore, #tpu.memory_space<semaphore_mem>>)
        %dma_wait3A = arith.constant 0 : i32
        %dma_wait3A_41 = tpu.memref_slice %arg4[%arg0, %arg1, %mul3A_17, %dma_wait3A] : memref<2x16x416x128xi32, #tpu.memory_space<hbm>> -> memref<1x1x24x128xi32, #tpu.memory_space<hbm>>
        %dma_wait3A_42 = tpu.memref_squeeze %dma_wait3A_41 : memref<1x1x24x128xi32, #tpu.memory_space<hbm>> -> memref<24x128xi32, #tpu.memory_space<hbm>>
        %dma_wait3A_43 = arith.constant 0 : i32
        %dma_wait3A_44 = tpu.memref_slice %arg4[%arg0, %arg1, %mul3A_17, %dma_wait3A_43] : memref<2x16x416x128xi32, #tpu.memory_space<hbm>> -> memref<1x1x24x128xi32, #tpu.memory_space<hbm>>
        %dma_wait3A_45 = tpu.memref_squeeze %dma_wait3A_44 : memref<1x1x24x128xi32, #tpu.memory_space<hbm>> -> memref<24x128xi32, #tpu.memory_space<hbm>>
        tpu.wait_dma2 semaphore(%run_scoped3A : memref<!tpu.dma_semaphore, #tpu.memory_space<semaphore_mem>>) src(%dma_wait3A_45 : memref<24x128xi32, #tpu.memory_space<hbm>>) dst(%arg10 : memref<24x128xi32, #tpu.memory_space<vmem>>)
        tpu.yield
      }) : () -> ()
      %dma_start3A = arith.constant 0 : i32
      %dma_start3A_18 = arith.constant 0 : i32
      %dma_start3A_19 = arith.constant 0 : i32
      %dma_start3A_20 = arith.constant 0 : i32
      %dma_start3A_21 = tpu.memref_slice %arg11[%dma_start3A_18, %dma_start3A_19, %dma_start3A_20] : memref<2x128x64xf32, #tpu.memory_space<vmem>> -> memref<1x128x64xf32, #tpu.memory_space<vmem>>
      %dma_start3A_22 = tpu.memref_squeeze %dma_start3A_21 : memref<1x128x64xf32, #tpu.memory_space<vmem>> -> memref<128x64xf32, #tpu.memory_space<vmem>>
      %dma_start3A_23 = arith.constant 0 : i32
      %dma_start3A_24 = tpu.memref_slice %arg9[%dma_start3A, %dma_start3A_23] : memref<24x128xi32, #tpu.memory_space<vmem>> -> memref<1x128xi32, #tpu.memory_space<vmem>>
      %dma_start3A_25 = tpu.memref_squeeze %dma_start3A_24 : memref<1x128xi32, #tpu.memory_space<vmem>> -> memref<128xi32, #tpu.memory_space<vmem>>
      %dma_start3A_26 = arith.constant 0 : i32
      %dma_start3A_27 = arith.constant 0 : i32
      %dma_start3A_28 = tpu.memref_slice %arg2[%dma_start3A_26, %dma_start3A_27] : memref<50000x64xf32, #tpu.memory_space<hbm>> -> memref<50000x64xf32, #tpu.memory_space<hbm>>
      tpu.enqueue_indirect_dma source(%dma_start3A_28 : memref<50000x64xf32, #tpu.memory_space<hbm>>) target(%dma_start3A_22 : memref<128x64xf32, #tpu.memory_space<vmem>>) offsets(%dma_start3A_25 : memref<128xi32, #tpu.memory_space<vmem>>) semaphore(%arg13 : memref<!tpu.dma_semaphore, #tpu.memory_space<semaphore_mem>>)
      %scan3A_29 = arith.constant 0 : i32
      %scan3A_30 = arith.constant 0 : i32
      %scan3A_31 = arith.constant 24 : i32
      %scan3A_32 = arith.addi %scan3A_30, %scan3A_31 : i32
      %scan3A_33 = arith.constant 1 : i32
      scf.for %scan3A_35 = %scan3A_30 to %scan3A_32 step %scan3A_33  : i32 {
        %rem3A = arith.constant 2 : i32
        %rem3A_36 = arith.remsi %scan3A_35, %rem3A : i32
        %dma_wait3A = arith.constant 0 : i32
        %dma_wait3A_37 = arith.constant 0 : i32
        %dma_wait3A_38 = tpu.memref_slice %arg11[%rem3A_36, %dma_wait3A, %dma_wait3A_37] : memref<2x128x64xf32, #tpu.memory_space<vmem>> -> memref<1x128x64xf32, #tpu.memory_space<vmem>>
        %dma_wait3A_39 = tpu.memref_squeeze %dma_wait3A_38 : memref<1x128x64xf32, #tpu.memory_space<vmem>> -> memref<128x64xf32, #tpu.memory_space<vmem>>
        %dma_wait3A_40 = arith.constant 0 : i32
        %dma_wait3A_41 = tpu.memref_slice %arg9[%scan3A_35, %dma_wait3A_40] : memref<24x128xi32, #tpu.memory_space<vmem>> -> memref<1x128xi32, #tpu.memory_space<vmem>>
        %dma_wait3A_42 = tpu.memref_squeeze %dma_wait3A_41 : memref<1x128xi32, #tpu.memory_space<vmem>> -> memref<128xi32, #tpu.memory_space<vmem>>
        %dma_wait3A_43 = arith.constant 0 : i32
        %dma_wait3A_44 = arith.constant 0 : i32
        %dma_wait3A_45 = tpu.memref_slice %arg2[%dma_wait3A_43, %dma_wait3A_44] : memref<50000x64xf32, #tpu.memory_space<hbm>> -> memref<50000x64xf32, #tpu.memory_space<hbm>>
        tpu.wait_indirect_dma semaphore(%arg13 : memref<!tpu.dma_semaphore, #tpu.memory_space<semaphore_mem>>) src(%dma_wait3A_45 : memref<50000x64xf32, #tpu.memory_space<hbm>>) dst(%dma_wait3A_39 : memref<128x64xf32, #tpu.memory_space<vmem>>)
        %add3A_46 = arith.constant 1 : i32
        %add3A_47 = arith.addi %scan3A_35, %add3A_46 : i32
        %lt3A = arith.constant 24 : i32
        %lt3A_48 = arith.cmpi slt, %add3A_47, %lt3A : i32
        %convert_element_type3A = arith.extui %lt3A_48 : i1 to i32
        %cond3A = arith.constant 0 : i32
        %cond3A_49 = arith.cmpi ne, %convert_element_type3A, %cond3A : i32
        scf.if %cond3A_49 {
          %add3A_50 = arith.constant 1 : i32
          %add3A_51 = arith.addi %scan3A_35, %add3A_50 : i32
          %sub3A = arith.constant 1 : i32
          %sub3A_52 = arith.subi %sub3A, %rem3A_36 : i32
          %dma_start3A_53 = arith.constant 0 : i32
          %dma_start3A_54 = arith.constant 0 : i32
          %dma_start3A_55 = tpu.memref_slice %arg11[%sub3A_52, %dma_start3A_53, %dma_start3A_54] : memref<2x128x64xf32, #tpu.memory_space<vmem>> -> memref<1x128x64xf32, #tpu.memory_space<vmem>>
          %dma_start3A_56 = tpu.memref_squeeze %dma_start3A_55 : memref<1x128x64xf32, #tpu.memory_space<vmem>> -> memref<128x64xf32, #tpu.memory_space<vmem>>
          %dma_start3A_57 = arith.constant 0 : i32
          %dma_start3A_58 = tpu.memref_slice %arg9[%add3A_51, %dma_start3A_57] : memref<24x128xi32, #tpu.memory_space<vmem>> -> memref<1x128xi32, #tpu.memory_space<vmem>>
          %dma_start3A_59 = tpu.memref_squeeze %dma_start3A_58 : memref<1x128xi32, #tpu.memory_space<vmem>> -> memref<128xi32, #tpu.memory_space<vmem>>
          %dma_start3A_60 = arith.constant 0 : i32
          %dma_start3A_61 = arith.constant 0 : i32
          %dma_start3A_62 = tpu.memref_slice %arg2[%dma_start3A_60, %dma_start3A_61] : memref<50000x64xf32, #tpu.memory_space<hbm>> -> memref<50000x64xf32, #tpu.memory_space<hbm>>
          tpu.enqueue_indirect_dma source(%dma_start3A_62 : memref<50000x64xf32, #tpu.memory_space<hbm>>) target(%dma_start3A_56 : memref<128x64xf32, #tpu.memory_space<vmem>>) offsets(%dma_start3A_59 : memref<128xi32, #tpu.memory_space<vmem>>) semaphore(%arg13 : memref<!tpu.dma_semaphore, #tpu.memory_space<semaphore_mem>>)
        } else {
        }
      }
      %scan3A_34 = arith.constant 24 : i32
    }
    %scan3A_5 = arith.constant 9 : i32
    %barrier3A_6 = arith.constant 0 : index
    tpu.barrier barrier_id(%barrier3A_6)
    %mul3A_7 = arith.constant 1564 : i32
    %mul3A_8 = arith.muli %arg1, %mul3A_7 : i32
    %mul3A_9 = arith.constant 25024 : i32
    %mul3A_10 = arith.muli %arg0, %mul3A_9 : i32
    %mul3A_11 = arith.constant 1564 : i32
    %mul3A_12 = arith.muli %arg1, %mul3A_11 : i32
    %add3A = arith.addi %mul3A_10, %mul3A_12 : i32
    "tpu.region"() ({
      %run_scoped3A = tpu.sem_alloc : memref<!tpu.dma_semaphore, #tpu.memory_space<semaphore_mem>>
      %dma_start3A = arith.constant 0 : i32
      %dma_start3A_13 = tpu.memref_slice %arg7[%add3A, %dma_start3A] : memref<50048x64xf32, #tpu.memory_space<hbm>> -> memref<1564x64xf32, #tpu.memory_space<hbm>>
      %dma_start3A_14 = arith.constant 0 : i32
      %dma_start3A_15 = tpu.memref_slice %arg8[%mul3A_8, %dma_start3A_14] : memref<25088x64xf32, #tpu.memory_space<vmem_shared>> -> memref<1564x64xf32, #tpu.memory_space<vmem_shared>>
      tpu.enqueue_dma source(%dma_start3A_15 : memref<1564x64xf32, #tpu.memory_space<vmem_shared>>) target(%dma_start3A_13 : memref<1564x64xf32, #tpu.memory_space<hbm>>) target_semaphore(%run_scoped3A : memref<!tpu.dma_semaphore, #tpu.memory_space<semaphore_mem>>)
      %dma_wait3A = arith.constant 0 : i32
      %dma_wait3A_16 = tpu.memref_slice %arg7[%add3A, %dma_wait3A] : memref<50048x64xf32, #tpu.memory_space<hbm>> -> memref<1564x64xf32, #tpu.memory_space<hbm>>
      %dma_wait3A_17 = arith.constant 0 : i32
      %dma_wait3A_18 = tpu.memref_slice %arg8[%mul3A_8, %dma_wait3A_17] : memref<25088x64xf32, #tpu.memory_space<vmem_shared>> -> memref<1564x64xf32, #tpu.memory_space<vmem_shared>>
      tpu.wait_dma2 semaphore(%run_scoped3A : memref<!tpu.dma_semaphore, #tpu.memory_space<semaphore_mem>>) src(%dma_wait3A_18 : memref<1564x64xf32, #tpu.memory_space<vmem_shared>>) dst(%dma_wait3A_16 : memref<1564x64xf32, #tpu.memory_space<hbm>>)
      tpu.yield
    }) : () -> ()
    return
  }
}

#map = affine_map<(d0, d1) -> (0, 0)>
#map1 = affine_map<(d0, d1) -> (0, 0, 0, 0)>
#map2 = affine_map<(d0, d1) -> (0, 0, 0)>
module attributes {stable_mosaic.version = 14 : i64} {
  func.func @_sc_body(%arg0: i32, %arg1: i32, %arg2: memref<50000x64xf32, #tpu.memory_space<hbm>>, %arg3: memref<2x16x416x128xi32, #tpu.memory_space<hbm>>, %arg4: memref<2x16x416x128xi32, #tpu.memory_space<hbm>>, %arg5: memref<2x16x16xi32, #tpu.memory_space<hbm>>, %arg6: memref<1568x64xf32, #tpu.memory_space<hbm>>, %arg7: memref<50048x64xf32, #tpu.memory_space<hbm>>, %arg8: memref<25088x64xf32, #tpu.memory_space<vmem_shared>>, %arg9: memref<24x128xi32, #tpu.memory_space<vmem>>, %arg10: memref<24x128xi32, #tpu.memory_space<vmem>>, %arg11: memref<2x128x64xf32, #tpu.memory_space<vmem>>, %arg12: memref<16xi32, #tpu.memory_space<vmem>>, %arg13: memref<!tpu.dma_semaphore, #tpu.memory_space<semaphore_mem>>) attributes {dimension_semantics = [#tpu.dimension_semantics<core_parallel>, #tpu.dimension_semantics<subcore_parallel>], iteration_bounds = array<i64: 2, 16>, scalar_prefetch = 0 : i64, scratch_operands = 6 : i64, tpu.core_type = #tpu.core_type<sc_vector_subcore>, window_params = [{transform_indices = #map}, {transform_indices = #map1}, {transform_indices = #map1}, {transform_indices = #map2}, {transform_indices = #map}, {transform_indices = #map}]} {
    %mul3A = arith.constant 1568 : i32
    %mul3A_0 = arith.muli %arg1, %mul3A : i32
    "tpu.region"() ({
      %run_scoped3A = tpu.sem_alloc : memref<!tpu.dma_semaphore, #tpu.memory_space<semaphore_mem>>
      %dma_start3A = arith.constant 0 : i32
      %dma_start3A_13 = tpu.memref_slice %arg8[%mul3A_0, %dma_start3A] : memref<25088x64xf32, #tpu.memory_space<vmem_shared>> -> memref<1568x64xf32, #tpu.memory_space<vmem_shared>>
      tpu.enqueue_dma source(%arg6 : memref<1568x64xf32, #tpu.memory_space<hbm>>) target(%dma_start3A_13 : memref<1568x64xf32, #tpu.memory_space<vmem_shared>>) target_semaphore(%run_scoped3A : memref<!tpu.dma_semaphore, #tpu.memory_space<semaphore_mem>>)
      %dma_wait3A = arith.constant 0 : i32
      %dma_wait3A_14 = tpu.memref_slice %arg8[%mul3A_0, %dma_wait3A] : memref<25088x64xf32, #tpu.memory_space<vmem_shared>> -> memref<1568x64xf32, #tpu.memory_space<vmem_shared>>
      tpu.wait_dma2 semaphore(%run_scoped3A : memref<!tpu.dma_semaphore, #tpu.memory_space<semaphore_mem>>) src(%arg6 : memref<1568x64xf32, #tpu.memory_space<hbm>>) dst(%dma_wait3A_14 : memref<1568x64xf32, #tpu.memory_space<vmem_shared>>)
      tpu.yield
    }) : () -> ()
    "tpu.region"() ({
      %run_scoped3A = tpu.sem_alloc : memref<!tpu.dma_semaphore, #tpu.memory_space<semaphore_mem>>
      %dma_start3A = arith.constant 0 : i32
      %dma_start3A_13 = tpu.memref_slice %arg5[%arg0, %arg1, %dma_start3A] : memref<2x16x16xi32, #tpu.memory_space<hbm>> -> memref<1x1x16xi32, #tpu.memory_space<hbm>>
      %dma_start3A_14 = tpu.memref_squeeze %dma_start3A_13 : memref<1x1x16xi32, #tpu.memory_space<hbm>> -> memref<16xi32, #tpu.memory_space<hbm>>
      %dma_start3A_15 = arith.constant 0 : i32
      %dma_start3A_16 = tpu.memref_slice %arg5[%arg0, %arg1, %dma_start3A_15] : memref<2x16x16xi32, #tpu.memory_space<hbm>> -> memref<1x1x16xi32, #tpu.memory_space<hbm>>
      %dma_start3A_17 = tpu.memref_squeeze %dma_start3A_16 : memref<1x1x16xi32, #tpu.memory_space<hbm>> -> memref<16xi32, #tpu.memory_space<hbm>>
      tpu.enqueue_dma source(%dma_start3A_17 : memref<16xi32, #tpu.memory_space<hbm>>) target(%arg12 : memref<16xi32, #tpu.memory_space<vmem>>) target_semaphore(%run_scoped3A : memref<!tpu.dma_semaphore, #tpu.memory_space<semaphore_mem>>)
      %dma_wait3A = arith.constant 0 : i32
      %dma_wait3A_18 = tpu.memref_slice %arg5[%arg0, %arg1, %dma_wait3A] : memref<2x16x16xi32, #tpu.memory_space<hbm>> -> memref<1x1x16xi32, #tpu.memory_space<hbm>>
      %dma_wait3A_19 = tpu.memref_squeeze %dma_wait3A_18 : memref<1x1x16xi32, #tpu.memory_space<hbm>> -> memref<16xi32, #tpu.memory_space<hbm>>
      %dma_wait3A_20 = arith.constant 0 : i32
      %dma_wait3A_21 = tpu.memref_slice %arg5[%arg0, %arg1, %dma_wait3A_20] : memref<2x16x16xi32, #tpu.memory_space<hbm>> -> memref<1x1x16xi32, #tpu.memory_space<hbm>>
      %dma_wait3A_22 = tpu.memref_squeeze %dma_wait3A_21 : memref<1x1x16xi32, #tpu.memory_space<hbm>> -> memref<16xi32, #tpu.memory_space<hbm>>
      tpu.wait_dma2 semaphore(%run_scoped3A : memref<!tpu.dma_semaphore, #tpu.memory_space<semaphore_mem>>) src(%dma_wait3A_22 : memref<16xi32, #tpu.memory_space<hbm>>) dst(%arg12 : memref<16xi32, #tpu.memory_space<vmem>>)
      tpu.yield
    }) : () -> ()
    %barrier3A = arith.constant 0 : index
    tpu.barrier barrier_id(%barrier3A)
    %scan3A = arith.constant 0 : i32
    %scan3A_1 = arith.constant 0 : i32
    %scan3A_2 = arith.constant 9 : i32
    %scan3A_3 = arith.addi %scan3A_1, %scan3A_2 : i32
    %scan3A_4 = arith.constant 1 : i32
    scf.for %scan3A_13 = %scan3A_1 to %scan3A_3 step %scan3A_4  : i32 {
      %mul3A_14 = arith.constant 24 : i32
      %mul3A_15 = arith.muli %scan3A_13, %mul3A_14 : i32
      "tpu.region"() ({
        %run_scoped3A = tpu.sem_alloc : memref<!tpu.dma_semaphore, #tpu.memory_space<semaphore_mem>>
        %dma_start3A_35 = arith.constant 0 : i32
        %dma_start3A_36 = tpu.memref_slice %arg3[%arg0, %arg1, %mul3A_15, %dma_start3A_35] : memref<2x16x416x128xi32, #tpu.memory_space<hbm>> -> memref<1x1x24x128xi32, #tpu.memory_space<hbm>>
        %dma_start3A_37 = tpu.memref_squeeze %dma_start3A_36 : memref<1x1x24x128xi32, #tpu.memory_space<hbm>> -> memref<24x128xi32, #tpu.memory_space<hbm>>
        %dma_start3A_38 = arith.constant 0 : i32
        %dma_start3A_39 = tpu.memref_slice %arg3[%arg0, %arg1, %mul3A_15, %dma_start3A_38] : memref<2x16x416x128xi32, #tpu.memory_space<hbm>> -> memref<1x1x24x128xi32, #tpu.memory_space<hbm>>
        %dma_start3A_40 = tpu.memref_squeeze %dma_start3A_39 : memref<1x1x24x128xi32, #tpu.memory_space<hbm>> -> memref<24x128xi32, #tpu.memory_space<hbm>>
        tpu.enqueue_dma source(%dma_start3A_40 : memref<24x128xi32, #tpu.memory_space<hbm>>) target(%arg9 : memref<24x128xi32, #tpu.memory_space<vmem>>) target_semaphore(%run_scoped3A : memref<!tpu.dma_semaphore, #tpu.memory_space<semaphore_mem>>)
        %dma_wait3A = arith.constant 0 : i32
        %dma_wait3A_41 = tpu.memref_slice %arg3[%arg0, %arg1, %mul3A_15, %dma_wait3A] : memref<2x16x416x128xi32, #tpu.memory_space<hbm>> -> memref<1x1x24x128xi32, #tpu.memory_space<hbm>>
        %dma_wait3A_42 = tpu.memref_squeeze %dma_wait3A_41 : memref<1x1x24x128xi32, #tpu.memory_space<hbm>> -> memref<24x128xi32, #tpu.memory_space<hbm>>
        %dma_wait3A_43 = arith.constant 0 : i32
        %dma_wait3A_44 = tpu.memref_slice %arg3[%arg0, %arg1, %mul3A_15, %dma_wait3A_43] : memref<2x16x416x128xi32, #tpu.memory_space<hbm>> -> memref<1x1x24x128xi32, #tpu.memory_space<hbm>>
        %dma_wait3A_45 = tpu.memref_squeeze %dma_wait3A_44 : memref<1x1x24x128xi32, #tpu.memory_space<hbm>> -> memref<24x128xi32, #tpu.memory_space<hbm>>
        tpu.wait_dma2 semaphore(%run_scoped3A : memref<!tpu.dma_semaphore, #tpu.memory_space<semaphore_mem>>) src(%dma_wait3A_45 : memref<24x128xi32, #tpu.memory_space<hbm>>) dst(%arg9 : memref<24x128xi32, #tpu.memory_space<vmem>>)
        tpu.yield
      }) : () -> ()
      %mul3A_16 = arith.constant 24 : i32
      %mul3A_17 = arith.muli %scan3A_13, %mul3A_16 : i32
      "tpu.region"() ({
        %run_scoped3A = tpu.sem_alloc : memref<!tpu.dma_semaphore, #tpu.memory_space<semaphore_mem>>
        %dma_start3A_35 = arith.constant 0 : i32
        %dma_start3A_36 = tpu.memref_slice %arg4[%arg0, %arg1, %mul3A_17, %dma_start3A_35] : memref<2x16x416x128xi32, #tpu.memory_space<hbm>> -> memref<1x1x24x128xi32, #tpu.memory_space<hbm>>
        %dma_start3A_37 = tpu.memref_squeeze %dma_start3A_36 : memref<1x1x24x128xi32, #tpu.memory_space<hbm>> -> memref<24x128xi32, #tpu.memory_space<hbm>>
        %dma_start3A_38 = arith.constant 0 : i32
        %dma_start3A_39 = tpu.memref_slice %arg4[%arg0, %arg1, %mul3A_17, %dma_start3A_38] : memref<2x16x416x128xi32, #tpu.memory_space<hbm>> -> memref<1x1x24x128xi32, #tpu.memory_space<hbm>>
        %dma_start3A_40 = tpu.memref_squeeze %dma_start3A_39 : memref<1x1x24x128xi32, #tpu.memory_space<hbm>> -> memref<24x128xi32, #tpu.memory_space<hbm>>
        tpu.enqueue_dma source(%dma_start3A_40 : memref<24x128xi32, #tpu.memory_space<hbm>>) target(%arg10 : memref<24x128xi32, #tpu.memory_space<vmem>>) target_semaphore(%run_scoped3A : memref<!tpu.dma_semaphore, #tpu.memory_space<semaphore_mem>>)
        %dma_wait3A = arith.constant 0 : i32
        %dma_wait3A_41 = tpu.memref_slice %arg4[%arg0, %arg1, %mul3A_17, %dma_wait3A] : memref<2x16x416x128xi32, #tpu.memory_space<hbm>> -> memref<1x1x24x128xi32, #tpu.memory_space<hbm>>
        %dma_wait3A_42 = tpu.memref_squeeze %dma_wait3A_41 : memref<1x1x24x128xi32, #tpu.memory_space<hbm>> -> memref<24x128xi32, #tpu.memory_space<hbm>>
        %dma_wait3A_43 = arith.constant 0 : i32
        %dma_wait3A_44 = tpu.memref_slice %arg4[%arg0, %arg1, %mul3A_17, %dma_wait3A_43] : memref<2x16x416x128xi32, #tpu.memory_space<hbm>> -> memref<1x1x24x128xi32, #tpu.memory_space<hbm>>
        %dma_wait3A_45 = tpu.memref_squeeze %dma_wait3A_44 : memref<1x1x24x128xi32, #tpu.memory_space<hbm>> -> memref<24x128xi32, #tpu.memory_space<hbm>>
        tpu.wait_dma2 semaphore(%run_scoped3A : memref<!tpu.dma_semaphore, #tpu.memory_space<semaphore_mem>>) src(%dma_wait3A_45 : memref<24x128xi32, #tpu.memory_space<hbm>>) dst(%arg10 : memref<24x128xi32, #tpu.memory_space<vmem>>)
        tpu.yield
      }) : () -> ()
      %dma_start3A = arith.constant 0 : i32
      %dma_start3A_18 = arith.constant 0 : i32
      %dma_start3A_19 = arith.constant 0 : i32
      %dma_start3A_20 = arith.constant 0 : i32
      %dma_start3A_21 = tpu.memref_slice %arg11[%dma_start3A_18, %dma_start3A_19, %dma_start3A_20] : memref<2x128x64xf32, #tpu.memory_space<vmem>> -> memref<1x128x64xf32, #tpu.memory_space<vmem>>
      %dma_start3A_22 = tpu.memref_squeeze %dma_start3A_21 : memref<1x128x64xf32, #tpu.memory_space<vmem>> -> memref<128x64xf32, #tpu.memory_space<vmem>>
      %dma_start3A_23 = arith.constant 0 : i32
      %dma_start3A_24 = tpu.memref_slice %arg9[%dma_start3A, %dma_start3A_23] : memref<24x128xi32, #tpu.memory_space<vmem>> -> memref<1x128xi32, #tpu.memory_space<vmem>>
      %dma_start3A_25 = tpu.memref_squeeze %dma_start3A_24 : memref<1x128xi32, #tpu.memory_space<vmem>> -> memref<128xi32, #tpu.memory_space<vmem>>
      %dma_start3A_26 = arith.constant 0 : i32
      %dma_start3A_27 = arith.constant 0 : i32
      %dma_start3A_28 = tpu.memref_slice %arg2[%dma_start3A_26, %dma_start3A_27] : memref<50000x64xf32, #tpu.memory_space<hbm>> -> memref<50000x64xf32, #tpu.memory_space<hbm>>
      tpu.enqueue_indirect_dma source(%dma_start3A_28 : memref<50000x64xf32, #tpu.memory_space<hbm>>) target(%dma_start3A_22 : memref<128x64xf32, #tpu.memory_space<vmem>>) offsets(%dma_start3A_25 : memref<128xi32, #tpu.memory_space<vmem>>) semaphore(%arg13 : memref<!tpu.dma_semaphore, #tpu.memory_space<semaphore_mem>>)
      %scan3A_29 = arith.constant 0 : i32
      %scan3A_30 = arith.constant 0 : i32
      %scan3A_31 = arith.constant 24 : i32
      %scan3A_32 = arith.addi %scan3A_30, %scan3A_31 : i32
      %scan3A_33 = arith.constant 1 : i32
      scf.for %scan3A_35 = %scan3A_30 to %scan3A_32 step %scan3A_33  : i32 {
        %rem3A = arith.constant 2 : i32
        %rem3A_36 = arith.remsi %scan3A_35, %rem3A : i32
        %dma_wait3A = arith.constant 0 : i32
        %dma_wait3A_37 = arith.constant 0 : i32
        %dma_wait3A_38 = tpu.memref_slice %arg11[%rem3A_36, %dma_wait3A, %dma_wait3A_37] : memref<2x128x64xf32, #tpu.memory_space<vmem>> -> memref<1x128x64xf32, #tpu.memory_space<vmem>>
        %dma_wait3A_39 = tpu.memref_squeeze %dma_wait3A_38 : memref<1x128x64xf32, #tpu.memory_space<vmem>> -> memref<128x64xf32, #tpu.memory_space<vmem>>
        %dma_wait3A_40 = arith.constant 0 : i32
        %dma_wait3A_41 = tpu.memref_slice %arg9[%scan3A_35, %dma_wait3A_40] : memref<24x128xi32, #tpu.memory_space<vmem>> -> memref<1x128xi32, #tpu.memory_space<vmem>>
        %dma_wait3A_42 = tpu.memref_squeeze %dma_wait3A_41 : memref<1x128xi32, #tpu.memory_space<vmem>> -> memref<128xi32, #tpu.memory_space<vmem>>
        %dma_wait3A_43 = arith.constant 0 : i32
        %dma_wait3A_44 = arith.constant 0 : i32
        %dma_wait3A_45 = tpu.memref_slice %arg2[%dma_wait3A_43, %dma_wait3A_44] : memref<50000x64xf32, #tpu.memory_space<hbm>> -> memref<50000x64xf32, #tpu.memory_space<hbm>>
        tpu.wait_indirect_dma semaphore(%arg13 : memref<!tpu.dma_semaphore, #tpu.memory_space<semaphore_mem>>) src(%dma_wait3A_45 : memref<50000x64xf32, #tpu.memory_space<hbm>>) dst(%dma_wait3A_39 : memref<128x64xf32, #tpu.memory_space<vmem>>)
        %add3A_46 = arith.constant 1 : i32
        %add3A_47 = arith.addi %scan3A_35, %add3A_46 : i32
        %lt3A = arith.constant 24 : i32
        %lt3A_48 = arith.cmpi slt, %add3A_47, %lt3A : i32
        %convert_element_type3A = arith.extui %lt3A_48 : i1 to i32
        %cond3A = arith.constant 0 : i32
        %cond3A_49 = arith.cmpi ne, %convert_element_type3A, %cond3A : i32
        scf.if %cond3A_49 {
          %add3A_50 = arith.constant 1 : i32
          %add3A_51 = arith.addi %scan3A_35, %add3A_50 : i32
          %sub3A = arith.constant 1 : i32
          %sub3A_52 = arith.subi %sub3A, %rem3A_36 : i32
          %dma_start3A_53 = arith.constant 0 : i32
          %dma_start3A_54 = arith.constant 0 : i32
          %dma_start3A_55 = tpu.memref_slice %arg11[%sub3A_52, %dma_start3A_53, %dma_start3A_54] : memref<2x128x64xf32, #tpu.memory_space<vmem>> -> memref<1x128x64xf32, #tpu.memory_space<vmem>>
          %dma_start3A_56 = tpu.memref_squeeze %dma_start3A_55 : memref<1x128x64xf32, #tpu.memory_space<vmem>> -> memref<128x64xf32, #tpu.memory_space<vmem>>
          %dma_start3A_57 = arith.constant 0 : i32
          %dma_start3A_58 = tpu.memref_slice %arg9[%add3A_51, %dma_start3A_57] : memref<24x128xi32, #tpu.memory_space<vmem>> -> memref<1x128xi32, #tpu.memory_space<vmem>>
          %dma_start3A_59 = tpu.memref_squeeze %dma_start3A_58 : memref<1x128xi32, #tpu.memory_space<vmem>> -> memref<128xi32, #tpu.memory_space<vmem>>
          %dma_start3A_60 = arith.constant 0 : i32
          %dma_start3A_61 = arith.constant 0 : i32
          %dma_start3A_62 = tpu.memref_slice %arg2[%dma_start3A_60, %dma_start3A_61] : memref<50000x64xf32, #tpu.memory_space<hbm>> -> memref<50000x64xf32, #tpu.memory_space<hbm>>
          tpu.enqueue_indirect_dma source(%dma_start3A_62 : memref<50000x64xf32, #tpu.memory_space<hbm>>) target(%dma_start3A_56 : memref<128x64xf32, #tpu.memory_space<vmem>>) offsets(%dma_start3A_59 : memref<128xi32, #tpu.memory_space<vmem>>) semaphore(%arg13 : memref<!tpu.dma_semaphore, #tpu.memory_space<semaphore_mem>>)
        } else {
        }
      }
      %scan3A_34 = arith.constant 24 : i32
    }
    %scan3A_5 = arith.constant 9 : i32
    %barrier3A_6 = arith.constant 0 : index
    tpu.barrier barrier_id(%barrier3A_6)
    %mul3A_7 = arith.constant 1564 : i32
    %mul3A_8 = arith.muli %arg1, %mul3A_7 : i32
    %mul3A_9 = arith.constant 25024 : i32
    %mul3A_10 = arith.muli %arg0, %mul3A_9 : i32
    %mul3A_11 = arith.constant 1564 : i32
    %mul3A_12 = arith.muli %arg1, %mul3A_11 : i32
    %add3A = arith.addi %mul3A_10, %mul3A_12 : i32
    "tpu.region"() ({
      %run_scoped3A = tpu.sem_alloc : memref<!tpu.dma_semaphore, #tpu.memory_space<semaphore_mem>>
      %dma_start3A = arith.constant 0 : i32
      %dma_start3A_13 = tpu.memref_slice %arg7[%add3A, %dma_start3A] : memref<50048x64xf32, #tpu.memory_space<hbm>> -> memref<1564x64xf32, #tpu.memory_space<hbm>>
      %dma_start3A_14 = arith.constant 0 : i32
      %dma_start3A_15 = tpu.memref_slice %arg8[%mul3A_8, %dma_start3A_14] : memref<25088x64xf32, #tpu.memory_space<vmem_shared>> -> memref<1564x64xf32, #tpu.memory_space<vmem_shared>>
      tpu.enqueue_dma source(%dma_start3A_15 : memref<1564x64xf32, #tpu.memory_space<vmem_shared>>) target(%dma_start3A_13 : memref<1564x64xf32, #tpu.memory_space<hbm>>) target_semaphore(%run_scoped3A : memref<!tpu.dma_semaphore, #tpu.memory_space<semaphore_mem>>)
      %dma_wait3A = arith.constant 0 : i32
      %dma_wait3A_16 = tpu.memref_slice %arg7[%add3A, %dma_wait3A] : memref<50048x64xf32, #tpu.memory_space<hbm>> -> memref<1564x64xf32, #tpu.memory_space<hbm>>
      %dma_wait3A_17 = arith.constant 0 : i32
      %dma_wait3A_18 = tpu.memref_slice %arg8[%mul3A_8, %dma_wait3A_17] : memref<25088x64xf32, #tpu.memory_space<vmem_shared>> -> memref<1564x64xf32, #tpu.memory_space<vmem_shared>>
      tpu.wait_dma2 semaphore(%run_scoped3A : memref<!tpu.dma_semaphore, #tpu.memory_space<semaphore_mem>>) src(%dma_wait3A_18 : memref<1564x64xf32, #tpu.memory_space<vmem_shared>>) dst(%dma_wait3A_16 : memref<1564x64xf32, #tpu.memory_space<hbm>>)
      tpu.yield
    }) : () -> ()
    return
  }
}

#map = affine_map<(d0, d1) -> (0, 0)>
#map1 = affine_map<(d0, d1) -> (0, 0, 0, 0)>
#map2 = affine_map<(d0, d1) -> (0, 0, 0)>
module attributes {stable_mosaic.version = 14 : i64} {
  func.func @_sc_body(%arg0: i32, %arg1: i32, %arg2: memref<50000x64xf32, #tpu.memory_space<hbm>>, %arg3: memref<2x16x416x128xi32, #tpu.memory_space<hbm>>, %arg4: memref<2x16x416x128xi32, #tpu.memory_space<hbm>>, %arg5: memref<2x16x16xi32, #tpu.memory_space<hbm>>, %arg6: memref<1568x64xf32, #tpu.memory_space<hbm>>, %arg7: memref<50048x64xf32, #tpu.memory_space<hbm>>, %arg8: memref<25088x64xf32, #tpu.memory_space<vmem_shared>>, %arg9: memref<24x128xi32, #tpu.memory_space<vmem>>, %arg10: memref<24x128xi32, #tpu.memory_space<vmem>>, %arg11: memref<2x128x64xf32, #tpu.memory_space<vmem>>, %arg12: memref<16xi32, #tpu.memory_space<vmem>>, %arg13: memref<!tpu.dma_semaphore, #tpu.memory_space<semaphore_mem>>) attributes {dimension_semantics = [#tpu.dimension_semantics<core_parallel>, #tpu.dimension_semantics<subcore_parallel>], iteration_bounds = array<i64: 2, 16>, scalar_prefetch = 0 : i64, scratch_operands = 6 : i64, tpu.core_type = #tpu.core_type<sc_vector_subcore>, window_params = [{transform_indices = #map}, {transform_indices = #map1}, {transform_indices = #map1}, {transform_indices = #map2}, {transform_indices = #map}, {transform_indices = #map}]} {
    %mul3A = arith.constant 1568 : i32
    %mul3A_0 = arith.muli %arg1, %mul3A : i32
    "tpu.region"() ({
      %run_scoped3A = tpu.sem_alloc : memref<!tpu.dma_semaphore, #tpu.memory_space<semaphore_mem>>
      %dma_start3A = arith.constant 0 : i32
      %dma_start3A_13 = tpu.memref_slice %arg8[%mul3A_0, %dma_start3A] : memref<25088x64xf32, #tpu.memory_space<vmem_shared>> -> memref<1568x64xf32, #tpu.memory_space<vmem_shared>>
      tpu.enqueue_dma source(%arg6 : memref<1568x64xf32, #tpu.memory_space<hbm>>) target(%dma_start3A_13 : memref<1568x64xf32, #tpu.memory_space<vmem_shared>>) target_semaphore(%run_scoped3A : memref<!tpu.dma_semaphore, #tpu.memory_space<semaphore_mem>>)
      %dma_wait3A = arith.constant 0 : i32
      %dma_wait3A_14 = tpu.memref_slice %arg8[%mul3A_0, %dma_wait3A] : memref<25088x64xf32, #tpu.memory_space<vmem_shared>> -> memref<1568x64xf32, #tpu.memory_space<vmem_shared>>
      tpu.wait_dma2 semaphore(%run_scoped3A : memref<!tpu.dma_semaphore, #tpu.memory_space<semaphore_mem>>) src(%arg6 : memref<1568x64xf32, #tpu.memory_space<hbm>>) dst(%dma_wait3A_14 : memref<1568x64xf32, #tpu.memory_space<vmem_shared>>)
      tpu.yield
    }) : () -> ()
    "tpu.region"() ({
      %run_scoped3A = tpu.sem_alloc : memref<!tpu.dma_semaphore, #tpu.memory_space<semaphore_mem>>
      %dma_start3A = arith.constant 0 : i32
      %dma_start3A_13 = tpu.memref_slice %arg5[%arg0, %arg1, %dma_start3A] : memref<2x16x16xi32, #tpu.memory_space<hbm>> -> memref<1x1x16xi32, #tpu.memory_space<hbm>>
      %dma_start3A_14 = tpu.memref_squeeze %dma_start3A_13 : memref<1x1x16xi32, #tpu.memory_space<hbm>> -> memref<16xi32, #tpu.memory_space<hbm>>
      %dma_start3A_15 = arith.constant 0 : i32
      %dma_start3A_16 = tpu.memref_slice %arg5[%arg0, %arg1, %dma_start3A_15] : memref<2x16x16xi32, #tpu.memory_space<hbm>> -> memref<1x1x16xi32, #tpu.memory_space<hbm>>
      %dma_start3A_17 = tpu.memref_squeeze %dma_start3A_16 : memref<1x1x16xi32, #tpu.memory_space<hbm>> -> memref<16xi32, #tpu.memory_space<hbm>>
      tpu.enqueue_dma source(%dma_start3A_17 : memref<16xi32, #tpu.memory_space<hbm>>) target(%arg12 : memref<16xi32, #tpu.memory_space<vmem>>) target_semaphore(%run_scoped3A : memref<!tpu.dma_semaphore, #tpu.memory_space<semaphore_mem>>)
      %dma_wait3A = arith.constant 0 : i32
      %dma_wait3A_18 = tpu.memref_slice %arg5[%arg0, %arg1, %dma_wait3A] : memref<2x16x16xi32, #tpu.memory_space<hbm>> -> memref<1x1x16xi32, #tpu.memory_space<hbm>>
      %dma_wait3A_19 = tpu.memref_squeeze %dma_wait3A_18 : memref<1x1x16xi32, #tpu.memory_space<hbm>> -> memref<16xi32, #tpu.memory_space<hbm>>
      %dma_wait3A_20 = arith.constant 0 : i32
      %dma_wait3A_21 = tpu.memref_slice %arg5[%arg0, %arg1, %dma_wait3A_20] : memref<2x16x16xi32, #tpu.memory_space<hbm>> -> memref<1x1x16xi32, #tpu.memory_space<hbm>>
      %dma_wait3A_22 = tpu.memref_squeeze %dma_wait3A_21 : memref<1x1x16xi32, #tpu.memory_space<hbm>> -> memref<16xi32, #tpu.memory_space<hbm>>
      tpu.wait_dma2 semaphore(%run_scoped3A : memref<!tpu.dma_semaphore, #tpu.memory_space<semaphore_mem>>) src(%dma_wait3A_22 : memref<16xi32, #tpu.memory_space<hbm>>) dst(%arg12 : memref<16xi32, #tpu.memory_space<vmem>>)
      tpu.yield
    }) : () -> ()
    %barrier3A = arith.constant 0 : index
    tpu.barrier barrier_id(%barrier3A)
    %scan3A = arith.constant 0 : i32
    %scan3A_1 = arith.constant 0 : i32
    %scan3A_2 = arith.constant 9 : i32
    %scan3A_3 = arith.addi %scan3A_1, %scan3A_2 : i32
    %scan3A_4 = arith.constant 1 : i32
    scf.for %scan3A_13 = %scan3A_1 to %scan3A_3 step %scan3A_4  : i32 {
      %mul3A_14 = arith.constant 24 : i32
      %mul3A_15 = arith.muli %scan3A_13, %mul3A_14 : i32
      "tpu.region"() ({
        %run_scoped3A = tpu.sem_alloc : memref<!tpu.dma_semaphore, #tpu.memory_space<semaphore_mem>>
        %dma_start3A_35 = arith.constant 0 : i32
        %dma_start3A_36 = tpu.memref_slice %arg3[%arg0, %arg1, %mul3A_15, %dma_start3A_35] : memref<2x16x416x128xi32, #tpu.memory_space<hbm>> -> memref<1x1x24x128xi32, #tpu.memory_space<hbm>>
        %dma_start3A_37 = tpu.memref_squeeze %dma_start3A_36 : memref<1x1x24x128xi32, #tpu.memory_space<hbm>> -> memref<24x128xi32, #tpu.memory_space<hbm>>
        %dma_start3A_38 = arith.constant 0 : i32
        %dma_start3A_39 = tpu.memref_slice %arg3[%arg0, %arg1, %mul3A_15, %dma_start3A_38] : memref<2x16x416x128xi32, #tpu.memory_space<hbm>> -> memref<1x1x24x128xi32, #tpu.memory_space<hbm>>
        %dma_start3A_40 = tpu.memref_squeeze %dma_start3A_39 : memref<1x1x24x128xi32, #tpu.memory_space<hbm>> -> memref<24x128xi32, #tpu.memory_space<hbm>>
        tpu.enqueue_dma source(%dma_start3A_40 : memref<24x128xi32, #tpu.memory_space<hbm>>) target(%arg9 : memref<24x128xi32, #tpu.memory_space<vmem>>) target_semaphore(%run_scoped3A : memref<!tpu.dma_semaphore, #tpu.memory_space<semaphore_mem>>)
        %dma_wait3A = arith.constant 0 : i32
        %dma_wait3A_41 = tpu.memref_slice %arg3[%arg0, %arg1, %mul3A_15, %dma_wait3A] : memref<2x16x416x128xi32, #tpu.memory_space<hbm>> -> memref<1x1x24x128xi32, #tpu.memory_space<hbm>>
        %dma_wait3A_42 = tpu.memref_squeeze %dma_wait3A_41 : memref<1x1x24x128xi32, #tpu.memory_space<hbm>> -> memref<24x128xi32, #tpu.memory_space<hbm>>
        %dma_wait3A_43 = arith.constant 0 : i32
        %dma_wait3A_44 = tpu.memref_slice %arg3[%arg0, %arg1, %mul3A_15, %dma_wait3A_43] : memref<2x16x416x128xi32, #tpu.memory_space<hbm>> -> memref<1x1x24x128xi32, #tpu.memory_space<hbm>>
        %dma_wait3A_45 = tpu.memref_squeeze %dma_wait3A_44 : memref<1x1x24x128xi32, #tpu.memory_space<hbm>> -> memref<24x128xi32, #tpu.memory_space<hbm>>
        tpu.wait_dma2 semaphore(%run_scoped3A : memref<!tpu.dma_semaphore, #tpu.memory_space<semaphore_mem>>) src(%dma_wait3A_45 : memref<24x128xi32, #tpu.memory_space<hbm>>) dst(%arg9 : memref<24x128xi32, #tpu.memory_space<vmem>>)
        tpu.yield
      }) : () -> ()
      %mul3A_16 = arith.constant 24 : i32
      %mul3A_17 = arith.muli %scan3A_13, %mul3A_16 : i32
      "tpu.region"() ({
        %run_scoped3A = tpu.sem_alloc : memref<!tpu.dma_semaphore, #tpu.memory_space<semaphore_mem>>
        %dma_start3A_35 = arith.constant 0 : i32
        %dma_start3A_36 = tpu.memref_slice %arg4[%arg0, %arg1, %mul3A_17, %dma_start3A_35] : memref<2x16x416x128xi32, #tpu.memory_space<hbm>> -> memref<1x1x24x128xi32, #tpu.memory_space<hbm>>
        %dma_start3A_37 = tpu.memref_squeeze %dma_start3A_36 : memref<1x1x24x128xi32, #tpu.memory_space<hbm>> -> memref<24x128xi32, #tpu.memory_space<hbm>>
        %dma_start3A_38 = arith.constant 0 : i32
        %dma_start3A_39 = tpu.memref_slice %arg4[%arg0, %arg1, %mul3A_17, %dma_start3A_38] : memref<2x16x416x128xi32, #tpu.memory_space<hbm>> -> memref<1x1x24x128xi32, #tpu.memory_space<hbm>>
        %dma_start3A_40 = tpu.memref_squeeze %dma_start3A_39 : memref<1x1x24x128xi32, #tpu.memory_space<hbm>> -> memref<24x128xi32, #tpu.memory_space<hbm>>
        tpu.enqueue_dma source(%dma_start3A_40 : memref<24x128xi32, #tpu.memory_space<hbm>>) target(%arg10 : memref<24x128xi32, #tpu.memory_space<vmem>>) target_semaphore(%run_scoped3A : memref<!tpu.dma_semaphore, #tpu.memory_space<semaphore_mem>>)
        %dma_wait3A = arith.constant 0 : i32
        %dma_wait3A_41 = tpu.memref_slice %arg4[%arg0, %arg1, %mul3A_17, %dma_wait3A] : memref<2x16x416x128xi32, #tpu.memory_space<hbm>> -> memref<1x1x24x128xi32, #tpu.memory_space<hbm>>
        %dma_wait3A_42 = tpu.memref_squeeze %dma_wait3A_41 : memref<1x1x24x128xi32, #tpu.memory_space<hbm>> -> memref<24x128xi32, #tpu.memory_space<hbm>>
        %dma_wait3A_43 = arith.constant 0 : i32
        %dma_wait3A_44 = tpu.memref_slice %arg4[%arg0, %arg1, %mul3A_17, %dma_wait3A_43] : memref<2x16x416x128xi32, #tpu.memory_space<hbm>> -> memref<1x1x24x128xi32, #tpu.memory_space<hbm>>
        %dma_wait3A_45 = tpu.memref_squeeze %dma_wait3A_44 : memref<1x1x24x128xi32, #tpu.memory_space<hbm>> -> memref<24x128xi32, #tpu.memory_space<hbm>>
        tpu.wait_dma2 semaphore(%run_scoped3A : memref<!tpu.dma_semaphore, #tpu.memory_space<semaphore_mem>>) src(%dma_wait3A_45 : memref<24x128xi32, #tpu.memory_space<hbm>>) dst(%arg10 : memref<24x128xi32, #tpu.memory_space<vmem>>)
        tpu.yield
      }) : () -> ()
      %dma_start3A = arith.constant 0 : i32
      %dma_start3A_18 = arith.constant 0 : i32
      %dma_start3A_19 = arith.constant 0 : i32
      %dma_start3A_20 = arith.constant 0 : i32
      %dma_start3A_21 = tpu.memref_slice %arg11[%dma_start3A_18, %dma_start3A_19, %dma_start3A_20] : memref<2x128x64xf32, #tpu.memory_space<vmem>> -> memref<1x128x64xf32, #tpu.memory_space<vmem>>
      %dma_start3A_22 = tpu.memref_squeeze %dma_start3A_21 : memref<1x128x64xf32, #tpu.memory_space<vmem>> -> memref<128x64xf32, #tpu.memory_space<vmem>>
      %dma_start3A_23 = arith.constant 0 : i32
      %dma_start3A_24 = tpu.memref_slice %arg9[%dma_start3A, %dma_start3A_23] : memref<24x128xi32, #tpu.memory_space<vmem>> -> memref<1x128xi32, #tpu.memory_space<vmem>>
      %dma_start3A_25 = tpu.memref_squeeze %dma_start3A_24 : memref<1x128xi32, #tpu.memory_space<vmem>> -> memref<128xi32, #tpu.memory_space<vmem>>
      %dma_start3A_26 = arith.constant 0 : i32
      %dma_start3A_27 = arith.constant 0 : i32
      %dma_start3A_28 = tpu.memref_slice %arg2[%dma_start3A_26, %dma_start3A_27] : memref<50000x64xf32, #tpu.memory_space<hbm>> -> memref<50000x64xf32, #tpu.memory_space<hbm>>
      tpu.enqueue_indirect_dma source(%dma_start3A_28 : memref<50000x64xf32, #tpu.memory_space<hbm>>) target(%dma_start3A_22 : memref<128x64xf32, #tpu.memory_space<vmem>>) offsets(%dma_start3A_25 : memref<128xi32, #tpu.memory_space<vmem>>) semaphore(%arg13 : memref<!tpu.dma_semaphore, #tpu.memory_space<semaphore_mem>>)
      %scan3A_29 = arith.constant 0 : i32
      %scan3A_30 = arith.constant 0 : i32
      %scan3A_31 = arith.constant 24 : i32
      %scan3A_32 = arith.addi %scan3A_30, %scan3A_31 : i32
      %scan3A_33 = arith.constant 1 : i32
      scf.for %scan3A_35 = %scan3A_30 to %scan3A_32 step %scan3A_33  : i32 {
        %rem3A = arith.constant 2 : i32
        %rem3A_36 = arith.remsi %scan3A_35, %rem3A : i32
        %dma_wait3A = arith.constant 0 : i32
        %dma_wait3A_37 = arith.constant 0 : i32
        %dma_wait3A_38 = tpu.memref_slice %arg11[%rem3A_36, %dma_wait3A, %dma_wait3A_37] : memref<2x128x64xf32, #tpu.memory_space<vmem>> -> memref<1x128x64xf32, #tpu.memory_space<vmem>>
        %dma_wait3A_39 = tpu.memref_squeeze %dma_wait3A_38 : memref<1x128x64xf32, #tpu.memory_space<vmem>> -> memref<128x64xf32, #tpu.memory_space<vmem>>
        %dma_wait3A_40 = arith.constant 0 : i32
        %dma_wait3A_41 = tpu.memref_slice %arg9[%scan3A_35, %dma_wait3A_40] : memref<24x128xi32, #tpu.memory_space<vmem>> -> memref<1x128xi32, #tpu.memory_space<vmem>>
        %dma_wait3A_42 = tpu.memref_squeeze %dma_wait3A_41 : memref<1x128xi32, #tpu.memory_space<vmem>> -> memref<128xi32, #tpu.memory_space<vmem>>
        %dma_wait3A_43 = arith.constant 0 : i32
        %dma_wait3A_44 = arith.constant 0 : i32
        %dma_wait3A_45 = tpu.memref_slice %arg2[%dma_wait3A_43, %dma_wait3A_44] : memref<50000x64xf32, #tpu.memory_space<hbm>> -> memref<50000x64xf32, #tpu.memory_space<hbm>>
        tpu.wait_indirect_dma semaphore(%arg13 : memref<!tpu.dma_semaphore, #tpu.memory_space<semaphore_mem>>) src(%dma_wait3A_45 : memref<50000x64xf32, #tpu.memory_space<hbm>>) dst(%dma_wait3A_39 : memref<128x64xf32, #tpu.memory_space<vmem>>)
        %add3A_46 = arith.constant 1 : i32
        %add3A_47 = arith.addi %scan3A_35, %add3A_46 : i32
        %lt3A = arith.constant 24 : i32
        %lt3A_48 = arith.cmpi slt, %add3A_47, %lt3A : i32
        %convert_element_type3A = arith.extui %lt3A_48 : i1 to i32
        %cond3A = arith.constant 0 : i32
        %cond3A_49 = arith.cmpi ne, %convert_element_type3A, %cond3A : i32
        scf.if %cond3A_49 {
          %add3A_50 = arith.constant 1 : i32
          %add3A_51 = arith.addi %scan3A_35, %add3A_50 : i32
          %sub3A = arith.constant 1 : i32
          %sub3A_52 = arith.subi %sub3A, %rem3A_36 : i32
          %dma_start3A_53 = arith.constant 0 : i32
          %dma_start3A_54 = arith.constant 0 : i32
          %dma_start3A_55 = tpu.memref_slice %arg11[%sub3A_52, %dma_start3A_53, %dma_start3A_54] : memref<2x128x64xf32, #tpu.memory_space<vmem>> -> memref<1x128x64xf32, #tpu.memory_space<vmem>>
          %dma_start3A_56 = tpu.memref_squeeze %dma_start3A_55 : memref<1x128x64xf32, #tpu.memory_space<vmem>> -> memref<128x64xf32, #tpu.memory_space<vmem>>
          %dma_start3A_57 = arith.constant 0 : i32
          %dma_start3A_58 = tpu.memref_slice %arg9[%add3A_51, %dma_start3A_57] : memref<24x128xi32, #tpu.memory_space<vmem>> -> memref<1x128xi32, #tpu.memory_space<vmem>>
          %dma_start3A_59 = tpu.memref_squeeze %dma_start3A_58 : memref<1x128xi32, #tpu.memory_space<vmem>> -> memref<128xi32, #tpu.memory_space<vmem>>
          %dma_start3A_60 = arith.constant 0 : i32
          %dma_start3A_61 = arith.constant 0 : i32
          %dma_start3A_62 = tpu.memref_slice %arg2[%dma_start3A_60, %dma_start3A_61] : memref<50000x64xf32, #tpu.memory_space<hbm>> -> memref<50000x64xf32, #tpu.memory_space<hbm>>
          tpu.enqueue_indirect_dma source(%dma_start3A_62 : memref<50000x64xf32, #tpu.memory_space<hbm>>) target(%dma_start3A_56 : memref<128x64xf32, #tpu.memory_space<vmem>>) offsets(%dma_start3A_59 : memref<128xi32, #tpu.memory_space<vmem>>) semaphore(%arg13 : memref<!tpu.dma_semaphore, #tpu.memory_space<semaphore_mem>>)
        } else {
        }
      }
      %scan3A_34 = arith.constant 24 : i32
    }
    %scan3A_5 = arith.constant 9 : i32
    %barrier3A_6 = arith.constant 0 : index
    tpu.barrier barrier_id(%barrier3A_6)
    %mul3A_7 = arith.constant 1564 : i32
    %mul3A_8 = arith.muli %arg1, %mul3A_7 : i32
    %mul3A_9 = arith.constant 25024 : i32
    %mul3A_10 = arith.muli %arg0, %mul3A_9 : i32
    %mul3A_11 = arith.constant 1564 : i32
    %mul3A_12 = arith.muli %arg1, %mul3A_11 : i32
    %add3A = arith.addi %mul3A_10, %mul3A_12 : i32
    "tpu.region"() ({
      %run_scoped3A = tpu.sem_alloc : memref<!tpu.dma_semaphore, #tpu.memory_space<semaphore_mem>>
      %dma_start3A = arith.constant 0 : i32
      %dma_start3A_13 = tpu.memref_slice %arg7[%add3A, %dma_start3A] : memref<50048x64xf32, #tpu.memory_space<hbm>> -> memref<1564x64xf32, #tpu.memory_space<hbm>>
      %dma_start3A_14 = arith.constant 0 : i32
      %dma_start3A_15 = tpu.memref_slice %arg8[%mul3A_8, %dma_start3A_14] : memref<25088x64xf32, #tpu.memory_space<vmem_shared>> -> memref<1564x64xf32, #tpu.memory_space<vmem_shared>>
      tpu.enqueue_dma source(%dma_start3A_15 : memref<1564x64xf32, #tpu.memory_space<vmem_shared>>) target(%dma_start3A_13 : memref<1564x64xf32, #tpu.memory_space<hbm>>) target_semaphore(%run_scoped3A : memref<!tpu.dma_semaphore, #tpu.memory_space<semaphore_mem>>)
      %dma_wait3A = arith.constant 0 : i32
      %dma_wait3A_16 = tpu.memref_slice %arg7[%add3A, %dma_wait3A] : memref<50048x64xf32, #tpu.memory_space<hbm>> -> memref<1564x64xf32, #tpu.memory_space<hbm>>
      %dma_wait3A_17 = arith.constant 0 : i32
      %dma_wait3A_18 = tpu.memref_slice %arg8[%mul3A_8, %dma_wait3A_17] : memref<25088x64xf32, #tpu.memory_space<vmem_shared>> -> memref<1564x64xf32, #tpu.memory_space<vmem_shared>>
      tpu.wait_dma2 semaphore(%run_scoped3A : memref<!tpu.dma_semaphore, #tpu.memory_space<semaphore_mem>>) src(%dma_wait3A_18 : memref<1564x64xf32, #tpu.memory_space<vmem_shared>>) dst(%dma_wait3A_16 : memref<1564x64xf32, #tpu.memory_space<hbm>>)
      tpu.yield
    }) : () -> ()
    return
  }
}

#map = affine_map<(d0, d1) -> (0, 0)>
#map1 = affine_map<(d0, d1) -> (0, 0, 0, 0)>
#map2 = affine_map<(d0, d1) -> (0, 0, 0)>
module attributes {stable_mosaic.version = 14 : i64} {
  func.func @_sc_body(%arg0: i32, %arg1: i32, %arg2: memref<50000x64xf32, #tpu.memory_space<hbm>>, %arg3: memref<2x16x416x128xi32, #tpu.memory_space<hbm>>, %arg4: memref<2x16x416x128xi32, #tpu.memory_space<hbm>>, %arg5: memref<2x16x16xi32, #tpu.memory_space<hbm>>, %arg6: memref<1568x64xf32, #tpu.memory_space<hbm>>, %arg7: memref<50048x64xf32, #tpu.memory_space<hbm>>, %arg8: memref<25088x64xf32, #tpu.memory_space<vmem_shared>>, %arg9: memref<24x128xi32, #tpu.memory_space<vmem>>, %arg10: memref<24x128xi32, #tpu.memory_space<vmem>>, %arg11: memref<2x128x64xf32, #tpu.memory_space<vmem>>, %arg12: memref<16xi32, #tpu.memory_space<vmem>>, %arg13: memref<!tpu.dma_semaphore, #tpu.memory_space<semaphore_mem>>) attributes {dimension_semantics = [#tpu.dimension_semantics<core_parallel>, #tpu.dimension_semantics<subcore_parallel>], iteration_bounds = array<i64: 2, 16>, scalar_prefetch = 0 : i64, scratch_operands = 6 : i64, tpu.core_type = #tpu.core_type<sc_vector_subcore>, window_params = [{transform_indices = #map}, {transform_indices = #map1}, {transform_indices = #map1}, {transform_indices = #map2}, {transform_indices = #map}, {transform_indices = #map}]} {
    %mul3A = arith.constant 1568 : i32
    %mul3A_0 = arith.muli %arg1, %mul3A : i32
    "tpu.region"() ({
      %run_scoped3A = tpu.sem_alloc : memref<!tpu.dma_semaphore, #tpu.memory_space<semaphore_mem>>
      %dma_start3A = arith.constant 0 : i32
      %dma_start3A_13 = tpu.memref_slice %arg8[%mul3A_0, %dma_start3A] : memref<25088x64xf32, #tpu.memory_space<vmem_shared>> -> memref<1568x64xf32, #tpu.memory_space<vmem_shared>>
      tpu.enqueue_dma source(%arg6 : memref<1568x64xf32, #tpu.memory_space<hbm>>) target(%dma_start3A_13 : memref<1568x64xf32, #tpu.memory_space<vmem_shared>>) target_semaphore(%run_scoped3A : memref<!tpu.dma_semaphore, #tpu.memory_space<semaphore_mem>>)
      %dma_wait3A = arith.constant 0 : i32
      %dma_wait3A_14 = tpu.memref_slice %arg8[%mul3A_0, %dma_wait3A] : memref<25088x64xf32, #tpu.memory_space<vmem_shared>> -> memref<1568x64xf32, #tpu.memory_space<vmem_shared>>
      tpu.wait_dma2 semaphore(%run_scoped3A : memref<!tpu.dma_semaphore, #tpu.memory_space<semaphore_mem>>) src(%arg6 : memref<1568x64xf32, #tpu.memory_space<hbm>>) dst(%dma_wait3A_14 : memref<1568x64xf32, #tpu.memory_space<vmem_shared>>)
      tpu.yield
    }) : () -> ()
    "tpu.region"() ({
      %run_scoped3A = tpu.sem_alloc : memref<!tpu.dma_semaphore, #tpu.memory_space<semaphore_mem>>
      %dma_start3A = arith.constant 0 : i32
      %dma_start3A_13 = tpu.memref_slice %arg5[%arg0, %arg1, %dma_start3A] : memref<2x16x16xi32, #tpu.memory_space<hbm>> -> memref<1x1x16xi32, #tpu.memory_space<hbm>>
      %dma_start3A_14 = tpu.memref_squeeze %dma_start3A_13 : memref<1x1x16xi32, #tpu.memory_space<hbm>> -> memref<16xi32, #tpu.memory_space<hbm>>
      %dma_start3A_15 = arith.constant 0 : i32
      %dma_start3A_16 = tpu.memref_slice %arg5[%arg0, %arg1, %dma_start3A_15] : memref<2x16x16xi32, #tpu.memory_space<hbm>> -> memref<1x1x16xi32, #tpu.memory_space<hbm>>
      %dma_start3A_17 = tpu.memref_squeeze %dma_start3A_16 : memref<1x1x16xi32, #tpu.memory_space<hbm>> -> memref<16xi32, #tpu.memory_space<hbm>>
      tpu.enqueue_dma source(%dma_start3A_17 : memref<16xi32, #tpu.memory_space<hbm>>) target(%arg12 : memref<16xi32, #tpu.memory_space<vmem>>) target_semaphore(%run_scoped3A : memref<!tpu.dma_semaphore, #tpu.memory_space<semaphore_mem>>)
      %dma_wait3A = arith.constant 0 : i32
      %dma_wait3A_18 = tpu.memref_slice %arg5[%arg0, %arg1, %dma_wait3A] : memref<2x16x16xi32, #tpu.memory_space<hbm>> -> memref<1x1x16xi32, #tpu.memory_space<hbm>>
      %dma_wait3A_19 = tpu.memref_squeeze %dma_wait3A_18 : memref<1x1x16xi32, #tpu.memory_space<hbm>> -> memref<16xi32, #tpu.memory_space<hbm>>
      %dma_wait3A_20 = arith.constant 0 : i32
      %dma_wait3A_21 = tpu.memref_slice %arg5[%arg0, %arg1, %dma_wait3A_20] : memref<2x16x16xi32, #tpu.memory_space<hbm>> -> memref<1x1x16xi32, #tpu.memory_space<hbm>>
      %dma_wait3A_22 = tpu.memref_squeeze %dma_wait3A_21 : memref<1x1x16xi32, #tpu.memory_space<hbm>> -> memref<16xi32, #tpu.memory_space<hbm>>
      tpu.wait_dma2 semaphore(%run_scoped3A : memref<!tpu.dma_semaphore, #tpu.memory_space<semaphore_mem>>) src(%dma_wait3A_22 : memref<16xi32, #tpu.memory_space<hbm>>) dst(%arg12 : memref<16xi32, #tpu.memory_space<vmem>>)
      tpu.yield
    }) : () -> ()
    %barrier3A = arith.constant 0 : index
    tpu.barrier barrier_id(%barrier3A)
    %scan3A = arith.constant 0 : i32
    %scan3A_1 = arith.constant 0 : i32
    %scan3A_2 = arith.constant 9 : i32
    %scan3A_3 = arith.addi %scan3A_1, %scan3A_2 : i32
    %scan3A_4 = arith.constant 1 : i32
    scf.for %scan3A_13 = %scan3A_1 to %scan3A_3 step %scan3A_4  : i32 {
      %mul3A_14 = arith.constant 24 : i32
      %mul3A_15 = arith.muli %scan3A_13, %mul3A_14 : i32
      "tpu.region"() ({
        %run_scoped3A = tpu.sem_alloc : memref<!tpu.dma_semaphore, #tpu.memory_space<semaphore_mem>>
        %dma_start3A_35 = arith.constant 0 : i32
        %dma_start3A_36 = tpu.memref_slice %arg3[%arg0, %arg1, %mul3A_15, %dma_start3A_35] : memref<2x16x416x128xi32, #tpu.memory_space<hbm>> -> memref<1x1x24x128xi32, #tpu.memory_space<hbm>>
        %dma_start3A_37 = tpu.memref_squeeze %dma_start3A_36 : memref<1x1x24x128xi32, #tpu.memory_space<hbm>> -> memref<24x128xi32, #tpu.memory_space<hbm>>
        %dma_start3A_38 = arith.constant 0 : i32
        %dma_start3A_39 = tpu.memref_slice %arg3[%arg0, %arg1, %mul3A_15, %dma_start3A_38] : memref<2x16x416x128xi32, #tpu.memory_space<hbm>> -> memref<1x1x24x128xi32, #tpu.memory_space<hbm>>
        %dma_start3A_40 = tpu.memref_squeeze %dma_start3A_39 : memref<1x1x24x128xi32, #tpu.memory_space<hbm>> -> memref<24x128xi32, #tpu.memory_space<hbm>>
        tpu.enqueue_dma source(%dma_start3A_40 : memref<24x128xi32, #tpu.memory_space<hbm>>) target(%arg9 : memref<24x128xi32, #tpu.memory_space<vmem>>) target_semaphore(%run_scoped3A : memref<!tpu.dma_semaphore, #tpu.memory_space<semaphore_mem>>)
        %dma_wait3A = arith.constant 0 : i32
        %dma_wait3A_41 = tpu.memref_slice %arg3[%arg0, %arg1, %mul3A_15, %dma_wait3A] : memref<2x16x416x128xi32, #tpu.memory_space<hbm>> -> memref<1x1x24x128xi32, #tpu.memory_space<hbm>>
        %dma_wait3A_42 = tpu.memref_squeeze %dma_wait3A_41 : memref<1x1x24x128xi32, #tpu.memory_space<hbm>> -> memref<24x128xi32, #tpu.memory_space<hbm>>
        %dma_wait3A_43 = arith.constant 0 : i32
        %dma_wait3A_44 = tpu.memref_slice %arg3[%arg0, %arg1, %mul3A_15, %dma_wait3A_43] : memref<2x16x416x128xi32, #tpu.memory_space<hbm>> -> memref<1x1x24x128xi32, #tpu.memory_space<hbm>>
        %dma_wait3A_45 = tpu.memref_squeeze %dma_wait3A_44 : memref<1x1x24x128xi32, #tpu.memory_space<hbm>> -> memref<24x128xi32, #tpu.memory_space<hbm>>
        tpu.wait_dma2 semaphore(%run_scoped3A : memref<!tpu.dma_semaphore, #tpu.memory_space<semaphore_mem>>) src(%dma_wait3A_45 : memref<24x128xi32, #tpu.memory_space<hbm>>) dst(%arg9 : memref<24x128xi32, #tpu.memory_space<vmem>>)
        tpu.yield
      }) : () -> ()
      %mul3A_16 = arith.constant 24 : i32
      %mul3A_17 = arith.muli %scan3A_13, %mul3A_16 : i32
      "tpu.region"() ({
        %run_scoped3A = tpu.sem_alloc : memref<!tpu.dma_semaphore, #tpu.memory_space<semaphore_mem>>
        %dma_start3A_35 = arith.constant 0 : i32
        %dma_start3A_36 = tpu.memref_slice %arg4[%arg0, %arg1, %mul3A_17, %dma_start3A_35] : memref<2x16x416x128xi32, #tpu.memory_space<hbm>> -> memref<1x1x24x128xi32, #tpu.memory_space<hbm>>
        %dma_start3A_37 = tpu.memref_squeeze %dma_start3A_36 : memref<1x1x24x128xi32, #tpu.memory_space<hbm>> -> memref<24x128xi32, #tpu.memory_space<hbm>>
        %dma_start3A_38 = arith.constant 0 : i32
        %dma_start3A_39 = tpu.memref_slice %arg4[%arg0, %arg1, %mul3A_17, %dma_start3A_38] : memref<2x16x416x128xi32, #tpu.memory_space<hbm>> -> memref<1x1x24x128xi32, #tpu.memory_space<hbm>>
        %dma_start3A_40 = tpu.memref_squeeze %dma_start3A_39 : memref<1x1x24x128xi32, #tpu.memory_space<hbm>> -> memref<24x128xi32, #tpu.memory_space<hbm>>
        tpu.enqueue_dma source(%dma_start3A_40 : memref<24x128xi32, #tpu.memory_space<hbm>>) target(%arg10 : memref<24x128xi32, #tpu.memory_space<vmem>>) target_semaphore(%run_scoped3A : memref<!tpu.dma_semaphore, #tpu.memory_space<semaphore_mem>>)
        %dma_wait3A = arith.constant 0 : i32
        %dma_wait3A_41 = tpu.memref_slice %arg4[%arg0, %arg1, %mul3A_17, %dma_wait3A] : memref<2x16x416x128xi32, #tpu.memory_space<hbm>> -> memref<1x1x24x128xi32, #tpu.memory_space<hbm>>
        %dma_wait3A_42 = tpu.memref_squeeze %dma_wait3A_41 : memref<1x1x24x128xi32, #tpu.memory_space<hbm>> -> memref<24x128xi32, #tpu.memory_space<hbm>>
        %dma_wait3A_43 = arith.constant 0 : i32
        %dma_wait3A_44 = tpu.memref_slice %arg4[%arg0, %arg1, %mul3A_17, %dma_wait3A_43] : memref<2x16x416x128xi32, #tpu.memory_space<hbm>> -> memref<1x1x24x128xi32, #tpu.memory_space<hbm>>
        %dma_wait3A_45 = tpu.memref_squeeze %dma_wait3A_44 : memref<1x1x24x128xi32, #tpu.memory_space<hbm>> -> memref<24x128xi32, #tpu.memory_space<hbm>>
        tpu.wait_dma2 semaphore(%run_scoped3A : memref<!tpu.dma_semaphore, #tpu.memory_space<semaphore_mem>>) src(%dma_wait3A_45 : memref<24x128xi32, #tpu.memory_space<hbm>>) dst(%arg10 : memref<24x128xi32, #tpu.memory_space<vmem>>)
        tpu.yield
      }) : () -> ()
      %dma_start3A = arith.constant 0 : i32
      %dma_start3A_18 = arith.constant 0 : i32
      %dma_start3A_19 = arith.constant 0 : i32
      %dma_start3A_20 = arith.constant 0 : i32
      %dma_start3A_21 = tpu.memref_slice %arg11[%dma_start3A_18, %dma_start3A_19, %dma_start3A_20] : memref<2x128x64xf32, #tpu.memory_space<vmem>> -> memref<1x128x64xf32, #tpu.memory_space<vmem>>
      %dma_start3A_22 = tpu.memref_squeeze %dma_start3A_21 : memref<1x128x64xf32, #tpu.memory_space<vmem>> -> memref<128x64xf32, #tpu.memory_space<vmem>>
      %dma_start3A_23 = arith.constant 0 : i32
      %dma_start3A_24 = tpu.memref_slice %arg9[%dma_start3A, %dma_start3A_23] : memref<24x128xi32, #tpu.memory_space<vmem>> -> memref<1x128xi32, #tpu.memory_space<vmem>>
      %dma_start3A_25 = tpu.memref_squeeze %dma_start3A_24 : memref<1x128xi32, #tpu.memory_space<vmem>> -> memref<128xi32, #tpu.memory_space<vmem>>
      %dma_start3A_26 = arith.constant 0 : i32
      %dma_start3A_27 = arith.constant 0 : i32
      %dma_start3A_28 = tpu.memref_slice %arg2[%dma_start3A_26, %dma_start3A_27] : memref<50000x64xf32, #tpu.memory_space<hbm>> -> memref<50000x64xf32, #tpu.memory_space<hbm>>
      tpu.enqueue_indirect_dma source(%dma_start3A_28 : memref<50000x64xf32, #tpu.memory_space<hbm>>) target(%dma_start3A_22 : memref<128x64xf32, #tpu.memory_space<vmem>>) offsets(%dma_start3A_25 : memref<128xi32, #tpu.memory_space<vmem>>) semaphore(%arg13 : memref<!tpu.dma_semaphore, #tpu.memory_space<semaphore_mem>>)
      %scan3A_29 = arith.constant 0 : i32
      %scan3A_30 = arith.constant 0 : i32
      %scan3A_31 = arith.constant 24 : i32
      %scan3A_32 = arith.addi %scan3A_30, %scan3A_31 : i32
      %scan3A_33 = arith.constant 1 : i32
      scf.for %scan3A_35 = %scan3A_30 to %scan3A_32 step %scan3A_33  : i32 {
        %rem3A = arith.constant 2 : i32
        %rem3A_36 = arith.remsi %scan3A_35, %rem3A : i32
        %dma_wait3A = arith.constant 0 : i32
        %dma_wait3A_37 = arith.constant 0 : i32
        %dma_wait3A_38 = tpu.memref_slice %arg11[%rem3A_36, %dma_wait3A, %dma_wait3A_37] : memref<2x128x64xf32, #tpu.memory_space<vmem>> -> memref<1x128x64xf32, #tpu.memory_space<vmem>>
        %dma_wait3A_39 = tpu.memref_squeeze %dma_wait3A_38 : memref<1x128x64xf32, #tpu.memory_space<vmem>> -> memref<128x64xf32, #tpu.memory_space<vmem>>
        %dma_wait3A_40 = arith.constant 0 : i32
        %dma_wait3A_41 = tpu.memref_slice %arg9[%scan3A_35, %dma_wait3A_40] : memref<24x128xi32, #tpu.memory_space<vmem>> -> memref<1x128xi32, #tpu.memory_space<vmem>>
        %dma_wait3A_42 = tpu.memref_squeeze %dma_wait3A_41 : memref<1x128xi32, #tpu.memory_space<vmem>> -> memref<128xi32, #tpu.memory_space<vmem>>
        %dma_wait3A_43 = arith.constant 0 : i32
        %dma_wait3A_44 = arith.constant 0 : i32
        %dma_wait3A_45 = tpu.memref_slice %arg2[%dma_wait3A_43, %dma_wait3A_44] : memref<50000x64xf32, #tpu.memory_space<hbm>> -> memref<50000x64xf32, #tpu.memory_space<hbm>>
        tpu.wait_indirect_dma semaphore(%arg13 : memref<!tpu.dma_semaphore, #tpu.memory_space<semaphore_mem>>) src(%dma_wait3A_45 : memref<50000x64xf32, #tpu.memory_space<hbm>>) dst(%dma_wait3A_39 : memref<128x64xf32, #tpu.memory_space<vmem>>)
        %add3A_46 = arith.constant 1 : i32
        %add3A_47 = arith.addi %scan3A_35, %add3A_46 : i32
        %lt3A = arith.constant 24 : i32
        %lt3A_48 = arith.cmpi slt, %add3A_47, %lt3A : i32
        %convert_element_type3A = arith.extui %lt3A_48 : i1 to i32
        %cond3A = arith.constant 0 : i32
        %cond3A_49 = arith.cmpi ne, %convert_element_type3A, %cond3A : i32
        scf.if %cond3A_49 {
          %add3A_50 = arith.constant 1 : i32
          %add3A_51 = arith.addi %scan3A_35, %add3A_50 : i32
          %sub3A = arith.constant 1 : i32
          %sub3A_52 = arith.subi %sub3A, %rem3A_36 : i32
          %dma_start3A_53 = arith.constant 0 : i32
          %dma_start3A_54 = arith.constant 0 : i32
          %dma_start3A_55 = tpu.memref_slice %arg11[%sub3A_52, %dma_start3A_53, %dma_start3A_54] : memref<2x128x64xf32, #tpu.memory_space<vmem>> -> memref<1x128x64xf32, #tpu.memory_space<vmem>>
          %dma_start3A_56 = tpu.memref_squeeze %dma_start3A_55 : memref<1x128x64xf32, #tpu.memory_space<vmem>> -> memref<128x64xf32, #tpu.memory_space<vmem>>
          %dma_start3A_57 = arith.constant 0 : i32
          %dma_start3A_58 = tpu.memref_slice %arg9[%add3A_51, %dma_start3A_57] : memref<24x128xi32, #tpu.memory_space<vmem>> -> memref<1x128xi32, #tpu.memory_space<vmem>>
          %dma_start3A_59 = tpu.memref_squeeze %dma_start3A_58 : memref<1x128xi32, #tpu.memory_space<vmem>> -> memref<128xi32, #tpu.memory_space<vmem>>
          %dma_start3A_60 = arith.constant 0 : i32
          %dma_start3A_61 = arith.constant 0 : i32
          %dma_start3A_62 = tpu.memref_slice %arg2[%dma_start3A_60, %dma_start3A_61] : memref<50000x64xf32, #tpu.memory_space<hbm>> -> memref<50000x64xf32, #tpu.memory_space<hbm>>
          tpu.enqueue_indirect_dma source(%dma_start3A_62 : memref<50000x64xf32, #tpu.memory_space<hbm>>) target(%dma_start3A_56 : memref<128x64xf32, #tpu.memory_space<vmem>>) offsets(%dma_start3A_59 : memref<128xi32, #tpu.memory_space<vmem>>) semaphore(%arg13 : memref<!tpu.dma_semaphore, #tpu.memory_space<semaphore_mem>>)
        } else {
        }
      }
      %scan3A_34 = arith.constant 24 : i32
    }
    %scan3A_5 = arith.constant 9 : i32
    %barrier3A_6 = arith.constant 0 : index
    tpu.barrier barrier_id(%barrier3A_6)
    %mul3A_7 = arith.constant 1564 : i32
    %mul3A_8 = arith.muli %arg1, %mul3A_7 : i32
    %mul3A_9 = arith.constant 25024 : i32
    %mul3A_10 = arith.muli %arg0, %mul3A_9 : i32
    %mul3A_11 = arith.constant 1564 : i32
    %mul3A_12 = arith.muli %arg1, %mul3A_11 : i32
    %add3A = arith.addi %mul3A_10, %mul3A_12 : i32
    "tpu.region"() ({
      %run_scoped3A = tpu.sem_alloc : memref<!tpu.dma_semaphore, #tpu.memory_space<semaphore_mem>>
      %dma_start3A = arith.constant 0 : i32
      %dma_start3A_13 = tpu.memref_slice %arg7[%add3A, %dma_start3A] : memref<50048x64xf32, #tpu.memory_space<hbm>> -> memref<1564x64xf32, #tpu.memory_space<hbm>>
      %dma_start3A_14 = arith.constant 0 : i32
      %dma_start3A_15 = tpu.memref_slice %arg8[%mul3A_8, %dma_start3A_14] : memref<25088x64xf32, #tpu.memory_space<vmem_shared>> -> memref<1564x64xf32, #tpu.memory_space<vmem_shared>>
      tpu.enqueue_dma source(%dma_start3A_15 : memref<1564x64xf32, #tpu.memory_space<vmem_shared>>) target(%dma_start3A_13 : memref<1564x64xf32, #tpu.memory_space<hbm>>) target_semaphore(%run_scoped3A : memref<!tpu.dma_semaphore, #tpu.memory_space<semaphore_mem>>)
      %dma_wait3A = arith.constant 0 : i32
      %dma_wait3A_16 = tpu.memref_slice %arg7[%add3A, %dma_wait3A] : memref<50048x64xf32, #tpu.memory_space<hbm>> -> memref<1564x64xf32, #tpu.memory_space<hbm>>
      %dma_wait3A_17 = arith.constant 0 : i32
      %dma_wait3A_18 = tpu.memref_slice %arg8[%mul3A_8, %dma_wait3A_17] : memref<25088x64xf32, #tpu.memory_space<vmem_shared>> -> memref<1564x64xf32, #tpu.memory_space<vmem_shared>>
      tpu.wait_dma2 semaphore(%run_scoped3A : memref<!tpu.dma_semaphore, #tpu.memory_space<semaphore_mem>>) src(%dma_wait3A_18 : memref<1564x64xf32, #tpu.memory_space<vmem_shared>>) dst(%dma_wait3A_16 : memref<1564x64xf32, #tpu.memory_space<hbm>>)
      tpu.yield
    }) : () -> ()
    return
  }
}

module attributes {stable_mosaic.version = 14 : i64} {
  func.func @_embed_body(%arg0: i32, %arg1: memref<2000x20xf32, #tpu.memory_space<vmem>>, %arg2: memref<20x64xf32, #tpu.memory_space<vmem>>, %arg3: memref<1x64xf32, #tpu.memory_space<vmem>>, %arg4: memref<64x64xf32, #tpu.memory_space<vmem>>, %arg5: memref<2000x64xf32, #tpu.memory_space<vmem>>, %arg6: memref<2000x64xf32, #tpu.memory_space<vmem>>) attributes {dimension_semantics = [#tpu.dimension_semantics<arbitrary>], iteration_bounds = array<i64: 25>, scalar_prefetch = 0 : i64, scratch_operands = 0 : i64, tpu.core_type = #tpu.core_type<tc>, window_params = [{transform_indices = @transform_0, window_bounds = array<i64: 2000, 20>}, {pipeline_mode = #tpu.pipeline_mode<synchronous>, transform_indices = @transform_1, window_bounds = array<i64: 20, 64>}, {pipeline_mode = #tpu.pipeline_mode<synchronous>, transform_indices = @transform_2, window_bounds = array<i64: 1, 64>}, {pipeline_mode = #tpu.pipeline_mode<synchronous>, transform_indices = @transform_3, window_bounds = array<i64: 64, 64>}, {transform_indices = @transform_4, window_bounds = array<i64: 2000, 64>}, {transform_indices = @transform_5, window_bounds = array<i64: 2000, 64>}]} {
    %get3A = arith.constant 0 : index
    %get3A_0 = arith.constant 0 : index
    %get3A_1 = vector.load %arg1[%get3A, %get3A_0] : memref<2000x20xf32, #tpu.memory_space<vmem>>, vector<2000x20xf32>
    %get3A_2 = arith.constant 0 : index
    %get3A_3 = arith.constant 0 : index
    %get3A_4 = vector.load %arg2[%get3A_2, %get3A_3] : memref<20x64xf32, #tpu.memory_space<vmem>>, vector<20x64xf32>
    %dot_general3A = arith.constant dense<0.000000e+00> : vector<2000x64xf32>
    %dot_general3A_5 = tpu.matmul %get3A_1, %get3A_4, %dot_general3A {dimension_numbers = #tpu.dot_dimension_numbers<[1], [0], [0], [1], [0, 0, 1, 1], [], []>, transpose_lhs_hint = false} : vector<2000x20xf32>, vector<20x64xf32>, vector<2000x64xf32> -> vector<2000x64xf32>
    %get3A_6 = arith.constant 0 : index
    %get3A_7 = arith.constant 0 : index
    %get3A_8 = vector.load %arg3[%get3A_6, %get3A_7] : memref<1x64xf32, #tpu.memory_space<vmem>>, vector<1x64xf32>
    %add3A = vector.broadcast %get3A_8 : vector<1x64xf32> to vector<2000x64xf32>
    %add3A_9 = arith.addf %dot_general3A_5, %add3A : vector<2000x64xf32>
    %swap3A = arith.constant 0 : index
    %swap3A_10 = arith.constant 0 : index
    %swap3A_11 = vector.load %arg5[%swap3A, %swap3A_10] : memref<2000x64xf32, #tpu.memory_space<vmem>>, vector<2000x64xf32>
    tpu.vector_store %arg5[%swap3A, %swap3A_10], %add3A_9 {strides = array<i32>} : memref<2000x64xf32, #tpu.memory_space<vmem>>, vector<2000x64xf32>,
    %get3A_12 = arith.constant 0 : index
    %get3A_13 = arith.constant 0 : index
    %get3A_14 = vector.load %arg4[%get3A_12, %get3A_13] : memref<64x64xf32, #tpu.memory_space<vmem>>, vector<64x64xf32>
    %dot_general3A_15 = arith.constant dense<0.000000e+00> : vector<2000x64xf32>
    %dot_general3A_16 = tpu.matmul %add3A_9, %get3A_14, %dot_general3A_15 {dimension_numbers = #tpu.dot_dimension_numbers<[1], [0], [0], [1], [0, 0, 1, 1], [], []>, transpose_lhs_hint = false} : vector<2000x64xf32>, vector<64x64xf32>, vector<2000x64xf32> -> vector<2000x64xf32>
    %swap3A_17 = arith.constant 0 : index
    %swap3A_18 = arith.constant 0 : index
    %swap3A_19 = vector.load %arg6[%swap3A_17, %swap3A_18] : memref<2000x64xf32, #tpu.memory_space<vmem>>, vector<2000x64xf32>
    tpu.vector_store %arg6[%swap3A_17, %swap3A_18], %dot_general3A_16 {strides = array<i32>} : memref<2000x64xf32, #tpu.memory_space<vmem>>, vector<2000x64xf32>,
    return
  }
  func.func @transform_0(%arg0: i32) -> (i32, i32) {
    %c0_i32 = arith.constant 0 : i32
    %c0_i32_0 = arith.constant 0 : i32
    return %arg0, %c0_i32 : i32, i32
  }
  func.func @transform_1(%arg0: i32) -> (i32, i32) {
    %c0_i32 = arith.constant 0 : i32
    %c0_i32_0 = arith.constant 0 : i32
    %c0_i32_1 = arith.constant 0 : i32
    return %c0_i32, %c0_i32_0 : i32, i32
  }
  func.func @transform_2(%arg0: i32) -> (i32, i32) {
    %c0_i32 = arith.constant 0 : i32
    %c0_i32_0 = arith.constant 0 : i32
    %c0_i32_1 = arith.constant 0 : i32
    return %c0_i32, %c0_i32_0 : i32, i32
  }
  func.func @transform_3(%arg0: i32) -> (i32, i32) {
    %c0_i32 = arith.constant 0 : i32
    %c0_i32_0 = arith.constant 0 : i32
    %c0_i32_1 = arith.constant 0 : i32
    return %c0_i32, %c0_i32_0 : i32, i32
  }
  func.func @transform_4(%arg0: i32) -> (i32, i32) {
    %c0_i32 = arith.constant 0 : i32
    %c0_i32_0 = arith.constant 0 : i32
    return %arg0, %c0_i32 : i32, i32
  }
  func.func @transform_5(%arg0: i32) -> (i32, i32) {
    %c0_i32 = arith.constant 0 : i32
    %c0_i32_0 = arith.constant 0 : i32
    return %arg0, %c0_i32 : i32, i32
  }
}

module attributes {stable_mosaic.version = 14 : i64} {
  func.func @_layer_body_v(%arg0: i32, %arg1: memref<2000x64xf32, #tpu.memory_space<vmem>>, %arg2: memref<2000x64xf32, #tpu.memory_space<vmem>>, %arg3: memref<1x64xf32, #tpu.memory_space<vmem>>, %arg4: memref<1x64xf32, #tpu.memory_space<vmem>>, %arg5: memref<64x256xf32, #tpu.memory_space<vmem>>, %arg6: memref<1x256xf32, #tpu.memory_space<vmem>>, %arg7: memref<256x64xf32, #tpu.memory_space<vmem>>, %arg8: memref<1x64xf32, #tpu.memory_space<vmem>>, %arg9: memref<64x64xf32, #tpu.memory_space<vmem>>, %arg10: memref<2000x64xf32, #tpu.memory_space<vmem>>, %arg11: memref<2000x64xf32, #tpu.memory_space<vmem>>) attributes {dimension_semantics = [#tpu.dimension_semantics<arbitrary>], iteration_bounds = array<i64: 25>, scalar_prefetch = 0 : i64, scratch_operands = 0 : i64, tpu.core_type = #tpu.core_type<tc>, window_params = [{transform_indices = @transform_0, window_bounds = array<i64: 2000, 64>}, {transform_indices = @transform_1, window_bounds = array<i64: 2000, 64>}, {pipeline_mode = #tpu.pipeline_mode<synchronous>, transform_indices = @transform_2, window_bounds = array<i64: 1, 64>}, {pipeline_mode = #tpu.pipeline_mode<synchronous>, transform_indices = @transform_3, window_bounds = array<i64: 1, 64>}, {pipeline_mode = #tpu.pipeline_mode<synchronous>, transform_indices = @transform_4, window_bounds = array<i64: 64, 256>}, {pipeline_mode = #tpu.pipeline_mode<synchronous>, transform_indices = @transform_5, window_bounds = array<i64: 1, 256>}, {pipeline_mode = #tpu.pipeline_mode<synchronous>, transform_indices = @transform_6, window_bounds = array<i64: 256, 64>}, {pipeline_mode = #tpu.pipeline_mode<synchronous>, transform_indices = @transform_7, window_bounds = array<i64: 1, 64>}, {pipeline_mode = #tpu.pipeline_mode<synchronous>, transform_indices = @transform_8, window_bounds = array<i64: 64, 64>}, {transform_indices = @transform_9, window_bounds = array<i64: 2000, 64>}, {transform_indices = @transform_10, window_bounds = array<i64: 2000, 64>}]} {
    %get3A = arith.constant 0 : index
    %get3A_0 = arith.constant 0 : index
    %get3A_1 = vector.load %arg1[%get3A, %get3A_0] : memref<2000x64xf32, #tpu.memory_space<vmem>>, vector<2000x64xf32>
    %get3A_2 = arith.constant 0 : index
    %get3A_3 = arith.constant 0 : index
    %get3A_4 = vector.load %arg2[%get3A_2, %get3A_3] : memref<2000x64xf32, #tpu.memory_space<vmem>>, vector<2000x64xf32>
    %add3A = arith.addf %get3A_1, %get3A_4 : vector<2000x64xf32>
    %get3A_5 = arith.constant 0 : index
    %get3A_6 = arith.constant 0 : index
    %get3A_7 = vector.load %arg3[%get3A_5, %get3A_6] : memref<1x64xf32, #tpu.memory_space<vmem>>, vector<1x64xf32>
    %get3A_8 = arith.constant 0 : index
    %get3A_9 = arith.constant 0 : index
    %get3A_10 = vector.load %arg4[%get3A_8, %get3A_9] : memref<1x64xf32, #tpu.memory_space<vmem>>, vector<1x64xf32>
    %broadcast_in_dim3A = arith.constant 1.562500e-02 : f32
    %broadcast_in_dim3A_11 = vector.broadcast %broadcast_in_dim3A : f32 to vector<64x64xf32>
    %dot_general3A = arith.constant dense<0.000000e+00> : vector<2000x64xf32>
    %dot_general3A_12 = tpu.matmul %add3A, %broadcast_in_dim3A_11, %dot_general3A {dimension_numbers = #tpu.dot_dimension_numbers<[1], [0], [0], [1], [0, 0, 1, 1], [], []>, transpose_lhs_hint = false} : vector<2000x64xf32>, vector<64x64xf32>, vector<2000x64xf32> -> vector<2000x64xf32>
    %sub3A = arith.subf %add3A, %dot_general3A_12 : vector<2000x64xf32>
    %mul3A = arith.mulf %sub3A, %sub3A : vector<2000x64xf32>
    %dot_general3A_13 = arith.constant dense<0.000000e+00> : vector<2000x64xf32>
    %dot_general3A_14 = tpu.matmul %mul3A, %broadcast_in_dim3A_11, %dot_general3A_13 {dimension_numbers = #tpu.dot_dimension_numbers<[1], [0], [0], [1], [0, 0, 1, 1], [], []>, transpose_lhs_hint = false} : vector<2000x64xf32>, vector<64x64xf32>, vector<2000x64xf32> -> vector<2000x64xf32>
    %add3A_15 = arith.constant 9.99999974E-6 : f32
    %add3A_16 = vector.broadcast %add3A_15 : f32 to vector<2000x64xf32>
    %add3A_17 = arith.addf %dot_general3A_14, %add3A_16 : vector<2000x64xf32>
    %rsqrt3A = math.rsqrt %add3A_17 : vector<2000x64xf32>
    %mul3A_18 = arith.mulf %sub3A, %rsqrt3A : vector<2000x64xf32>
    %mul3A_19 = vector.broadcast %get3A_7 : vector<1x64xf32> to vector<2000x64xf32>
    %mul3A_20 = arith.mulf %mul3A_18, %mul3A_19 : vector<2000x64xf32>
    %add3A_21 = vector.broadcast %get3A_10 : vector<1x64xf32> to vector<2000x64xf32>
    %add3A_22 = arith.addf %mul3A_20, %add3A_21 : vector<2000x64xf32>
    %get3A_23 = arith.constant 0 : index
    %get3A_24 = arith.constant 0 : index
    %get3A_25 = vector.load %arg5[%get3A_23, %get3A_24] : memref<64x256xf32, #tpu.memory_space<vmem>>, vector<64x256xf32>
    %dot_general3A_26 = arith.constant dense<0.000000e+00> : vector<2000x256xf32>
    %dot_general3A_27 = tpu.matmul %add3A_22, %get3A_25, %dot_general3A_26 {dimension_numbers = #tpu.dot_dimension_numbers<[1], [0], [0], [1], [0, 0, 1, 1], [], []>, transpose_lhs_hint = false} : vector<2000x64xf32>, vector<64x256xf32>, vector<2000x256xf32> -> vector<2000x256xf32>
    %get3A_28 = arith.constant 0 : index
    %get3A_29 = arith.constant 0 : index
    %get3A_30 = vector.load %arg6[%get3A_28, %get3A_29] : memref<1x256xf32, #tpu.memory_space<vmem>>, vector<1x256xf32>
    %add3A_31 = vector.broadcast %get3A_30 : vector<1x256xf32> to vector<2000x256xf32>
    %add3A_32 = arith.addf %dot_general3A_27, %add3A_31 : vector<2000x256xf32>
    %max3A = arith.constant 0.000000e+00 : f32
    %max3A_33 = vector.broadcast %max3A : f32 to vector<2000x256xf32>
    %max3A_34 = arith.maximumf %add3A_32, %max3A_33 : vector<2000x256xf32>
    %get3A_35 = arith.constant 0 : index
    %get3A_36 = arith.constant 0 : index
    %get3A_37 = vector.load %arg7[%get3A_35, %get3A_36] : memref<256x64xf32, #tpu.memory_space<vmem>>, vector<256x64xf32>
    %dot_general3A_38 = arith.constant dense<0.000000e+00> : vector<2000x64xf32>
    %dot_general3A_39 = tpu.matmul %max3A_34, %get3A_37, %dot_general3A_38 {dimension_numbers = #tpu.dot_dimension_numbers<[1], [0], [0], [1], [0, 0, 1, 1], [], []>, transpose_lhs_hint = false} : vector<2000x256xf32>, vector<256x64xf32>, vector<2000x64xf32> -> vector<2000x64xf32>
    %add3A_40 = arith.addf %add3A_22, %dot_general3A_39 : vector<2000x64xf32>
    %get3A_41 = arith.constant 0 : index
    %get3A_42 = arith.constant 0 : index
    %get3A_43 = vector.load %arg8[%get3A_41, %get3A_42] : memref<1x64xf32, #tpu.memory_space<vmem>>, vector<1x64xf32>
    %add3A_44 = vector.broadcast %get3A_43 : vector<1x64xf32> to vector<2000x64xf32>
    %add3A_45 = arith.addf %add3A_40, %add3A_44 : vector<2000x64xf32>
    %get3A_46 = arith.constant 0 : index
    %get3A_47 = arith.constant 0 : index
    %get3A_48 = vector.load %arg3[%get3A_46, %get3A_47] : memref<1x64xf32, #tpu.memory_space<vmem>>, vector<1x64xf32>
    %get3A_49 = arith.constant 0 : index
    %get3A_50 = arith.constant 0 : index
    %get3A_51 = vector.load %arg4[%get3A_49, %get3A_50] : memref<1x64xf32, #tpu.memory_space<vmem>>, vector<1x64xf32>
    %broadcast_in_dim3A_52 = arith.constant 1.562500e-02 : f32
    %broadcast_in_dim3A_53 = vector.broadcast %broadcast_in_dim3A_52 : f32 to vector<64x64xf32>
    %dot_general3A_54 = arith.constant dense<0.000000e+00> : vector<2000x64xf32>
    %dot_general3A_55 = tpu.matmul %add3A_45, %broadcast_in_dim3A_53, %dot_general3A_54 {dimension_numbers = #tpu.dot_dimension_numbers<[1], [0], [0], [1], [0, 0, 1, 1], [], []>, transpose_lhs_hint = false} : vector<2000x64xf32>, vector<64x64xf32>, vector<2000x64xf32> -> vector<2000x64xf32>
    %sub3A_56 = arith.subf %add3A_45, %dot_general3A_55 : vector<2000x64xf32>
    %mul3A_57 = arith.mulf %sub3A_56, %sub3A_56 : vector<2000x64xf32>
    %dot_general3A_58 = arith.constant dense<0.000000e+00> : vector<2000x64xf32>
    %dot_general3A_59 = tpu.matmul %mul3A_57, %broadcast_in_dim3A_53, %dot_general3A_58 {dimension_numbers = #tpu.dot_dimension_numbers<[1], [0], [0], [1], [0, 0, 1, 1], [], []>, transpose_lhs_hint = false} : vector<2000x64xf32>, vector<64x64xf32>, vector<2000x64xf32> -> vector<2000x64xf32>
    %add3A_60 = arith.constant 9.99999974E-6 : f32
    %add3A_61 = vector.broadcast %add3A_60 : f32 to vector<2000x64xf32>
    %add3A_62 = arith.addf %dot_general3A_59, %add3A_61 : vector<2000x64xf32>
    %rsqrt3A_63 = math.rsqrt %add3A_62 : vector<2000x64xf32>
    %mul3A_64 = arith.mulf %sub3A_56, %rsqrt3A_63 : vector<2000x64xf32>
    %mul3A_65 = vector.broadcast %get3A_48 : vector<1x64xf32> to vector<2000x64xf32>
    %mul3A_66 = arith.mulf %mul3A_64, %mul3A_65 : vector<2000x64xf32>
    %add3A_67 = vector.broadcast %get3A_51 : vector<1x64xf32> to vector<2000x64xf32>
    %add3A_68 = arith.addf %mul3A_66, %add3A_67 : vector<2000x64xf32>
    %swap3A = arith.constant 0 : index
    %swap3A_69 = arith.constant 0 : index
    %swap3A_70 = vector.load %arg10[%swap3A, %swap3A_69] : memref<2000x64xf32, #tpu.memory_space<vmem>>, vector<2000x64xf32>
    tpu.vector_store %arg10[%swap3A, %swap3A_69], %add3A_68 {strides = array<i32>} : memref<2000x64xf32, #tpu.memory_space<vmem>>, vector<2000x64xf32>,
    %get3A_71 = arith.constant 0 : index
    %get3A_72 = arith.constant 0 : index
    %get3A_73 = vector.load %arg9[%get3A_71, %get3A_72] : memref<64x64xf32, #tpu.memory_space<vmem>>, vector<64x64xf32>
    %dot_general3A_74 = arith.constant dense<0.000000e+00> : vector<2000x64xf32>
    %dot_general3A_75 = tpu.matmul %add3A_68, %get3A_73, %dot_general3A_74 {dimension_numbers = #tpu.dot_dimension_numbers<[1], [0], [0], [1], [0, 0, 1, 1], [], []>, transpose_lhs_hint = false} : vector<2000x64xf32>, vector<64x64xf32>, vector<2000x64xf32> -> vector<2000x64xf32>
    %swap3A_76 = arith.constant 0 : index
    %swap3A_77 = arith.constant 0 : index
    %swap3A_78 = vector.load %arg11[%swap3A_76, %swap3A_77] : memref<2000x64xf32, #tpu.memory_space<vmem>>, vector<2000x64xf32>
    tpu.vector_store %arg11[%swap3A_76, %swap3A_77], %dot_general3A_75 {strides = array<i32>} : memref<2000x64xf32, #tpu.memory_space<vmem>>, vector<2000x64xf32>,
    return
  }
  func.func @transform_0(%arg0: i32) -> (i32, i32) {
    %c0_i32 = arith.constant 0 : i32
    %c0_i32_0 = arith.constant 0 : i32
    return %arg0, %c0_i32 : i32, i32
  }
  func.func @transform_1(%arg0: i32) -> (i32, i32) {
    %c0_i32 = arith.constant 0 : i32
    %c0_i32_0 = arith.constant 0 : i32
    return %arg0, %c0_i32 : i32, i32
  }
  func.func @transform_2(%arg0: i32) -> (i32, i32) {
    %c0_i32 = arith.constant 0 : i32
    %c0_i32_0 = arith.constant 0 : i32
    %c0_i32_1 = arith.constant 0 : i32
    return %c0_i32, %c0_i32_0 : i32, i32
  }
  func.func @transform_3(%arg0: i32) -> (i32, i32) {
    %c0_i32 = arith.constant 0 : i32
    %c0_i32_0 = arith.constant 0 : i32
    %c0_i32_1 = arith.constant 0 : i32
    return %c0_i32, %c0_i32_0 : i32, i32
  }
  func.func @transform_4(%arg0: i32) -> (i32, i32) {
    %c0_i32 = arith.constant 0 : i32
    %c0_i32_0 = arith.constant 0 : i32
    %c0_i32_1 = arith.constant 0 : i32
    return %c0_i32, %c0_i32_0 : i32, i32
  }
  func.func @transform_5(%arg0: i32) -> (i32, i32) {
    %c0_i32 = arith.constant 0 : i32
    %c0_i32_0 = arith.constant 0 : i32
    %c0_i32_1 = arith.constant 0 : i32
    return %c0_i32, %c0_i32_0 : i32, i32
  }
  func.func @transform_6(%arg0: i32) -> (i32, i32) {
    %c0_i32 = arith.constant 0 : i32
    %c0_i32_0 = arith.constant 0 : i32
    %c0_i32_1 = arith.constant 0 : i32
    return %c0_i32, %c0_i32_0 : i32, i32
  }
  func.func @transform_7(%arg0: i32) -> (i32, i32) {
    %c0_i32 = arith.constant 0 : i32
    %c0_i32_0 = arith.constant 0 : i32
    %c0_i32_1 = arith.constant 0 : i32
    return %c0_i32, %c0_i32_0 : i32, i32
  }
  func.func @transform_8(%arg0: i32) -> (i32, i32) {
    %c0_i32 = arith.constant 0 : i32
    %c0_i32_0 = arith.constant 0 : i32
    %c0_i32_1 = arith.constant 0 : i32
    return %c0_i32, %c0_i32_0 : i32, i32
  }
  func.func @transform_9(%arg0: i32) -> (i32, i32) {
    %c0_i32 = arith.constant 0 : i32
    %c0_i32_0 = arith.constant 0 : i32
    return %arg0, %c0_i32 : i32, i32
  }
  func.func @transform_10(%arg0: i32) -> (i32, i32) {
    %c0_i32 = arith.constant 0 : i32
    %c0_i32_0 = arith.constant 0 : i32
    return %arg0, %c0_i32 : i32, i32
  }
}

module attributes {stable_mosaic.version = 14 : i64} {
  func.func @_layer_body_last(%arg0: i32, %arg1: memref<2000x64xf32, #tpu.memory_space<vmem>>, %arg2: memref<2000x64xf32, #tpu.memory_space<vmem>>, %arg3: memref<1x64xf32, #tpu.memory_space<vmem>>, %arg4: memref<1x64xf32, #tpu.memory_space<vmem>>, %arg5: memref<64x256xf32, #tpu.memory_space<vmem>>, %arg6: memref<1x256xf32, #tpu.memory_space<vmem>>, %arg7: memref<256x64xf32, #tpu.memory_space<vmem>>, %arg8: memref<1x64xf32, #tpu.memory_space<vmem>>, %arg9: memref<2000x64xf32, #tpu.memory_space<vmem>>) attributes {dimension_semantics = [#tpu.dimension_semantics<arbitrary>], iteration_bounds = array<i64: 25>, scalar_prefetch = 0 : i64, scratch_operands = 0 : i64, tpu.core_type = #tpu.core_type<tc>, window_params = [{transform_indices = @transform_0, window_bounds = array<i64: 2000, 64>}, {transform_indices = @transform_1, window_bounds = array<i64: 2000, 64>}, {pipeline_mode = #tpu.pipeline_mode<synchronous>, transform_indices = @transform_2, window_bounds = array<i64: 1, 64>}, {pipeline_mode = #tpu.pipeline_mode<synchronous>, transform_indices = @transform_3, window_bounds = array<i64: 1, 64>}, {pipeline_mode = #tpu.pipeline_mode<synchronous>, transform_indices = @transform_4, window_bounds = array<i64: 64, 256>}, {pipeline_mode = #tpu.pipeline_mode<synchronous>, transform_indices = @transform_5, window_bounds = array<i64: 1, 256>}, {pipeline_mode = #tpu.pipeline_mode<synchronous>, transform_indices = @transform_6, window_bounds = array<i64: 256, 64>}, {pipeline_mode = #tpu.pipeline_mode<synchronous>, transform_indices = @transform_7, window_bounds = array<i64: 1, 64>}, {transform_indices = @transform_8, window_bounds = array<i64: 2000, 64>}]} {
    %get3A = arith.constant 0 : index
    %get3A_0 = arith.constant 0 : index
    %get3A_1 = vector.load %arg1[%get3A, %get3A_0] : memref<2000x64xf32, #tpu.memory_space<vmem>>, vector<2000x64xf32>
    %get3A_2 = arith.constant 0 : index
    %get3A_3 = arith.constant 0 : index
    %get3A_4 = vector.load %arg2[%get3A_2, %get3A_3] : memref<2000x64xf32, #tpu.memory_space<vmem>>, vector<2000x64xf32>
    %add3A = arith.addf %get3A_1, %get3A_4 : vector<2000x64xf32>
    %get3A_5 = arith.constant 0 : index
    %get3A_6 = arith.constant 0 : index
    %get3A_7 = vector.load %arg3[%get3A_5, %get3A_6] : memref<1x64xf32, #tpu.memory_space<vmem>>, vector<1x64xf32>
    %get3A_8 = arith.constant 0 : index
    %get3A_9 = arith.constant 0 : index
    %get3A_10 = vector.load %arg4[%get3A_8, %get3A_9] : memref<1x64xf32, #tpu.memory_space<vmem>>, vector<1x64xf32>
    %broadcast_in_dim3A = arith.constant 1.562500e-02 : f32
    %broadcast_in_dim3A_11 = vector.broadcast %broadcast_in_dim3A : f32 to vector<64x64xf32>
    %dot_general3A = arith.constant dense<0.000000e+00> : vector<2000x64xf32>
    %dot_general3A_12 = tpu.matmul %add3A, %broadcast_in_dim3A_11, %dot_general3A {dimension_numbers = #tpu.dot_dimension_numbers<[1], [0], [0], [1], [0, 0, 1, 1], [], []>, transpose_lhs_hint = false} : vector<2000x64xf32>, vector<64x64xf32>, vector<2000x64xf32> -> vector<2000x64xf32>
    %sub3A = arith.subf %add3A, %dot_general3A_12 : vector<2000x64xf32>
    %mul3A = arith.mulf %sub3A, %sub3A : vector<2000x64xf32>
    %dot_general3A_13 = arith.constant dense<0.000000e+00> : vector<2000x64xf32>
    %dot_general3A_14 = tpu.matmul %mul3A, %broadcast_in_dim3A_11, %dot_general3A_13 {dimension_numbers = #tpu.dot_dimension_numbers<[1], [0], [0], [1], [0, 0, 1, 1], [], []>, transpose_lhs_hint = false} : vector<2000x64xf32>, vector<64x64xf32>, vector<2000x64xf32> -> vector<2000x64xf32>
    %add3A_15 = arith.constant 9.99999974E-6 : f32
    %add3A_16 = vector.broadcast %add3A_15 : f32 to vector<2000x64xf32>
    %add3A_17 = arith.addf %dot_general3A_14, %add3A_16 : vector<2000x64xf32>
    %rsqrt3A = math.rsqrt %add3A_17 : vector<2000x64xf32>
    %mul3A_18 = arith.mulf %sub3A, %rsqrt3A : vector<2000x64xf32>
    %mul3A_19 = vector.broadcast %get3A_7 : vector<1x64xf32> to vector<2000x64xf32>
    %mul3A_20 = arith.mulf %mul3A_18, %mul3A_19 : vector<2000x64xf32>
    %add3A_21 = vector.broadcast %get3A_10 : vector<1x64xf32> to vector<2000x64xf32>
    %add3A_22 = arith.addf %mul3A_20, %add3A_21 : vector<2000x64xf32>
    %get3A_23 = arith.constant 0 : index
    %get3A_24 = arith.constant 0 : index
    %get3A_25 = vector.load %arg5[%get3A_23, %get3A_24] : memref<64x256xf32, #tpu.memory_space<vmem>>, vector<64x256xf32>
    %dot_general3A_26 = arith.constant dense<0.000000e+00> : vector<2000x256xf32>
    %dot_general3A_27 = tpu.matmul %add3A_22, %get3A_25, %dot_general3A_26 {dimension_numbers = #tpu.dot_dimension_numbers<[1], [0], [0], [1], [0, 0, 1, 1], [], []>, transpose_lhs_hint = false} : vector<2000x64xf32>, vector<64x256xf32>, vector<2000x256xf32> -> vector<2000x256xf32>
    %get3A_28 = arith.constant 0 : index
    %get3A_29 = arith.constant 0 : index
    %get3A_30 = vector.load %arg6[%get3A_28, %get3A_29] : memref<1x256xf32, #tpu.memory_space<vmem>>, vector<1x256xf32>
    %add3A_31 = vector.broadcast %get3A_30 : vector<1x256xf32> to vector<2000x256xf32>
    %add3A_32 = arith.addf %dot_general3A_27, %add3A_31 : vector<2000x256xf32>
    %max3A = arith.constant 0.000000e+00 : f32
    %max3A_33 = vector.broadcast %max3A : f32 to vector<2000x256xf32>
    %max3A_34 = arith.maximumf %add3A_32, %max3A_33 : vector<2000x256xf32>
    %get3A_35 = arith.constant 0 : index
    %get3A_36 = arith.constant 0 : index
    %get3A_37 = vector.load %arg7[%get3A_35, %get3A_36] : memref<256x64xf32, #tpu.memory_space<vmem>>, vector<256x64xf32>
    %dot_general3A_38 = arith.constant dense<0.000000e+00> : vector<2000x64xf32>
    %dot_general3A_39 = tpu.matmul %max3A_34, %get3A_37, %dot_general3A_38 {dimension_numbers = #tpu.dot_dimension_numbers<[1], [0], [0], [1], [0, 0, 1, 1], [], []>, transpose_lhs_hint = false} : vector<2000x256xf32>, vector<256x64xf32>, vector<2000x64xf32> -> vector<2000x64xf32>
    %add3A_40 = arith.addf %add3A_22, %dot_general3A_39 : vector<2000x64xf32>
    %get3A_41 = arith.constant 0 : index
    %get3A_42 = arith.constant 0 : index
    %get3A_43 = vector.load %arg8[%get3A_41, %get3A_42] : memref<1x64xf32, #tpu.memory_space<vmem>>, vector<1x64xf32>
    %add3A_44 = vector.broadcast %get3A_43 : vector<1x64xf32> to vector<2000x64xf32>
    %add3A_45 = arith.addf %add3A_40, %add3A_44 : vector<2000x64xf32>
    %get3A_46 = arith.constant 0 : index
    %get3A_47 = arith.constant 0 : index
    %get3A_48 = vector.load %arg3[%get3A_46, %get3A_47] : memref<1x64xf32, #tpu.memory_space<vmem>>, vector<1x64xf32>
    %get3A_49 = arith.constant 0 : index
    %get3A_50 = arith.constant 0 : index
    %get3A_51 = vector.load %arg4[%get3A_49, %get3A_50] : memref<1x64xf32, #tpu.memory_space<vmem>>, vector<1x64xf32>
    %broadcast_in_dim3A_52 = arith.constant 1.562500e-02 : f32
    %broadcast_in_dim3A_53 = vector.broadcast %broadcast_in_dim3A_52 : f32 to vector<64x64xf32>
    %dot_general3A_54 = arith.constant dense<0.000000e+00> : vector<2000x64xf32>
    %dot_general3A_55 = tpu.matmul %add3A_45, %broadcast_in_dim3A_53, %dot_general3A_54 {dimension_numbers = #tpu.dot_dimension_numbers<[1], [0], [0], [1], [0, 0, 1, 1], [], []>, transpose_lhs_hint = false} : vector<2000x64xf32>, vector<64x64xf32>, vector<2000x64xf32> -> vector<2000x64xf32>
    %sub3A_56 = arith.subf %add3A_45, %dot_general3A_55 : vector<2000x64xf32>
    %mul3A_57 = arith.mulf %sub3A_56, %sub3A_56 : vector<2000x64xf32>
    %dot_general3A_58 = arith.constant dense<0.000000e+00> : vector<2000x64xf32>
    %dot_general3A_59 = tpu.matmul %mul3A_57, %broadcast_in_dim3A_53, %dot_general3A_58 {dimension_numbers = #tpu.dot_dimension_numbers<[1], [0], [0], [1], [0, 0, 1, 1], [], []>, transpose_lhs_hint = false} : vector<2000x64xf32>, vector<64x64xf32>, vector<2000x64xf32> -> vector<2000x64xf32>
    %add3A_60 = arith.constant 9.99999974E-6 : f32
    %add3A_61 = vector.broadcast %add3A_60 : f32 to vector<2000x64xf32>
    %add3A_62 = arith.addf %dot_general3A_59, %add3A_61 : vector<2000x64xf32>
    %rsqrt3A_63 = math.rsqrt %add3A_62 : vector<2000x64xf32>
    %mul3A_64 = arith.mulf %sub3A_56, %rsqrt3A_63 : vector<2000x64xf32>
    %mul3A_65 = vector.broadcast %get3A_48 : vector<1x64xf32> to vector<2000x64xf32>
    %mul3A_66 = arith.mulf %mul3A_64, %mul3A_65 : vector<2000x64xf32>
    %add3A_67 = vector.broadcast %get3A_51 : vector<1x64xf32> to vector<2000x64xf32>
    %add3A_68 = arith.addf %mul3A_66, %add3A_67 : vector<2000x64xf32>
    %swap3A = arith.constant 0 : index
    %swap3A_69 = arith.constant 0 : index
    %swap3A_70 = vector.load %arg9[%swap3A, %swap3A_69] : memref<2000x64xf32, #tpu.memory_space<vmem>>, vector<2000x64xf32>
    tpu.vector_store %arg9[%swap3A, %swap3A_69], %add3A_68 {strides = array<i32>} : memref<2000x64xf32, #tpu.memory_space<vmem>>, vector<2000x64xf32>,
    return
  }
  func.func @transform_0(%arg0: i32) -> (i32, i32) {
    %c0_i32 = arith.constant 0 : i32
    %c0_i32_0 = arith.constant 0 : i32
    return %arg0, %c0_i32 : i32, i32
  }
  func.func @transform_1(%arg0: i32) -> (i32, i32) {
    %c0_i32 = arith.constant 0 : i32
    %c0_i32_0 = arith.constant 0 : i32
    return %arg0, %c0_i32 : i32, i32
  }
  func.func @transform_2(%arg0: i32) -> (i32, i32) {
    %c0_i32 = arith.constant 0 : i32
    %c0_i32_0 = arith.constant 0 : i32
    %c0_i32_1 = arith.constant 0 : i32
    return %c0_i32, %c0_i32_0 : i32, i32
  }
  func.func @transform_3(%arg0: i32) -> (i32, i32) {
    %c0_i32 = arith.constant 0 : i32
    %c0_i32_0 = arith.constant 0 : i32
    %c0_i32_1 = arith.constant 0 : i32
    return %c0_i32, %c0_i32_0 : i32, i32
  }
  func.func @transform_4(%arg0: i32) -> (i32, i32) {
    %c0_i32 = arith.constant 0 : i32
    %c0_i32_0 = arith.constant 0 : i32
    %c0_i32_1 = arith.constant 0 : i32
    return %c0_i32, %c0_i32_0 : i32, i32
  }
  func.func @transform_5(%arg0: i32) -> (i32, i32) {
    %c0_i32 = arith.constant 0 : i32
    %c0_i32_0 = arith.constant 0 : i32
    %c0_i32_1 = arith.constant 0 : i32
    return %c0_i32, %c0_i32_0 : i32, i32
  }
  func.func @transform_6(%arg0: i32) -> (i32, i32) {
    %c0_i32 = arith.constant 0 : i32
    %c0_i32_0 = arith.constant 0 : i32
    %c0_i32_1 = arith.constant 0 : i32
    return %c0_i32, %c0_i32_0 : i32, i32
  }
  func.func @transform_7(%arg0: i32) -> (i32, i32) {
    %c0_i32 = arith.constant 0 : i32
    %c0_i32_0 = arith.constant 0 : i32
    %c0_i32_1 = arith.constant 0 : i32
    return %c0_i32, %c0_i32_0 : i32, i32
  }
  func.func @transform_8(%arg0: i32) -> (i32, i32) {
    %c0_i32 = arith.constant 0 : i32
    %c0_i32_0 = arith.constant 0 : i32
    return %arg0, %c0_i32 : i32, i32
  }
}

</mosaic_0001>

<sc_bundles>
// kernel: _run.16.cloned.1.call-start
scs
__scs_entry_jumppad:
0x0: {  	(pc) =	sbr.rel $0x88, $3  }
0x1: {  	(tag) =	ssettag $0x0;
	lr =	simm.s32 $0x1  }
0x2: {  	[smem:$0x3F96] =	sst lr;
	_ =	strace $0xD0000000  }
0x3: {  	_ = 	snop  }
0x4: {  	_ = 	snop  }
0x5: {  	_ = 	snop  }
0x6: {  	_ = 	snop  }
0x7: {  	_ = 	snop  }
__scs_overlays_trampoline_lowered:
0x8: {  	[smem:$0x3FA5] =	sst s0  }
0x9: {  	[smem:$0x3FA6] =	sst s1  }
0xa: {  	[smem:$0x3FA7] =	sst s2  }
0xb: {  	[smem:$0x3FA8] =	sst s3  }
0xc: {  	[smem:$0x3FA9] =	sst s4  }
0xd: {  	[smem:$0x3FAA] =	sst s5  }
0xe: {  	[smem:$0x3FAB] =	sst s6  }
0xf: {  	[smem:$0x3FAC] =	sst s7  }
0x10: {  	[smem:$0x3FAD] =	sst s8  }
0x11: {  	[smem:$0x3FAE] =	sst s9;
	s0 =	simm.s32 @!p0 $0x0  }
0x12: {  	s1 =	sld [smem:$0x3F94];
	s0 =	simm.s32 @p0 $0x1  }
0x13: {  	[smem:$0x3FAF] =	sst s0;
	s0 =	simm.s32 @!p1 $0x0  }
0x14: {  	s2 =	sld [smem:$0x3F93];
	s0 =	simm.s32 @p1 $0x1  }
0x15: {  	[smem:$0x3FB0] =	sst s0;
	s0 =	simm.s32 @!p2 $0x0  }
0x16: {  	s3 =	sld [smem:$0x3FDB];
	s0 =	simm.s32 @p2 $0x1  }
0x17: {  	s4 =	simm.s32 $0x1BF5;
	[smem:$0x3FB2] =	sst s0  }
0x18: {  	s0 =	sld [smem:$0x3F95];
	_ =	swait.ge [sflag:s4], $0x0  }
0x19: {  	s7 =	sld [smem:$0x3F96]  }
0x1a: {  	s8 =	sadd.s32 $0xFFFFE003, lr  }
0x1b: {  	s9 =	sadd.s32 $0xFFFFFEF7, lr;
	s5 =	simm.s32 $0xFFFFFFFF;
	p2 =	slt.u32 s8, $0xFFFFF086  }
0x1c: {  	p1 =	slt.u32 s9, $0xF7A;
	s5 =	simm.s32 @!p2 $0x0  }
0x1d: {  	s5 =	simm.s32 @p1 $0x1;
	p0 =	seq.s32 s7, s2  }
0x1e: {  	s7 =	smul.u32 @!p0 $0xF7A, s2;
	p2 =	seq.s32 @!p0 s5, $0x0  }
0x1f: {  	s9 =	smul.u32 $0xF7A, s1;
	s8 =	simm.s32 @!p0 $0x1BF5;
	p2 =	por !p2, p0  }
0x20: {  	[sflag:s8] =	ssyncset.s32 @!p0 $0xFFFFF086;
	s6 =	sadd.s32 @!p0 s3, s7;
	s7 =	simm.s32 @!p0 $0x108  }
0x21: {  	s3 =	sadd.s32 s3, s9;
	s6 =	sadd.s32 @!p0 $0x88, s6;
	s7 =	simm.s32 @p2 $0x1082  }
0x22: {  	[simem:s7], [sflag:s8] =	dma.local @!p0 [hbm:s6], $0xF7A  }
0x23: {  	s9 =	sor.u32 $0xD0000000, s2;
	s6 =	simm.s32 $0x108;
	_ =	swait.ge @!p0 [sflag:s8], $0x0  }
0x24: {  	s3 =	sadd.s32 $0x88, s3;
	s6 =	simm.s32 @!p1 $0x1082;
	[sflag:s4] =	ssyncset.s32 $0xFFFFF086  }
0x25: {  	[simem:s6], [sflag:s4] =	dma.local [hbm:s3], $0xF7A  }
0x26: {  	[smem:$0x3F96] =	sst s1;
	(tag) =	ssettag s2;
	_ =	strace s9  }
0x27: {  	s1 =	sld [smem:$0x3FA6]  }
0x28: {  	s2 =	sld [smem:$0x3FA7]  }
0x29: {  	s4 =	sld [smem:$0x3FA9]  }
0x2a: {  	p0 =	seq.s32 s5, $0x0;
	s5 =	sld [smem:$0x3FAA]  }
0x2b: {  	s6 =	sld [smem:$0x3FAB]  }
0x2c: {  	s7 =	sld [smem:$0x3FAC]  }
0x2d: {  	s3 =	simm.s32 $0x108;
	s8 =	sld [smem:$0x3FAD]  }
0x2e: {  	s3 =	simm.s32 @!p0 $0x1082;
	s9 =	sld [smem:$0x3FAE]  }
0x2f: {  	lr =	sadd.s32 s0, s3;
	s0 =	sld [smem:$0x3FA5]  }
0x30: {  	s3 =	sld [smem:$0x3FA8]  }
0x31: {  	[smem:$0x3FB1] =	sst s10  }
0x32: {  	s10 =	sld [smem:$0x3FAF];
	_ =	sdelay $0x3  }
0x33: {  	p0 =	seq.s32 s10, $0x1;
	s10 =	sld [smem:$0x3FB1];
	_ =	sdelay $0x3  }
0x34: {  	[smem:$0x3FB1] =	sst s10  }
0x35: {  	s10 =	sld [smem:$0x3FB0];
	_ =	sdelay $0x3  }
0x36: {  	p1 =	seq.s32 s10, $0x1;
	s10 =	sld [smem:$0x3FB1];
	_ =	sdelay $0x3  }
0x37: {  	[smem:$0x3FB1] =	sst s10  }
0x38: {  	s10 =	sld [smem:$0x3FB2]  }
0x39: {  	_ = 	snop;
	(pc) =	sbr.ind lr, $3  }
0x3a: {  	_ = 	snop  }
0x3b: {  	_ = 	snop  }
0x3c: {  	p2 =	seq.s32 s10, $0x1;
	s10 =	sld [smem:$0x3FB1]  }
0x3d: {  	_ =	shalt  }
0x3e: {  	_ =	shalt  }
0x3f: {  	_ =	shalt  }
0x40: {  	_ =	shalt  }
0x41: {  	_ =	shalt  }
0x42: {  	_ =	shalt  }
0x43: {  	_ =	shalt  }
0x44: {  	_ =	shalt  }
0x45: {  	_ =	shalt  }
0x46: {  	_ =	shalt  }
0x47: {  	_ =	shalt  }
0x48: {  	_ =	shalt  }
0x49: {  	_ =	shalt  }
0x4a: {  	_ =	shalt  }
0x4b: {  	_ =	shalt  }
0x4c: {  	_ =	shalt  }
0x4d: {  	_ =	shalt  }
0x4e: {  	_ =	shalt  }
0x4f: {  	_ =	shalt  }
0x50: {  	_ =	shalt  }
0x51: {  	_ =	shalt  }
0x52: {  	_ =	shalt  }
0x53: {  	_ =	shalt  }
0x54: {  	_ =	shalt  }
0x55: {  	_ =	shalt  }
0x56: {  	_ =	shalt  }
0x57: {  	_ =	shalt  }
0x58: {  	_ =	shalt  }
0x59: {  	_ =	shalt  }
0x5a: {  	_ =	shalt  }
0x5b: {  	_ =	shalt  }
0x5c: {  	_ =	shalt  }
0x5d: {  	_ =	shalt  }
0x5e: {  	_ =	shalt  }
0x5f: {  	_ =	shalt  }
0x60: {  	_ =	shalt  }
0x61: {  	_ =	shalt  }
0x62: {  	_ =	shalt  }
0x63: {  	_ =	shalt  }
0x64: {  	_ =	shalt  }
0x65: {  	_ =	shalt  }
0x66: {  	_ =	shalt  }
0x67: {  	_ =	shalt  }
0x68: {  	_ =	shalt  }
0x69: {  	_ =	shalt  }
0x6a: {  	_ =	shalt  }
0x6b: {  	_ =	shalt  }
0x6c: {  	_ =	shalt  }
0x6d: {  	_ =	shalt  }
0x6e: {  	_ =	shalt  }
0x6f: {  	_ =	shalt  }
0x70: {  	_ =	shalt  }
0x71: {  	_ =	shalt  }
0x72: {  	_ =	shalt  }
0x73: {  	_ =	shalt  }
0x74: {  	_ =	shalt  }
0x75: {  	_ =	shalt  }
0x76: {  	_ =	shalt  }
0x77: {  	_ =	shalt  }
0x78: {  	_ =	shalt  }
0x79: {  	_ =	shalt  }
0x7a: {  	_ =	shalt  }
0x7b: {  	_ =	shalt  }
0x7c: {  	_ =	shalt  }
0x7d: {  	_ =	shalt  }
0x7e: {  	_ =	shalt  }
0x7f: {  	_ =	shalt  }
0x80: {  	_ =	shalt  }
0x81: {  	_ =	shalt  }
0x82: {  	_ =	shalt  }
0x83: {  	_ =	shalt  }
0x84: {  	_ =	shalt  }
0x85: {  	_ =	shalt  }
0x86: {  	_ =	shalt  }
0x87: {  	_ =	shalt  }
.Lfunc_end0:
.L_simem_size_0:
called_computation_lowered:
.L_overlay_start_0:
0x88: {  	s2 =	sld [smem:$0x3FD9]  }
0x89: {  	s3 =	sld [smem:$0x3FFE];
	_ =	sdelay $0x1  }
0x8a: {  	s1 =	srdreg.scid  }
0x8b: {  	s0 =	sand.u32 $0x1, s1  }
0x8c: {  	s17 =	sshll.u32 s0, $0xA;
	s2 =	sadd.s32 s3, s2  }
0x8d: {  	s2 =	sadd.s32 s2, s17  }
0x8e: {  	[smem:$0x3FBD] =	sst s2  }
0x8f: {  	_ = 	snop  }
0x90: {  	s2 =	sld [smem:$0x3FD0];
	(tm) =	ssettm $0x1  }
0x91: {  	s18 =	sld [smem:$0x3FFB];
	_ =	sdelay $0x3  }
0x92: {  	_ =	strace s18  }
0x93: {  	s3 =	sld [smem:$0x3FFC];
	_ =	sdelay $0x3  }
0x94: {  	_ =	strace s3  }
0x95: {  	s3 =	sld [smem:$0x3FFD];
	_ =	sdelay $0x3  }
0x96: {  	_ =	strace s3  }
0x97: {  	_ =	strace $0x8FFFFFFF  }
0x98: {  	s19 =	sld [smem:$0x3FDB];
	_ =	sdelay $0x1  }
0x99: {  	s4 =	simm.s32 $_scs_section_size  }
0x9a: {  	s5 =	simm.s32 $_size__tile_overlayer_lowered;
	s6 =	simm.s32 $_tile_overlayer_lowered  }
0x9b: {  	s22 =	simm.s32 $0x1BFF;
	s21 =	sshll.u32 s6, $0x1;
	s3 =	sadd.s32 s4, s19  }
0x9c: {  	s7 =	simm.s32 $0x0;
	s20 =	sshll.u32 s5, $0x1;
	s5 =	sadd.s32 s21, s3  }
0x9d: {  	[timem:s7], [sflag:s22] =	dma.local [hbm:s5], s20  }
0x9e: {  	_ =	swait.ge [sflag:s22], s20  }
0x9f: {  	s4 =	ssub.s32 $0x0, s20;
	[sflag:s22] =	ssyncset.done $0x0  }
0xa0: {  	[sflag:s22] =	ssyncadd.s32 s4;
	_ =	sdelay $0x1  }
0xa1: {  	s23 =	simm.s32 $0x1B8B  }
0xa2: {  	_ =	swait.ge [sflag:s23], $0x1  }
0xa3: {  	[sflag:s23] =	ssyncset.done $0x0  }
0xa4: {  	s25 =	simm.s32 $0x1B8E;
	s24 =	sld [smem:$0x3FFE];
	[sflag:s23] =	ssyncadd.s32 $0xFFFFFFFF  }
0xa5: {  	s26 =	simm.s32 $execute0_lowered;
	[smem:$0x3FD2] =	sst s25  }
0xa6: {  	s5 =	sshll.u32 s26, $0x1;
	_ =	strace $0x80000046;
	[dreg:$0x1] =	wrdreg $0xFFFFFFFF  }
0xa7: {  	s28 =	simm.s32 $_size_execute0_lowered;
	s3 =	sadd.s32 s3, s5;
	[dreg:$0x0] =	wrdreg $0x0  }
0xa8: {  	s5 =	sshll.u32 s28, $0x1;
	[dreg:$0x2] =	wrdreg s3  }
0xa9: {  	[dreg:$0x3] =	wrdreg s5  }
0xaa: {  	[dreg:$0x4] =	wrdreg $0xC0  }
0xab: {  	_ =	task [dreg:s7], $0x5FFFF  }
0xac: {  	[dreg:$0x1] =	wrdreg $0xFFFFFFFF  }
0xad: {  	[dreg:$0x0] =	wrdreg $0x60  }
0xae: {  	[dreg:$0x2] =	wrdreg s2  }
0xaf: {  	[dreg:$0x3] =	wrdreg s24  }
0xb0: {  	[dreg:$0x4] =	wrdreg $0x9  }
0xb1: {  	_ =	task.clear_ibuf [dreg:s7], $0x5FFFF;
	_ =	strace $0x90000046  }
0xb2: {  	s29 =	simm.s32 $0x9;
	_ =	strace $0x80000048  }
0xb3: {  	_ =	swait.ge [sflag:s29], $0x1  }
0xb4: {  	[sflag:s29] =	ssyncadd.s32 $0xFFFFFFFF  }
0xb5: {  	_ =	strace $0x90000048  }
0xb6: {  	_ =	sfence  }
0xb7: {  	s30 =	sld [smem:$0x0];
	_ =	sdelay $0x2  }
0xb8: {  	s31 =	sshll.u32 s1, $0xD;
	s1 =	sshrl.u32 s1, $0x2  }
0xb9: {  	s3 =	sand.u32 $0x4000, s31;
	s1 =	sadd.s32 s1, s30  }
0xba: {  	s0 =	sor.u32 s3, s0;
	s1 =	sshll.u32 s1, $0x11  }
0xbb: {  	s0 =	sor.u32 s1, s0  }
0xbc: {  	s0 =	sadd.s32 $0x8F2B, s0  }
0xbd: {  	[sflag:s0] =	ssyncadd.remote.s32 $0x1  }
0xbe: {  	_ =	sfence.sel $0xFFFF  }
0xbf: {  	[dreg:$0x0] =	wrdreg $0xFFFFFFFF;
	(pc) =	sbr.abs _section_cstart, $3  }
0xc0: {  	[dreg:$0x1] =	wrdreg $0xFFFFFFFF  }
0xc1: {  	_ =	task.clear_ibuf [dreg:s7], $0x2FFFF;
	_ =	strace $0x9FFFFFFF  }
0xc2: {  	(tm) =	ssettm $0x7FFFFFFF  }
0xc3: {  	_ =	shalt  }
tec
execute0_lowered:
.L_overlay_start_1:
0x0: {  	(tag) =	ssettag $0x1  }
0x1: {  	s0 =	rddreg [dreg:$0x1]  }
0x2: {  	s2 =	simm.s32 $0x0;
	s10 =	stileid.u32;
	s23 =	srdreg.scid  }
0x3: {  	s18 =	simm.s32 $0x1;
	s28 =	simm.s32 $0x2220;
	s29 =	simm.s32 $0x1E00  }
0x4: {  	s30 =	simm.s32 $0x22A0;
	s31 =	simm.s32 $0x1E80;
	s19 =	simm.s32 $0x2540  }
0x5: {  	s22 =	simm.s32 $0x0;
	[smem:$0x7FF] =	sst s2;
	s1 =	sadd.s32 $0x7E00, s0  }
0x6: {  	s5 =	sadd.s32 $0x20600, s0;
	s6 =	sadd.s32 $0x54600, s0;
	s8 =	smul.u32 $0xD000, s10  }
0x7: {  	s3 =	sshll.u32 s10, $0x1;
	s25 =	smul.u32 $0xC400, s10;
	s10 =	simm.s32 $0x1F80  }
0x8: {  	_ =	strace $0x80000047;
	[dreg:$0x3] =	wrdreg s1;
	s1 =	sand.u32 $0x1, s23  }
0x9: {  	s0 =	sadd.s32 s3, s0;
	s24 =	ssub.s32 $0x2, s1;
	s4 =	smul.u32 $0xD0000, s1  }
0xa: {  	s9 =	sshll.u32 s1, $0x5;
	s1 =	smul.u32 $0xFFFF9E40, s1;
	[dreg:$0x4] =	wrdreg s25  }
0xb: {  	s7 =	sshrl.u32 s24, $0x1;
	s0 =	sadd.s32 s9, s0;
	s9 =	simm.s32 $0x23A0  }
0xc: {  	s3 =	ssub.s32 s24, s7;
	s8 =	sadd.s32 s8, s4;
	s0 =	sadd.s32 $0x88600, s0  }
.Ltmp0:
0xd: {  	v0 =	vmov s1;
	s1 =	simm.s32 $0x2420;
	s4 =	simm.s32 $0x25C0;
	(pc) =	sbr.rel .LBB2_1-.Ltmp0, $4  }
0xe: {  	[dreg:$0x5] =	wrdreg s0;
	s26 =	smax.u32 s3, $0x1;
	s11 =	sor.u32 $0x80, s8  }
0xf: {  	v5 =	vlaneseq.u32;
	s12 =	sor.u32 $0x100, s8;
	s13 =	sor.u32 $0x180, s8;
	s14 =	sor.u32 $0x200, s8  }
0x10: {  	v1 =	vimm.s32 $0x0;
	v2 =	vor.u32 $0x61C0, v5;
	s15 =	sor.u32 $0x280, s8;
	s16 =	sor.u32 $0x300, s8;
	s17 =	sor.u32 $0x380, s8  }
0x11: {  	v3 =	vor.u32 $0x61D0, v5;
	v4 =	vor.u32 $0x61E0, v5;
	v5 =	vor.u32 $0x61F0, v5;
	s0 =	simm.s32 $0x2320;
	s3 =	simm.s32 $0x1F00;
	[dreg:$0x6] =	wrdreg s26  }
.LBB2_20:
0x12: {  	s21 =	sadd.s32 s5, s7;
	[sflag:s18] =	ssyncadd.s32 @p0 $0xFFFFFF80  }
0x13: {  	[hbm4b:s21+s2] =	stream.linear.scatter [tilespmem:s19], [sflag:$0x1], $0x80, $0x38;
	[tilespmem:$0x2650] =	vst v63  }
0x14: {  	_ =	swait.ge [sflag:s18], $0x80  }
0x15: {  	[sflag:s18] =	ssyncset.done $0x0  }
0x16: {  	s26 =	sadd.s32 s6, s7;
	[sflag:s18] =	ssyncadd.s32 $0xFFFFFF80  }
0x17: {  	[hbm4b:s26+s2] =	stream.linear.scatter [tilespmem:s4], [sflag:$0x1], $0x80, $0x38;
	[tilespmem:$0x2650] =	vst v63  }
0x18: {  	_ =	swait.ge [sflag:s18], $0x80  }
0x19: {  	[sflag:s18] =	ssyncset.done $0x0  }
0x1a: {  	s22 =	rddreg [dreg:$0x7];
	[sflag:s18] =	ssyncadd.s32 $0xFFFFFF80  }
.LBB2_21:
0x1b: {  	v6 =	vmov s20  }
0x1c: {  	s7 =	rddreg [dreg:$0x5];
	s25 =	simm.s32 $0x2640;
	[tilespmem:$0x2640] =	vst v6  }
0x1d: {  	[hbm4b:s7+s2] =	stream.linear.scatter [tilespmem:s25], [sflag:$0x1], $0x10, $0x38;
	[tilespmem:$0x2650] =	vst v63  }
0x1e: {  	_ =	swait.ge [sflag:s18], $0x10  }
0x1f: {  	s22 =	sadd.s32 $0x1, s22;
	s26 =	rddreg [dreg:$0x6]  }
0x20: {  	p0 =	sne.s32 s22, s26  }
.Ltmp1:
0x21: {  	_ = 	snop;
	(pc) =	sbr.rel @!p0 .LBB2_22-.Ltmp1, $3  }
0x22: {  	_ =	sdelay $0x1  }
0x23: {  	[sflag:s18] =	ssyncset.done $0x0  }
0x24: {  	[sflag:s18] =	ssyncadd.s32 $0xFFFFFFF0  }
.LBB2_1:
0x25: {  	[tilespmem:$0x2540] =	vst v1  }
0x26: {  	[tilespmem:$0x25C0] =	vst v2  }
0x27: {  	[tilespmem:$0x2550] =	vst v1  }
0x28: {  	[tilespmem:$0x25D0] =	vst v3  }
0x29: {  	[tilespmem:$0x2560] =	vst v1  }
0x2a: {  	[tilespmem:$0x25E0] =	vst v4  }
0x2b: {  	[tilespmem:$0x2570] =	vst v1  }
0x2c: {  	[tilespmem:$0x25F0] =	vst v5  }
0x2d: {  	[tilespmem:$0x2580] =	vst v1  }
0x2e: {  	[tilespmem:$0x2600] =	vst v2  }
0x2f: {  	[tilespmem:$0x2590] =	vst v1  }
.Ltmp2:
0x30: {  	[tilespmem:$0x2610] =	vst v3;
	(pc) =	sbr.rel .LBB2_2-.Ltmp2, $4  }
0x31: {  	[tilespmem:$0x25A0] =	vst v1  }
0x32: {  	[tilespmem:$0x2620] =	vst v4  }
0x33: {  	[dreg:$0x7] =	wrdreg s22;
	[tilespmem:$0x25B0] =	vst v1  }
0x34: {  	[tilespmem:$0x2630] =	vst v5;
	s7 =	simm.s32 $0x0;
	s24 =	simm.s32 $0x0;
	s21 =	simm.s32 $0x0  }
.LBB2_6:
0x35: {  	s21 =	sadd.s32 $0x1, s21  }
0x36: {  	p0 =	sne.s32 s21, $0xE  }
.Ltmp3:
0x37: {  	_ = 	snop;
	(pc) =	sbr.rel @!p0 .LBB2_7-.Ltmp3, $1  }
0x38: {  	_ =	sdelay $0x3  }
.LBB2_2:
0x39: {  	s20 =	smul.u32 $0xE00, s21  }
0x3a: {  	s22 =	rddreg [dreg:$0x4]  }
0x3b: {  	s20 =	sadd.s32 s22, s20  }
0x3c: {  	s23 =	rddreg [dreg:$0x0];
	s20 =	sshrl.u32 s20, $0x3  }
0x3d: {  	s22 =	simm.s32 $0x0;
	s23 =	sadd.s32 s23, s20  }
0x3e: {  	[tilespmem:s22], [sflag:$0x1] =	stream.linear.gather [hbm4b:s23+s22], $0xE00, $0x38;
	[tilespmem:$0x2650] =	vst v63  }
0x3f: {  	_ =	swait.ge [sflag:s18], $0xE00  }
0x40: {  	s26 =	simm.s32 $0xE00;
	[sflag:s18] =	ssyncset.done $0x0;
	s25 =	rddreg [dreg:$0x3]  }
.Ltmp4:
0x41: {  	[sflag:s18] =	ssyncadd.s32 $0xFFFFF200;
	s20 =	sadd.s32 s25, s20;
	(pc) =	sbr.rel .LBB2_3-.Ltmp4, $4  }
0x42: {  	[tilespmem:s26], [sflag:$0x1] =	stream.linear.gather [hbm4b:s20+s22], $0xE00, $0x38;
	[tilespmem:$0x2650] =	vst v63  }
0x43: {  	_ =	swait.ge [sflag:s18], $0xE00  }
0x44: {  	[sflag:s18] =	ssyncset.done $0x0  }
0x45: {  	[sflag:s18] =	ssyncadd.s32 $0xFFFFF200  }
.LBB2_5:
0x46: {  	s22 =	sadd.s32 $0x40, s22  }
0x47: {  	p0 =	sne.s32 s22, $0x3800  }
.Ltmp5:
0x48: {  	_ = 	snop;
	(pc) =	sbr.rel @!p0 .LBB2_6-.Ltmp5, $2  }
0x49: {  	_ =	sdelay $0x2  }
0x4a: {  	s24 =	sadd.s32 s23, s26;
	s7 =	sadd.s32 s20, s25  }
.LBB2_3:
0x4b: {  	s20 =	sshra.s32 s22, $0x2  }
0x4c: {  	v6 =	vld [tilespmem:s20+$0xE00];
	_ =	sdelay $0x4  }
0x4d: {  	v6 =	vadd.s32 v0, v6  }
0x4e: {  	vm0 =	vlt.u32 v6, $0x61C0  }
0x4f: {  	v7 =	vmpcnt.ones.xlane vm0;
	_ =	sdelay $0x1  }
0x50: {  	(v2sf) =	vpush v7, $0x0;
	_ =	sdelay $0xe  }
0x51: {  	s26 =	spop (v2sf)  }
0x52: {  	v7 =	vld [tilespmem:s20+$0x0];
	s23 =	sadd.s32 s24, s26  }
0x53: {  	p0 =	slt.s32 s23, $0x400  }
.Ltmp6:
0x54: {  	_ = 	snop;
	(pc) =	sbr.rel @p0 .LBB2_5-.Ltmp6, $3  }
0x55: {  	_ =	sdelay $0x1  }
0x56: {  	[tilespmem:s24+$0x1C00] =	vst.msk vm0, v7  }
0x57: {  	s25 =	simm.s32 $0x0;
	s20 =	smov.u32 s7;
	[tilespmem:s24+$0x20A0] =	vst.msk vm0, v6;
	s26 =	simm.s32 $0x0  }
0x58: {  	s7 =	sshll.u32 s20, $0x7  }
0x59: {  	s24 =	sadd.s32 s7, s8  }
0x5a: {  	s24 =	sshrl.u32 s24, $0x3  }
0x5b: {  	s26 =	simm.s32 $0x1C00;
	s25 =	sadd.s32 s5, s24  }
0x5c: {  	[hbm4b:s25+s2] =	stream.linear.scatter [tilespmem:s26], [sflag:$0x1], $0x80, $0x38;
	[tilespmem:$0x2650] =	vst v63  }
0x5d: {  	_ =	swait.ge [sflag:s18], $0x80  }
0x5e: {  	[sflag:s18] =	ssyncset.done $0x0  }
0x5f: {  	s24 =	sadd.s32 s6, s24;
	s26 =	simm.s32 $0x20A0;
	[sflag:s18] =	ssyncadd.s32 $0xFFFFFF80  }
0x60: {  	[hbm4b:s24+s2] =	stream.linear.scatter [tilespmem:s26], [sflag:$0x1], $0x80, $0x38;
	[tilespmem:$0x2650] =	vst v63  }
0x61: {  	s25 =	sadd.s32 s11, s7;
	_ =	swait.ge [sflag:s18], $0x80  }
0x62: {  	s24 =	sshrl.u32 s25, $0x3;
	[sflag:s18] =	ssyncset.done $0x0  }
0x63: {  	s26 =	simm.s32 $0x1C80;
	s25 =	sadd.s32 s5, s24;
	[sflag:s18] =	ssyncadd.s32 $0xFFFFFF80  }
0x64: {  	[hbm4b:s25+s2] =	stream.linear.scatter [tilespmem:s26], [sflag:$0x1], $0x80, $0x38;
	[tilespmem:$0x2650] =	vst v63  }
0x65: {  	_ =	swait.ge [sflag:s18], $0x80  }
0x66: {  	[sflag:s18] =	ssyncset.done $0x0  }
0x67: {  	s24 =	sadd.s32 s6, s24;
	s26 =	simm.s32 $0x2120;
	[sflag:s18] =	ssyncadd.s32 $0xFFFFFF80  }
0x68: {  	[hbm4b:s24+s2] =	stream.linear.scatter [tilespmem:s26], [sflag:$0x1], $0x80, $0x38;
	[tilespmem:$0x2650] =	vst v63  }
0x69: {  	s25 =	sadd.s32 s12, s7;
	_ =	swait.ge [sflag:s18], $0x80  }
0x6a: {  	s24 =	sshrl.u32 s25, $0x3;
	[sflag:s18] =	ssyncset.done $0x0  }
0x6b: {  	s26 =	simm.s32 $0x1D00;
	s25 =	sadd.s32 s5, s24;
	[sflag:s18] =	ssyncadd.s32 $0xFFFFFF80  }
0x6c: {  	[hbm4b:s25+s2] =	stream.linear.scatter [tilespmem:s26], [sflag:$0x1], $0x80, $0x38;
	[tilespmem:$0x2650] =	vst v63  }
0x6d: {  	_ =	swait.ge [sflag:s18], $0x80  }
0x6e: {  	[sflag:s18] =	ssyncset.done $0x0  }
0x6f: {  	s24 =	sadd.s32 s6, s24;
	s26 =	simm.s32 $0x21A0;
	[sflag:s18] =	ssyncadd.s32 $0xFFFFFF80  }
0x70: {  	[hbm4b:s24+s2] =	stream.linear.scatter [tilespmem:s26], [sflag:$0x1], $0x80, $0x38;
	[tilespmem:$0x2650] =	vst v63  }
0x71: {  	s26 =	sadd.s32 s13, s7;
	_ =	swait.ge [sflag:s18], $0x80  }
0x72: {  	s24 =	sshrl.u32 s26, $0x3;
	[sflag:s18] =	ssyncset.done $0x0  }
0x73: {  	s26 =	simm.s32 $0x1D80;
	s25 =	sadd.s32 s5, s24;
	[sflag:s18] =	ssyncadd.s32 $0xFFFFFF80  }
0x74: {  	[hbm4b:s25+s2] =	stream.linear.scatter [tilespmem:s26], [sflag:$0x1], $0x80, $0x38;
	[tilespmem:$0x2650] =	vst v63  }
0x75: {  	_ =	swait.ge [sflag:s18], $0x80  }
0x76: {  	[sflag:s18] =	ssyncset.done $0x0  }
0x77: {  	s24 =	sadd.s32 s6, s24;
	[sflag:s18] =	ssyncadd.s32 $0xFFFFFF80  }
0x78: {  	[hbm4b:s24+s2] =	stream.linear.scatter [tilespmem:s28], [sflag:$0x1], $0x80, $0x38;
	[tilespmem:$0x2650] =	vst v63  }
0x79: {  	s25 =	sadd.s32 s14, s7;
	_ =	swait.ge [sflag:s18], $0x80  }
0x7a: {  	s24 =	sshrl.u32 s25, $0x3;
	[sflag:s18] =	ssyncset.done $0x0  }
0x7b: {  	s26 =	sadd.s32 s5, s24;
	[sflag:s18] =	ssyncadd.s32 $0xFFFFFF80  }
0x7c: {  	[hbm4b:s26+s2] =	stream.linear.scatter [tilespmem:s29], [sflag:$0x1], $0x80, $0x38;
	[tilespmem:$0x2650] =	vst v63  }
0x7d: {  	_ =	swait.ge [sflag:s18], $0x80  }
0x7e: {  	[sflag:s18] =	ssyncset.done $0x0  }
0x7f: {  	s24 =	sadd.s32 s6, s24;
	[sflag:s18] =	ssyncadd.s32 $0xFFFFFF80  }
0x80: {  	[hbm4b:s24+s2] =	stream.linear.scatter [tilespmem:s30], [sflag:$0x1], $0x80, $0x38;
	[tilespmem:$0x2650] =	vst v63  }
0x81: {  	s25 =	sadd.s32 s15, s7;
	_ =	swait.ge [sflag:s18], $0x80  }
0x82: {  	s24 =	sshrl.u32 s25, $0x3;
	[sflag:s18] =	ssyncset.done $0x0  }
0x83: {  	s26 =	sadd.s32 s5, s24;
	[sflag:s18] =	ssyncadd.s32 $0xFFFFFF80  }
0x84: {  	[hbm4b:s26+s2] =	stream.linear.scatter [tilespmem:s31], [sflag:$0x1], $0x80, $0x38;
	[tilespmem:$0x2650] =	vst v63  }
0x85: {  	_ =	swait.ge [sflag:s18], $0x80  }
0x86: {  	[sflag:s18] =	ssyncset.done $0x0  }
0x87: {  	s24 =	sadd.s32 s6, s24;
	[sflag:s18] =	ssyncadd.s32 $0xFFFFFF80  }
0x88: {  	[hbm4b:s24+s2] =	stream.linear.scatter [tilespmem:s0], [sflag:$0x1], $0x80, $0x38;
	[tilespmem:$0x2650] =	vst v63  }
0x89: {  	s25 =	sadd.s32 s16, s7;
	_ =	swait.ge [sflag:s18], $0x80  }
0x8a: {  	s24 =	sshrl.u32 s25, $0x3;
	[sflag:s18] =	ssyncset.done $0x0  }
0x8b: {  	s26 =	sadd.s32 s5, s24;
	[sflag:s18] =	ssyncadd.s32 $0xFFFFFF80  }
0x8c: {  	[hbm4b:s26+s2] =	stream.linear.scatter [tilespmem:s3], [sflag:$0x1], $0x80, $0x38;
	[tilespmem:$0x2650] =	vst v63  }
0x8d: {  	_ =	swait.ge [sflag:s18], $0x80  }
0x8e: {  	[sflag:s18] =	ssyncset.done $0x0  }
0x8f: {  	s24 =	sadd.s32 s6, s24;
	[sflag:s18] =	ssyncadd.s32 $0xFFFFFF80  }
0x90: {  	[hbm4b:s24+s2] =	stream.linear.scatter [tilespmem:s9], [sflag:$0x1], $0x80, $0x38;
	[tilespmem:$0x2650] =	vst v63  }
0x91: {  	s7 =	sadd.s32 s17, s7;
	_ =	swait.ge [sflag:s18], $0x80  }
0x92: {  	s7 =	sshrl.u32 s7, $0x3;
	[sflag:s18] =	ssyncset.done $0x0  }
0x93: {  	s26 =	sadd.s32 s5, s7;
	[sflag:s18] =	ssyncadd.s32 $0xFFFFFF80  }
0x94: {  	[hbm4b:s26+s2] =	stream.linear.scatter [tilespmem:s10], [sflag:$0x1], $0x80, $0x38;
	[tilespmem:$0x2650] =	vst v63  }
0x95: {  	_ =	swait.ge [sflag:s18], $0x80  }
0x96: {  	[sflag:s18] =	ssyncset.done $0x0  }
0x97: {  	s7 =	sadd.s32 s6, s7;
	[sflag:s18] =	ssyncadd.s32 $0xFFFFFF80  }
0x98: {  	[hbm4b:s7+s2] =	stream.linear.scatter [tilespmem:s1], [sflag:$0x1], $0x80, $0x38;
	[tilespmem:$0x2650] =	vst v63  }
0x99: {  	_ =	swait.ge [sflag:s18], $0x80  }
0x9a: {  	[sflag:s18] =	ssyncset.done $0x0  }
0x9b: {  	[sflag:s18] =	ssyncadd.s32 $0xFFFFFF80  }
0x9c: {  	v6 =	vld [tilespmem:$0x2000]  }
0x9d: {  	v7 =	vld [tilespmem:$0x24A0]  }
.Ltmp7:
0x9e: {  	_ = 	snop;
	(pc) =	sbr.rel .LBB2_5-.Ltmp7, $3  }
0x9f: {  	_ =	sdelay $0x1  }
0xa0: {  	[tilespmem:$0x1C00] =	vst v6  }
0xa1: {  	s25 =	simm.s32 $0x8;
	s26 =	simm.s32 $0xFFFFFC00;
	[tilespmem:$0x20A0] =	vst v7  }
.LBB2_7:
0xa2: {  	s21 =	sadd.s32 s26, s23  }
0xa3: {  	s21 =	sshll.u32 s21, $0x2  }
0xa4: {  	s21 =	sshra.s32 s21, $0x2  }
0xa5: {  	s22 =	simm.s32 $0x0;
	s26 =	sadd.s32 $0x1C00, s21  }
0xa6: {  	v6 =	vor.u32 s22, v2;
	s21 =	sadd.s32 $0x20A0, s21;
	[tilespmem:s26+$0x0] =	vst v1  }
0xa7: {  	s22 =	simm.s32 $0x10;
	s23 =	sadd.s32 $0x10, s26;
	[tilespmem:s21+$0x0] =	vst v6  }
.LBB2_8:
0xa8: {  	[tilespmem:s23+$0x0] =	vst v1;
	v6 =	vor.u32 s22, v2;
	p0 =	sne.s32 s22, $0x70;
	s22 =	sadd.s32 $0x10, s22;
	s21 =	sadd.s32 $0x10, s21  }
.Ltmp8:
0xa9: {  	[tilespmem:s21+$0x0] =	vst v6;
	(pc) =	sbr.rel @p0 .LBB2_8-.Ltmp8, $2  }
0xaa: {  	_ =	sdelay $0x2  }
0xab: {  	s23 =	sadd.s32 $0x10, s23  }
0xac: {  	s21 =	sadd.s32 $0x7F, s24  }
0xad: {  	s22 =	sand.u32 $0x7F, s21  }
0xae: {  	s26 =	sshra.s32 s21, $0x1F;
	p1 =	slt.s32 s21, $0x1;
	p0 =	sne.s32 s22, $0x0  }
0xaf: {  	s22 =	sshrl.u32 s26, $0x19;
	p0 =	por !p1, !p0  }
0xb0: {  	s21 =	sadd.s32 s22, s21;
	s22 =	simm.s32 $0x1;
	p0 =	por !p0, !p0  }
0xb1: {  	s21 =	sshrl.u32 s21, $0x7;
	s22 =	simm.s32 @!p0 $0x0  }
0xb2: {  	s21 =	ssub.s32 s21, s22  }
0xb3: {  	s21 =	sshll.u32 s21, $0x7  }
0xb4: {  	s22 =	sshra.s32 s21, $0x7  }
0xb5: {  	p0 =	slt.s32 s22, $0x1  }
.Ltmp9:
0xb6: {  	_ = 	snop;
	(pc) =	sbr.rel @p0 .LBB2_16-.Ltmp9, $1  }
0xb7: {  	_ =	sdelay $0x3  }
0xb8: {  	p1 =	sne.s32 s22, $0x1  }
.Ltmp10:
0xb9: {  	_ = 	snop;
	(pc) =	sbr.rel @!p1 .LBB2_11-.Ltmp10, $4  }
0xba: {  	s7 =	sadd.s32 s25, s20  }
0xbb: {  	s21 =	simm.s32 $0x20A0;
	s20 =	sshll.u32 s7, $0x7  }
0xbc: {  	s24 =	sadd.s32 $0xFFFFFFFF, s22;
	p0 =	por $0x0, $0x0;
	s23 =	sadd.s32 s20, s8  }
0xbd: {  	s7 =	sadd.s32 s22, s7;
	s20 =	simm.s32 $0x1C00;
	s22 =	sshrl.u32 s23, $0x3  }
0xbe: {  	s25 =	sadd.s32 s5, s22  }
0xbf: {  	[hbm4b:s25+s2] =	stream.linear.scatter [tilespmem:s20], [sflag:$0x1], $0x80, $0x38;
	[tilespmem:$0x2650] =	vst v63  }
0xc0: {  	p1 =	sne.s32 s24, $0x1;
	_ =	swait.ge [sflag:s18], $0x80  }
.Ltmp11:
0xc1: {  	s26 =	sadd.s32 s6, s22;
	[sflag:s18] =	ssyncset.done $0x0;
	(pc) =	sbr.rel @!p1 .LBB2_13-.Ltmp11, $4  }
0xc2: {  	s23 =	sadd.s32 $0x80, s23;
	p0 =	por $0x1, $0x1;
	[sflag:s18] =	ssyncadd.s32 $0xFFFFFF80  }
0xc3: {  	[hbm4b:s26+s2] =	stream.linear.scatter [tilespmem:s21], [sflag:$0x1], $0x80, $0x38;
	[tilespmem:$0x2650] =	vst v63  }
0xc4: {  	s25 =	sadd.s32 $0xFFFFFFFF, s24;
	s22 =	sshrl.u32 s23, $0x3;
	_ =	swait.ge [sflag:s18], $0x80  }
0xc5: {  	s24 =	simm.s32 $0x1C00;
	s21 =	simm.s32 $0x2120;
	[sflag:s18] =	ssyncset.done $0x0  }
.LBB2_14:
0xc6: {  	s26 =	sadd.s32 s5, s22;
	[sflag:s18] =	ssyncadd.s32 $0xFFFFFF80;
	s24 =	sadd.s32 $0x80, s24  }
0xc7: {  	[hbm4b:s26+s2] =	stream.linear.scatter [tilespmem:s24], [sflag:$0x1], $0x80, $0x38;
	[tilespmem:$0x2650] =	vst v63  }
0xc8: {  	p1 =	sne.s32 s25, $0x1;
	s25 =	sadd.s32 $0xFFFFFFFF, s25;
	_ =	swait.ge [sflag:s18], $0x80  }
.Ltmp12:
0xc9: {  	[sflag:s18] =	ssyncset.done $0x0;
	(pc) =	sbr.rel @p1 .LBB2_14-.Ltmp12, $4  }
0xca: {  	s22 =	sadd.s32 s6, s22;
	[sflag:s18] =	ssyncadd.s32 $0xFFFFFF80  }
0xcb: {  	[hbm4b:s22+s2] =	stream.linear.scatter [tilespmem:s21], [sflag:$0x1], $0x80, $0x38;
	[tilespmem:$0x2650] =	vst v63  }
0xcc: {  	s23 =	sadd.s32 $0x80, s23;
	_ =	swait.ge [sflag:s18], $0x80  }
0xcd: {  	s22 =	sshrl.u32 s23, $0x3;
	s21 =	sadd.s32 $0x80, s21;
	[sflag:s18] =	ssyncset.done $0x0  }
.LBB2_15:
0xce: {  	s23 =	sadd.s32 @p0 $0x80, s24  }
0xcf: {  	s25 =	sadd.s32 s5, s22;
	[sflag:s18] =	ssyncadd.s32 @p0 $0xFFFFFF80;
	s20 =	smov.u32 @p0 s23  }
0xd0: {  	[hbm4b:s25+s2] =	stream.linear.scatter [tilespmem:s20], [sflag:$0x1], $0x80, $0x38;
	[tilespmem:$0x2650] =	vst v63  }
0xd1: {  	_ =	swait.ge [sflag:s18], $0x80  }
0xd2: {  	[sflag:s18] =	ssyncset.done $0x0  }
0xd3: {  	s26 =	sadd.s32 s6, s22;
	[sflag:s18] =	ssyncadd.s32 $0xFFFFFF80  }
0xd4: {  	[hbm4b:s26+s2] =	stream.linear.scatter [tilespmem:s21], [sflag:$0x1], $0x80, $0x38;
	[tilespmem:$0x2650] =	vst v63  }
0xd5: {  	_ =	swait.ge [sflag:s18], $0x80  }
0xd6: {  	[sflag:s18] =	ssyncset.done $0x0  }
0xd7: {  	[sflag:s18] =	ssyncadd.s32 $0xFFFFFF80  }
.LBB2_16:
0xd8: {  	s20 =	sadd.s32 $0x17, s7  }
0xd9: {  	s21 =	smulhi.u32 $0x2AAAAAAB, s20;
	s22 =	sshra.s32 s20, $0x1F  }
0xda: {  	s22 =	smul.u32 $0x2AAAAAAB, s22;
	_ =	sdelay $0x1  }
0xdb: {  	s21 =	sadd.s32 s22, s21  }
0xdc: {  	s22 =	sshrl.u32 s21, $0x1F;
	s21 =	sshra.s32 s21, $0x2  }
0xdd: {  	s21 =	sadd.s32 s22, s21  }
0xde: {  	s22 =	smul.u32 $0xFFFFFFE8, s21  }
0xdf: {  	s23 =	ssub.s32 $0xFFFFFFE9, s7  }
0xe0: {  	p0 =	slt.s32 s20, $0x1;
	p1 =	sne.s32 s22, s23  }
0xe1: {  	p0 =	por !p0, !p1  }
0xe2: {  	s20 =	simm.s32 $0x1;
	p0 =	por !p0, !p0  }
0xe3: {  	s20 =	simm.s32 @!p0 $0x0  }
0xe4: {  	s20 =	ssub.s32 s21, s20  }
0xe5: {  	p0 =	sgt.s32 s20, $0x9  }
0xe6: {  	s20 =	simm.s32 @!p0 $0x9  }
0xe7: {  	s26 =	smul.u32 $0x18, s20;
	_ =	sdelay $0x1  }
0xe8: {  	s21 =	ssub.s32 s26, s7  }
0xe9: {  	p0 =	slt.s32 s21, $0x1  }
.Ltmp13:
0xea: {  	_ = 	snop;
	(pc) =	sbr.rel @p0 .LBB2_21-.Ltmp13, $2  }
0xeb: {  	_ =	sdelay $0x2  }
0xec: {  	s22 =	rddreg [dreg:$0x7]  }
0xed: {  	p1 =	sne.s32 s21, $0x1  }
.Ltmp14:
0xee: {  	_ = 	snop;
	(pc) =	sbr.rel @!p1 .LBB2_20-.Ltmp14, $4  }
0xef: {  	_ = 	snop  }
0xf0: {  	s7 =	sshll.u32 s7, $0x7  }
0xf1: {  	s22 =	sadd.s32 s7, s8  }
0xf2: {  	s21 =	sadd.s32 $0xFFFFFFFF, s21;
	p0 =	por $0x0, $0x0;
	s7 =	sshrl.u32 s22, $0x3  }
0xf3: {  	s23 =	sadd.s32 s5, s7  }
0xf4: {  	[hbm4b:s23+s2] =	stream.linear.scatter [tilespmem:s19], [sflag:$0x1], $0x80, $0x38;
	[tilespmem:$0x2650] =	vst v63  }
0xf5: {  	p1 =	sne.s32 s21, $0x1;
	_ =	swait.ge [sflag:s18], $0x80  }
.Ltmp15:
0xf6: {  	[sflag:s18] =	ssyncset.done $0x0;
	(pc) =	sbr.rel @!p1 .LBB2_20-.Ltmp15, $4  }
0xf7: {  	s26 =	sadd.s32 s6, s7;
	[sflag:s18] =	ssyncadd.s32 $0xFFFFFF80  }
0xf8: {  	[hbm4b:s26+s2] =	stream.linear.scatter [tilespmem:s4], [sflag:$0x1], $0x80, $0x38;
	[tilespmem:$0x2650] =	vst v63  }
0xf9: {  	s21 =	sadd.s32 $0xFFFFFFFF, s21;
	s22 =	sadd.s32 $0x80, s22;
	_ =	swait.ge [sflag:s18], $0x80  }
0xfa: {  	p0 =	por $0x1, $0x1;
	s7 =	sshrl.u32 s22, $0x3;
	[sflag:s18] =	ssyncset.done $0x0  }
.LBB2_19:
0xfb: {  	p1 =	sne.s32 s21, $0x1;
	s23 =	sadd.s32 s5, s7;
	[sflag:s18] =	ssyncadd.s32 $0xFFFFFF80  }
0xfc: {  	[hbm4b:s23+s2] =	stream.linear.scatter [tilespmem:s19], [sflag:$0x1], $0x80, $0x38;
	[tilespmem:$0x2650] =	vst v63  }
0xfd: {  	s21 =	sadd.s32 $0xFFFFFFFF, s21;
	_ =	swait.ge [sflag:s18], $0x80  }
.Ltmp16:
0xfe: {  	[sflag:s18] =	ssyncset.done $0x0;
	(pc) =	sbr.rel @p1 .LBB2_19-.Ltmp16, $4  }
0xff: {  	s7 =	sadd.s32 s6, s7;
	[sflag:s18] =	ssyncadd.s32 $0xFFFFFF80  }
0x100: {  	[hbm4b:s7+s2] =	stream.linear.scatter [tilespmem:s4], [sflag:$0x1], $0x80, $0x38;
	[tilespmem:$0x2650] =	vst v63  }
0x101: {  	s22 =	sadd.s32 $0x80, s22;
	_ =	swait.ge [sflag:s18], $0x80  }
0x102: {  	s7 =	sshrl.u32 s22, $0x3;
	[sflag:s18] =	ssyncset.done $0x0  }
.Ltmp17:
0x103: {  	_ = 	snop;
	(pc) =	sbr.rel .LBB2_20-.Ltmp17, $1  }
0x104: {  	_ =	sdelay $0x3  }
.LBB2_11:
.Ltmp18:
0x105: {  	(pc) =	sbr.rel .LBB2_15-.Ltmp18, $2  }
0x106: {  	_ =	sdelay $0x2  }
0x107: {  	s24 =	simm.s32 $0x1C00  }
.LBB2_13:
.Ltmp19:
0x108: {  	(pc) =	sbr.rel .LBB2_15-.Ltmp19, $2  }
0x109: {  	_ =	sdelay $0x2  }
0x10a: {  	s24 =	simm.s32 $0x1C00  }
.LBB2_22:
0x10b: {  	_ =	sfence.sel $0x180000  }
0x10c: {  	[bflag:$0x0] =	sbarrier.arrive $0xFFFF  }
0x10d: {  	_ =	strace $0x90000047  }
0x10e: {  	s0 =	stileid.u32;
	[bflag:$0x2] =	sbarrier.arrive $0xFFFF  }
0x10f: {  	p0 =	sne.s32 s0, $0x0;
	s0 =	rddreg [dreg:$0x2]  }
0x110: {  	s0 =	sadd.s32 @!p0 $0x100000, s0  }
0x111: {  	[sflag:s0] =	ssyncadd.tile.s32 @!p0 $0x1;
	_ =	shalt  }
.Lfunc_end2:
_tile_overlayer_lowered:
.L_overlay_start_2:
0x112: {  	(tag) =	ssettag $0x2  }
0x113: {  	s0 =	rddreg [dreg:$0x0];
	s2 =	stileid.u32  }
0x114: {  	s1 =	rddreg [dreg:$0x1];
	p0 =	sne.s32 s2, $0x0  }
0x115: {  	s3 =	rddreg [dreg:$0x2];
	[bflag:$0x3] =	sbarrier.arrive $0xFFFF;
	s2 =	simm.s32 @!p0 $0x1C01  }
0x116: {  	[timem:s3], [sflag:s2] =	dma.local @!p0 [hbm:s0], s1  }
0x117: {  	s0 =	simm.s32 @!p0 $0x1  }
0x118: {  	_ =	swait.ge @!p0 [sflag:s0], s1  }
0x119: {  	s1 =	ssub.s32 @!p0 $0x0, s1;
	[sflag:s0] =	ssyncset.done @!p0 $0x0  }
0x11a: {  	[sflag:s0] =	ssyncadd.s32 @!p0 s1  }
0x11b: {  	[bflag:$0x3] =	sbarrier.arrive $0xFFFF  }
0x11c: {  	_ =	shalt  }

// kernel: _run.19.cloned.1.call-start
scs
__scs_entry_jumppad:
0x0: {  	(pc) =	sbr.rel $0x88, $3  }
0x1: {  	(tag) =	ssettag $0x0;
	lr =	simm.s32 $0x1  }
0x2: {  	[smem:$0x3F96] =	sst lr;
	_ =	strace $0xD0000000  }
0x3: {  	_ = 	snop  }
0x4: {  	_ = 	snop  }
0x5: {  	_ = 	snop  }
0x6: {  	_ = 	snop  }
0x7: {  	_ = 	snop  }
__scs_overlays_trampoline_lowered:
0x8: {  	[smem:$0x3FA5] =	sst s0  }
0x9: {  	[smem:$0x3FA6] =	sst s1  }
0xa: {  	[smem:$0x3FA7] =	sst s2  }
0xb: {  	[smem:$0x3FA8] =	sst s3  }
0xc: {  	[smem:$0x3FA9] =	sst s4  }
0xd: {  	[smem:$0x3FAA] =	sst s5  }
0xe: {  	[smem:$0x3FAB] =	sst s6  }
0xf: {  	[smem:$0x3FAC] =	sst s7  }
0x10: {  	[smem:$0x3FAD] =	sst s8  }
0x11: {  	[smem:$0x3FAE] =	sst s9;
	s0 =	simm.s32 @!p0 $0x0  }
0x12: {  	s1 =	sld [smem:$0x3F94];
	s0 =	simm.s32 @p0 $0x1  }
0x13: {  	[smem:$0x3FAF] =	sst s0;
	s0 =	simm.s32 @!p1 $0x0  }
0x14: {  	s2 =	sld [smem:$0x3F93];
	s0 =	simm.s32 @p1 $0x1  }
0x15: {  	[smem:$0x3FB0] =	sst s0;
	s0 =	simm.s32 @!p2 $0x0  }
0x16: {  	s3 =	sld [smem:$0x3FDB];
	s0 =	simm.s32 @p2 $0x1  }
0x17: {  	s4 =	simm.s32 $0x1BF5;
	[smem:$0x3FB2] =	sst s0  }
0x18: {  	s0 =	sld [smem:$0x3F95];
	_ =	swait.ge [sflag:s4], $0x0  }
0x19: {  	s7 =	sld [smem:$0x3F96]  }
0x1a: {  	s8 =	sadd.s32 $0xFFFFE003, lr  }
0x1b: {  	s9 =	sadd.s32 $0xFFFFFEF7, lr;
	s5 =	simm.s32 $0xFFFFFFFF;
	p2 =	slt.u32 s8, $0xFFFFF086  }
0x1c: {  	p1 =	slt.u32 s9, $0xF7A;
	s5 =	simm.s32 @!p2 $0x0  }
0x1d: {  	s5 =	simm.s32 @p1 $0x1;
	p0 =	seq.s32 s7, s2  }
0x1e: {  	s7 =	smul.u32 @!p0 $0xF7A, s2;
	p2 =	seq.s32 @!p0 s5, $0x0  }
0x1f: {  	s9 =	smul.u32 $0xF7A, s1;
	s8 =	simm.s32 @!p0 $0x1BF5;
	p2 =	por !p2, p0  }
0x20: {  	[sflag:s8] =	ssyncset.s32 @!p0 $0xFFFFF086;
	s6 =	sadd.s32 @!p0 s3, s7;
	s7 =	simm.s32 @!p0 $0x108  }
0x21: {  	s3 =	sadd.s32 s3, s9;
	s6 =	sadd.s32 @!p0 $0x88, s6;
	s7 =	simm.s32 @p2 $0x1082  }
0x22: {  	[simem:s7], [sflag:s8] =	dma.local @!p0 [hbm:s6], $0xF7A  }
0x23: {  	s9 =	sor.u32 $0xD0000000, s2;
	s6 =	simm.s32 $0x108;
	_ =	swait.ge @!p0 [sflag:s8], $0x0  }
0x24: {  	s3 =	sadd.s32 $0x88, s3;
	s6 =	simm.s32 @!p1 $0x1082;
	[sflag:s4] =	ssyncset.s32 $0xFFFFF086  }
0x25: {  	[simem:s6], [sflag:s4] =	dma.local [hbm:s3], $0xF7A  }
0x26: {  	[smem:$0x3F96] =	sst s1;
	(tag) =	ssettag s2;
	_ =	strace s9  }
0x27: {  	s1 =	sld [smem:$0x3FA6]  }
0x28: {  	s2 =	sld [smem:$0x3FA7]  }
0x29: {  	s4 =	sld [smem:$0x3FA9]  }
0x2a: {  	p0 =	seq.s32 s5, $0x0;
	s5 =	sld [smem:$0x3FAA]  }
0x2b: {  	s6 =	sld [smem:$0x3FAB]  }
0x2c: {  	s7 =	sld [smem:$0x3FAC]  }
0x2d: {  	s3 =	simm.s32 $0x108;
	s8 =	sld [smem:$0x3FAD]  }
0x2e: {  	s3 =	simm.s32 @!p0 $0x1082;
	s9 =	sld [smem:$0x3FAE]  }
0x2f: {  	lr =	sadd.s32 s0, s3;
	s0 =	sld [smem:$0x3FA5]  }
0x30: {  	s3 =	sld [smem:$0x3FA8]  }
0x31: {  	[smem:$0x3FB1] =	sst s10  }
0x32: {  	s10 =	sld [smem:$0x3FAF];
	_ =	sdelay $0x3  }
0x33: {  	p0 =	seq.s32 s10, $0x1;
	s10 =	sld [smem:$0x3FB1];
	_ =	sdelay $0x3  }
0x34: {  	[smem:$0x3FB1] =	sst s10  }
0x35: {  	s10 =	sld [smem:$0x3FB0];
	_ =	sdelay $0x3  }
0x36: {  	p1 =	seq.s32 s10, $0x1;
	s10 =	sld [smem:$0x3FB1];
	_ =	sdelay $0x3  }
0x37: {  	[smem:$0x3FB1] =	sst s10  }
0x38: {  	s10 =	sld [smem:$0x3FB2]  }
0x39: {  	_ = 	snop;
	(pc) =	sbr.ind lr, $3  }
0x3a: {  	_ = 	snop  }
0x3b: {  	_ = 	snop  }
0x3c: {  	p2 =	seq.s32 s10, $0x1;
	s10 =	sld [smem:$0x3FB1]  }
0x3d: {  	_ =	shalt  }
0x3e: {  	_ =	shalt  }
0x3f: {  	_ =	shalt  }
0x40: {  	_ =	shalt  }
0x41: {  	_ =	shalt  }
0x42: {  	_ =	shalt  }
0x43: {  	_ =	shalt  }
0x44: {  	_ =	shalt  }
0x45: {  	_ =	shalt  }
0x46: {  	_ =	shalt  }
0x47: {  	_ =	shalt  }
0x48: {  	_ =	shalt  }
0x49: {  	_ =	shalt  }
0x4a: {  	_ =	shalt  }
0x4b: {  	_ =	shalt  }
0x4c: {  	_ =	shalt  }
0x4d: {  	_ =	shalt  }
0x4e: {  	_ =	shalt  }
0x4f: {  	_ =	shalt  }
0x50: {  	_ =	shalt  }
0x51: {  	_ =	shalt  }
0x52: {  	_ =	shalt  }
0x53: {  	_ =	shalt  }
0x54: {  	_ =	shalt  }
0x55: {  	_ =	shalt  }
0x56: {  	_ =	shalt  }
0x57: {  	_ =	shalt  }
0x58: {  	_ =	shalt  }
0x59: {  	_ =	shalt  }
0x5a: {  	_ =	shalt  }
0x5b: {  	_ =	shalt  }
0x5c: {  	_ =	shalt  }
0x5d: {  	_ =	shalt  }
0x5e: {  	_ =	shalt  }
0x5f: {  	_ =	shalt  }
0x60: {  	_ =	shalt  }
0x61: {  	_ =	shalt  }
0x62: {  	_ =	shalt  }
0x63: {  	_ =	shalt  }
0x64: {  	_ =	shalt  }
0x65: {  	_ =	shalt  }
0x66: {  	_ =	shalt  }
0x67: {  	_ =	shalt  }
0x68: {  	_ =	shalt  }
0x69: {  	_ =	shalt  }
0x6a: {  	_ =	shalt  }
0x6b: {  	_ =	shalt  }
0x6c: {  	_ =	shalt  }
0x6d: {  	_ =	shalt  }
0x6e: {  	_ =	shalt  }
0x6f: {  	_ =	shalt  }
0x70: {  	_ =	shalt  }
0x71: {  	_ =	shalt  }
0x72: {  	_ =	shalt  }
0x73: {  	_ =	shalt  }
0x74: {  	_ =	shalt  }
0x75: {  	_ =	shalt  }
0x76: {  	_ =	shalt  }
0x77: {  	_ =	shalt  }
0x78: {  	_ =	shalt  }
0x79: {  	_ =	shalt  }
0x7a: {  	_ =	shalt  }
0x7b: {  	_ =	shalt  }
0x7c: {  	_ =	shalt  }
0x7d: {  	_ =	shalt  }
0x7e: {  	_ =	shalt  }
0x7f: {  	_ =	shalt  }
0x80: {  	_ =	shalt  }
0x81: {  	_ =	shalt  }
0x82: {  	_ =	shalt  }
0x83: {  	_ =	shalt  }
0x84: {  	_ =	shalt  }
0x85: {  	_ =	shalt  }
0x86: {  	_ =	shalt  }
0x87: {  	_ =	shalt  }
.Lfunc_end0:
.L_simem_size_0:
called_computation.1_lowered:
.L_overlay_start_0:
0x88: {  	s2 =	sld [smem:$0x3FD9]  }
0x89: {  	s3 =	sld [smem:$0x3FFE];
	_ =	sdelay $0x1  }
0x8a: {  	s1 =	srdreg.scid  }
0x8b: {  	s0 =	sand.u32 $0x1, s1  }
0x8c: {  	s17 =	sshll.u32 s0, $0xA;
	s2 =	sadd.s32 s3, s2  }
0x8d: {  	s2 =	sadd.s32 s2, s17  }
0x8e: {  	[smem:$0x3FBD] =	sst s2  }
0x8f: {  	_ = 	snop  }
0x90: {  	s2 =	sld [smem:$0x3FD0];
	(tm) =	ssettm $0x1  }
0x91: {  	s18 =	sld [smem:$0x3FFB];
	_ =	sdelay $0x3  }
0x92: {  	_ =	strace s18  }
0x93: {  	s3 =	sld [smem:$0x3FFC];
	_ =	sdelay $0x3  }
0x94: {  	_ =	strace s3  }
0x95: {  	s3 =	sld [smem:$0x3FFD];
	_ =	sdelay $0x3  }
0x96: {  	_ =	strace s3  }
0x97: {  	_ =	strace $0x8FFFFFFF  }
0x98: {  	s19 =	sld [smem:$0x3FDB];
	_ =	sdelay $0x1  }
0x99: {  	s4 =	simm.s32 $_scs_section_size  }
0x9a: {  	s5 =	simm.s32 $_size__tile_overlayer_lowered;
	s6 =	simm.s32 $_tile_overlayer_lowered  }
0x9b: {  	s22 =	simm.s32 $0x1BFF;
	s21 =	sshll.u32 s6, $0x1;
	s3 =	sadd.s32 s4, s19  }
0x9c: {  	s7 =	simm.s32 $0x0;
	s20 =	sshll.u32 s5, $0x1;
	s5 =	sadd.s32 s21, s3  }
0x9d: {  	[timem:s7], [sflag:s22] =	dma.local [hbm:s5], s20  }
0x9e: {  	_ =	swait.ge [sflag:s22], s20  }
0x9f: {  	s4 =	ssub.s32 $0x0, s20;
	[sflag:s22] =	ssyncset.done $0x0  }
0xa0: {  	[sflag:s22] =	ssyncadd.s32 s4;
	_ =	sdelay $0x1  }
0xa1: {  	s23 =	simm.s32 $0x1B8B  }
0xa2: {  	_ =	swait.ge [sflag:s23], $0x1  }
0xa3: {  	[sflag:s23] =	ssyncset.done $0x0  }
0xa4: {  	s25 =	simm.s32 $0x1B8E;
	s24 =	sld [smem:$0x3FFE];
	[sflag:s23] =	ssyncadd.s32 $0xFFFFFFFF  }
0xa5: {  	s26 =	simm.s32 $execute0_lowered;
	[smem:$0x3FD2] =	sst s25  }
0xa6: {  	s5 =	sshll.u32 s26, $0x1;
	_ =	strace $0x80000049;
	[dreg:$0x1] =	wrdreg $0xFFFFFFFF  }
0xa7: {  	s28 =	simm.s32 $_size_execute0_lowered;
	s3 =	sadd.s32 s3, s5;
	[dreg:$0x0] =	wrdreg $0x0  }
0xa8: {  	s5 =	sshll.u32 s28, $0x1;
	[dreg:$0x2] =	wrdreg s3  }
0xa9: {  	[dreg:$0x3] =	wrdreg s5  }
0xaa: {  	[dreg:$0x4] =	wrdreg $0xC0  }
0xab: {  	_ =	task [dreg:s7], $0x5FFFF  }
0xac: {  	[dreg:$0x1] =	wrdreg $0xFFFFFFFF  }
0xad: {  	[dreg:$0x0] =	wrdreg $0x60  }
0xae: {  	[dreg:$0x2] =	wrdreg s24  }
0xaf: {  	[dreg:$0x3] =	wrdreg s2  }
0xb0: {  	[dreg:$0x4] =	wrdreg $0x0  }
0xb1: {  	[dreg:$0x5] =	wrdreg $0x9  }
0xb2: {  	_ =	task.clear_ibuf [dreg:s7], $0x6FFFF;
	_ =	strace $0x90000049  }
0xb3: {  	s29 =	simm.s32 $0x9;
	_ =	strace $0x8000004B  }
0xb4: {  	_ =	swait.ge [sflag:s29], $0x1  }
0xb5: {  	[sflag:s29] =	ssyncadd.s32 $0xFFFFFFFF  }
0xb6: {  	_ =	strace $0x9000004B  }
0xb7: {  	_ =	sfence  }
0xb8: {  	s30 =	sld [smem:$0x0];
	_ =	sdelay $0x2  }
0xb9: {  	s31 =	sshll.u32 s1, $0xD;
	s1 =	sshrl.u32 s1, $0x2  }
0xba: {  	s3 =	sand.u32 $0x4000, s31;
	s1 =	sadd.s32 s1, s30  }
0xbb: {  	s0 =	sor.u32 s3, s0;
	s1 =	sshll.u32 s1, $0x11  }
0xbc: {  	s0 =	sor.u32 s1, s0  }
0xbd: {  	s0 =	sadd.s32 $0x8F2B, s0  }
0xbe: {  	[sflag:s0] =	ssyncadd.remote.s32 $0x1  }
0xbf: {  	_ =	sfence.sel $0xFFFF  }
0xc0: {  	[dreg:$0x0] =	wrdreg $0xFFFFFFFF;
	(pc) =	sbr.abs _section_cstart, $3  }
0xc1: {  	[dreg:$0x1] =	wrdreg $0xFFFFFFFF  }
0xc2: {  	_ =	task.clear_ibuf [dreg:s7], $0x2FFFF;
	_ =	strace $0x9FFFFFFF  }
0xc3: {  	(tm) =	ssettm $0x7FFFFFFF  }
tec
execute0_lowered:
.L_overlay_start_1:
0x0: {  	(tag) =	ssettag $0x1  }
0x1: {  	s6 =	rddreg [dreg:$0x0]  }
0x2: {  	s10 =	rddreg [dreg:$0x1]  }
0x3: {  	s11 =	rddreg [dreg:$0x2]  }
0x4: {  	s0 =	rddreg [dreg:$0x3];
	s1 =	simm.s32 $0x0;
	s2 =	stileid.u32  }
0x5: {  	s7 =	srdreg.scid;
	s19 =	simm.s32 $0x1;
	s21 =	simm.s32 $0x0  }
0x6: {  	[smem:$0x7FF] =	sst s1;
	s3 =	sadd.s32 $0x89400, s6;
	s9 =	smul.u32 $0x62000, s2  }
0x7: {  	s4 =	sadd.s32 $0x20600, s6;
	s5 =	sadd.s32 $0x54600, s6;
	s15 =	smul.u32 $0xD000, s2  }
0x8: {  	s8 =	sshll.u32 s2, $0x1;
	s7 =	sand.u32 $0x1, s7;
	s30 =	smul.u32 $0x30E0, s2  }
0x9: {  	s17 =	sshll.u32 s2, $0x6;
	s18 =	smul.u32 $0x61C00, s2;
	_ =	strace $0x8000004A  }
0xa: {  	s8 =	sadd.s32 s8, s6;
	s12 =	ssub.s32 $0x2, s7;
	s13 =	smul.u32 $0xD0000, s7  }
0xb: {  	s6 =	sadd.s32 $0x7E00, s6;
	s29 =	smul.u32 $0x30E00, s7;
	s7 =	sshll.u32 s7, $0x5  }
0xc: {  	s14 =	sshrl.u32 s12, $0x1;
	s9 =	sshrl.u32 s9, $0x2;
	s8 =	sadd.s32 s7, s8  }
0xd: {  	s7 =	sor.u32 $0x1C02, s17;
	s31 =	sshrl.u32 s18, $0x2;
	s17 =	simm.s32 $0x80  }
0xe: {  	s18 =	simm.s32 $0x1A000;
	s12 =	ssub.s32 s12, s14;
	s16 =	sadd.s32 s9, s11  }
0xf: {  	s8 =	sadd.s32 $0x88600, s8;
	s14 =	sadd.s32 s30, s29;
	s9 =	sadd.s32 s15, s13  }
0x10: {  	s20 =	sadd.s32 s31, s11;
	s13 =	simm.s32 $0x2;
	s15 =	simm.s32 $0x18800  }
0x11: {  	s10 =	sadd.s32 s10, s14;
	s11 =	smax.u32 s12, $0x1;
	s12 =	sshrl.u32 s16, $0x3  }
0x12: {  	s14 =	simm.s32 $0x1E000;
	s16 =	simm.s32 $0x19400;
	s20 =	sshrl.u32 s20, $0x3  }
.LBB2_1:
0x13: {  	[spmem:s12], [sflag:s7] =	dma.local [hbm:s6], $0x3100  }
0x14: {  	_ =	swait.ge [sflag:s13], $0x3100  }
0x15: {  	[sflag:s13] =	ssyncset.done $0x0  }
0x16: {  	[sflag:s13] =	ssyncadd.s32 $0xFFFFCF00  }
0x17: {  	[tilespmem:s14], [sflag:$0x2] =	stream.linear.gather [hbm4b:s8+s1], $0x10, $0x38;
	[tilespmem:$0x1E010] =	vst v63  }
0x18: {  	_ =	swait.ge [sflag:s13], $0x10  }
0x19: {  	[sflag:s13] =	ssyncset.done $0x0  }
0x1a: {  	[sflag:s13] =	ssyncadd.s32 $0xFFFFFFF0  }
0x1b: {  	s22 =	simm.s32 $0x0;
	[bflag:$0x0] =	sbarrier.arrive $0xFFFF  }
.LBB2_2:
0x1c: {  	s23 =	smul.u32 $0xC00, s22;
	_ =	sdelay $0x1  }
0x1d: {  	s23 =	sadd.s32 s23, s9  }
0x1e: {  	s23 =	sshrl.u32 s23, $0x3  }
0x1f: {  	s25 =	simm.s32 $0x0;
	s24 =	sadd.s32 s4, s23  }
0x20: {  	[tilespmem:s15], [sflag:$0x2] =	stream.linear.gather [hbm4b:s24+s25], $0xC00, $0x38;
	[tilespmem:$0x1E010] =	vst v63  }
0x21: {  	_ =	swait.ge [sflag:s13], $0xC00  }
0x22: {  	[sflag:s13] =	ssyncset.done $0x0  }
0x23: {  	s23 =	sadd.s32 s5, s23;
	[sflag:s13] =	ssyncadd.s32 $0xFFFFF400  }
0x24: {  	[tilespmem:s16], [sflag:$0x2] =	stream.linear.gather [hbm4b:s23+s25], $0xC00, $0x38;
	[tilespmem:$0x1E010] =	vst v63  }
0x25: {  	_ =	swait.ge [sflag:s13], $0xC00  }
0x26: {  	[sflag:s13] =	ssyncset.done $0x0  }
0x27: {  	[sflag:s13] =	ssyncadd.s32 $0xFFFFF400  }
0x28: {  	[tilespmem:s18], [sflag:$0x1] =	stream.indirect.gather [hbm4b:s3+s17], $0x40, s15, s17, $0xb8;
	[tilespmem:$0x1E010] =	vst v63  }
0x29: {  	s30 =	sxor.u32 $0xFFFFFFFF, s25;
	_ =	swait.ge [sflag:s19], $0x2000  }
0x2a: {  	s31 =	sand.u32 $0x2000, s30;
	[sflag:s19] =	ssyncset.done $0x0  }
0x2b: {  	s24 =	sadd.s32 $0x1A000, s31;
	s23 =	simm.s32 $0x18880;
	[sflag:s19] =	ssyncadd.s32 $0xFFFFE000  }
0x2c: {  	[tilespmem:s24], [sflag:$0x1] =	stream.indirect.gather [hbm4b:s3+s17], $0x40, s23, s17, $0xb8;
	[tilespmem:$0x1E010] =	vst v63  }
0x2d: {  	s24 =	simm.s32 $0x2000  }
.LBB2_3:
0x2e: {  	_ =	swait.ge [sflag:s19], $0x2000;
	p0 =	sne.s32 s24, $0x2C000  }
.Ltmp0:
0x2f: {  	(pc) =	sbr.rel @p0 .LBB2_3-.Ltmp0, $4  }
0x30: {  	s25 =	sxor.u32 $0xFFFFFFFF, s24;
	s24 =	sadd.s32 $0x2000, s24  }
0x31: {  	s25 =	sand.u32 $0x2000, s25;
	[sflag:s19] =	ssyncset.done $0x0  }
0x32: {  	s23 =	sadd.s32 $0x80, s23;
	s25 =	sadd.s32 $0x1A000, s25;
	[sflag:s19] =	ssyncadd.s32 $0xFFFFE000  }
0x33: {  	[tilespmem:s25], [sflag:$0x1] =	stream.indirect.gather [hbm4b:s3+s17], $0x40, s23, s17, $0xb8;
	[tilespmem:$0x1E010] =	vst v63  }
0x34: {  	s22 =	sadd.s32 $0x1, s22  }
0x35: {  	p0 =	sne.s32 s22, $0x9  }
.Ltmp1:
0x36: {  	_ = 	snop;
	(pc) =	sbr.rel @p0 .LBB2_2-.Ltmp1, $4  }
0x37: {  	_ = 	snop  }
0x38: {  	_ =	swait.ge [sflag:s19], $0x2000  }
0x39: {  	[sflag:s19] =	ssyncset.done $0x0  }
0x3a: {  	[sflag:s19] =	ssyncadd.s32 $0xFFFFE000  }
0x3b: {  	s21 =	sadd.s32 $0x1, s21  }
0x3c: {  	p0 =	sne.s32 s21, s11  }
.Ltmp2:
0x3d: {  	[bflag:$0x0] =	sbarrier.arrive $0xFFFF;
	(pc) =	sbr.rel @p0 .LBB2_1-.Ltmp2, $4  }
0x3e: {  	[hbm:s10], [sflag:s7] =	dma.local [spmem:s20], $0x30E0  }
0x3f: {  	_ =	swait.ge [sflag:s13], $0x30E0  }
0x40: {  	[sflag:s13] =	ssyncset.done $0x0  }
0x41: {  	[sflag:s13] =	ssyncadd.s32 $0xFFFFCF20  }
0x42: {  	_ =	sfence.sel $0x180000  }
0x43: {  	[bflag:$0x0] =	sbarrier.arrive $0xFFFF  }
0x44: {  	p0 =	sne.s32 s2, $0x0;
	_ =	strace $0x9000004A  }
0x45: {  	s0 =	sadd.s32 @!p0 $0x100000, s0;
	[bflag:$0x2] =	sbarrier.arrive $0xFFFF  }
0x46: {  	[sflag:s0] =	ssyncadd.tile.s32 @!p0 $0x1;
	_ =	shalt  }
.Lfunc_end2:
_tile_overlayer_lowered:
.L_overlay_start_2:
0x47: {  	(tag) =	ssettag $0x2  }
0x48: {  	s0 =	rddreg [dreg:$0x0];
	s2 =	stileid.u32  }
0x49: {  	s1 =	rddreg [dreg:$0x1];
	p0 =	sne.s32 s2, $0x0  }
0x4a: {  	s3 =	rddreg [dreg:$0x2];
	[bflag:$0x3] =	sbarrier.arrive $0xFFFF;
	s2 =	simm.s32 @!p0 $0x1C02  }
0x4b: {  	[timem:s3], [sflag:s2] =	dma.local @!p0 [hbm:s0], s1  }
0x4c: {  	s0 =	simm.s32 @!p0 $0x2  }
0x4d: {  	_ =	swait.ge @!p0 [sflag:s0], s1  }
0x4e: {  	s1 =	ssub.s32 @!p0 $0x0, s1;
	[sflag:s0] =	ssyncset.done @!p0 $0x0  }
0x4f: {  	[sflag:s0] =	ssyncadd.s32 @!p0 s1  }
0x50: {  	[bflag:$0x3] =	sbarrier.arrive $0xFFFF  }
0x51: {  	_ =	shalt  }

// kernel: _run.22.cloned.1.call-start
scs
__scs_entry_jumppad:
0x0: {  	(pc) =	sbr.rel $0x88, $3  }
0x1: {  	(tag) =	ssettag $0x0;
	lr =	simm.s32 $0x1  }
0x2: {  	[smem:$0x3F96] =	sst lr;
	_ =	strace $0xD0000000  }
0x3: {  	_ = 	snop  }
0x4: {  	_ = 	snop  }
0x5: {  	_ = 	snop  }
0x6: {  	_ = 	snop  }
0x7: {  	_ = 	snop  }
__scs_overlays_trampoline_lowered:
0x8: {  	[smem:$0x3FA5] =	sst s0  }
0x9: {  	[smem:$0x3FA6] =	sst s1  }
0xa: {  	[smem:$0x3FA7] =	sst s2  }
0xb: {  	[smem:$0x3FA8] =	sst s3  }
0xc: {  	[smem:$0x3FA9] =	sst s4  }
0xd: {  	[smem:$0x3FAA] =	sst s5  }
0xe: {  	[smem:$0x3FAB] =	sst s6  }
0xf: {  	[smem:$0x3FAC] =	sst s7  }
0x10: {  	[smem:$0x3FAD] =	sst s8  }
0x11: {  	[smem:$0x3FAE] =	sst s9;
	s0 =	simm.s32 @!p0 $0x0  }
0x12: {  	s1 =	sld [smem:$0x3F94];
	s0 =	simm.s32 @p0 $0x1  }
0x13: {  	[smem:$0x3FAF] =	sst s0;
	s0 =	simm.s32 @!p1 $0x0  }
0x14: {  	s2 =	sld [smem:$0x3F93];
	s0 =	simm.s32 @p1 $0x1  }
0x15: {  	[smem:$0x3FB0] =	sst s0;
	s0 =	simm.s32 @!p2 $0x0  }
0x16: {  	s3 =	sld [smem:$0x3FDB];
	s0 =	simm.s32 @p2 $0x1  }
0x17: {  	s4 =	simm.s32 $0x1BF5;
	[smem:$0x3FB2] =	sst s0  }
0x18: {  	s0 =	sld [smem:$0x3F95];
	_ =	swait.ge [sflag:s4], $0x0  }
0x19: {  	s7 =	sld [smem:$0x3F96]  }
0x1a: {  	s8 =	sadd.s32 $0xFFFFE003, lr  }
0x1b: {  	s9 =	sadd.s32 $0xFFFFFEF7, lr;
	s5 =	simm.s32 $0xFFFFFFFF;
	p2 =	slt.u32 s8, $0xFFFFF086  }
0x1c: {  	p1 =	slt.u32 s9, $0xF7A;
	s5 =	simm.s32 @!p2 $0x0  }
0x1d: {  	s5 =	simm.s32 @p1 $0x1;
	p0 =	seq.s32 s7, s2  }
0x1e: {  	s7 =	smul.u32 @!p0 $0xF7A, s2;
	p2 =	seq.s32 @!p0 s5, $0x0  }
0x1f: {  	s9 =	smul.u32 $0xF7A, s1;
	s8 =	simm.s32 @!p0 $0x1BF5;
	p2 =	por !p2, p0  }
0x20: {  	[sflag:s8] =	ssyncset.s32 @!p0 $0xFFFFF086;
	s6 =	sadd.s32 @!p0 s3, s7;
	s7 =	simm.s32 @!p0 $0x108  }
0x21: {  	s3 =	sadd.s32 s3, s9;
	s6 =	sadd.s32 @!p0 $0x88, s6;
	s7 =	simm.s32 @p2 $0x1082  }
0x22: {  	[simem:s7], [sflag:s8] =	dma.local @!p0 [hbm:s6], $0xF7A  }
0x23: {  	s9 =	sor.u32 $0xD0000000, s2;
	s6 =	simm.s32 $0x108;
	_ =	swait.ge @!p0 [sflag:s8], $0x0  }
0x24: {  	s3 =	sadd.s32 $0x88, s3;
	s6 =	simm.s32 @!p1 $0x1082;
	[sflag:s4] =	ssyncset.s32 $0xFFFFF086  }
0x25: {  	[simem:s6], [sflag:s4] =	dma.local [hbm:s3], $0xF7A  }
0x26: {  	[smem:$0x3F96] =	sst s1;
	(tag) =	ssettag s2;
	_ =	strace s9  }
0x27: {  	s1 =	sld [smem:$0x3FA6]  }
0x28: {  	s2 =	sld [smem:$0x3FA7]  }
0x29: {  	s4 =	sld [smem:$0x3FA9]  }
0x2a: {  	p0 =	seq.s32 s5, $0x0;
	s5 =	sld [smem:$0x3FAA]  }
0x2b: {  	s6 =	sld [smem:$0x3FAB]  }
0x2c: {  	s7 =	sld [smem:$0x3FAC]  }
0x2d: {  	s3 =	simm.s32 $0x108;
	s8 =	sld [smem:$0x3FAD]  }
0x2e: {  	s3 =	simm.s32 @!p0 $0x1082;
	s9 =	sld [smem:$0x3FAE]  }
0x2f: {  	lr =	sadd.s32 s0, s3;
	s0 =	sld [smem:$0x3FA5]  }
0x30: {  	s3 =	sld [smem:$0x3FA8]  }
0x31: {  	[smem:$0x3FB1] =	sst s10  }
0x32: {  	s10 =	sld [smem:$0x3FAF];
	_ =	sdelay $0x3  }
0x33: {  	p0 =	seq.s32 s10, $0x1;
	s10 =	sld [smem:$0x3FB1];
	_ =	sdelay $0x3  }
0x34: {  	[smem:$0x3FB1] =	sst s10  }
0x35: {  	s10 =	sld [smem:$0x3FB0];
	_ =	sdelay $0x3  }
0x36: {  	p1 =	seq.s32 s10, $0x1;
	s10 =	sld [smem:$0x3FB1];
	_ =	sdelay $0x3  }
0x37: {  	[smem:$0x3FB1] =	sst s10  }
0x38: {  	s10 =	sld [smem:$0x3FB2]  }
0x39: {  	_ = 	snop;
	(pc) =	sbr.ind lr, $3  }
0x3a: {  	_ = 	snop  }
0x3b: {  	_ = 	snop  }
0x3c: {  	p2 =	seq.s32 s10, $0x1;
	s10 =	sld [smem:$0x3FB1]  }
0x3d: {  	_ =	shalt  }
0x3e: {  	_ =	shalt  }
0x3f: {  	_ =	shalt  }
0x40: {  	_ =	shalt  }
0x41: {  	_ =	shalt  }
0x42: {  	_ =	shalt  }
0x43: {  	_ =	shalt  }
0x44: {  	_ =	shalt  }
0x45: {  	_ =	shalt  }
0x46: {  	_ =	shalt  }
0x47: {  	_ =	shalt  }
0x48: {  	_ =	shalt  }
0x49: {  	_ =	shalt  }
0x4a: {  	_ =	shalt  }
0x4b: {  	_ =	shalt  }
0x4c: {  	_ =	shalt  }
0x4d: {  	_ =	shalt  }
0x4e: {  	_ =	shalt  }
0x4f: {  	_ =	shalt  }
0x50: {  	_ =	shalt  }
0x51: {  	_ =	shalt  }
0x52: {  	_ =	shalt  }
0x53: {  	_ =	shalt  }
0x54: {  	_ =	shalt  }
0x55: {  	_ =	shalt  }
0x56: {  	_ =	shalt  }
0x57: {  	_ =	shalt  }
0x58: {  	_ =	shalt  }
0x59: {  	_ =	shalt  }
0x5a: {  	_ =	shalt  }
0x5b: {  	_ =	shalt  }
0x5c: {  	_ =	shalt  }
0x5d: {  	_ =	shalt  }
0x5e: {  	_ =	shalt  }
0x5f: {  	_ =	shalt  }
0x60: {  	_ =	shalt  }
0x61: {  	_ =	shalt  }
0x62: {  	_ =	shalt  }
0x63: {  	_ =	shalt  }
0x64: {  	_ =	shalt  }
0x65: {  	_ =	shalt  }
0x66: {  	_ =	shalt  }
0x67: {  	_ =	shalt  }
0x68: {  	_ =	shalt  }
0x69: {  	_ =	shalt  }
0x6a: {  	_ =	shalt  }
0x6b: {  	_ =	shalt  }
0x6c: {  	_ =	shalt  }
0x6d: {  	_ =	shalt  }
0x6e: {  	_ =	shalt  }
0x6f: {  	_ =	shalt  }
0x70: {  	_ =	shalt  }
0x71: {  	_ =	shalt  }
0x72: {  	_ =	shalt  }
0x73: {  	_ =	shalt  }
0x74: {  	_ =	shalt  }
0x75: {  	_ =	shalt  }
0x76: {  	_ =	shalt  }
0x77: {  	_ =	shalt  }
0x78: {  	_ =	shalt  }
0x79: {  	_ =	shalt  }
0x7a: {  	_ =	shalt  }
0x7b: {  	_ =	shalt  }
0x7c: {  	_ =	shalt  }
0x7d: {  	_ =	shalt  }
0x7e: {  	_ =	shalt  }
0x7f: {  	_ =	shalt  }
0x80: {  	_ =	shalt  }
0x81: {  	_ =	shalt  }
0x82: {  	_ =	shalt  }
0x83: {  	_ =	shalt  }
0x84: {  	_ =	shalt  }
0x85: {  	_ =	shalt  }
0x86: {  	_ =	shalt  }
0x87: {  	_ =	shalt  }
.Lfunc_end0:
.L_simem_size_0:
called_computation.2_lowered:
.L_overlay_start_0:
0x88: {  	s2 =	sld [smem:$0x3FD9]  }
0x89: {  	s3 =	sld [smem:$0x3FFE];
	_ =	sdelay $0x1  }
0x8a: {  	s1 =	srdreg.scid  }
0x8b: {  	s0 =	sand.u32 $0x1, s1  }
0x8c: {  	s17 =	sshll.u32 s0, $0xA;
	s2 =	sadd.s32 s3, s2  }
0x8d: {  	s2 =	sadd.s32 s2, s17  }
0x8e: {  	[smem:$0x3FBD] =	sst s2  }
0x8f: {  	_ = 	snop  }
0x90: {  	s2 =	sld [smem:$0x3FD0];
	(tm) =	ssettm $0x1  }
0x91: {  	s18 =	sld [smem:$0x3FFB];
	_ =	sdelay $0x3  }
0x92: {  	_ =	strace s18  }
0x93: {  	s3 =	sld [smem:$0x3FFC];
	_ =	sdelay $0x3  }
0x94: {  	_ =	strace s3  }
0x95: {  	s3 =	sld [smem:$0x3FFD];
	_ =	sdelay $0x3  }
0x96: {  	_ =	strace s3  }
0x97: {  	_ =	strace $0x8FFFFFFF  }
0x98: {  	s19 =	sld [smem:$0x3FDB];
	_ =	sdelay $0x1  }
0x99: {  	s4 =	simm.s32 $_scs_section_size  }
0x9a: {  	s5 =	simm.s32 $_size__tile_overlayer_lowered;
	s6 =	simm.s32 $_tile_overlayer_lowered  }
0x9b: {  	s22 =	simm.s32 $0x1BFF;
	s21 =	sshll.u32 s6, $0x1;
	s3 =	sadd.s32 s4, s19  }
0x9c: {  	s7 =	simm.s32 $0x0;
	s20 =	sshll.u32 s5, $0x1;
	s5 =	sadd.s32 s21, s3  }
0x9d: {  	[timem:s7], [sflag:s22] =	dma.local [hbm:s5], s20  }
0x9e: {  	_ =	swait.ge [sflag:s22], s20  }
0x9f: {  	s4 =	ssub.s32 $0x0, s20;
	[sflag:s22] =	ssyncset.done $0x0  }
0xa0: {  	[sflag:s22] =	ssyncadd.s32 s4;
	_ =	sdelay $0x1  }
0xa1: {  	s23 =	simm.s32 $0x1B8B  }
0xa2: {  	_ =	swait.ge [sflag:s23], $0x1  }
0xa3: {  	[sflag:s23] =	ssyncset.done $0x0  }
0xa4: {  	s25 =	simm.s32 $0x1B8E;
	s24 =	sld [smem:$0x3FFE];
	[sflag:s23] =	ssyncadd.s32 $0xFFFFFFFF  }
0xa5: {  	s26 =	simm.s32 $execute0_lowered;
	[smem:$0x3FD2] =	sst s25  }
0xa6: {  	s5 =	sshll.u32 s26, $0x1;
	_ =	strace $0x8000004C;
	[dreg:$0x1] =	wrdreg $0xFFFFFFFF  }
0xa7: {  	s28 =	simm.s32 $_size_execute0_lowered;
	s3 =	sadd.s32 s3, s5;
	[dreg:$0x0] =	wrdreg $0x0  }
0xa8: {  	s5 =	sshll.u32 s28, $0x1;
	[dreg:$0x2] =	wrdreg s3  }
0xa9: {  	[dreg:$0x3] =	wrdreg s5  }
0xaa: {  	[dreg:$0x4] =	wrdreg $0xC0  }
0xab: {  	_ =	task [dreg:s7], $0x5FFFF  }
0xac: {  	[dreg:$0x1] =	wrdreg $0xFFFFFFFF  }
0xad: {  	[dreg:$0x0] =	wrdreg $0x60  }
0xae: {  	[dreg:$0x2] =	wrdreg s24  }
0xaf: {  	[dreg:$0x3] =	wrdreg s2  }
0xb0: {  	[dreg:$0x4] =	wrdreg $0x0  }
0xb1: {  	[dreg:$0x5] =	wrdreg $0x9  }
0xb2: {  	_ =	task.clear_ibuf [dreg:s7], $0x6FFFF;
	_ =	strace $0x9000004C  }
0xb3: {  	s29 =	simm.s32 $0x9;
	_ =	strace $0x8000004E  }
0xb4: {  	_ =	swait.ge [sflag:s29], $0x1  }
0xb5: {  	[sflag:s29] =	ssyncadd.s32 $0xFFFFFFFF  }
0xb6: {  	_ =	strace $0x9000004E  }
0xb7: {  	_ =	sfence  }
0xb8: {  	s30 =	sld [smem:$0x0];
	_ =	sdelay $0x2  }
0xb9: {  	s31 =	sshll.u32 s1, $0xD;
	s1 =	sshrl.u32 s1, $0x2  }
0xba: {  	s3 =	sand.u32 $0x4000, s31;
	s1 =	sadd.s32 s1, s30  }
0xbb: {  	s0 =	sor.u32 s3, s0;
	s1 =	sshll.u32 s1, $0x11  }
0xbc: {  	s0 =	sor.u32 s1, s0  }
0xbd: {  	s0 =	sadd.s32 $0x8F2B, s0  }
0xbe: {  	[sflag:s0] =	ssyncadd.remote.s32 $0x1  }
0xbf: {  	_ =	sfence.sel $0xFFFF  }
0xc0: {  	[dreg:$0x0] =	wrdreg $0xFFFFFFFF;
	(pc) =	sbr.abs _section_cstart, $3  }
0xc1: {  	[dreg:$0x1] =	wrdreg $0xFFFFFFFF  }
0xc2: {  	_ =	task.clear_ibuf [dreg:s7], $0x2FFFF;
	_ =	strace $0x9FFFFFFF  }
0xc3: {  	(tm) =	ssettm $0x7FFFFFFF  }
tec
execute0_lowered:
.L_overlay_start_1:
0x0: {  	(tag) =	ssettag $0x1  }
0x1: {  	s6 =	rddreg [dreg:$0x0]  }
0x2: {  	s10 =	rddreg [dreg:$0x1]  }
0x3: {  	s11 =	rddreg [dreg:$0x2]  }
0x4: {  	s0 =	rddreg [dreg:$0x3];
	s1 =	simm.s32 $0x0;
	s2 =	stileid.u32  }
0x5: {  	s7 =	srdreg.scid;
	s19 =	simm.s32 $0x1;
	s21 =	simm.s32 $0x0  }
0x6: {  	[smem:$0x7FF] =	sst s1;
	s3 =	sadd.s32 $0x89400, s6;
	s9 =	smul.u32 $0x62000, s2  }
0x7: {  	s4 =	sadd.s32 $0x20600, s6;
	s5 =	sadd.s32 $0x54600, s6;
	s15 =	smul.u32 $0xD000, s2  }
0x8: {  	s8 =	sshll.u32 s2, $0x1;
	s7 =	sand.u32 $0x1, s7;
	s30 =	smul.u32 $0x30E0, s2  }
0x9: {  	s17 =	sshll.u32 s2, $0x6;
	s18 =	smul.u32 $0x61C00, s2;
	_ =	strace $0x8000004D  }
0xa: {  	s8 =	sadd.s32 s8, s6;
	s12 =	ssub.s32 $0x2, s7;
	s13 =	smul.u32 $0xD0000, s7  }
0xb: {  	s6 =	sadd.s32 $0x7E00, s6;
	s29 =	smul.u32 $0x30E00, s7;
	s7 =	sshll.u32 s7, $0x5  }
0xc: {  	s14 =	sshrl.u32 s12, $0x1;
	s9 =	sshrl.u32 s9, $0x2;
	s8 =	sadd.s32 s7, s8  }
0xd: {  	s7 =	sor.u32 $0x1C02, s17;
	s31 =	sshrl.u32 s18, $0x2;
	s17 =	simm.s32 $0x80  }
0xe: {  	s18 =	simm.s32 $0x1A000;
	s12 =	ssub.s32 s12, s14;
	s16 =	sadd.s32 s9, s11  }
0xf: {  	s8 =	sadd.s32 $0x88600, s8;
	s14 =	sadd.s32 s30, s29;
	s9 =	sadd.s32 s15, s13  }
0x10: {  	s20 =	sadd.s32 s31, s11;
	s13 =	simm.s32 $0x2;
	s15 =	simm.s32 $0x18800  }
0x11: {  	s10 =	sadd.s32 s10, s14;
	s11 =	smax.u32 s12, $0x1;
	s12 =	sshrl.u32 s16, $0x3  }
0x12: {  	s14 =	simm.s32 $0x1E000;
	s16 =	simm.s32 $0x19400;
	s20 =	sshrl.u32 s20, $0x3  }
.LBB2_1:
0x13: {  	[spmem:s12], [sflag:s7] =	dma.local [hbm:s6], $0x3100  }
0x14: {  	_ =	swait.ge [sflag:s13], $0x3100  }
0x15: {  	[sflag:s13] =	ssyncset.done $0x0  }
0x16: {  	[sflag:s13] =	ssyncadd.s32 $0xFFFFCF00  }
0x17: {  	[tilespmem:s14], [sflag:$0x2] =	stream.linear.gather [hbm4b:s8+s1], $0x10, $0x38;
	[tilespmem:$0x1E010] =	vst v63  }
0x18: {  	_ =	swait.ge [sflag:s13], $0x10  }
0x19: {  	[sflag:s13] =	ssyncset.done $0x0  }
0x1a: {  	[sflag:s13] =	ssyncadd.s32 $0xFFFFFFF0  }
0x1b: {  	s22 =	simm.s32 $0x0;
	[bflag:$0x0] =	sbarrier.arrive $0xFFFF  }
.LBB2_2:
0x1c: {  	s23 =	smul.u32 $0xC00, s22;
	_ =	sdelay $0x1  }
0x1d: {  	s23 =	sadd.s32 s23, s9  }
0x1e: {  	s23 =	sshrl.u32 s23, $0x3  }
0x1f: {  	s25 =	simm.s32 $0x0;
	s24 =	sadd.s32 s4, s23  }
0x20: {  	[tilespmem:s15], [sflag:$0x2] =	stream.linear.gather [hbm4b:s24+s25], $0xC00, $0x38;
	[tilespmem:$0x1E010] =	vst v63  }
0x21: {  	_ =	swait.ge [sflag:s13], $0xC00  }
0x22: {  	[sflag:s13] =	ssyncset.done $0x0  }
0x23: {  	s23 =	sadd.s32 s5, s23;
	[sflag:s13] =	ssyncadd.s32 $0xFFFFF400  }
0x24: {  	[tilespmem:s16], [sflag:$0x2] =	stream.linear.gather [hbm4b:s23+s25], $0xC00, $0x38;
	[tilespmem:$0x1E010] =	vst v63  }
0x25: {  	_ =	swait.ge [sflag:s13], $0xC00  }
0x26: {  	[sflag:s13] =	ssyncset.done $0x0  }
0x27: {  	[sflag:s13] =	ssyncadd.s32 $0xFFFFF400  }
0x28: {  	[tilespmem:s18], [sflag:$0x1] =	stream.indirect.gather [hbm4b:s3+s17], $0x40, s15, s17, $0xb8;
	[tilespmem:$0x1E010] =	vst v63  }
0x29: {  	s30 =	sxor.u32 $0xFFFFFFFF, s25;
	_ =	swait.ge [sflag:s19], $0x2000  }
0x2a: {  	s31 =	sand.u32 $0x2000, s30;
	[sflag:s19] =	ssyncset.done $0x0  }
0x2b: {  	s24 =	sadd.s32 $0x1A000, s31;
	s23 =	simm.s32 $0x18880;
	[sflag:s19] =	ssyncadd.s32 $0xFFFFE000  }
0x2c: {  	[tilespmem:s24], [sflag:$0x1] =	stream.indirect.gather [hbm4b:s3+s17], $0x40, s23, s17, $0xb8;
	[tilespmem:$0x1E010] =	vst v63  }
0x2d: {  	s24 =	simm.s32 $0x2000  }
.LBB2_3:
0x2e: {  	_ =	swait.ge [sflag:s19], $0x2000;
	p0 =	sne.s32 s24, $0x2C000  }
.Ltmp0:
0x2f: {  	(pc) =	sbr.rel @p0 .LBB2_3-.Ltmp0, $4  }
0x30: {  	s25 =	sxor.u32 $0xFFFFFFFF, s24;
	s24 =	sadd.s32 $0x2000, s24  }
0x31: {  	s25 =	sand.u32 $0x2000, s25;
	[sflag:s19] =	ssyncset.done $0x0  }
0x32: {  	s23 =	sadd.s32 $0x80, s23;
	s25 =	sadd.s32 $0x1A000, s25;
	[sflag:s19] =	ssyncadd.s32 $0xFFFFE000  }
0x33: {  	[tilespmem:s25], [sflag:$0x1] =	stream.indirect.gather [hbm4b:s3+s17], $0x40, s23, s17, $0xb8;
	[tilespmem:$0x1E010] =	vst v63  }
0x34: {  	s22 =	sadd.s32 $0x1, s22  }
0x35: {  	p0 =	sne.s32 s22, $0x9  }
.Ltmp1:
0x36: {  	_ = 	snop;
	(pc) =	sbr.rel @p0 .LBB2_2-.Ltmp1, $4  }
0x37: {  	_ = 	snop  }
0x38: {  	_ =	swait.ge [sflag:s19], $0x2000  }
0x39: {  	[sflag:s19] =	ssyncset.done $0x0  }
0x3a: {  	[sflag:s19] =	ssyncadd.s32 $0xFFFFE000  }
0x3b: {  	s21 =	sadd.s32 $0x1, s21  }
0x3c: {  	p0 =	sne.s32 s21, s11  }
.Ltmp2:
0x3d: {  	[bflag:$0x0] =	sbarrier.arrive $0xFFFF;
	(pc) =	sbr.rel @p0 .LBB2_1-.Ltmp2, $4  }
0x3e: {  	[hbm:s10], [sflag:s7] =	dma.local [spmem:s20], $0x30E0  }
0x3f: {  	_ =	swait.ge [sflag:s13], $0x30E0  }
0x40: {  	[sflag:s13] =	ssyncset.done $0x0  }
0x41: {  	[sflag:s13] =	ssyncadd.s32 $0xFFFFCF20  }
0x42: {  	_ =	sfence.sel $0x180000  }
0x43: {  	[bflag:$0x0] =	sbarrier.arrive $0xFFFF  }
0x44: {  	p0 =	sne.s32 s2, $0x0;
	_ =	strace $0x9000004D  }
0x45: {  	s0 =	sadd.s32 @!p0 $0x100000, s0;
	[bflag:$0x2] =	sbarrier.arrive $0xFFFF  }
0x46: {  	[sflag:s0] =	ssyncadd.tile.s32 @!p0 $0x1;
	_ =	shalt  }
.Lfunc_end2:
_tile_overlayer_lowered:
.L_overlay_start_2:
0x47: {  	(tag) =	ssettag $0x2  }
0x48: {  	s0 =	rddreg [dreg:$0x0];
	s2 =	stileid.u32  }
0x49: {  	s1 =	rddreg [dreg:$0x1];
	p0 =	sne.s32 s2, $0x0  }
0x4a: {  	s3 =	rddreg [dreg:$0x2];
	[bflag:$0x3] =	sbarrier.arrive $0xFFFF;
	s2 =	simm.s32 @!p0 $0x1C02  }
0x4b: {  	[timem:s3], [sflag:s2] =	dma.local @!p0 [hbm:s0], s1  }
0x4c: {  	s0 =	simm.s32 @!p0 $0x2  }
0x4d: {  	_ =	swait.ge @!p0 [sflag:s0], s1  }
0x4e: {  	s1 =	ssub.s32 @!p0 $0x0, s1;
	[sflag:s0] =	ssyncset.done @!p0 $0x0  }
0x4f: {  	[sflag:s0] =	ssyncadd.s32 @!p0 s1  }
0x50: {  	[bflag:$0x3] =	sbarrier.arrive $0xFFFF  }
0x51: {  	_ =	shalt  }

// kernel: _run.25.cloned.1.call-start
scs
__scs_entry_jumppad:
0x0: {  	(pc) =	sbr.rel $0x88, $3  }
0x1: {  	(tag) =	ssettag $0x0;
	lr =	simm.s32 $0x1  }
0x2: {  	[smem:$0x3F96] =	sst lr;
	_ =	strace $0xD0000000  }
0x3: {  	_ = 	snop  }
0x4: {  	_ = 	snop  }
0x5: {  	_ = 	snop  }
0x6: {  	_ = 	snop  }
0x7: {  	_ = 	snop  }
__scs_overlays_trampoline_lowered:
0x8: {  	[smem:$0x3FA5] =	sst s0  }
0x9: {  	[smem:$0x3FA6] =	sst s1  }
0xa: {  	[smem:$0x3FA7] =	sst s2  }
0xb: {  	[smem:$0x3FA8] =	sst s3  }
0xc: {  	[smem:$0x3FA9] =	sst s4  }
0xd: {  	[smem:$0x3FAA] =	sst s5  }
0xe: {  	[smem:$0x3FAB] =	sst s6  }
0xf: {  	[smem:$0x3FAC] =	sst s7  }
0x10: {  	[smem:$0x3FAD] =	sst s8  }
0x11: {  	[smem:$0x3FAE] =	sst s9;
	s0 =	simm.s32 @!p0 $0x0  }
0x12: {  	s1 =	sld [smem:$0x3F94];
	s0 =	simm.s32 @p0 $0x1  }
0x13: {  	[smem:$0x3FAF] =	sst s0;
	s0 =	simm.s32 @!p1 $0x0  }
0x14: {  	s2 =	sld [smem:$0x3F93];
	s0 =	simm.s32 @p1 $0x1  }
0x15: {  	[smem:$0x3FB0] =	sst s0;
	s0 =	simm.s32 @!p2 $0x0  }
0x16: {  	s3 =	sld [smem:$0x3FDB];
	s0 =	simm.s32 @p2 $0x1  }
0x17: {  	s4 =	simm.s32 $0x1BF5;
	[smem:$0x3FB2] =	sst s0  }
0x18: {  	s0 =	sld [smem:$0x3F95];
	_ =	swait.ge [sflag:s4], $0x0  }
0x19: {  	s7 =	sld [smem:$0x3F96]  }
0x1a: {  	s8 =	sadd.s32 $0xFFFFE003, lr  }
0x1b: {  	s9 =	sadd.s32 $0xFFFFFEF7, lr;
	s5 =	simm.s32 $0xFFFFFFFF;
	p2 =	slt.u32 s8, $0xFFFFF086  }
0x1c: {  	p1 =	slt.u32 s9, $0xF7A;
	s5 =	simm.s32 @!p2 $0x0  }
0x1d: {  	s5 =	simm.s32 @p1 $0x1;
	p0 =	seq.s32 s7, s2  }
0x1e: {  	s7 =	smul.u32 @!p0 $0xF7A, s2;
	p2 =	seq.s32 @!p0 s5, $0x0  }
0x1f: {  	s9 =	smul.u32 $0xF7A, s1;
	s8 =	simm.s32 @!p0 $0x1BF5;
	p2 =	por !p2, p0  }
0x20: {  	[sflag:s8] =	ssyncset.s32 @!p0 $0xFFFFF086;
	s6 =	sadd.s32 @!p0 s3, s7;
	s7 =	simm.s32 @!p0 $0x108  }
0x21: {  	s3 =	sadd.s32 s3, s9;
	s6 =	sadd.s32 @!p0 $0x88, s6;
	s7 =	simm.s32 @p2 $0x1082  }
0x22: {  	[simem:s7], [sflag:s8] =	dma.local @!p0 [hbm:s6], $0xF7A  }
0x23: {  	s9 =	sor.u32 $0xD0000000, s2;
	s6 =	simm.s32 $0x108;
	_ =	swait.ge @!p0 [sflag:s8], $0x0  }
0x24: {  	s3 =	sadd.s32 $0x88, s3;
	s6 =	simm.s32 @!p1 $0x1082;
	[sflag:s4] =	ssyncset.s32 $0xFFFFF086  }
0x25: {  	[simem:s6], [sflag:s4] =	dma.local [hbm:s3], $0xF7A  }
0x26: {  	[smem:$0x3F96] =	sst s1;
	(tag) =	ssettag s2;
	_ =	strace s9  }
0x27: {  	s1 =	sld [smem:$0x3FA6]  }
0x28: {  	s2 =	sld [smem:$0x3FA7]  }
0x29: {  	s4 =	sld [smem:$0x3FA9]  }
0x2a: {  	p0 =	seq.s32 s5, $0x0;
	s5 =	sld [smem:$0x3FAA]  }
0x2b: {  	s6 =	sld [smem:$0x3FAB]  }
0x2c: {  	s7 =	sld [smem:$0x3FAC]  }
0x2d: {  	s3 =	simm.s32 $0x108;
	s8 =	sld [smem:$0x3FAD]  }
0x2e: {  	s3 =	simm.s32 @!p0 $0x1082;
	s9 =	sld [smem:$0x3FAE]  }
0x2f: {  	lr =	sadd.s32 s0, s3;
	s0 =	sld [smem:$0x3FA5]  }
0x30: {  	s3 =	sld [smem:$0x3FA8]  }
0x31: {  	[smem:$0x3FB1] =	sst s10  }
0x32: {  	s10 =	sld [smem:$0x3FAF];
	_ =	sdelay $0x3  }
0x33: {  	p0 =	seq.s32 s10, $0x1;
	s10 =	sld [smem:$0x3FB1];
	_ =	sdelay $0x3  }
0x34: {  	[smem:$0x3FB1] =	sst s10  }
0x35: {  	s10 =	sld [smem:$0x3FB0];
	_ =	sdelay $0x3  }
0x36: {  	p1 =	seq.s32 s10, $0x1;
	s10 =	sld [smem:$0x3FB1];
	_ =	sdelay $0x3  }
0x37: {  	[smem:$0x3FB1] =	sst s10  }
0x38: {  	s10 =	sld [smem:$0x3FB2]  }
0x39: {  	_ = 	snop;
	(pc) =	sbr.ind lr, $3  }
0x3a: {  	_ = 	snop  }
0x3b: {  	_ = 	snop  }
0x3c: {  	p2 =	seq.s32 s10, $0x1;
	s10 =	sld [smem:$0x3FB1]  }
0x3d: {  	_ =	shalt  }
0x3e: {  	_ =	shalt  }
0x3f: {  	_ =	shalt  }
0x40: {  	_ =	shalt  }
0x41: {  	_ =	shalt  }
0x42: {  	_ =	shalt  }
0x43: {  	_ =	shalt  }
0x44: {  	_ =	shalt  }
0x45: {  	_ =	shalt  }
0x46: {  	_ =	shalt  }
0x47: {  	_ =	shalt  }
0x48: {  	_ =	shalt  }
0x49: {  	_ =	shalt  }
0x4a: {  	_ =	shalt  }
0x4b: {  	_ =	shalt  }
0x4c: {  	_ =	shalt  }
0x4d: {  	_ =	shalt  }
0x4e: {  	_ =	shalt  }
0x4f: {  	_ =	shalt  }
0x50: {  	_ =	shalt  }
0x51: {  	_ =	shalt  }
0x52: {  	_ =	shalt  }
0x53: {  	_ =	shalt  }
0x54: {  	_ =	shalt  }
0x55: {  	_ =	shalt  }
0x56: {  	_ =	shalt  }
0x57: {  	_ =	shalt  }
0x58: {  	_ =	shalt  }
0x59: {  	_ =	shalt  }
0x5a: {  	_ =	shalt  }
0x5b: {  	_ =	shalt  }
0x5c: {  	_ =	shalt  }
0x5d: {  	_ =	shalt  }
0x5e: {  	_ =	shalt  }
0x5f: {  	_ =	shalt  }
0x60: {  	_ =	shalt  }
0x61: {  	_ =	shalt  }
0x62: {  	_ =	shalt  }
0x63: {  	_ =	shalt  }
0x64: {  	_ =	shalt  }
0x65: {  	_ =	shalt  }
0x66: {  	_ =	shalt  }
0x67: {  	_ =	shalt  }
0x68: {  	_ =	shalt  }
0x69: {  	_ =	shalt  }
0x6a: {  	_ =	shalt  }
0x6b: {  	_ =	shalt  }
0x6c: {  	_ =	shalt  }
0x6d: {  	_ =	shalt  }
0x6e: {  	_ =	shalt  }
0x6f: {  	_ =	shalt  }
0x70: {  	_ =	shalt  }
0x71: {  	_ =	shalt  }
0x72: {  	_ =	shalt  }
0x73: {  	_ =	shalt  }
0x74: {  	_ =	shalt  }
0x75: {  	_ =	shalt  }
0x76: {  	_ =	shalt  }
0x77: {  	_ =	shalt  }
0x78: {  	_ =	shalt  }
0x79: {  	_ =	shalt  }
0x7a: {  	_ =	shalt  }
0x7b: {  	_ =	shalt  }
0x7c: {  	_ =	shalt  }
0x7d: {  	_ =	shalt  }
0x7e: {  	_ =	shalt  }
0x7f: {  	_ =	shalt  }
0x80: {  	_ =	shalt  }
0x81: {  	_ =	shalt  }
0x82: {  	_ =	shalt  }
0x83: {  	_ =	shalt  }
0x84: {  	_ =	shalt  }
0x85: {  	_ =	shalt  }
0x86: {  	_ =	shalt  }
0x87: {  	_ =	shalt  }
.Lfunc_end0:
.L_simem_size_0:
called_computation.3_lowered:
.L_overlay_start_0:
0x88: {  	s2 =	sld [smem:$0x3FD9]  }
0x89: {  	s3 =	sld [smem:$0x3FFE];
	_ =	sdelay $0x1  }
0x8a: {  	s1 =	srdreg.scid  }
0x8b: {  	s0 =	sand.u32 $0x1, s1  }
0x8c: {  	s17 =	sshll.u32 s0, $0xA;
	s2 =	sadd.s32 s3, s2  }
0x8d: {  	s2 =	sadd.s32 s2, s17  }
0x8e: {  	[smem:$0x3FBD] =	sst s2  }
0x8f: {  	_ = 	snop  }
0x90: {  	s2 =	sld [smem:$0x3FD0];
	(tm) =	ssettm $0x1  }
0x91: {  	s18 =	sld [smem:$0x3FFB];
	_ =	sdelay $0x3  }
0x92: {  	_ =	strace s18  }
0x93: {  	s3 =	sld [smem:$0x3FFC];
	_ =	sdelay $0x3  }
0x94: {  	_ =	strace s3  }
0x95: {  	s3 =	sld [smem:$0x3FFD];
	_ =	sdelay $0x3  }
0x96: {  	_ =	strace s3  }
0x97: {  	_ =	strace $0x8FFFFFFF  }
0x98: {  	s19 =	sld [smem:$0x3FDB];
	_ =	sdelay $0x1  }
0x99: {  	s4 =	simm.s32 $_scs_section_size  }
0x9a: {  	s5 =	simm.s32 $_size__tile_overlayer_lowered;
	s6 =	simm.s32 $_tile_overlayer_lowered  }
0x9b: {  	s22 =	simm.s32 $0x1BFF;
	s21 =	sshll.u32 s6, $0x1;
	s3 =	sadd.s32 s4, s19  }
0x9c: {  	s7 =	simm.s32 $0x0;
	s20 =	sshll.u32 s5, $0x1;
	s5 =	sadd.s32 s21, s3  }
0x9d: {  	[timem:s7], [sflag:s22] =	dma.local [hbm:s5], s20  }
0x9e: {  	_ =	swait.ge [sflag:s22], s20  }
0x9f: {  	s4 =	ssub.s32 $0x0, s20;
	[sflag:s22] =	ssyncset.done $0x0  }
0xa0: {  	[sflag:s22] =	ssyncadd.s32 s4;
	_ =	sdelay $0x1  }
0xa1: {  	s23 =	simm.s32 $0x1B8B  }
0xa2: {  	_ =	swait.ge [sflag:s23], $0x1  }
0xa3: {  	[sflag:s23] =	ssyncset.done $0x0  }
0xa4: {  	s25 =	simm.s32 $0x1B8E;
	s24 =	sld [smem:$0x3FFE];
	[sflag:s23] =	ssyncadd.s32 $0xFFFFFFFF  }
0xa5: {  	s26 =	simm.s32 $execute0_lowered;
	[smem:$0x3FD2] =	sst s25  }
0xa6: {  	s5 =	sshll.u32 s26, $0x1;
	_ =	strace $0x8000004F;
	[dreg:$0x1] =	wrdreg $0xFFFFFFFF  }
0xa7: {  	s28 =	simm.s32 $_size_execute0_lowered;
	s3 =	sadd.s32 s3, s5;
	[dreg:$0x0] =	wrdreg $0x0  }
0xa8: {  	s5 =	sshll.u32 s28, $0x1;
	[dreg:$0x2] =	wrdreg s3  }
0xa9: {  	[dreg:$0x3] =	wrdreg s5  }
0xaa: {  	[dreg:$0x4] =	wrdreg $0xC0  }
0xab: {  	_ =	task [dreg:s7], $0x5FFFF  }
0xac: {  	[dreg:$0x1] =	wrdreg $0xFFFFFFFF  }
0xad: {  	[dreg:$0x0] =	wrdreg $0x60  }
0xae: {  	[dreg:$0x2] =	wrdreg s24  }
0xaf: {  	[dreg:$0x3] =	wrdreg s2  }
0xb0: {  	[dreg:$0x4] =	wrdreg $0x0  }
0xb1: {  	[dreg:$0x5] =	wrdreg $0x9  }
0xb2: {  	_ =	task.clear_ibuf [dreg:s7], $0x6FFFF;
	_ =	strace $0x9000004F  }
0xb3: {  	s29 =	simm.s32 $0x9;
	_ =	strace $0x80000051  }
0xb4: {  	_ =	swait.ge [sflag:s29], $0x1  }
0xb5: {  	[sflag:s29] =	ssyncadd.s32 $0xFFFFFFFF  }
0xb6: {  	_ =	strace $0x90000051  }
0xb7: {  	_ =	sfence  }
0xb8: {  	s30 =	sld [smem:$0x0];
	_ =	sdelay $0x2  }
0xb9: {  	s31 =	sshll.u32 s1, $0xD;
	s1 =	sshrl.u32 s1, $0x2  }
0xba: {  	s3 =	sand.u32 $0x4000, s31;
	s1 =	sadd.s32 s1, s30  }
0xbb: {  	s0 =	sor.u32 s3, s0;
	s1 =	sshll.u32 s1, $0x11  }
0xbc: {  	s0 =	sor.u32 s1, s0  }
0xbd: {  	s0 =	sadd.s32 $0x8F2B, s0  }
0xbe: {  	[sflag:s0] =	ssyncadd.remote.s32 $0x1  }
0xbf: {  	_ =	sfence.sel $0xFFFF  }
0xc0: {  	[dreg:$0x0] =	wrdreg $0xFFFFFFFF;
	(pc) =	sbr.abs _section_cstart, $3  }
0xc1: {  	[dreg:$0x1] =	wrdreg $0xFFFFFFFF  }
0xc2: {  	_ =	task.clear_ibuf [dreg:s7], $0x2FFFF;
	_ =	strace $0x9FFFFFFF  }
0xc3: {  	(tm) =	ssettm $0x7FFFFFFF  }
tec
execute0_lowered:
.L_overlay_start_1:
0x0: {  	(tag) =	ssettag $0x1  }
0x1: {  	s6 =	rddreg [dreg:$0x0]  }
0x2: {  	s10 =	rddreg [dreg:$0x1]  }
0x3: {  	s11 =	rddreg [dreg:$0x2]  }
0x4: {  	s0 =	rddreg [dreg:$0x3];
	s1 =	simm.s32 $0x0;
	s2 =	stileid.u32  }
0x5: {  	s7 =	srdreg.scid;
	s19 =	simm.s32 $0x1;
	s21 =	simm.s32 $0x0  }
0x6: {  	[smem:$0x7FF] =	sst s1;
	s3 =	sadd.s32 $0x89400, s6;
	s9 =	smul.u32 $0x62000, s2  }
0x7: {  	s4 =	sadd.s32 $0x20600, s6;
	s5 =	sadd.s32 $0x54600, s6;
	s15 =	smul.u32 $0xD000, s2  }
0x8: {  	s8 =	sshll.u32 s2, $0x1;
	s7 =	sand.u32 $0x1, s7;
	s30 =	smul.u32 $0x30E0, s2  }
0x9: {  	s17 =	sshll.u32 s2, $0x6;
	s18 =	smul.u32 $0x61C00, s2;
	_ =	strace $0x80000050  }
0xa: {  	s8 =	sadd.s32 s8, s6;
	s12 =	ssub.s32 $0x2, s7;
	s13 =	smul.u32 $0xD0000, s7  }
0xb: {  	s6 =	sadd.s32 $0x7E00, s6;
	s29 =	smul.u32 $0x30E00, s7;
	s7 =	sshll.u32 s7, $0x5  }
0xc: {  	s14 =	sshrl.u32 s12, $0x1;
	s9 =	sshrl.u32 s9, $0x2;
	s8 =	sadd.s32 s7, s8  }
0xd: {  	s7 =	sor.u32 $0x1C02, s17;
	s31 =	sshrl.u32 s18, $0x2;
	s17 =	simm.s32 $0x80  }
0xe: {  	s18 =	simm.s32 $0x1A000;
	s12 =	ssub.s32 s12, s14;
	s16 =	sadd.s32 s9, s11  }
0xf: {  	s8 =	sadd.s32 $0x88600, s8;
	s14 =	sadd.s32 s30, s29;
	s9 =	sadd.s32 s15, s13  }
0x10: {  	s20 =	sadd.s32 s31, s11;
	s13 =	simm.s32 $0x2;
	s15 =	simm.s32 $0x18800  }
0x11: {  	s10 =	sadd.s32 s10, s14;
	s11 =	smax.u32 s12, $0x1;
	s12 =	sshrl.u32 s16, $0x3  }
0x12: {  	s14 =	simm.s32 $0x1E000;
	s16 =	simm.s32 $0x19400;
	s20 =	sshrl.u32 s20, $0x3  }
.LBB2_1:
0x13: {  	[spmem:s12], [sflag:s7] =	dma.local [hbm:s6], $0x3100  }
0x14: {  	_ =	swait.ge [sflag:s13], $0x3100  }
0x15: {  	[sflag:s13] =	ssyncset.done $0x0  }
0x16: {  	[sflag:s13] =	ssyncadd.s32 $0xFFFFCF00  }
0x17: {  	[tilespmem:s14], [sflag:$0x2] =	stream.linear.gather [hbm4b:s8+s1], $0x10, $0x38;
	[tilespmem:$0x1E010] =	vst v63  }
0x18: {  	_ =	swait.ge [sflag:s13], $0x10  }
0x19: {  	[sflag:s13] =	ssyncset.done $0x0  }
0x1a: {  	[sflag:s13] =	ssyncadd.s32 $0xFFFFFFF0  }
0x1b: {  	s22 =	simm.s32 $0x0;
	[bflag:$0x0] =	sbarrier.arrive $0xFFFF  }
.LBB2_2:
0x1c: {  	s23 =	smul.u32 $0xC00, s22;
	_ =	sdelay $0x1  }
0x1d: {  	s23 =	sadd.s32 s23, s9  }
0x1e: {  	s23 =	sshrl.u32 s23, $0x3  }
0x1f: {  	s25 =	simm.s32 $0x0;
	s24 =	sadd.s32 s4, s23  }
0x20: {  	[tilespmem:s15], [sflag:$0x2] =	stream.linear.gather [hbm4b:s24+s25], $0xC00, $0x38;
	[tilespmem:$0x1E010] =	vst v63  }
0x21: {  	_ =	swait.ge [sflag:s13], $0xC00  }
0x22: {  	[sflag:s13] =	ssyncset.done $0x0  }
0x23: {  	s23 =	sadd.s32 s5, s23;
	[sflag:s13] =	ssyncadd.s32 $0xFFFFF400  }
0x24: {  	[tilespmem:s16], [sflag:$0x2] =	stream.linear.gather [hbm4b:s23+s25], $0xC00, $0x38;
	[tilespmem:$0x1E010] =	vst v63  }
0x25: {  	_ =	swait.ge [sflag:s13], $0xC00  }
0x26: {  	[sflag:s13] =	ssyncset.done $0x0  }
0x27: {  	[sflag:s13] =	ssyncadd.s32 $0xFFFFF400  }
0x28: {  	[tilespmem:s18], [sflag:$0x1] =	stream.indirect.gather [hbm4b:s3+s17], $0x40, s15, s17, $0xb8;
	[tilespmem:$0x1E010] =	vst v63  }
0x29: {  	s30 =	sxor.u32 $0xFFFFFFFF, s25;
	_ =	swait.ge [sflag:s19], $0x2000  }
0x2a: {  	s31 =	sand.u32 $0x2000, s30;
	[sflag:s19] =	ssyncset.done $0x0  }
0x2b: {  	s24 =	sadd.s32 $0x1A000, s31;
	s23 =	simm.s32 $0x18880;
	[sflag:s19] =	ssyncadd.s32 $0xFFFFE000  }
0x2c: {  	[tilespmem:s24], [sflag:$0x1] =	stream.indirect.gather [hbm4b:s3+s17], $0x40, s23, s17, $0xb8;
	[tilespmem:$0x1E010] =	vst v63  }
0x2d: {  	s24 =	simm.s32 $0x2000  }
.LBB2_3:
0x2e: {  	_ =	swait.ge [sflag:s19], $0x2000;
	p0 =	sne.s32 s24, $0x2C000  }
.Ltmp0:
0x2f: {  	(pc) =	sbr.rel @p0 .LBB2_3-.Ltmp0, $4  }
0x30: {  	s25 =	sxor.u32 $0xFFFFFFFF, s24;
	s24 =	sadd.s32 $0x2000, s24  }
0x31: {  	s25 =	sand.u32 $0x2000, s25;
	[sflag:s19] =	ssyncset.done $0x0  }
0x32: {  	s23 =	sadd.s32 $0x80, s23;
	s25 =	sadd.s32 $0x1A000, s25;
	[sflag:s19] =	ssyncadd.s32 $0xFFFFE000  }
0x33: {  	[tilespmem:s25], [sflag:$0x1] =	stream.indirect.gather [hbm4b:s3+s17], $0x40, s23, s17, $0xb8;
	[tilespmem:$0x1E010] =	vst v63  }
0x34: {  	s22 =	sadd.s32 $0x1, s22  }
0x35: {  	p0 =	sne.s32 s22, $0x9  }
.Ltmp1:
0x36: {  	_ = 	snop;
	(pc) =	sbr.rel @p0 .LBB2_2-.Ltmp1, $4  }
0x37: {  	_ = 	snop  }
0x38: {  	_ =	swait.ge [sflag:s19], $0x2000  }
0x39: {  	[sflag:s19] =	ssyncset.done $0x0  }
0x3a: {  	[sflag:s19] =	ssyncadd.s32 $0xFFFFE000  }
0x3b: {  	s21 =	sadd.s32 $0x1, s21  }
0x3c: {  	p0 =	sne.s32 s21, s11  }
.Ltmp2:
0x3d: {  	[bflag:$0x0] =	sbarrier.arrive $0xFFFF;
	(pc) =	sbr.rel @p0 .LBB2_1-.Ltmp2, $4  }
0x3e: {  	[hbm:s10], [sflag:s7] =	dma.local [spmem:s20], $0x30E0  }
0x3f: {  	_ =	swait.ge [sflag:s13], $0x30E0  }
0x40: {  	[sflag:s13] =	ssyncset.done $0x0  }
0x41: {  	[sflag:s13] =	ssyncadd.s32 $0xFFFFCF20  }
0x42: {  	_ =	sfence.sel $0x180000  }
0x43: {  	[bflag:$0x0] =	sbarrier.arrive $0xFFFF  }
0x44: {  	p0 =	sne.s32 s2, $0x0;
	_ =	strace $0x90000050  }
0x45: {  	s0 =	sadd.s32 @!p0 $0x100000, s0;
	[bflag:$0x2] =	sbarrier.arrive $0xFFFF  }
0x46: {  	[sflag:s0] =	ssyncadd.tile.s32 @!p0 $0x1;
	_ =	shalt  }
.Lfunc_end2:
_tile_overlayer_lowered:
.L_overlay_start_2:
0x47: {  	(tag) =	ssettag $0x2  }
0x48: {  	s0 =	rddreg [dreg:$0x0];
	s2 =	stileid.u32  }
0x49: {  	s1 =	rddreg [dreg:$0x1];
	p0 =	sne.s32 s2, $0x0  }
0x4a: {  	s3 =	rddreg [dreg:$0x2];
	[bflag:$0x3] =	sbarrier.arrive $0xFFFF;
	s2 =	simm.s32 @!p0 $0x1C02  }
0x4b: {  	[timem:s3], [sflag:s2] =	dma.local @!p0 [hbm:s0], s1  }
0x4c: {  	s0 =	simm.s32 @!p0 $0x2  }
0x4d: {  	_ =	swait.ge @!p0 [sflag:s0], s1  }
0x4e: {  	s1 =	ssub.s32 @!p0 $0x0, s1;
	[sflag:s0] =	ssyncset.done @!p0 $0x0  }
0x4f: {  	[sflag:s0] =	ssyncadd.s32 @!p0 s1  }
0x50: {  	[bflag:$0x3] =	sbarrier.arrive $0xFFFF  }
0x51: {  	_ =	shalt  }

// kernel: _run.28.cloned.1.call-start
scs
__scs_entry_jumppad:
0x0: {  	(pc) =	sbr.rel $0x88, $3  }
0x1: {  	(tag) =	ssettag $0x0;
	lr =	simm.s32 $0x1  }
0x2: {  	[smem:$0x3F96] =	sst lr;
	_ =	strace $0xD0000000  }
0x3: {  	_ = 	snop  }
0x4: {  	_ = 	snop  }
0x5: {  	_ = 	snop  }
0x6: {  	_ = 	snop  }
0x7: {  	_ = 	snop  }
__scs_overlays_trampoline_lowered:
0x8: {  	[smem:$0x3FA5] =	sst s0  }
0x9: {  	[smem:$0x3FA6] =	sst s1  }
0xa: {  	[smem:$0x3FA7] =	sst s2  }
0xb: {  	[smem:$0x3FA8] =	sst s3  }
0xc: {  	[smem:$0x3FA9] =	sst s4  }
0xd: {  	[smem:$0x3FAA] =	sst s5  }
0xe: {  	[smem:$0x3FAB] =	sst s6  }
0xf: {  	[smem:$0x3FAC] =	sst s7  }
0x10: {  	[smem:$0x3FAD] =	sst s8  }
0x11: {  	[smem:$0x3FAE] =	sst s9;
	s0 =	simm.s32 @!p0 $0x0  }
0x12: {  	s1 =	sld [smem:$0x3F94];
	s0 =	simm.s32 @p0 $0x1  }
0x13: {  	[smem:$0x3FAF] =	sst s0;
	s0 =	simm.s32 @!p1 $0x0  }
0x14: {  	s2 =	sld [smem:$0x3F93];
	s0 =	simm.s32 @p1 $0x1  }
0x15: {  	[smem:$0x3FB0] =	sst s0;
	s0 =	simm.s32 @!p2 $0x0  }
0x16: {  	s3 =	sld [smem:$0x3FDB];
	s0 =	simm.s32 @p2 $0x1  }
0x17: {  	s4 =	simm.s32 $0x1BF5;
	[smem:$0x3FB2] =	sst s0  }
0x18: {  	s0 =	sld [smem:$0x3F95];
	_ =	swait.ge [sflag:s4], $0x0  }
0x19: {  	s7 =	sld [smem:$0x3F96]  }
0x1a: {  	s8 =	sadd.s32 $0xFFFFE003, lr  }
0x1b: {  	s9 =	sadd.s32 $0xFFFFFEF7, lr;
	s5 =	simm.s32 $0xFFFFFFFF;
	p2 =	slt.u32 s8, $0xFFFFF086  }
0x1c: {  	p1 =	slt.u32 s9, $0xF7A;
	s5 =	simm.s32 @!p2 $0x0  }
0x1d: {  	s5 =	simm.s32 @p1 $0x1;
	p0 =	seq.s32 s7, s2  }
0x1e: {  	s7 =	smul.u32 @!p0 $0xF7A, s2;
	p2 =	seq.s32 @!p0 s5, $0x0  }
0x1f: {  	s9 =	smul.u32 $0xF7A, s1;
	s8 =	simm.s32 @!p0 $0x1BF5;
	p2 =	por !p2, p0  }
0x20: {  	[sflag:s8] =	ssyncset.s32 @!p0 $0xFFFFF086;
	s6 =	sadd.s32 @!p0 s3, s7;
	s7 =	simm.s32 @!p0 $0x108  }
0x21: {  	s3 =	sadd.s32 s3, s9;
	s6 =	sadd.s32 @!p0 $0x88, s6;
	s7 =	simm.s32 @p2 $0x1082  }
0x22: {  	[simem:s7], [sflag:s8] =	dma.local @!p0 [hbm:s6], $0xF7A  }
0x23: {  	s9 =	sor.u32 $0xD0000000, s2;
	s6 =	simm.s32 $0x108;
	_ =	swait.ge @!p0 [sflag:s8], $0x0  }
0x24: {  	s3 =	sadd.s32 $0x88, s3;
	s6 =	simm.s32 @!p1 $0x1082;
	[sflag:s4] =	ssyncset.s32 $0xFFFFF086  }
0x25: {  	[simem:s6], [sflag:s4] =	dma.local [hbm:s3], $0xF7A  }
0x26: {  	[smem:$0x3F96] =	sst s1;
	(tag) =	ssettag s2;
	_ =	strace s9  }
0x27: {  	s1 =	sld [smem:$0x3FA6]  }
0x28: {  	s2 =	sld [smem:$0x3FA7]  }
0x29: {  	s4 =	sld [smem:$0x3FA9]  }
0x2a: {  	p0 =	seq.s32 s5, $0x0;
	s5 =	sld [smem:$0x3FAA]  }
0x2b: {  	s6 =	sld [smem:$0x3FAB]  }
0x2c: {  	s7 =	sld [smem:$0x3FAC]  }
0x2d: {  	s3 =	simm.s32 $0x108;
	s8 =	sld [smem:$0x3FAD]  }
0x2e: {  	s3 =	simm.s32 @!p0 $0x1082;
	s9 =	sld [smem:$0x3FAE]  }
0x2f: {  	lr =	sadd.s32 s0, s3;
	s0 =	sld [smem:$0x3FA5]  }
0x30: {  	s3 =	sld [smem:$0x3FA8]  }
0x31: {  	[smem:$0x3FB1] =	sst s10  }
0x32: {  	s10 =	sld [smem:$0x3FAF];
	_ =	sdelay $0x3  }
0x33: {  	p0 =	seq.s32 s10, $0x1;
	s10 =	sld [smem:$0x3FB1];
	_ =	sdelay $0x3  }
0x34: {  	[smem:$0x3FB1] =	sst s10  }
0x35: {  	s10 =	sld [smem:$0x3FB0];
	_ =	sdelay $0x3  }
0x36: {  	p1 =	seq.s32 s10, $0x1;
	s10 =	sld [smem:$0x3FB1];
	_ =	sdelay $0x3  }
0x37: {  	[smem:$0x3FB1] =	sst s10  }
0x38: {  	s10 =	sld [smem:$0x3FB2]  }
0x39: {  	_ = 	snop;
	(pc) =	sbr.ind lr, $3  }
0x3a: {  	_ = 	snop  }
0x3b: {  	_ = 	snop  }
0x3c: {  	p2 =	seq.s32 s10, $0x1;
	s10 =	sld [smem:$0x3FB1]  }
0x3d: {  	_ =	shalt  }
0x3e: {  	_ =	shalt  }
0x3f: {  	_ =	shalt  }
0x40: {  	_ =	shalt  }
0x41: {  	_ =	shalt  }
0x42: {  	_ =	shalt  }
0x43: {  	_ =	shalt  }
0x44: {  	_ =	shalt  }
0x45: {  	_ =	shalt  }
0x46: {  	_ =	shalt  }
0x47: {  	_ =	shalt  }
0x48: {  	_ =	shalt  }
0x49: {  	_ =	shalt  }
0x4a: {  	_ =	shalt  }
0x4b: {  	_ =	shalt  }
0x4c: {  	_ =	shalt  }
0x4d: {  	_ =	shalt  }
0x4e: {  	_ =	shalt  }
0x4f: {  	_ =	shalt  }
0x50: {  	_ =	shalt  }
0x51: {  	_ =	shalt  }
0x52: {  	_ =	shalt  }
0x53: {  	_ =	shalt  }
0x54: {  	_ =	shalt  }
0x55: {  	_ =	shalt  }
0x56: {  	_ =	shalt  }
0x57: {  	_ =	shalt  }
0x58: {  	_ =	shalt  }
0x59: {  	_ =	shalt  }
0x5a: {  	_ =	shalt  }
0x5b: {  	_ =	shalt  }
0x5c: {  	_ =	shalt  }
0x5d: {  	_ =	shalt  }
0x5e: {  	_ =	shalt  }
0x5f: {  	_ =	shalt  }
0x60: {  	_ =	shalt  }
0x61: {  	_ =	shalt  }
0x62: {  	_ =	shalt  }
0x63: {  	_ =	shalt  }
0x64: {  	_ =	shalt  }
0x65: {  	_ =	shalt  }
0x66: {  	_ =	shalt  }
0x67: {  	_ =	shalt  }
0x68: {  	_ =	shalt  }
0x69: {  	_ =	shalt  }
0x6a: {  	_ =	shalt  }
0x6b: {  	_ =	shalt  }
0x6c: {  	_ =	shalt  }
0x6d: {  	_ =	shalt  }
0x6e: {  	_ =	shalt  }
0x6f: {  	_ =	shalt  }
0x70: {  	_ =	shalt  }
0x71: {  	_ =	shalt  }
0x72: {  	_ =	shalt  }
0x73: {  	_ =	shalt  }
0x74: {  	_ =	shalt  }
0x75: {  	_ =	shalt  }
0x76: {  	_ =	shalt  }
0x77: {  	_ =	shalt  }
0x78: {  	_ =	shalt  }
0x79: {  	_ =	shalt  }
0x7a: {  	_ =	shalt  }
0x7b: {  	_ =	shalt  }
0x7c: {  	_ =	shalt  }
0x7d: {  	_ =	shalt  }
0x7e: {  	_ =	shalt  }
0x7f: {  	_ =	shalt  }
0x80: {  	_ =	shalt  }
0x81: {  	_ =	shalt  }
0x82: {  	_ =	shalt  }
0x83: {  	_ =	shalt  }
0x84: {  	_ =	shalt  }
0x85: {  	_ =	shalt  }
0x86: {  	_ =	shalt  }
0x87: {  	_ =	shalt  }
.Lfunc_end0:
.L_simem_size_0:
called_computation.4_lowered:
.L_overlay_start_0:
0x88: {  	s2 =	sld [smem:$0x3FD9]  }
0x89: {  	s3 =	sld [smem:$0x3FFE];
	_ =	sdelay $0x1  }
0x8a: {  	s1 =	srdreg.scid  }
0x8b: {  	s0 =	sand.u32 $0x1, s1  }
0x8c: {  	s17 =	sshll.u32 s0, $0xA;
	s2 =	sadd.s32 s3, s2  }
0x8d: {  	s2 =	sadd.s32 s2, s17  }
0x8e: {  	[smem:$0x3FBD] =	sst s2  }
0x8f: {  	_ = 	snop  }
0x90: {  	s2 =	sld [smem:$0x3FD0];
	(tm) =	ssettm $0x1  }
0x91: {  	s18 =	sld [smem:$0x3FFB];
	_ =	sdelay $0x3  }
0x92: {  	_ =	strace s18  }
0x93: {  	s3 =	sld [smem:$0x3FFC];
	_ =	sdelay $0x3  }
0x94: {  	_ =	strace s3  }
0x95: {  	s3 =	sld [smem:$0x3FFD];
	_ =	sdelay $0x3  }
0x96: {  	_ =	strace s3  }
0x97: {  	_ =	strace $0x8FFFFFFF  }
0x98: {  	s19 =	sld [smem:$0x3FDB];
	_ =	sdelay $0x1  }
0x99: {  	s4 =	simm.s32 $_scs_section_size  }
0x9a: {  	s5 =	simm.s32 $_size__tile_overlayer_lowered;
	s6 =	simm.s32 $_tile_overlayer_lowered  }
0x9b: {  	s22 =	simm.s32 $0x1BFF;
	s21 =	sshll.u32 s6, $0x1;
	s3 =	sadd.s32 s4, s19  }
0x9c: {  	s7 =	simm.s32 $0x0;
	s20 =	sshll.u32 s5, $0x1;
	s5 =	sadd.s32 s21, s3  }
0x9d: {  	[timem:s7], [sflag:s22] =	dma.local [hbm:s5], s20  }
0x9e: {  	_ =	swait.ge [sflag:s22], s20  }
0x9f: {  	s4 =	ssub.s32 $0x0, s20;
	[sflag:s22] =	ssyncset.done $0x0  }
0xa0: {  	[sflag:s22] =	ssyncadd.s32 s4;
	_ =	sdelay $0x1  }
0xa1: {  	s23 =	simm.s32 $0x1B8B  }
0xa2: {  	_ =	swait.ge [sflag:s23], $0x1  }
0xa3: {  	[sflag:s23] =	ssyncset.done $0x0  }
0xa4: {  	s25 =	simm.s32 $0x1B8E;
	s24 =	sld [smem:$0x3FFE];
	[sflag:s23] =	ssyncadd.s32 $0xFFFFFFFF  }
0xa5: {  	s26 =	simm.s32 $execute0_lowered;
	[smem:$0x3FD2] =	sst s25  }
0xa6: {  	s5 =	sshll.u32 s26, $0x1;
	_ =	strace $0x80000052;
	[dreg:$0x1] =	wrdreg $0xFFFFFFFF  }
0xa7: {  	s28 =	simm.s32 $_size_execute0_lowered;
	s3 =	sadd.s32 s3, s5;
	[dreg:$0x0] =	wrdreg $0x0  }
0xa8: {  	s5 =	sshll.u32 s28, $0x1;
	[dreg:$0x2] =	wrdreg s3  }
0xa9: {  	[dreg:$0x3] =	wrdreg s5  }
0xaa: {  	[dreg:$0x4] =	wrdreg $0xC0  }
0xab: {  	_ =	task [dreg:s7], $0x5FFFF  }
0xac: {  	[dreg:$0x1] =	wrdreg $0xFFFFFFFF  }
0xad: {  	[dreg:$0x0] =	wrdreg $0x60  }
0xae: {  	[dreg:$0x2] =	wrdreg s24  }
0xaf: {  	[dreg:$0x3] =	wrdreg s2  }
0xb0: {  	[dreg:$0x4] =	wrdreg $0x0  }
0xb1: {  	[dreg:$0x5] =	wrdreg $0x9  }
0xb2: {  	_ =	task.clear_ibuf [dreg:s7], $0x6FFFF;
	_ =	strace $0x90000052  }
0xb3: {  	s29 =	simm.s32 $0x9;
	_ =	strace $0x80000054  }
0xb4: {  	_ =	swait.ge [sflag:s29], $0x1  }
0xb5: {  	[sflag:s29] =	ssyncadd.s32 $0xFFFFFFFF  }
0xb6: {  	_ =	strace $0x90000054  }
0xb7: {  	_ =	sfence  }
0xb8: {  	s30 =	sld [smem:$0x0];
	_ =	sdelay $0x2  }
0xb9: {  	s31 =	sshll.u32 s1, $0xD;
	s1 =	sshrl.u32 s1, $0x2  }
0xba: {  	s3 =	sand.u32 $0x4000, s31;
	s1 =	sadd.s32 s1, s30  }
0xbb: {  	s0 =	sor.u32 s3, s0;
	s1 =	sshll.u32 s1, $0x11  }
0xbc: {  	s0 =	sor.u32 s1, s0  }
0xbd: {  	s0 =	sadd.s32 $0x8F2B, s0  }
0xbe: {  	[sflag:s0] =	ssyncadd.remote.s32 $0x1  }
0xbf: {  	_ =	sfence.sel $0xFFFF  }
0xc0: {  	[dreg:$0x0] =	wrdreg $0xFFFFFFFF;
	(pc) =	sbr.abs _section_cstart, $3  }
0xc1: {  	[dreg:$0x1] =	wrdreg $0xFFFFFFFF  }
0xc2: {  	_ =	task.clear_ibuf [dreg:s7], $0x2FFFF;
	_ =	strace $0x9FFFFFFF  }
0xc3: {  	(tm) =	ssettm $0x7FFFFFFF  }
tec
execute0_lowered:
.L_overlay_start_1:
0x0: {  	(tag) =	ssettag $0x1  }
0x1: {  	s6 =	rddreg [dreg:$0x0]  }
0x2: {  	s10 =	rddreg [dreg:$0x1]  }
0x3: {  	s11 =	rddreg [dreg:$0x2]  }
0x4: {  	s0 =	rddreg [dreg:$0x3];
	s1 =	simm.s32 $0x0;
	s2 =	stileid.u32  }
0x5: {  	s7 =	srdreg.scid;
	s19 =	simm.s32 $0x1;
	s21 =	simm.s32 $0x0  }
0x6: {  	[smem:$0x7FF] =	sst s1;
	s3 =	sadd.s32 $0x210200, s6;
	s9 =	smul.u32 $0x62000, s2  }
0x7: {  	s4 =	sadd.s32 $0x20600, s6;
	s5 =	sadd.s32 $0x54600, s6;
	s15 =	smul.u32 $0xD000, s2  }
0x8: {  	s8 =	sshll.u32 s2, $0x1;
	s7 =	sand.u32 $0x1, s7;
	s30 =	smul.u32 $0x30E0, s2  }
0x9: {  	s17 =	sshll.u32 s2, $0x6;
	s18 =	smul.u32 $0x61C00, s2;
	_ =	strace $0x80000053  }
0xa: {  	s8 =	sadd.s32 s8, s6;
	s12 =	ssub.s32 $0x2, s7;
	s13 =	smul.u32 $0xD0000, s7  }
0xb: {  	s6 =	sadd.s32 $0x7E00, s6;
	s29 =	smul.u32 $0x30E00, s7;
	s7 =	sshll.u32 s7, $0x5  }
0xc: {  	s14 =	sshrl.u32 s12, $0x1;
	s9 =	sshrl.u32 s9, $0x2;
	s8 =	sadd.s32 s7, s8  }
0xd: {  	s7 =	sor.u32 $0x1C02, s17;
	s31 =	sshrl.u32 s18, $0x2;
	s17 =	simm.s32 $0x80  }
0xe: {  	s18 =	simm.s32 $0x1A000;
	s12 =	ssub.s32 s12, s14;
	s16 =	sadd.s32 s9, s11  }
0xf: {  	s8 =	sadd.s32 $0x88600, s8;
	s14 =	sadd.s32 s30, s29;
	s9 =	sadd.s32 s15, s13  }
0x10: {  	s20 =	sadd.s32 s31, s11;
	s13 =	simm.s32 $0x2;
	s15 =	simm.s32 $0x18800  }
0x11: {  	s10 =	sadd.s32 s10, s14;
	s11 =	smax.u32 s12, $0x1;
	s12 =	sshrl.u32 s16, $0x3  }
0x12: {  	s14 =	simm.s32 $0x1E000;
	s16 =	simm.s32 $0x19400;
	s20 =	sshrl.u32 s20, $0x3  }
.LBB2_1:
0x13: {  	[spmem:s12], [sflag:s7] =	dma.local [hbm:s6], $0x3100  }
0x14: {  	_ =	swait.ge [sflag:s13], $0x3100  }
0x15: {  	[sflag:s13] =	ssyncset.done $0x0  }
0x16: {  	[sflag:s13] =	ssyncadd.s32 $0xFFFFCF00  }
0x17: {  	[tilespmem:s14], [sflag:$0x2] =	stream.linear.gather [hbm4b:s8+s1], $0x10, $0x38;
	[tilespmem:$0x1E010] =	vst v63  }
0x18: {  	_ =	swait.ge [sflag:s13], $0x10  }
0x19: {  	[sflag:s13] =	ssyncset.done $0x0  }
0x1a: {  	[sflag:s13] =	ssyncadd.s32 $0xFFFFFFF0  }
0x1b: {  	s22 =	simm.s32 $0x0;
	[bflag:$0x0] =	sbarrier.arrive $0xFFFF  }
.LBB2_2:
0x1c: {  	s23 =	smul.u32 $0xC00, s22;
	_ =	sdelay $0x1  }
0x1d: {  	s23 =	sadd.s32 s23, s9  }
0x1e: {  	s23 =	sshrl.u32 s23, $0x3  }
0x1f: {  	s25 =	simm.s32 $0x0;
	s24 =	sadd.s32 s4, s23  }
0x20: {  	[tilespmem:s15], [sflag:$0x2] =	stream.linear.gather [hbm4b:s24+s25], $0xC00, $0x38;
	[tilespmem:$0x1E010] =	vst v63  }
0x21: {  	_ =	swait.ge [sflag:s13], $0xC00  }
0x22: {  	[sflag:s13] =	ssyncset.done $0x0  }
0x23: {  	s23 =	sadd.s32 s5, s23;
	[sflag:s13] =	ssyncadd.s32 $0xFFFFF400  }
0x24: {  	[tilespmem:s16], [sflag:$0x2] =	stream.linear.gather [hbm4b:s23+s25], $0xC00, $0x38;
	[tilespmem:$0x1E010] =	vst v63  }
0x25: {  	_ =	swait.ge [sflag:s13], $0xC00  }
0x26: {  	[sflag:s13] =	ssyncset.done $0x0  }
0x27: {  	[sflag:s13] =	ssyncadd.s32 $0xFFFFF400  }
0x28: {  	[tilespmem:s18], [sflag:$0x1] =	stream.indirect.gather [hbm4b:s3+s17], $0x40, s15, s17, $0xb8;
	[tilespmem:$0x1E010] =	vst v63  }
0x29: {  	s30 =	sxor.u32 $0xFFFFFFFF, s25;
	_ =	swait.ge [sflag:s19], $0x2000  }
0x2a: {  	s31 =	sand.u32 $0x2000, s30;
	[sflag:s19] =	ssyncset.done $0x0  }
0x2b: {  	s24 =	sadd.s32 $0x1A000, s31;
	s23 =	simm.s32 $0x18880;
	[sflag:s19] =	ssyncadd.s32 $0xFFFFE000  }
0x2c: {  	[tilespmem:s24], [sflag:$0x1] =	stream.indirect.gather [hbm4b:s3+s17], $0x40, s23, s17, $0xb8;
	[tilespmem:$0x1E010] =	vst v63  }
0x2d: {  	s24 =	simm.s32 $0x2000  }
.LBB2_3:
0x2e: {  	_ =	swait.ge [sflag:s19], $0x2000;
	p0 =	sne.s32 s24, $0x2C000  }
.Ltmp0:
0x2f: {  	(pc) =	sbr.rel @p0 .LBB2_3-.Ltmp0, $4  }
0x30: {  	s25 =	sxor.u32 $0xFFFFFFFF, s24;
	s24 =	sadd.s32 $0x2000, s24  }
0x31: {  	s25 =	sand.u32 $0x2000, s25;
	[sflag:s19] =	ssyncset.done $0x0  }
0x32: {  	s23 =	sadd.s32 $0x80, s23;
	s25 =	sadd.s32 $0x1A000, s25;
	[sflag:s19] =	ssyncadd.s32 $0xFFFFE000  }
0x33: {  	[tilespmem:s25], [sflag:$0x1] =	stream.indirect.gather [hbm4b:s3+s17], $0x40, s23, s17, $0xb8;
	[tilespmem:$0x1E010] =	vst v63  }
0x34: {  	s22 =	sadd.s32 $0x1, s22  }
0x35: {  	p0 =	sne.s32 s22, $0x9  }
.Ltmp1:
0x36: {  	_ = 	snop;
	(pc) =	sbr.rel @p0 .LBB2_2-.Ltmp1, $4  }
0x37: {  	_ = 	snop  }
0x38: {  	_ =	swait.ge [sflag:s19], $0x2000  }
0x39: {  	[sflag:s19] =	ssyncset.done $0x0  }
0x3a: {  	[sflag:s19] =	ssyncadd.s32 $0xFFFFE000  }
0x3b: {  	s21 =	sadd.s32 $0x1, s21  }
0x3c: {  	p0 =	sne.s32 s21, s11  }
.Ltmp2:
0x3d: {  	[bflag:$0x0] =	sbarrier.arrive $0xFFFF;
	(pc) =	sbr.rel @p0 .LBB2_1-.Ltmp2, $4  }
0x3e: {  	[hbm:s10], [sflag:s7] =	dma.local [spmem:s20], $0x30E0  }
0x3f: {  	_ =	swait.ge [sflag:s13], $0x30E0  }
0x40: {  	[sflag:s13] =	ssyncset.done $0x0  }
0x41: {  	[sflag:s13] =	ssyncadd.s32 $0xFFFFCF20  }
0x42: {  	_ =	sfence.sel $0x180000  }
0x43: {  	[bflag:$0x0] =	sbarrier.arrive $0xFFFF  }
0x44: {  	p0 =	sne.s32 s2, $0x0;
	_ =	strace $0x90000053  }
0x45: {  	s0 =	sadd.s32 @!p0 $0x100000, s0;
	[bflag:$0x2] =	sbarrier.arrive $0xFFFF  }
0x46: {  	[sflag:s0] =	ssyncadd.tile.s32 @!p0 $0x1;
	_ =	shalt  }
.Lfunc_end2:
_tile_overlayer_lowered:
.L_overlay_start_2:
0x47: {  	(tag) =	ssettag $0x2  }
0x48: {  	s0 =	rddreg [dreg:$0x0];
	s2 =	stileid.u32  }
0x49: {  	s1 =	rddreg [dreg:$0x1];
	p0 =	sne.s32 s2, $0x0  }
0x4a: {  	s3 =	rddreg [dreg:$0x2];
	[bflag:$0x3] =	sbarrier.arrive $0xFFFF;
	s2 =	simm.s32 @!p0 $0x1C02  }
0x4b: {  	[timem:s3], [sflag:s2] =	dma.local @!p0 [hbm:s0], s1  }
0x4c: {  	s0 =	simm.s32 @!p0 $0x2  }
0x4d: {  	_ =	swait.ge @!p0 [sflag:s0], s1  }
0x4e: {  	s1 =	ssub.s32 @!p0 $0x0, s1;
	[sflag:s0] =	ssyncset.done @!p0 $0x0  }
0x4f: {  	[sflag:s0] =	ssyncadd.s32 @!p0 s1  }
0x50: {  	[bflag:$0x3] =	sbarrier.arrive $0xFFFF  }
0x51: {  	_ =	shalt  }

// kernel: _run.31.cloned.1.call-start
scs
__scs_entry_jumppad:
0x0: {  	(pc) =	sbr.rel $0x88, $3  }
0x1: {  	(tag) =	ssettag $0x0;
	lr =	simm.s32 $0x1  }
0x2: {  	[smem:$0x3F96] =	sst lr;
	_ =	strace $0xD0000000  }
0x3: {  	_ = 	snop  }
0x4: {  	_ = 	snop  }
0x5: {  	_ = 	snop  }
0x6: {  	_ = 	snop  }
0x7: {  	_ = 	snop  }
__scs_overlays_trampoline_lowered:
0x8: {  	[smem:$0x3FA5] =	sst s0  }
0x9: {  	[smem:$0x3FA6] =	sst s1  }
0xa: {  	[smem:$0x3FA7] =	sst s2  }
0xb: {  	[smem:$0x3FA8] =	sst s3  }
0xc: {  	[smem:$0x3FA9] =	sst s4  }
0xd: {  	[smem:$0x3FAA] =	sst s5  }
0xe: {  	[smem:$0x3FAB] =	sst s6  }
0xf: {  	[smem:$0x3FAC] =	sst s7  }
0x10: {  	[smem:$0x3FAD] =	sst s8  }
0x11: {  	[smem:$0x3FAE] =	sst s9;
	s0 =	simm.s32 @!p0 $0x0  }
0x12: {  	s1 =	sld [smem:$0x3F94];
	s0 =	simm.s32 @p0 $0x1  }
0x13: {  	[smem:$0x3FAF] =	sst s0;
	s0 =	simm.s32 @!p1 $0x0  }
0x14: {  	s2 =	sld [smem:$0x3F93];
	s0 =	simm.s32 @p1 $0x1  }
0x15: {  	[smem:$0x3FB0] =	sst s0;
	s0 =	simm.s32 @!p2 $0x0  }
0x16: {  	s3 =	sld [smem:$0x3FDB];
	s0 =	simm.s32 @p2 $0x1  }
0x17: {  	s4 =	simm.s32 $0x1BF5;
	[smem:$0x3FB2] =	sst s0  }
0x18: {  	s0 =	sld [smem:$0x3F95];
	_ =	swait.ge [sflag:s4], $0x0  }
0x19: {  	s7 =	sld [smem:$0x3F96]  }
0x1a: {  	s8 =	sadd.s32 $0xFFFFE003, lr  }
0x1b: {  	s9 =	sadd.s32 $0xFFFFFEF7, lr;
	s5 =	simm.s32 $0xFFFFFFFF;
	p2 =	slt.u32 s8, $0xFFFFF086  }
0x1c: {  	p1 =	slt.u32 s9, $0xF7A;
	s5 =	simm.s32 @!p2 $0x0  }
0x1d: {  	s5 =	simm.s32 @p1 $0x1;
	p0 =	seq.s32 s7, s2  }
0x1e: {  	s7 =	smul.u32 @!p0 $0xF7A, s2;
	p2 =	seq.s32 @!p0 s5, $0x0  }
0x1f: {  	s9 =	smul.u32 $0xF7A, s1;
	s8 =	simm.s32 @!p0 $0x1BF5;
	p2 =	por !p2, p0  }
0x20: {  	[sflag:s8] =	ssyncset.s32 @!p0 $0xFFFFF086;
	s6 =	sadd.s32 @!p0 s3, s7;
	s7 =	simm.s32 @!p0 $0x108  }
0x21: {  	s3 =	sadd.s32 s3, s9;
	s6 =	sadd.s32 @!p0 $0x88, s6;
	s7 =	simm.s32 @p2 $0x1082  }
0x22: {  	[simem:s7], [sflag:s8] =	dma.local @!p0 [hbm:s6], $0xF7A  }
0x23: {  	s9 =	sor.u32 $0xD0000000, s2;
	s6 =	simm.s32 $0x108;
	_ =	swait.ge @!p0 [sflag:s8], $0x0  }
0x24: {  	s3 =	sadd.s32 $0x88, s3;
	s6 =	simm.s32 @!p1 $0x1082;
	[sflag:s4] =	ssyncset.s32 $0xFFFFF086  }
0x25: {  	[simem:s6], [sflag:s4] =	dma.local [hbm:s3], $0xF7A  }
0x26: {  	[smem:$0x3F96] =	sst s1;
	(tag) =	ssettag s2;
	_ =	strace s9  }
0x27: {  	s1 =	sld [smem:$0x3FA6]  }
0x28: {  	s2 =	sld [smem:$0x3FA7]  }
0x29: {  	s4 =	sld [smem:$0x3FA9]  }
0x2a: {  	p0 =	seq.s32 s5, $0x0;
	s5 =	sld [smem:$0x3FAA]  }
0x2b: {  	s6 =	sld [smem:$0x3FAB]  }
0x2c: {  	s7 =	sld [smem:$0x3FAC]  }
0x2d: {  	s3 =	simm.s32 $0x108;
	s8 =	sld [smem:$0x3FAD]  }
0x2e: {  	s3 =	simm.s32 @!p0 $0x1082;
	s9 =	sld [smem:$0x3FAE]  }
0x2f: {  	lr =	sadd.s32 s0, s3;
	s0 =	sld [smem:$0x3FA5]  }
0x30: {  	s3 =	sld [smem:$0x3FA8]  }
0x31: {  	[smem:$0x3FB1] =	sst s10  }
0x32: {  	s10 =	sld [smem:$0x3FAF];
	_ =	sdelay $0x3  }
0x33: {  	p0 =	seq.s32 s10, $0x1;
	s10 =	sld [smem:$0x3FB1];
	_ =	sdelay $0x3  }
0x34: {  	[smem:$0x3FB1] =	sst s10  }
0x35: {  	s10 =	sld [smem:$0x3FB0];
	_ =	sdelay $0x3  }
0x36: {  	p1 =	seq.s32 s10, $0x1;
	s10 =	sld [smem:$0x3FB1];
	_ =	sdelay $0x3  }
0x37: {  	[smem:$0x3FB1] =	sst s10  }
0x38: {  	s10 =	sld [smem:$0x3FB2]  }
0x39: {  	_ = 	snop;
	(pc) =	sbr.ind lr, $3  }
0x3a: {  	_ = 	snop  }
0x3b: {  	_ = 	snop  }
0x3c: {  	p2 =	seq.s32 s10, $0x1;
	s10 =	sld [smem:$0x3FB1]  }
0x3d: {  	_ =	shalt  }
0x3e: {  	_ =	shalt  }
0x3f: {  	_ =	shalt  }
0x40: {  	_ =	shalt  }
0x41: {  	_ =	shalt  }
0x42: {  	_ =	shalt  }
0x43: {  	_ =	shalt  }
0x44: {  	_ =	shalt  }
0x45: {  	_ =	shalt  }
0x46: {  	_ =	shalt  }
0x47: {  	_ =	shalt  }
0x48: {  	_ =	shalt  }
0x49: {  	_ =	shalt  }
0x4a: {  	_ =	shalt  }
0x4b: {  	_ =	shalt  }
0x4c: {  	_ =	shalt  }
0x4d: {  	_ =	shalt  }
0x4e: {  	_ =	shalt  }
0x4f: {  	_ =	shalt  }
0x50: {  	_ =	shalt  }
0x51: {  	_ =	shalt  }
0x52: {  	_ =	shalt  }
0x53: {  	_ =	shalt  }
0x54: {  	_ =	shalt  }
0x55: {  	_ =	shalt  }
0x56: {  	_ =	shalt  }
0x57: {  	_ =	shalt  }
0x58: {  	_ =	shalt  }
0x59: {  	_ =	shalt  }
0x5a: {  	_ =	shalt  }
0x5b: {  	_ =	shalt  }
0x5c: {  	_ =	shalt  }
0x5d: {  	_ =	shalt  }
0x5e: {  	_ =	shalt  }
0x5f: {  	_ =	shalt  }
0x60: {  	_ =	shalt  }
0x61: {  	_ =	shalt  }
0x62: {  	_ =	shalt  }
0x63: {  	_ =	shalt  }
0x64: {  	_ =	shalt  }
0x65: {  	_ =	shalt  }
0x66: {  	_ =	shalt  }
0x67: {  	_ =	shalt  }
0x68: {  	_ =	shalt  }
0x69: {  	_ =	shalt  }
0x6a: {  	_ =	shalt  }
0x6b: {  	_ =	shalt  }
0x6c: {  	_ =	shalt  }
0x6d: {  	_ =	shalt  }
0x6e: {  	_ =	shalt  }
0x6f: {  	_ =	shalt  }
0x70: {  	_ =	shalt  }
0x71: {  	_ =	shalt  }
0x72: {  	_ =	shalt  }
0x73: {  	_ =	shalt  }
0x74: {  	_ =	shalt  }
0x75: {  	_ =	shalt  }
0x76: {  	_ =	shalt  }
0x77: {  	_ =	shalt  }
0x78: {  	_ =	shalt  }
0x79: {  	_ =	shalt  }
0x7a: {  	_ =	shalt  }
0x7b: {  	_ =	shalt  }
0x7c: {  	_ =	shalt  }
0x7d: {  	_ =	shalt  }
0x7e: {  	_ =	shalt  }
0x7f: {  	_ =	shalt  }
0x80: {  	_ =	shalt  }
0x81: {  	_ =	shalt  }
0x82: {  	_ =	shalt  }
0x83: {  	_ =	shalt  }
0x84: {  	_ =	shalt  }
0x85: {  	_ =	shalt  }
0x86: {  	_ =	shalt  }
0x87: {  	_ =	shalt  }
.Lfunc_end0:
.L_simem_size_0:
called_computation.5_lowered:
.L_overlay_start_0:
0x88: {  	s2 =	sld [smem:$0x3FD9]  }
0x89: {  	s3 =	sld [smem:$0x3FFE];
	_ =	sdelay $0x1  }
0x8a: {  	s1 =	srdreg.scid  }
0x8b: {  	s0 =	sand.u32 $0x1, s1  }
0x8c: {  	s17 =	sshll.u32 s0, $0xA;
	s2 =	sadd.s32 s3, s2  }
0x8d: {  	s2 =	sadd.s32 s2, s17  }
0x8e: {  	[smem:$0x3FBD] =	sst s2  }
0x8f: {  	_ = 	snop  }
0x90: {  	s2 =	sld [smem:$0x3FD0];
	(tm) =	ssettm $0x1  }
0x91: {  	s18 =	sld [smem:$0x3FFB];
	_ =	sdelay $0x3  }
0x92: {  	_ =	strace s18  }
0x93: {  	s3 =	sld [smem:$0x3FFC];
	_ =	sdelay $0x3  }
0x94: {  	_ =	strace s3  }
0x95: {  	s3 =	sld [smem:$0x3FFD];
	_ =	sdelay $0x3  }
0x96: {  	_ =	strace s3  }
0x97: {  	_ =	strace $0x8FFFFFFF  }
0x98: {  	s19 =	sld [smem:$0x3FDB];
	_ =	sdelay $0x1  }
0x99: {  	s4 =	simm.s32 $_scs_section_size  }
0x9a: {  	s5 =	simm.s32 $_size__tile_overlayer_lowered;
	s6 =	simm.s32 $_tile_overlayer_lowered  }
0x9b: {  	s22 =	simm.s32 $0x1BFF;
	s21 =	sshll.u32 s6, $0x1;
	s3 =	sadd.s32 s4, s19  }
0x9c: {  	s7 =	simm.s32 $0x0;
	s20 =	sshll.u32 s5, $0x1;
	s5 =	sadd.s32 s21, s3  }
0x9d: {  	[timem:s7], [sflag:s22] =	dma.local [hbm:s5], s20  }
0x9e: {  	_ =	swait.ge [sflag:s22], s20  }
0x9f: {  	s4 =	ssub.s32 $0x0, s20;
	[sflag:s22] =	ssyncset.done $0x0  }
0xa0: {  	[sflag:s22] =	ssyncadd.s32 s4;
	_ =	sdelay $0x1  }
0xa1: {  	s23 =	simm.s32 $0x1B8B  }
0xa2: {  	_ =	swait.ge [sflag:s23], $0x1  }
0xa3: {  	[sflag:s23] =	ssyncset.done $0x0  }
0xa4: {  	s25 =	simm.s32 $0x1B8E;
	s24 =	sld [smem:$0x3FFE];
	[sflag:s23] =	ssyncadd.s32 $0xFFFFFFFF  }
0xa5: {  	s26 =	simm.s32 $execute0_lowered;
	[smem:$0x3FD2] =	sst s25  }
0xa6: {  	s5 =	sshll.u32 s26, $0x1;
	_ =	strace $0x80000055;
	[dreg:$0x1] =	wrdreg $0xFFFFFFFF  }
0xa7: {  	s28 =	simm.s32 $_size_execute0_lowered;
	s3 =	sadd.s32 s3, s5;
	[dreg:$0x0] =	wrdreg $0x0  }
0xa8: {  	s5 =	sshll.u32 s28, $0x1;
	[dreg:$0x2] =	wrdreg s3  }
0xa9: {  	[dreg:$0x3] =	wrdreg s5  }
0xaa: {  	[dreg:$0x4] =	wrdreg $0xC0  }
0xab: {  	_ =	task [dreg:s7], $0x5FFFF  }
0xac: {  	[dreg:$0x1] =	wrdreg $0xFFFFFFFF  }
0xad: {  	[dreg:$0x0] =	wrdreg $0x60  }
0xae: {  	[dreg:$0x2] =	wrdreg s24  }
0xaf: {  	[dreg:$0x3] =	wrdreg s2  }
0xb0: {  	[dreg:$0x4] =	wrdreg $0x0  }
0xb1: {  	[dreg:$0x5] =	wrdreg $0x9  }
0xb2: {  	_ =	task.clear_ibuf [dreg:s7], $0x6FFFF;
	_ =	strace $0x90000055  }
0xb3: {  	s29 =	simm.s32 $0x9;
	_ =	strace $0x80000057  }
0xb4: {  	_ =	swait.ge [sflag:s29], $0x1  }
0xb5: {  	[sflag:s29] =	ssyncadd.s32 $0xFFFFFFFF  }
0xb6: {  	_ =	strace $0x90000057  }
0xb7: {  	_ =	sfence  }
0xb8: {  	s30 =	sld [smem:$0x0];
	_ =	sdelay $0x2  }
0xb9: {  	s31 =	sshll.u32 s1, $0xD;
	s1 =	sshrl.u32 s1, $0x2  }
0xba: {  	s3 =	sand.u32 $0x4000, s31;
	s1 =	sadd.s32 s1, s30  }
0xbb: {  	s0 =	sor.u32 s3, s0;
	s1 =	sshll.u32 s1, $0x11  }
0xbc: {  	s0 =	sor.u32 s1, s0  }
0xbd: {  	s0 =	sadd.s32 $0x8F2B, s0  }
0xbe: {  	[sflag:s0] =	ssyncadd.remote.s32 $0x1  }
0xbf: {  	_ =	sfence.sel $0xFFFF  }
0xc0: {  	[dreg:$0x0] =	wrdreg $0xFFFFFFFF;
	(pc) =	sbr.abs _section_cstart, $3  }
0xc1: {  	[dreg:$0x1] =	wrdreg $0xFFFFFFFF  }
0xc2: {  	_ =	task.clear_ibuf [dreg:s7], $0x2FFFF;
	_ =	strace $0x9FFFFFFF  }
0xc3: {  	(tm) =	ssettm $0x7FFFFFFF  }
tec
execute0_lowered:
.L_overlay_start_1:
0x0: {  	(tag) =	ssettag $0x1  }
0x1: {  	s6 =	rddreg [dreg:$0x0]  }
0x2: {  	s10 =	rddreg [dreg:$0x1]  }
0x3: {  	s11 =	rddreg [dreg:$0x2]  }
0x4: {  	s0 =	rddreg [dreg:$0x3];
	s1 =	simm.s32 $0x0;
	s2 =	stileid.u32  }
0x5: {  	s7 =	srdreg.scid;
	s19 =	simm.s32 $0x1;
	s21 =	simm.s32 $0x0  }
0x6: {  	[smem:$0x7FF] =	sst s1;
	s3 =	sadd.s32 $0x89400, s6;
	s9 =	smul.u32 $0x62000, s2  }
0x7: {  	s4 =	sadd.s32 $0x20600, s6;
	s5 =	sadd.s32 $0x54600, s6;
	s15 =	smul.u32 $0xD000, s2  }
0x8: {  	s8 =	sshll.u32 s2, $0x1;
	s7 =	sand.u32 $0x1, s7;
	s30 =	smul.u32 $0x30E0, s2  }
0x9: {  	s17 =	sshll.u32 s2, $0x6;
	s18 =	smul.u32 $0x61C00, s2;
	_ =	strace $0x80000056  }
0xa: {  	s8 =	sadd.s32 s8, s6;
	s12 =	ssub.s32 $0x2, s7;
	s13 =	smul.u32 $0xD0000, s7  }
0xb: {  	s6 =	sadd.s32 $0x7E00, s6;
	s29 =	smul.u32 $0x30E00, s7;
	s7 =	sshll.u32 s7, $0x5  }
0xc: {  	s14 =	sshrl.u32 s12, $0x1;
	s9 =	sshrl.u32 s9, $0x2;
	s8 =	sadd.s32 s7, s8  }
0xd: {  	s7 =	sor.u32 $0x1C02, s17;
	s31 =	sshrl.u32 s18, $0x2;
	s17 =	simm.s32 $0x80  }
0xe: {  	s18 =	simm.s32 $0x1A000;
	s12 =	ssub.s32 s12, s14;
	s16 =	sadd.s32 s9, s11  }
0xf: {  	s8 =	sadd.s32 $0x88600, s8;
	s14 =	sadd.s32 s30, s29;
	s9 =	sadd.s32 s15, s13  }
0x10: {  	s20 =	sadd.s32 s31, s11;
	s13 =	simm.s32 $0x2;
	s15 =	simm.s32 $0x18800  }
0x11: {  	s10 =	sadd.s32 s10, s14;
	s11 =	smax.u32 s12, $0x1;
	s12 =	sshrl.u32 s16, $0x3  }
0x12: {  	s14 =	simm.s32 $0x1E000;
	s16 =	simm.s32 $0x19400;
	s20 =	sshrl.u32 s20, $0x3  }
.LBB2_1:
0x13: {  	[spmem:s12], [sflag:s7] =	dma.local [hbm:s6], $0x3100  }
0x14: {  	_ =	swait.ge [sflag:s13], $0x3100  }
0x15: {  	[sflag:s13] =	ssyncset.done $0x0  }
0x16: {  	[sflag:s13] =	ssyncadd.s32 $0xFFFFCF00  }
0x17: {  	[tilespmem:s14], [sflag:$0x2] =	stream.linear.gather [hbm4b:s8+s1], $0x10, $0x38;
	[tilespmem:$0x1E010] =	vst v63  }
0x18: {  	_ =	swait.ge [sflag:s13], $0x10  }
0x19: {  	[sflag:s13] =	ssyncset.done $0x0  }
0x1a: {  	[sflag:s13] =	ssyncadd.s32 $0xFFFFFFF0  }
0x1b: {  	s22 =	simm.s32 $0x0;
	[bflag:$0x0] =	sbarrier.arrive $0xFFFF  }
.LBB2_2:
0x1c: {  	s23 =	smul.u32 $0xC00, s22;
	_ =	sdelay $0x1  }
0x1d: {  	s23 =	sadd.s32 s23, s9  }
0x1e: {  	s23 =	sshrl.u32 s23, $0x3  }
0x1f: {  	s25 =	simm.s32 $0x0;
	s24 =	sadd.s32 s4, s23  }
0x20: {  	[tilespmem:s15], [sflag:$0x2] =	stream.linear.gather [hbm4b:s24+s25], $0xC00, $0x38;
	[tilespmem:$0x1E010] =	vst v63  }
0x21: {  	_ =	swait.ge [sflag:s13], $0xC00  }
0x22: {  	[sflag:s13] =	ssyncset.done $0x0  }
0x23: {  	s23 =	sadd.s32 s5, s23;
	[sflag:s13] =	ssyncadd.s32 $0xFFFFF400  }
0x24: {  	[tilespmem:s16], [sflag:$0x2] =	stream.linear.gather [hbm4b:s23+s25], $0xC00, $0x38;
	[tilespmem:$0x1E010] =	vst v63  }
0x25: {  	_ =	swait.ge [sflag:s13], $0xC00  }
0x26: {  	[sflag:s13] =	ssyncset.done $0x0  }
0x27: {  	[sflag:s13] =	ssyncadd.s32 $0xFFFFF400  }
0x28: {  	[tilespmem:s18], [sflag:$0x1] =	stream.indirect.gather [hbm4b:s3+s17], $0x40, s15, s17, $0xb8;
	[tilespmem:$0x1E010] =	vst v63  }
0x29: {  	s30 =	sxor.u32 $0xFFFFFFFF, s25;
	_ =	swait.ge [sflag:s19], $0x2000  }
0x2a: {  	s31 =	sand.u32 $0x2000, s30;
	[sflag:s19] =	ssyncset.done $0x0  }
0x2b: {  	s24 =	sadd.s32 $0x1A000, s31;
	s23 =	simm.s32 $0x18880;
	[sflag:s19] =	ssyncadd.s32 $0xFFFFE000  }
0x2c: {  	[tilespmem:s24], [sflag:$0x1] =	stream.indirect.gather [hbm4b:s3+s17], $0x40, s23, s17, $0xb8;
	[tilespmem:$0x1E010] =	vst v63  }
0x2d: {  	s24 =	simm.s32 $0x2000  }
.LBB2_3:
0x2e: {  	_ =	swait.ge [sflag:s19], $0x2000;
	p0 =	sne.s32 s24, $0x2C000  }
.Ltmp0:
0x2f: {  	(pc) =	sbr.rel @p0 .LBB2_3-.Ltmp0, $4  }
0x30: {  	s25 =	sxor.u32 $0xFFFFFFFF, s24;
	s24 =	sadd.s32 $0x2000, s24  }
0x31: {  	s25 =	sand.u32 $0x2000, s25;
	[sflag:s19] =	ssyncset.done $0x0  }
0x32: {  	s23 =	sadd.s32 $0x80, s23;
	s25 =	sadd.s32 $0x1A000, s25;
	[sflag:s19] =	ssyncadd.s32 $0xFFFFE000  }
0x33: {  	[tilespmem:s25], [sflag:$0x1] =	stream.indirect.gather [hbm4b:s3+s17], $0x40, s23, s17, $0xb8;
	[tilespmem:$0x1E010] =	vst v63  }
0x34: {  	s22 =	sadd.s32 $0x1, s22  }
0x35: {  	p0 =	sne.s32 s22, $0x9  }
.Ltmp1:
0x36: {  	_ = 	snop;
	(pc) =	sbr.rel @p0 .LBB2_2-.Ltmp1, $4  }
0x37: {  	_ = 	snop  }
0x38: {  	_ =	swait.ge [sflag:s19], $0x2000  }
0x39: {  	[sflag:s19] =	ssyncset.done $0x0  }
0x3a: {  	[sflag:s19] =	ssyncadd.s32 $0xFFFFE000  }
0x3b: {  	s21 =	sadd.s32 $0x1, s21  }
0x3c: {  	p0 =	sne.s32 s21, s11  }
.Ltmp2:
0x3d: {  	[bflag:$0x0] =	sbarrier.arrive $0xFFFF;
	(pc) =	sbr.rel @p0 .LBB2_1-.Ltmp2, $4  }
0x3e: {  	[hbm:s10], [sflag:s7] =	dma.local [spmem:s20], $0x30E0  }
0x3f: {  	_ =	swait.ge [sflag:s13], $0x30E0  }
0x40: {  	[sflag:s13] =	ssyncset.done $0x0  }
0x41: {  	[sflag:s13] =	ssyncadd.s32 $0xFFFFCF20  }
0x42: {  	_ =	sfence.sel $0x180000  }
0x43: {  	[bflag:$0x0] =	sbarrier.arrive $0xFFFF  }
0x44: {  	p0 =	sne.s32 s2, $0x0;
	_ =	strace $0x90000056  }
0x45: {  	s0 =	sadd.s32 @!p0 $0x100000, s0;
	[bflag:$0x2] =	sbarrier.arrive $0xFFFF  }
0x46: {  	[sflag:s0] =	ssyncadd.tile.s32 @!p0 $0x1;
	_ =	shalt  }
.Lfunc_end2:
_tile_overlayer_lowered:
.L_overlay_start_2:
0x47: {  	(tag) =	ssettag $0x2  }
0x48: {  	s0 =	rddreg [dreg:$0x0];
	s2 =	stileid.u32  }
0x49: {  	s1 =	rddreg [dreg:$0x1];
	p0 =	sne.s32 s2, $0x0  }
0x4a: {  	s3 =	rddreg [dreg:$0x2];
	[bflag:$0x3] =	sbarrier.arrive $0xFFFF;
	s2 =	simm.s32 @!p0 $0x1C02  }
0x4b: {  	[timem:s3], [sflag:s2] =	dma.local @!p0 [hbm:s0], s1  }
0x4c: {  	s0 =	simm.s32 @!p0 $0x2  }
0x4d: {  	_ =	swait.ge @!p0 [sflag:s0], s1  }
0x4e: {  	s1 =	ssub.s32 @!p0 $0x0, s1;
	[sflag:s0] =	ssyncset.done @!p0 $0x0  }
0x4f: {  	[sflag:s0] =	ssyncadd.s32 @!p0 s1  }
0x50: {  	[bflag:$0x3] =	sbarrier.arrive $0xFFFF  }
0x51: {  	_ =	shalt  }

// kernel: _run.34.cloned.1.call-start
scs
__scs_entry_jumppad:
0x0: {  	(pc) =	sbr.rel $0x88, $3  }
0x1: {  	(tag) =	ssettag $0x0;
	lr =	simm.s32 $0x1  }
0x2: {  	[smem:$0x3F96] =	sst lr;
	_ =	strace $0xD0000000  }
0x3: {  	_ = 	snop  }
0x4: {  	_ = 	snop  }
0x5: {  	_ = 	snop  }
0x6: {  	_ = 	snop  }
0x7: {  	_ = 	snop  }
__scs_overlays_trampoline_lowered:
0x8: {  	[smem:$0x3FA5] =	sst s0  }
0x9: {  	[smem:$0x3FA6] =	sst s1  }
0xa: {  	[smem:$0x3FA7] =	sst s2  }
0xb: {  	[smem:$0x3FA8] =	sst s3  }
0xc: {  	[smem:$0x3FA9] =	sst s4  }
0xd: {  	[smem:$0x3FAA] =	sst s5  }
0xe: {  	[smem:$0x3FAB] =	sst s6  }
0xf: {  	[smem:$0x3FAC] =	sst s7  }
0x10: {  	[smem:$0x3FAD] =	sst s8  }
0x11: {  	[smem:$0x3FAE] =	sst s9;
	s0 =	simm.s32 @!p0 $0x0  }
0x12: {  	s1 =	sld [smem:$0x3F94];
	s0 =	simm.s32 @p0 $0x1  }
0x13: {  	[smem:$0x3FAF] =	sst s0;
	s0 =	simm.s32 @!p1 $0x0  }
0x14: {  	s2 =	sld [smem:$0x3F93];
	s0 =	simm.s32 @p1 $0x1  }
0x15: {  	[smem:$0x3FB0] =	sst s0;
	s0 =	simm.s32 @!p2 $0x0  }
0x16: {  	s3 =	sld [smem:$0x3FDB];
	s0 =	simm.s32 @p2 $0x1  }
0x17: {  	s4 =	simm.s32 $0x1BF5;
	[smem:$0x3FB2] =	sst s0  }
0x18: {  	s0 =	sld [smem:$0x3F95];
	_ =	swait.ge [sflag:s4], $0x0  }
0x19: {  	s7 =	sld [smem:$0x3F96]  }
0x1a: {  	s8 =	sadd.s32 $0xFFFFE003, lr  }
0x1b: {  	s9 =	sadd.s32 $0xFFFFFEF7, lr;
	s5 =	simm.s32 $0xFFFFFFFF;
	p2 =	slt.u32 s8, $0xFFFFF086  }
0x1c: {  	p1 =	slt.u32 s9, $0xF7A;
	s5 =	simm.s32 @!p2 $0x0  }
0x1d: {  	s5 =	simm.s32 @p1 $0x1;
	p0 =	seq.s32 s7, s2  }
0x1e: {  	s7 =	smul.u32 @!p0 $0xF7A, s2;
	p2 =	seq.s32 @!p0 s5, $0x0  }
0x1f: {  	s9 =	smul.u32 $0xF7A, s1;
	s8 =	simm.s32 @!p0 $0x1BF5;
	p2 =	por !p2, p0  }
0x20: {  	[sflag:s8] =	ssyncset.s32 @!p0 $0xFFFFF086;
	s6 =	sadd.s32 @!p0 s3, s7;
	s7 =	simm.s32 @!p0 $0x108  }
0x21: {  	s3 =	sadd.s32 s3, s9;
	s6 =	sadd.s32 @!p0 $0x88, s6;
	s7 =	simm.s32 @p2 $0x1082  }
0x22: {  	[simem:s7], [sflag:s8] =	dma.local @!p0 [hbm:s6], $0xF7A  }
0x23: {  	s9 =	sor.u32 $0xD0000000, s2;
	s6 =	simm.s32 $0x108;
	_ =	swait.ge @!p0 [sflag:s8], $0x0  }
0x24: {  	s3 =	sadd.s32 $0x88, s3;
	s6 =	simm.s32 @!p1 $0x1082;
	[sflag:s4] =	ssyncset.s32 $0xFFFFF086  }
0x25: {  	[simem:s6], [sflag:s4] =	dma.local [hbm:s3], $0xF7A  }
0x26: {  	[smem:$0x3F96] =	sst s1;
	(tag) =	ssettag s2;
	_ =	strace s9  }
0x27: {  	s1 =	sld [smem:$0x3FA6]  }
0x28: {  	s2 =	sld [smem:$0x3FA7]  }
0x29: {  	s4 =	sld [smem:$0x3FA9]  }
0x2a: {  	p0 =	seq.s32 s5, $0x0;
	s5 =	sld [smem:$0x3FAA]  }
0x2b: {  	s6 =	sld [smem:$0x3FAB]  }
0x2c: {  	s7 =	sld [smem:$0x3FAC]  }
0x2d: {  	s3 =	simm.s32 $0x108;
	s8 =	sld [smem:$0x3FAD]  }
0x2e: {  	s3 =	simm.s32 @!p0 $0x1082;
	s9 =	sld [smem:$0x3FAE]  }
0x2f: {  	lr =	sadd.s32 s0, s3;
	s0 =	sld [smem:$0x3FA5]  }
0x30: {  	s3 =	sld [smem:$0x3FA8]  }
0x31: {  	[smem:$0x3FB1] =	sst s10  }
0x32: {  	s10 =	sld [smem:$0x3FAF];
	_ =	sdelay $0x3  }
0x33: {  	p0 =	seq.s32 s10, $0x1;
	s10 =	sld [smem:$0x3FB1];
	_ =	sdelay $0x3  }
0x34: {  	[smem:$0x3FB1] =	sst s10  }
0x35: {  	s10 =	sld [smem:$0x3FB0];
	_ =	sdelay $0x3  }
0x36: {  	p1 =	seq.s32 s10, $0x1;
	s10 =	sld [smem:$0x3FB1];
	_ =	sdelay $0x3  }
0x37: {  	[smem:$0x3FB1] =	sst s10  }
0x38: {  	s10 =	sld [smem:$0x3FB2]  }
0x39: {  	_ = 	snop;
	(pc) =	sbr.ind lr, $3  }
0x3a: {  	_ = 	snop  }
0x3b: {  	_ = 	snop  }
0x3c: {  	p2 =	seq.s32 s10, $0x1;
	s10 =	sld [smem:$0x3FB1]  }
0x3d: {  	_ =	shalt  }
0x3e: {  	_ =	shalt  }
0x3f: {  	_ =	shalt  }
0x40: {  	_ =	shalt  }
0x41: {  	_ =	shalt  }
0x42: {  	_ =	shalt  }
0x43: {  	_ =	shalt  }
0x44: {  	_ =	shalt  }
0x45: {  	_ =	shalt  }
0x46: {  	_ =	shalt  }
0x47: {  	_ =	shalt  }
0x48: {  	_ =	shalt  }
0x49: {  	_ =	shalt  }
0x4a: {  	_ =	shalt  }
0x4b: {  	_ =	shalt  }
0x4c: {  	_ =	shalt  }
0x4d: {  	_ =	shalt  }
0x4e: {  	_ =	shalt  }
0x4f: {  	_ =	shalt  }
0x50: {  	_ =	shalt  }
0x51: {  	_ =	shalt  }
0x52: {  	_ =	shalt  }
0x53: {  	_ =	shalt  }
0x54: {  	_ =	shalt  }
0x55: {  	_ =	shalt  }
0x56: {  	_ =	shalt  }
0x57: {  	_ =	shalt  }
0x58: {  	_ =	shalt  }
0x59: {  	_ =	shalt  }
0x5a: {  	_ =	shalt  }
0x5b: {  	_ =	shalt  }
0x5c: {  	_ =	shalt  }
0x5d: {  	_ =	shalt  }
0x5e: {  	_ =	shalt  }
0x5f: {  	_ =	shalt  }
0x60: {  	_ =	shalt  }
0x61: {  	_ =	shalt  }
0x62: {  	_ =	shalt  }
0x63: {  	_ =	shalt  }
0x64: {  	_ =	shalt  }
0x65: {  	_ =	shalt  }
0x66: {  	_ =	shalt  }
0x67: {  	_ =	shalt  }
0x68: {  	_ =	shalt  }
0x69: {  	_ =	shalt  }
0x6a: {  	_ =	shalt  }
0x6b: {  	_ =	shalt  }
0x6c: {  	_ =	shalt  }
0x6d: {  	_ =	shalt  }
0x6e: {  	_ =	shalt  }
0x6f: {  	_ =	shalt  }
0x70: {  	_ =	shalt  }
0x71: {  	_ =	shalt  }
0x72: {  	_ =	shalt  }
0x73: {  	_ =	shalt  }
0x74: {  	_ =	shalt  }
0x75: {  	_ =	shalt  }
0x76: {  	_ =	shalt  }
0x77: {  	_ =	shalt  }
0x78: {  	_ =	shalt  }
0x79: {  	_ =	shalt  }
0x7a: {  	_ =	shalt  }
0x7b: {  	_ =	shalt  }
0x7c: {  	_ =	shalt  }
0x7d: {  	_ =	shalt  }
0x7e: {  	_ =	shalt  }
0x7f: {  	_ =	shalt  }
0x80: {  	_ =	shalt  }
0x81: {  	_ =	shalt  }
0x82: {  	_ =	shalt  }
0x83: {  	_ =	shalt  }
0x84: {  	_ =	shalt  }
0x85: {  	_ =	shalt  }
0x86: {  	_ =	shalt  }
0x87: {  	_ =	shalt  }
.Lfunc_end0:
.L_simem_size_0:
called_computation.6_lowered:
.L_overlay_start_0:
0x88: {  	s2 =	sld [smem:$0x3FD9]  }
0x89: {  	s3 =	sld [smem:$0x3FFE];
	_ =	sdelay $0x1  }
0x8a: {  	s1 =	srdreg.scid  }
0x8b: {  	s0 =	sand.u32 $0x1, s1  }
0x8c: {  	s17 =	sshll.u32 s0, $0xA;
	s2 =	sadd.s32 s3, s2  }
0x8d: {  	s2 =	sadd.s32 s2, s17  }
0x8e: {  	[smem:$0x3FBD] =	sst s2  }
0x8f: {  	_ = 	snop  }
0x90: {  	s2 =	sld [smem:$0x3FD0];
	(tm) =	ssettm $0x1  }
0x91: {  	s18 =	sld [smem:$0x3FFB];
	_ =	sdelay $0x3  }
0x92: {  	_ =	strace s18  }
0x93: {  	s3 =	sld [smem:$0x3FFC];
	_ =	sdelay $0x3  }
0x94: {  	_ =	strace s3  }
0x95: {  	s3 =	sld [smem:$0x3FFD];
	_ =	sdelay $0x3  }
0x96: {  	_ =	strace s3  }
0x97: {  	_ =	strace $0x8FFFFFFF  }
0x98: {  	s19 =	sld [smem:$0x3FDB];
	_ =	sdelay $0x1  }
0x99: {  	s4 =	simm.s32 $_scs_section_size  }
0x9a: {  	s5 =	simm.s32 $_size__tile_overlayer_lowered;
	s6 =	simm.s32 $_tile_overlayer_lowered  }
0x9b: {  	s22 =	simm.s32 $0x1BFF;
	s21 =	sshll.u32 s6, $0x1;
	s3 =	sadd.s32 s4, s19  }
0x9c: {  	s7 =	simm.s32 $0x0;
	s20 =	sshll.u32 s5, $0x1;
	s5 =	sadd.s32 s21, s3  }
0x9d: {  	[timem:s7], [sflag:s22] =	dma.local [hbm:s5], s20  }
0x9e: {  	_ =	swait.ge [sflag:s22], s20  }
0x9f: {  	s4 =	ssub.s32 $0x0, s20;
	[sflag:s22] =	ssyncset.done $0x0  }
0xa0: {  	[sflag:s22] =	ssyncadd.s32 s4;
	_ =	sdelay $0x1  }
0xa1: {  	s23 =	simm.s32 $0x1B8B  }
0xa2: {  	_ =	swait.ge [sflag:s23], $0x1  }
0xa3: {  	[sflag:s23] =	ssyncset.done $0x0  }
0xa4: {  	s25 =	simm.s32 $0x1B8E;
	s24 =	sld [smem:$0x3FFE];
	[sflag:s23] =	ssyncadd.s32 $0xFFFFFFFF  }
0xa5: {  	s26 =	simm.s32 $execute0_lowered;
	[smem:$0x3FD2] =	sst s25  }
0xa6: {  	s5 =	sshll.u32 s26, $0x1;
	_ =	strace $0x80000058;
	[dreg:$0x1] =	wrdreg $0xFFFFFFFF  }
0xa7: {  	s28 =	simm.s32 $_size_execute0_lowered;
	s3 =	sadd.s32 s3, s5;
	[dreg:$0x0] =	wrdreg $0x0  }
0xa8: {  	s5 =	sshll.u32 s28, $0x1;
	[dreg:$0x2] =	wrdreg s3  }
0xa9: {  	[dreg:$0x3] =	wrdreg s5  }
0xaa: {  	[dreg:$0x4] =	wrdreg $0xC0  }
0xab: {  	_ =	task [dreg:s7], $0x5FFFF  }
0xac: {  	[dreg:$0x1] =	wrdreg $0xFFFFFFFF  }
0xad: {  	[dreg:$0x0] =	wrdreg $0x60  }
0xae: {  	[dreg:$0x2] =	wrdreg s24  }
0xaf: {  	[dreg:$0x3] =	wrdreg s2  }
0xb0: {  	[dreg:$0x4] =	wrdreg $0x0  }
0xb1: {  	[dreg:$0x5] =	wrdreg $0x9  }
0xb2: {  	_ =	task.clear_ibuf [dreg:s7], $0x6FFFF;
	_ =	strace $0x90000058  }
0xb3: {  	s29 =	simm.s32 $0x9;
	_ =	strace $0x8000005A  }
0xb4: {  	_ =	swait.ge [sflag:s29], $0x1  }
0xb5: {  	[sflag:s29] =	ssyncadd.s32 $0xFFFFFFFF  }
0xb6: {  	_ =	strace $0x9000005A  }
0xb7: {  	_ =	sfence  }
0xb8: {  	s30 =	sld [smem:$0x0];
	_ =	sdelay $0x2  }
0xb9: {  	s31 =	sshll.u32 s1, $0xD;
	s1 =	sshrl.u32 s1, $0x2  }
0xba: {  	s3 =	sand.u32 $0x4000, s31;
	s1 =	sadd.s32 s1, s30  }
0xbb: {  	s0 =	sor.u32 s3, s0;
	s1 =	sshll.u32 s1, $0x11  }
0xbc: {  	s0 =	sor.u32 s1, s0  }
0xbd: {  	s0 =	sadd.s32 $0x8F2B, s0  }
0xbe: {  	[sflag:s0] =	ssyncadd.remote.s32 $0x1  }
0xbf: {  	_ =	sfence.sel $0xFFFF  }
0xc0: {  	[dreg:$0x0] =	wrdreg $0xFFFFFFFF;
	(pc) =	sbr.abs _section_cstart, $3  }
0xc1: {  	[dreg:$0x1] =	wrdreg $0xFFFFFFFF  }
0xc2: {  	_ =	task.clear_ibuf [dreg:s7], $0x2FFFF;
	_ =	strace $0x9FFFFFFF  }
0xc3: {  	(tm) =	ssettm $0x7FFFFFFF  }
tec
execute0_lowered:
.L_overlay_start_1:
0x0: {  	(tag) =	ssettag $0x1  }
0x1: {  	s6 =	rddreg [dreg:$0x0]  }
0x2: {  	s10 =	rddreg [dreg:$0x1]  }
0x3: {  	s11 =	rddreg [dreg:$0x2]  }
0x4: {  	s0 =	rddreg [dreg:$0x3];
	s1 =	simm.s32 $0x0;
	s2 =	stileid.u32  }
0x5: {  	s7 =	srdreg.scid;
	s19 =	simm.s32 $0x1;
	s21 =	simm.s32 $0x0  }
0x6: {  	[smem:$0x7FF] =	sst s1;
	s3 =	sadd.s32 $0x88800, s6;
	s9 =	smul.u32 $0x62000, s2  }
0x7: {  	s4 =	sadd.s32 $0x20600, s6;
	s5 =	sadd.s32 $0x54600, s6;
	s15 =	smul.u32 $0xD000, s2  }
0x8: {  	s8 =	sshll.u32 s2, $0x1;
	s7 =	sand.u32 $0x1, s7;
	s30 =	smul.u32 $0x30E0, s2  }
0x9: {  	s17 =	sshll.u32 s2, $0x6;
	s18 =	smul.u32 $0x61C00, s2;
	_ =	strace $0x80000059  }
0xa: {  	s8 =	sadd.s32 s8, s6;
	s12 =	ssub.s32 $0x2, s7;
	s13 =	smul.u32 $0xD0000, s7  }
0xb: {  	s6 =	sadd.s32 $0x7E00, s6;
	s29 =	smul.u32 $0x30E00, s7;
	s7 =	sshll.u32 s7, $0x5  }
0xc: {  	s14 =	sshrl.u32 s12, $0x1;
	s9 =	sshrl.u32 s9, $0x2;
	s8 =	sadd.s32 s7, s8  }
0xd: {  	s7 =	sor.u32 $0x1C02, s17;
	s31 =	sshrl.u32 s18, $0x2;
	s17 =	simm.s32 $0x80  }
0xe: {  	s18 =	simm.s32 $0x1A000;
	s12 =	ssub.s32 s12, s14;
	s16 =	sadd.s32 s9, s11  }
0xf: {  	s8 =	sadd.s32 $0x88600, s8;
	s14 =	sadd.s32 s30, s29;
	s9 =	sadd.s32 s15, s13  }
0x10: {  	s20 =	sadd.s32 s31, s11;
	s13 =	simm.s32 $0x2;
	s15 =	simm.s32 $0x18800  }
0x11: {  	s10 =	sadd.s32 s10, s14;
	s11 =	smax.u32 s12, $0x1;
	s12 =	sshrl.u32 s16, $0x3  }
0x12: {  	s14 =	simm.s32 $0x1E000;
	s16 =	simm.s32 $0x19400;
	s20 =	sshrl.u32 s20, $0x3  }
.LBB2_1:
0x13: {  	[spmem:s12], [sflag:s7] =	dma.local [hbm:s6], $0x3100  }
0x14: {  	_ =	swait.ge [sflag:s13], $0x3100  }
0x15: {  	[sflag:s13] =	ssyncset.done $0x0  }
0x16: {  	[sflag:s13] =	ssyncadd.s32 $0xFFFFCF00  }
0x17: {  	[tilespmem:s14], [sflag:$0x2] =	stream.linear.gather [hbm4b:s8+s1], $0x10, $0x38;
	[tilespmem:$0x1E010] =	vst v63  }
0x18: {  	_ =	swait.ge [sflag:s13], $0x10  }
0x19: {  	[sflag:s13] =	ssyncset.done $0x0  }
0x1a: {  	[sflag:s13] =	ssyncadd.s32 $0xFFFFFFF0  }
0x1b: {  	s22 =	simm.s32 $0x0;
	[bflag:$0x0] =	sbarrier.arrive $0xFFFF  }
.LBB2_2:
0x1c: {  	s23 =	smul.u32 $0xC00, s22;
	_ =	sdelay $0x1  }
0x1d: {  	s23 =	sadd.s32 s23, s9  }
0x1e: {  	s23 =	sshrl.u32 s23, $0x3  }
0x1f: {  	s25 =	simm.s32 $0x0;
	s24 =	sadd.s32 s4, s23  }
0x20: {  	[tilespmem:s15], [sflag:$0x2] =	stream.linear.gather [hbm4b:s24+s25], $0xC00, $0x38;
	[tilespmem:$0x1E010] =	vst v63  }
0x21: {  	_ =	swait.ge [sflag:s13], $0xC00  }
0x22: {  	[sflag:s13] =	ssyncset.done $0x0  }
0x23: {  	s23 =	sadd.s32 s5, s23;
	[sflag:s13] =	ssyncadd.s32 $0xFFFFF400  }
0x24: {  	[tilespmem:s16], [sflag:$0x2] =	stream.linear.gather [hbm4b:s23+s25], $0xC00, $0x38;
	[tilespmem:$0x1E010] =	vst v63  }
0x25: {  	_ =	swait.ge [sflag:s13], $0xC00  }
0x26: {  	[sflag:s13] =	ssyncset.done $0x0  }
0x27: {  	[sflag:s13] =	ssyncadd.s32 $0xFFFFF400  }
0x28: {  	[tilespmem:s18], [sflag:$0x1] =	stream.indirect.gather [hbm4b:s3+s17], $0x40, s15, s17, $0xb8;
	[tilespmem:$0x1E010] =	vst v63  }
0x29: {  	s30 =	sxor.u32 $0xFFFFFFFF, s25;
	_ =	swait.ge [sflag:s19], $0x2000  }
0x2a: {  	s31 =	sand.u32 $0x2000, s30;
	[sflag:s19] =	ssyncset.done $0x0  }
0x2b: {  	s24 =	sadd.s32 $0x1A000, s31;
	s23 =	simm.s32 $0x18880;
	[sflag:s19] =	ssyncadd.s32 $0xFFFFE000  }
0x2c: {  	[tilespmem:s24], [sflag:$0x1] =	stream.indirect.gather [hbm4b:s3+s17], $0x40, s23, s17, $0xb8;
	[tilespmem:$0x1E010] =	vst v63  }
0x2d: {  	s24 =	simm.s32 $0x2000  }
.LBB2_3:
0x2e: {  	_ =	swait.ge [sflag:s19], $0x2000;
	p0 =	sne.s32 s24, $0x2C000  }
.Ltmp0:
0x2f: {  	(pc) =	sbr.rel @p0 .LBB2_3-.Ltmp0, $4  }
0x30: {  	s25 =	sxor.u32 $0xFFFFFFFF, s24;
	s24 =	sadd.s32 $0x2000, s24  }
0x31: {  	s25 =	sand.u32 $0x2000, s25;
	[sflag:s19] =	ssyncset.done $0x0  }
0x32: {  	s23 =	sadd.s32 $0x80, s23;
	s25 =	sadd.s32 $0x1A000, s25;
	[sflag:s19] =	ssyncadd.s32 $0xFFFFE000  }
0x33: {  	[tilespmem:s25], [sflag:$0x1] =	stream.indirect.gather [hbm4b:s3+s17], $0x40, s23, s17, $0xb8;
	[tilespmem:$0x1E010] =	vst v63  }
0x34: {  	s22 =	sadd.s32 $0x1, s22  }
0x35: {  	p0 =	sne.s32 s22, $0x9  }
.Ltmp1:
0x36: {  	_ = 	snop;
	(pc) =	sbr.rel @p0 .LBB2_2-.Ltmp1, $4  }
0x37: {  	_ = 	snop  }
0x38: {  	_ =	swait.ge [sflag:s19], $0x2000  }
0x39: {  	[sflag:s19] =	ssyncset.done $0x0  }
0x3a: {  	[sflag:s19] =	ssyncadd.s32 $0xFFFFE000  }
0x3b: {  	s21 =	sadd.s32 $0x1, s21  }
0x3c: {  	p0 =	sne.s32 s21, s11  }
.Ltmp2:
0x3d: {  	[bflag:$0x0] =	sbarrier.arrive $0xFFFF;
	(pc) =	sbr.rel @p0 .LBB2_1-.Ltmp2, $4  }
0x3e: {  	[hbm:s10], [sflag:s7] =	dma.local [spmem:s20], $0x30E0  }
0x3f: {  	_ =	swait.ge [sflag:s13], $0x30E0  }
0x40: {  	[sflag:s13] =	ssyncset.done $0x0  }
0x41: {  	[sflag:s13] =	ssyncadd.s32 $0xFFFFCF20  }
0x42: {  	_ =	sfence.sel $0x180000  }
0x43: {  	[bflag:$0x0] =	sbarrier.arrive $0xFFFF  }
0x44: {  	p0 =	sne.s32 s2, $0x0;
	_ =	strace $0x90000059  }
0x45: {  	s0 =	sadd.s32 @!p0 $0x100000, s0;
	[bflag:$0x2] =	sbarrier.arrive $0xFFFF  }
0x46: {  	[sflag:s0] =	ssyncadd.tile.s32 @!p0 $0x1;
	_ =	shalt  }
.Lfunc_end2:
_tile_overlayer_lowered:
.L_overlay_start_2:
0x47: {  	(tag) =	ssettag $0x2  }
0x48: {  	s0 =	rddreg [dreg:$0x0];
	s2 =	stileid.u32  }
0x49: {  	s1 =	rddreg [dreg:$0x1];
	p0 =	sne.s32 s2, $0x0  }
0x4a: {  	s3 =	rddreg [dreg:$0x2];
	[bflag:$0x3] =	sbarrier.arrive $0xFFFF;
	s2 =	simm.s32 @!p0 $0x1C02  }
0x4b: {  	[timem:s3], [sflag:s2] =	dma.local @!p0 [hbm:s0], s1  }
0x4c: {  	s0 =	simm.s32 @!p0 $0x2  }
0x4d: {  	_ =	swait.ge @!p0 [sflag:s0], s1  }
0x4e: {  	s1 =	ssub.s32 @!p0 $0x0, s1;
	[sflag:s0] =	ssyncset.done @!p0 $0x0  }
0x4f: {  	[sflag:s0] =	ssyncadd.s32 @!p0 s1  }
0x50: {  	[bflag:$0x3] =	sbarrier.arrive $0xFFFF  }
0x51: {  	_ =	shalt  }

</sc_bundles>
